<compile_context>
chip_gen: v7x
topology: tpu7x:2x2x1
jax: 0.10.2.dev20260603
libtpu: 0.0.44.dev20260713+nightly
codegen_flags: <defaults>
</compile_context>

<pallas_src>
import functools

import jax
import jax.numpy as jnp
from jax import lax
from jax.experimental import pallas as pl
from jax.experimental.pallas import tpu as pltpu
from jax.experimental.pallas import tpu_sc as plsc

_NUM_CORES = 2
_NUM_SUBCORES = 16
_NUM_WORKERS = _NUM_CORES * _NUM_SUBCORES
_CHUNK = 16
_NGBUF = 4
_NPBUF = 2


def _sc_gather(table, idx_flat, alpha, beta):
    n_idx = idx_flat.shape[0]
    hidden = table.shape[1]
    per_worker = n_idx // _NUM_WORKERS
    mesh = plsc.VectorSubcoreMesh(core_axis_name="c", subcore_axis_name="s")

    @functools.partial(
        pl.kernel,
        out_type=jax.ShapeDtypeStruct((n_idx, hidden), table.dtype),
        mesh=mesh,
        scratch_types=[
            pltpu.VMEM((per_worker,), jnp.int32),
            pltpu.VMEM((hidden,), table.dtype),
            pltpu.VMEM((hidden,), table.dtype),
            [pltpu.VMEM((_CHUNK, hidden), table.dtype)] * _NGBUF,
            [pltpu.VMEM((_CHUNK, hidden), table.dtype)] * _NPBUF,
            [pltpu.SemaphoreType.DMA] * _NGBUF,
            [pltpu.SemaphoreType.DMA] * _NPBUF,
        ],
    )
    def kern(table_hbm, idx_hbm, alpha_hbm, beta_hbm, out_hbm,
             idx_v, alpha_v, beta_v, gbufs, pbufs, sem_g, sem_o):
        wid = lax.axis_index("s") * _NUM_CORES + lax.axis_index("c")
        base = wid * per_worker
        pltpu.sync_copy(idx_hbm.at[pl.ds(base, per_worker)], idx_v)
        pltpu.sync_copy(alpha_hbm, alpha_v)
        pltpu.sync_copy(beta_hbm, beta_v)

        def gather(c, b):
            return pltpu.async_copy(
                table_hbm.at[idx_v.at[pl.ds(c, _CHUNK)]], gbufs[b], sem_g[b]
            )

        def gather_wait(c, b):
            pltpu.make_async_copy(
                table_hbm.at[idx_v.at[pl.ds(c, _CHUNK)]], gbufs[b], sem_g[b]
            ).wait()

        def put(c, p):
            return pltpu.async_copy(
                pbufs[p], out_hbm.at[pl.ds(base + c, _CHUNK)], sem_o[p]
            )

        def put_wait(c, p):
            pltpu.make_async_copy(
                pbufs[p], out_hbm.at[pl.ds(base + c, _CHUNK)], sem_o[p]
            ).wait()

        def affine(b, p):
            src = gbufs[b]
            dst = pbufs[p]

            @plsc.parallel_loop(0, hidden, step=16, unroll=8)
            def _(h):
                a = alpha_v[pl.ds(h, 16)]
                bb = beta_v[pl.ds(h, 16)]
                for r in range(_CHUNK):
                    dst[r, pl.ds(h, 16)] = src[r, pl.ds(h, 16)] * a + bb

        gather(0, 0)
        gather(_CHUNK, 1)
        gather(2 * _CHUNK, 2)
        gather(3 * _CHUNK, 3)
        gather_wait(0, 0)
        affine(0, 0)
        put(0, 0)
        gather_wait(_CHUNK, 1)
        affine(1, 1)
        put(_CHUNK, 1)

        @pl.loop(2 * _CHUNK, per_worker - 2 * _CHUNK, step=_NGBUF * _CHUNK)
        def _(c):
            for b in range(_NGBUF):
                bb = (b + 2) % _NGBUF
                pp = b % _NPBUF
                cur = c + b * _CHUNK
                gather(cur + 2 * _CHUNK, b)
                put_wait(cur - 2 * _CHUNK, pp)
                gather_wait(cur, bb)
                affine(bb, pp)
                put(cur, pp)

        tail = per_worker - 2 * _CHUNK
        put_wait(tail - 2 * _CHUNK, 0)
        gather_wait(tail, 2)
        affine(2, 0)
        put(tail, 0)
        put_wait(tail - _CHUNK, 1)
        gather_wait(tail + _CHUNK, 3)
        affine(3, 1)
        put(tail + _CHUNK, 1)
        put_wait(tail, 0)
        put_wait(tail + _CHUNK, 1)

    return kern(table, idx_flat, alpha, beta)


def kernel(position_ids, pe, alpha, beta):
    batch, seq = position_ids.shape
    hidden = pe.shape[1]
    out = _sc_gather(pe, position_ids.reshape(batch * seq), alpha, beta)
    return out.reshape(batch, seq, hidden)

# --- scband reference (transcript-rebuilt; emitter-appended) ---
"""Pipeline reference for scband-custom-positional-encoding-66915590472401 (READ-ONLY COPY).

The authoritative reference and input builder live on the scoring server;
editing this copy changes nothing except your own understanding.
"""

import math
import jax, jax.numpy as jnp
import numpy as np

HIDDEN = 1024
MAX_LEN = 8192
BATCH = 4
SEQ = 8192

def _build_sinusoidal_table(max_len, hidden):
    position = np.arange(max_len, dtype=np.float32)[:, None]
    div_term = np.exp(np.arange(0, hidden, 2, dtype=np.float32) * (-math.log(10000.0) / hidden))
    pe = np.zeros((max_len, hidden), dtype=np.float32)
    pe[:, 0::2] = np.sin(position * div_term)
    pe[:, 1::2] = np.cos(position * div_term)
    return jnp.asarray(pe)

def setup_inputs(seed: int = 0) -> dict:
    key = jax.random.key(seed)
    position_ids = jax.random.randint(jax.random.fold_in(key, 0), (BATCH, SEQ), 0, MAX_LEN, dtype=jnp.int32)
    pe = _build_sinusoidal_table(MAX_LEN, HIDDEN)
    alpha = jnp.ones((HIDDEN,), dtype=jnp.float32)
    beta = jnp.zeros((HIDDEN,), dtype=jnp.float32)
    return {"position_ids": position_ids, "pe": pe, "alpha": alpha, "beta": beta}

def reference(position_ids, pe, alpha, beta):
    # gather rows of the sinusoidal table (embedding lookup)
    embeddings = jnp.take(pe, position_ids, axis=0)  # [B, S, H]
    # learned per-dimension affine (dropout p=0.0 is identity)
    embeddings = embeddings * alpha + beta
    return embeddings

if __name__ == "__main__":
    import jax
    _d = setup_inputs()
    print(jax.jit(kernel)(*tuple(_d.values())))

</pallas_src>

<mosaic_0001>
#map = affine_map<(d0, d1) -> (0, 0)>
#map1 = affine_map<(d0, d1) -> (0)>
module attributes {stable_mosaic.version = 14 : i64} {
  func.func @kern(%arg0: i32, %arg1: i32, %arg2: memref<8192x1024xf32, #tpu.memory_space<hbm>>, %arg3: memref<32768xi32, #tpu.memory_space<hbm>>, %arg4: memref<1024xf32, #tpu.memory_space<hbm>>, %arg5: memref<1024xf32, #tpu.memory_space<hbm>>, %arg6: memref<32768x1024xf32, #tpu.memory_space<hbm>>, %arg7: memref<1024xi32, #tpu.memory_space<vmem>>, %arg8: memref<1024xf32, #tpu.memory_space<vmem>>, %arg9: memref<1024xf32, #tpu.memory_space<vmem>>, %arg10: memref<16x1024xf32, #tpu.memory_space<vmem>>, %arg11: memref<16x1024xf32, #tpu.memory_space<vmem>>, %arg12: memref<16x1024xf32, #tpu.memory_space<vmem>>, %arg13: memref<16x1024xf32, #tpu.memory_space<vmem>>, %arg14: memref<16x1024xf32, #tpu.memory_space<vmem>>, %arg15: memref<16x1024xf32, #tpu.memory_space<vmem>>, %arg16: memref<!tpu.dma_semaphore, #tpu.memory_space<semaphore_mem>>, %arg17: memref<!tpu.dma_semaphore, #tpu.memory_space<semaphore_mem>>, %arg18: memref<!tpu.dma_semaphore, #tpu.memory_space<semaphore_mem>>, %arg19: memref<!tpu.dma_semaphore, #tpu.memory_space<semaphore_mem>>, %arg20: memref<!tpu.dma_semaphore, #tpu.memory_space<semaphore_mem>>, %arg21: memref<!tpu.dma_semaphore, #tpu.memory_space<semaphore_mem>>) attributes {dimension_semantics = [#tpu.dimension_semantics<core_parallel>, #tpu.dimension_semantics<subcore_parallel>], iteration_bounds = array<i64: 2, 16>, scalar_prefetch = 0 : i64, scratch_operands = 15 : i64, tpu.core_type = #tpu.core_type<sc_vector_subcore>, window_params = [{transform_indices = #map}, {transform_indices = #map1}, {transform_indices = #map1}, {transform_indices = #map1}, {transform_indices = #map}]} {
    %mul3A = arith.constant 2 : i32
    %mul3A_0 = arith.muli %arg1, %mul3A : i32
    %add3A = arith.addi %mul3A_0, %arg0 : i32
    %mul3A_1 = arith.constant 1024 : i32
    %mul3A_2 = arith.muli %add3A, %mul3A_1 : i32
    "tpu.region"() ({
      %run_scoped3A = tpu.sem_alloc : memref<!tpu.dma_semaphore, #tpu.memory_space<semaphore_mem>>
      %dma_start3A_104 = tpu.memref_slice %arg3[%mul3A_2] : memref<32768xi32, #tpu.memory_space<hbm>> -> memref<1024xi32, #tpu.memory_space<hbm>>
      %dma_start3A_105 = tpu.memref_slice %arg3[%mul3A_2] : memref<32768xi32, #tpu.memory_space<hbm>> -> memref<1024xi32, #tpu.memory_space<hbm>>
      tpu.enqueue_dma source(%dma_start3A_105 : memref<1024xi32, #tpu.memory_space<hbm>>) target(%arg7 : memref<1024xi32, #tpu.memory_space<vmem>>) target_semaphore(%run_scoped3A : memref<!tpu.dma_semaphore, #tpu.memory_space<semaphore_mem>>)
      %dma_wait3A_106 = tpu.memref_slice %arg3[%mul3A_2] : memref<32768xi32, #tpu.memory_space<hbm>> -> memref<1024xi32, #tpu.memory_space<hbm>>
      %dma_wait3A_107 = tpu.memref_slice %arg3[%mul3A_2] : memref<32768xi32, #tpu.memory_space<hbm>> -> memref<1024xi32, #tpu.memory_space<hbm>>
      tpu.wait_dma2 semaphore(%run_scoped3A : memref<!tpu.dma_semaphore, #tpu.memory_space<semaphore_mem>>) src(%dma_wait3A_107 : memref<1024xi32, #tpu.memory_space<hbm>>) dst(%arg7 : memref<1024xi32, #tpu.memory_space<vmem>>)
      tpu.yield
    }) : () -> ()
    "tpu.region"() ({
      %run_scoped3A = tpu.sem_alloc : memref<!tpu.dma_semaphore, #tpu.memory_space<semaphore_mem>>
      tpu.enqueue_dma source(%arg4 : memref<1024xf32, #tpu.memory_space<hbm>>) target(%arg8 : memref<1024xf32, #tpu.memory_space<vmem>>) target_semaphore(%run_scoped3A : memref<!tpu.dma_semaphore, #tpu.memory_space<semaphore_mem>>)
      tpu.wait_dma2 semaphore(%run_scoped3A : memref<!tpu.dma_semaphore, #tpu.memory_space<semaphore_mem>>) src(%arg4 : memref<1024xf32, #tpu.memory_space<hbm>>) dst(%arg8 : memref<1024xf32, #tpu.memory_space<vmem>>)
      tpu.yield
    }) : () -> ()
    "tpu.region"() ({
      %run_scoped3A = tpu.sem_alloc : memref<!tpu.dma_semaphore, #tpu.memory_space<semaphore_mem>>
      tpu.enqueue_dma source(%arg5 : memref<1024xf32, #tpu.memory_space<hbm>>) target(%arg9 : memref<1024xf32, #tpu.memory_space<vmem>>) target_semaphore(%run_scoped3A : memref<!tpu.dma_semaphore, #tpu.memory_space<semaphore_mem>>)
      tpu.wait_dma2 semaphore(%run_scoped3A : memref<!tpu.dma_semaphore, #tpu.memory_space<semaphore_mem>>) src(%arg5 : memref<1024xf32, #tpu.memory_space<hbm>>) dst(%arg9 : memref<1024xf32, #tpu.memory_space<vmem>>)
      tpu.yield
    }) : () -> ()
    %dma_start3A = arith.constant 0 : i32
    %dma_start3A_3 = tpu.memref_slice %arg7[%dma_start3A] : memref<1024xi32, #tpu.memory_space<vmem>> -> memref<16xi32, #tpu.memory_space<vmem>>
    %dma_start3A_4 = arith.constant 0 : i32
    %dma_start3A_5 = arith.constant 0 : i32
    %dma_start3A_6 = tpu.memref_slice %arg2[%dma_start3A_4, %dma_start3A_5] : memref<8192x1024xf32, #tpu.memory_space<hbm>> -> memref<8192x1024xf32, #tpu.memory_space<hbm>>
    tpu.enqueue_indirect_dma source(%dma_start3A_6 : memref<8192x1024xf32, #tpu.memory_space<hbm>>) target(%arg10 : memref<16x1024xf32, #tpu.memory_space<vmem>>) offsets(%dma_start3A_3 : memref<16xi32, #tpu.memory_space<vmem>>) semaphore(%arg16 : memref<!tpu.dma_semaphore, #tpu.memory_space<semaphore_mem>>)
    %dma_start3A_7 = arith.constant 16 : i32
    %dma_start3A_8 = tpu.memref_slice %arg7[%dma_start3A_7] : memref<1024xi32, #tpu.memory_space<vmem>> -> memref<16xi32, #tpu.memory_space<vmem>>
    %dma_start3A_9 = arith.constant 0 : i32
    %dma_start3A_10 = arith.constant 0 : i32
    %dma_start3A_11 = tpu.memref_slice %arg2[%dma_start3A_9, %dma_start3A_10] : memref<8192x1024xf32, #tpu.memory_space<hbm>> -> memref<8192x1024xf32, #tpu.memory_space<hbm>>
    tpu.enqueue_indirect_dma source(%dma_start3A_11 : memref<8192x1024xf32, #tpu.memory_space<hbm>>) target(%arg11 : memref<16x1024xf32, #tpu.memory_space<vmem>>) offsets(%dma_start3A_8 : memref<16xi32, #tpu.memory_space<vmem>>) semaphore(%arg17 : memref<!tpu.dma_semaphore, #tpu.memory_space<semaphore_mem>>)
    %dma_start3A_12 = arith.constant 32 : i32
    %dma_start3A_13 = tpu.memref_slice %arg7[%dma_start3A_12] : memref<1024xi32, #tpu.memory_space<vmem>> -> memref<16xi32, #tpu.memory_space<vmem>>
    %dma_start3A_14 = arith.constant 0 : i32
    %dma_start3A_15 = arith.constant 0 : i32
    %dma_start3A_16 = tpu.memref_slice %arg2[%dma_start3A_14, %dma_start3A_15] : memref<8192x1024xf32, #tpu.memory_space<hbm>> -> memref<8192x1024xf32, #tpu.memory_space<hbm>>
    tpu.enqueue_indirect_dma source(%dma_start3A_16 : memref<8192x1024xf32, #tpu.memory_space<hbm>>) target(%arg12 : memref<16x1024xf32, #tpu.memory_space<vmem>>) offsets(%dma_start3A_13 : memref<16xi32, #tpu.memory_space<vmem>>) semaphore(%arg18 : memref<!tpu.dma_semaphore, #tpu.memory_space<semaphore_mem>>)
    %dma_start3A_17 = arith.constant 48 : i32
    %dma_start3A_18 = tpu.memref_slice %arg7[%dma_start3A_17] : memref<1024xi32, #tpu.memory_space<vmem>> -> memref<16xi32, #tpu.memory_space<vmem>>
    %dma_start3A_19 = arith.constant 0 : i32
    %dma_start3A_20 = arith.constant 0 : i32
    %dma_start3A_21 = tpu.memref_slice %arg2[%dma_start3A_19, %dma_start3A_20] : memref<8192x1024xf32, #tpu.memory_space<hbm>> -> memref<8192x1024xf32, #tpu.memory_space<hbm>>
    tpu.enqueue_indirect_dma source(%dma_start3A_21 : memref<8192x1024xf32, #tpu.memory_space<hbm>>) target(%arg13 : memref<16x1024xf32, #tpu.memory_space<vmem>>) offsets(%dma_start3A_18 : memref<16xi32, #tpu.memory_space<vmem>>) semaphore(%arg19 : memref<!tpu.dma_semaphore, #tpu.memory_space<semaphore_mem>>)
    %dma_wait3A = arith.constant 0 : i32
    %dma_wait3A_22 = tpu.memref_slice %arg7[%dma_wait3A] : memref<1024xi32, #tpu.memory_space<vmem>> -> memref<16xi32, #tpu.memory_space<vmem>>
    %dma_wait3A_23 = arith.constant 0 : i32
    %dma_wait3A_24 = arith.constant 0 : i32
    %dma_wait3A_25 = tpu.memref_slice %arg2[%dma_wait3A_23, %dma_wait3A_24] : memref<8192x1024xf32, #tpu.memory_space<hbm>> -> memref<8192x1024xf32, #tpu.memory_space<hbm>>
    tpu.wait_indirect_dma semaphore(%arg16 : memref<!tpu.dma_semaphore, #tpu.memory_space<semaphore_mem>>) src(%dma_wait3A_25 : memref<8192x1024xf32, #tpu.memory_space<hbm>>) dst(%arg10 : memref<16x1024xf32, #tpu.memory_space<vmem>>)
    %parallel_loop3A = arith.constant 0 : i32
    %parallel_loop3A_26 = arith.constant 1024 : i32
    %parallel_loop3A_27 = arith.constant 16 : i32
    scf.for %parallel_loop3A_104 = %parallel_loop3A to %parallel_loop3A_26 step %parallel_loop3A_27  : i32 {
      %parallel_loop3A_105 = arith.index_cast %parallel_loop3A_104 : i32 to index
      %parallel_loop3A_106 = tpu.vector_load %arg8[%parallel_loop3A_105] {strides = array<i32>} : memref<1024xf32, #tpu.memory_space<vmem>>, vector<16xf32>,
      %parallel_loop3A_107 = vector.shape_cast %parallel_loop3A_106 : vector<16xf32> to vector<16xf32>
      %parallel_loop3A_108 = arith.index_cast %parallel_loop3A_104 : i32 to index
      %parallel_loop3A_109 = tpu.vector_load %arg9[%parallel_loop3A_108] {strides = array<i32>} : memref<1024xf32, #tpu.memory_space<vmem>>, vector<16xf32>,
      %parallel_loop3A_110 = vector.shape_cast %parallel_loop3A_109 : vector<16xf32> to vector<16xf32>
      %parallel_loop3A_111 = arith.constant 0 : i32
      %parallel_loop3A_112 = arith.index_cast %parallel_loop3A_111 : i32 to index
      %parallel_loop3A_113 = arith.index_cast %parallel_loop3A_104 : i32 to index
      %parallel_loop3A_114 = tpu.vector_load %arg10[%parallel_loop3A_112, %parallel_loop3A_113] {strides = array<i32>} : memref<16x1024xf32, #tpu.memory_space<vmem>>, vector<1x16xf32>,
      %parallel_loop3A_115 = vector.shape_cast %parallel_loop3A_114 : vector<1x16xf32> to vector<16xf32>
      %parallel_loop3A_116 = arith.mulf %parallel_loop3A_115, %parallel_loop3A_107 : vector<16xf32>
      %parallel_loop3A_117 = arith.addf %parallel_loop3A_116, %parallel_loop3A_110 : vector<16xf32>
      %parallel_loop3A_118 = arith.constant 0 : i32
      %parallel_loop3A_119 = arith.index_cast %parallel_loop3A_118 : i32 to index
      %parallel_loop3A_120 = arith.index_cast %parallel_loop3A_104 : i32 to index
      %parallel_loop3A_121 = tpu.vector_load %arg14[%parallel_loop3A_119, %parallel_loop3A_120] {strides = array<i32>} : memref<16x1024xf32, #tpu.memory_space<vmem>>, vector<1x16xf32>,
      %parallel_loop3A_122 = vector.shape_cast %parallel_loop3A_121 : vector<1x16xf32> to vector<16xf32>
      %parallel_loop3A_123 = vector.shape_cast %parallel_loop3A_117 : vector<16xf32> to vector<1x16xf32>
      tpu.vector_store %arg14[%parallel_loop3A_119, %parallel_loop3A_120], %parallel_loop3A_123 {strides = array<i32>} : memref<16x1024xf32, #tpu.memory_space<vmem>>, vector<1x16xf32>,
      %parallel_loop3A_124 = arith.constant 1 : i32
      %parallel_loop3A_125 = arith.index_cast %parallel_loop3A_124 : i32 to index
      %parallel_loop3A_126 = arith.index_cast %parallel_loop3A_104 : i32 to index
      %parallel_loop3A_127 = tpu.vector_load %arg10[%parallel_loop3A_125, %parallel_loop3A_126] {strides = array<i32>} : memref<16x1024xf32, #tpu.memory_space<vmem>>, vector<1x16xf32>,
      %parallel_loop3A_128 = vector.shape_cast %parallel_loop3A_127 : vector<1x16xf32> to vector<16xf32>
      %parallel_loop3A_129 = arith.mulf %parallel_loop3A_128, %parallel_loop3A_107 : vector<16xf32>
      %parallel_loop3A_130 = arith.addf %parallel_loop3A_129, %parallel_loop3A_110 : vector<16xf32>
      %parallel_loop3A_131 = arith.constant 1 : i32
      %parallel_loop3A_132 = arith.index_cast %parallel_loop3A_131 : i32 to index
      %parallel_loop3A_133 = arith.index_cast %parallel_loop3A_104 : i32 to index
      %parallel_loop3A_134 = tpu.vector_load %arg14[%parallel_loop3A_132, %parallel_loop3A_133] {strides = array<i32>} : memref<16x1024xf32, #tpu.memory_space<vmem>>, vector<1x16xf32>,
      %parallel_loop3A_135 = vector.shape_cast %parallel_loop3A_134 : vector<1x16xf32> to vector<16xf32>
      %parallel_loop3A_136 = vector.shape_cast %parallel_loop3A_130 : vector<16xf32> to vector<1x16xf32>
      tpu.vector_store %arg14[%parallel_loop3A_132, %parallel_loop3A_133], %parallel_loop3A_136 {strides = array<i32>} : memref<16x1024xf32, #tpu.memory_space<vmem>>, vector<1x16xf32>,
      %parallel_loop3A_137 = arith.constant 2 : i32
      %parallel_loop3A_138 = arith.index_cast %parallel_loop3A_137 : i32 to index
      %parallel_loop3A_139 = arith.index_cast %parallel_loop3A_104 : i32 to index
      %parallel_loop3A_140 = tpu.vector_load %arg10[%parallel_loop3A_138, %parallel_loop3A_139] {strides = array<i32>} : memref<16x1024xf32, #tpu.memory_space<vmem>>, vector<1x16xf32>,
      %parallel_loop3A_141 = vector.shape_cast %parallel_loop3A_140 : vector<1x16xf32> to vector<16xf32>
      %parallel_loop3A_142 = arith.mulf %parallel_loop3A_141, %parallel_loop3A_107 : vector<16xf32>
      %parallel_loop3A_143 = arith.addf %parallel_loop3A_142, %parallel_loop3A_110 : vector<16xf32>
      %parallel_loop3A_144 = arith.constant 2 : i32
      %parallel_loop3A_145 = arith.index_cast %parallel_loop3A_144 : i32 to index
      %parallel_loop3A_146 = arith.index_cast %parallel_loop3A_104 : i32 to index
      %parallel_loop3A_147 = tpu.vector_load %arg14[%parallel_loop3A_145, %parallel_loop3A_146] {strides = array<i32>} : memref<16x1024xf32, #tpu.memory_space<vmem>>, vector<1x16xf32>,
      %parallel_loop3A_148 = vector.shape_cast %parallel_loop3A_147 : vector<1x16xf32> to vector<16xf32>
      %parallel_loop3A_149 = vector.shape_cast %parallel_loop3A_143 : vector<16xf32> to vector<1x16xf32>
      tpu.vector_store %arg14[%parallel_loop3A_145, %parallel_loop3A_146], %parallel_loop3A_149 {strides = array<i32>} : memref<16x1024xf32, #tpu.memory_space<vmem>>, vector<1x16xf32>,
      %parallel_loop3A_150 = arith.constant 3 : i32
      %parallel_loop3A_151 = arith.index_cast %parallel_loop3A_150 : i32 to index
      %parallel_loop3A_152 = arith.index_cast %parallel_loop3A_104 : i32 to index
      %parallel_loop3A_153 = tpu.vector_load %arg10[%parallel_loop3A_151, %parallel_loop3A_152] {strides = array<i32>} : memref<16x1024xf32, #tpu.memory_space<vmem>>, vector<1x16xf32>,
      %parallel_loop3A_154 = vector.shape_cast %parallel_loop3A_153 : vector<1x16xf32> to vector<16xf32>
      %parallel_loop3A_155 = arith.mulf %parallel_loop3A_154, %parallel_loop3A_107 : vector<16xf32>
      %parallel_loop3A_156 = arith.addf %parallel_loop3A_155, %parallel_loop3A_110 : vector<16xf32>
      %parallel_loop3A_157 = arith.constant 3 : i32
      %parallel_loop3A_158 = arith.index_cast %parallel_loop3A_157 : i32 to index
      %parallel_loop3A_159 = arith.index_cast %parallel_loop3A_104 : i32 to index
      %parallel_loop3A_160 = tpu.vector_load %arg14[%parallel_loop3A_158, %parallel_loop3A_159] {strides = array<i32>} : memref<16x1024xf32, #tpu.memory_space<vmem>>, vector<1x16xf32>,
      %parallel_loop3A_161 = vector.shape_cast %parallel_loop3A_160 : vector<1x16xf32> to vector<16xf32>
      %parallel_loop3A_162 = vector.shape_cast %parallel_loop3A_156 : vector<16xf32> to vector<1x16xf32>
      tpu.vector_store %arg14[%parallel_loop3A_158, %parallel_loop3A_159], %parallel_loop3A_162 {strides = array<i32>} : memref<16x1024xf32, #tpu.memory_space<vmem>>, vector<1x16xf32>,
      %parallel_loop3A_163 = arith.constant 4 : i32
      %parallel_loop3A_164 = arith.index_cast %parallel_loop3A_163 : i32 to index
      %parallel_loop3A_165 = arith.index_cast %parallel_loop3A_104 : i32 to index
      %parallel_loop3A_166 = tpu.vector_load %arg10[%parallel_loop3A_164, %parallel_loop3A_165] {strides = array<i32>} : memref<16x1024xf32, #tpu.memory_space<vmem>>, vector<1x16xf32>,
      %parallel_loop3A_167 = vector.shape_cast %parallel_loop3A_166 : vector<1x16xf32> to vector<16xf32>
      %parallel_loop3A_168 = arith.mulf %parallel_loop3A_167, %parallel_loop3A_107 : vector<16xf32>
      %parallel_loop3A_169 = arith.addf %parallel_loop3A_168, %parallel_loop3A_110 : vector<16xf32>
      %parallel_loop3A_170 = arith.constant 4 : i32
      %parallel_loop3A_171 = arith.index_cast %parallel_loop3A_170 : i32 to index
      %parallel_loop3A_172 = arith.index_cast %parallel_loop3A_104 : i32 to index
      %parallel_loop3A_173 = tpu.vector_load %arg14[%parallel_loop3A_171, %parallel_loop3A_172] {strides = array<i32>} : memref<16x1024xf32, #tpu.memory_space<vmem>>, vector<1x16xf32>,
      %parallel_loop3A_174 = vector.shape_cast %parallel_loop3A_173 : vector<1x16xf32> to vector<16xf32>
      %parallel_loop3A_175 = vector.shape_cast %parallel_loop3A_169 : vector<16xf32> to vector<1x16xf32>
      tpu.vector_store %arg14[%parallel_loop3A_171, %parallel_loop3A_172], %parallel_loop3A_175 {strides = array<i32>} : memref<16x1024xf32, #tpu.memory_space<vmem>>, vector<1x16xf32>,
      %parallel_loop3A_176 = arith.constant 5 : i32
      %parallel_loop3A_177 = arith.index_cast %parallel_loop3A_176 : i32 to index
      %parallel_loop3A_178 = arith.index_cast %parallel_loop3A_104 : i32 to index
      %parallel_loop3A_179 = tpu.vector_load %arg10[%parallel_loop3A_177, %parallel_loop3A_178] {strides = array<i32>} : memref<16x1024xf32, #tpu.memory_space<vmem>>, vector<1x16xf32>,
      %parallel_loop3A_180 = vector.shape_cast %parallel_loop3A_179 : vector<1x16xf32> to vector<16xf32>
      %parallel_loop3A_181 = arith.mulf %parallel_loop3A_180, %parallel_loop3A_107 : vector<16xf32>
      %parallel_loop3A_182 = arith.addf %parallel_loop3A_181, %parallel_loop3A_110 : vector<16xf32>
      %parallel_loop3A_183 = arith.constant 5 : i32
      %parallel_loop3A_184 = arith.index_cast %parallel_loop3A_183 : i32 to index
      %parallel_loop3A_185 = arith.index_cast %parallel_loop3A_104 : i32 to index
      %parallel_loop3A_186 = tpu.vector_load %arg14[%parallel_loop3A_184, %parallel_loop3A_185] {strides = array<i32>} : memref<16x1024xf32, #tpu.memory_space<vmem>>, vector<1x16xf32>,
      %parallel_loop3A_187 = vector.shape_cast %parallel_loop3A_186 : vector<1x16xf32> to vector<16xf32>
      %parallel_loop3A_188 = vector.shape_cast %parallel_loop3A_182 : vector<16xf32> to vector<1x16xf32>
      tpu.vector_store %arg14[%parallel_loop3A_184, %parallel_loop3A_185], %parallel_loop3A_188 {strides = array<i32>} : memref<16x1024xf32, #tpu.memory_space<vmem>>, vector<1x16xf32>,
      %parallel_loop3A_189 = arith.constant 6 : i32
      %parallel_loop3A_190 = arith.index_cast %parallel_loop3A_189 : i32 to index
      %parallel_loop3A_191 = arith.index_cast %parallel_loop3A_104 : i32 to index
      %parallel_loop3A_192 = tpu.vector_load %arg10[%parallel_loop3A_190, %parallel_loop3A_191] {strides = array<i32>} : memref<16x1024xf32, #tpu.memory_space<vmem>>, vector<1x16xf32>,
      %parallel_loop3A_193 = vector.shape_cast %parallel_loop3A_192 : vector<1x16xf32> to vector<16xf32>
      %parallel_loop3A_194 = arith.mulf %parallel_loop3A_193, %parallel_loop3A_107 : vector<16xf32>
      %parallel_loop3A_195 = arith.addf %parallel_loop3A_194, %parallel_loop3A_110 : vector<16xf32>
      %parallel_loop3A_196 = arith.constant 6 : i32
      %parallel_loop3A_197 = arith.index_cast %parallel_loop3A_196 : i32 to index
      %parallel_loop3A_198 = arith.index_cast %parallel_loop3A_104 : i32 to index
      %parallel_loop3A_199 = tpu.vector_load %arg14[%parallel_loop3A_197, %parallel_loop3A_198] {strides = array<i32>} : memref<16x1024xf32, #tpu.memory_space<vmem>>, vector<1x16xf32>,
      %parallel_loop3A_200 = vector.shape_cast %parallel_loop3A_199 : vector<1x16xf32> to vector<16xf32>
      %parallel_loop3A_201 = vector.shape_cast %parallel_loop3A_195 : vector<16xf32> to vector<1x16xf32>
      tpu.vector_store %arg14[%parallel_loop3A_197, %parallel_loop3A_198], %parallel_loop3A_201 {strides = array<i32>} : memref<16x1024xf32, #tpu.memory_space<vmem>>, vector<1x16xf32>,
      %parallel_loop3A_202 = arith.constant 7 : i32
      %parallel_loop3A_203 = arith.index_cast %parallel_loop3A_202 : i32 to index
      %parallel_loop3A_204 = arith.index_cast %parallel_loop3A_104 : i32 to index
      %parallel_loop3A_205 = tpu.vector_load %arg10[%parallel_loop3A_203, %parallel_loop3A_204] {strides = array<i32>} : memref<16x1024xf32, #tpu.memory_space<vmem>>, vector<1x16xf32>,
      %parallel_loop3A_206 = vector.shape_cast %parallel_loop3A_205 : vector<1x16xf32> to vector<16xf32>
      %parallel_loop3A_207 = arith.mulf %parallel_loop3A_206, %parallel_loop3A_107 : vector<16xf32>
      %parallel_loop3A_208 = arith.addf %parallel_loop3A_207, %parallel_loop3A_110 : vector<16xf32>
      %parallel_loop3A_209 = arith.constant 7 : i32
      %parallel_loop3A_210 = arith.index_cast %parallel_loop3A_209 : i32 to index
      %parallel_loop3A_211 = arith.index_cast %parallel_loop3A_104 : i32 to index
      %parallel_loop3A_212 = tpu.vector_load %arg14[%parallel_loop3A_210, %parallel_loop3A_211] {strides = array<i32>} : memref<16x1024xf32, #tpu.memory_space<vmem>>, vector<1x16xf32>,
      %parallel_loop3A_213 = vector.shape_cast %parallel_loop3A_212 : vector<1x16xf32> to vector<16xf32>
      %parallel_loop3A_214 = vector.shape_cast %parallel_loop3A_208 : vector<16xf32> to vector<1x16xf32>
      tpu.vector_store %arg14[%parallel_loop3A_210, %parallel_loop3A_211], %parallel_loop3A_214 {strides = array<i32>} : memref<16x1024xf32, #tpu.memory_space<vmem>>, vector<1x16xf32>,
      %parallel_loop3A_215 = arith.constant 8 : i32
      %parallel_loop3A_216 = arith.index_cast %parallel_loop3A_215 : i32 to index
      %parallel_loop3A_217 = arith.index_cast %parallel_loop3A_104 : i32 to index
      %parallel_loop3A_218 = tpu.vector_load %arg10[%parallel_loop3A_216, %parallel_loop3A_217] {strides = array<i32>} : memref<16x1024xf32, #tpu.memory_space<vmem>>, vector<1x16xf32>,
      %parallel_loop3A_219 = vector.shape_cast %parallel_loop3A_218 : vector<1x16xf32> to vector<16xf32>
      %parallel_loop3A_220 = arith.mulf %parallel_loop3A_219, %parallel_loop3A_107 : vector<16xf32>
      %parallel_loop3A_221 = arith.addf %parallel_loop3A_220, %parallel_loop3A_110 : vector<16xf32>
      %parallel_loop3A_222 = arith.constant 8 : i32
      %parallel_loop3A_223 = arith.index_cast %parallel_loop3A_222 : i32 to index
      %parallel_loop3A_224 = arith.index_cast %parallel_loop3A_104 : i32 to index
      %parallel_loop3A_225 = tpu.vector_load %arg14[%parallel_loop3A_223, %parallel_loop3A_224] {strides = array<i32>} : memref<16x1024xf32, #tpu.memory_space<vmem>>, vector<1x16xf32>,
      %parallel_loop3A_226 = vector.shape_cast %parallel_loop3A_225 : vector<1x16xf32> to vector<16xf32>
      %parallel_loop3A_227 = vector.shape_cast %parallel_loop3A_221 : vector<16xf32> to vector<1x16xf32>
      tpu.vector_store %arg14[%parallel_loop3A_223, %parallel_loop3A_224], %parallel_loop3A_227 {strides = array<i32>} : memref<16x1024xf32, #tpu.memory_space<vmem>>, vector<1x16xf32>,
      %parallel_loop3A_228 = arith.constant 9 : i32
      %parallel_loop3A_229 = arith.index_cast %parallel_loop3A_228 : i32 to index
      %parallel_loop3A_230 = arith.index_cast %parallel_loop3A_104 : i32 to index
      %parallel_loop3A_231 = tpu.vector_load %arg10[%parallel_loop3A_229, %parallel_loop3A_230] {strides = array<i32>} : memref<16x1024xf32, #tpu.memory_space<vmem>>, vector<1x16xf32>,
      %parallel_loop3A_232 = vector.shape_cast %parallel_loop3A_231 : vector<1x16xf32> to vector<16xf32>
      %parallel_loop3A_233 = arith.mulf %parallel_loop3A_232, %parallel_loop3A_107 : vector<16xf32>
      %parallel_loop3A_234 = arith.addf %parallel_loop3A_233, %parallel_loop3A_110 : vector<16xf32>
      %parallel_loop3A_235 = arith.constant 9 : i32
      %parallel_loop3A_236 = arith.index_cast %parallel_loop3A_235 : i32 to index
      %parallel_loop3A_237 = arith.index_cast %parallel_loop3A_104 : i32 to index
      %parallel_loop3A_238 = tpu.vector_load %arg14[%parallel_loop3A_236, %parallel_loop3A_237] {strides = array<i32>} : memref<16x1024xf32, #tpu.memory_space<vmem>>, vector<1x16xf32>,
      %parallel_loop3A_239 = vector.shape_cast %parallel_loop3A_238 : vector<1x16xf32> to vector<16xf32>
      %parallel_loop3A_240 = vector.shape_cast %parallel_loop3A_234 : vector<16xf32> to vector<1x16xf32>
      tpu.vector_store %arg14[%parallel_loop3A_236, %parallel_loop3A_237], %parallel_loop3A_240 {strides = array<i32>} : memref<16x1024xf32, #tpu.memory_space<vmem>>, vector<1x16xf32>,
      %parallel_loop3A_241 = arith.constant 10 : i32
      %parallel_loop3A_242 = arith.index_cast %parallel_loop3A_241 : i32 to index
      %parallel_loop3A_243 = arith.index_cast %parallel_loop3A_104 : i32 to index
      %parallel_loop3A_244 = tpu.vector_load %arg10[%parallel_loop3A_242, %parallel_loop3A_243] {strides = array<i32>} : memref<16x1024xf32, #tpu.memory_space<vmem>>, vector<1x16xf32>,
      %parallel_loop3A_245 = vector.shape_cast %parallel_loop3A_244 : vector<1x16xf32> to vector<16xf32>
      %parallel_loop3A_246 = arith.mulf %parallel_loop3A_245, %parallel_loop3A_107 : vector<16xf32>
      %parallel_loop3A_247 = arith.addf %parallel_loop3A_246, %parallel_loop3A_110 : vector<16xf32>
      %parallel_loop3A_248 = arith.constant 10 : i32
      %parallel_loop3A_249 = arith.index_cast %parallel_loop3A_248 : i32 to index
      %parallel_loop3A_250 = arith.index_cast %parallel_loop3A_104 : i32 to index
      %parallel_loop3A_251 = tpu.vector_load %arg14[%parallel_loop3A_249, %parallel_loop3A_250] {strides = array<i32>} : memref<16x1024xf32, #tpu.memory_space<vmem>>, vector<1x16xf32>,
      %parallel_loop3A_252 = vector.shape_cast %parallel_loop3A_251 : vector<1x16xf32> to vector<16xf32>
      %parallel_loop3A_253 = vector.shape_cast %parallel_loop3A_247 : vector<16xf32> to vector<1x16xf32>
      tpu.vector_store %arg14[%parallel_loop3A_249, %parallel_loop3A_250], %parallel_loop3A_253 {strides = array<i32>} : memref<16x1024xf32, #tpu.memory_space<vmem>>, vector<1x16xf32>,
      %parallel_loop3A_254 = arith.constant 11 : i32
      %parallel_loop3A_255 = arith.index_cast %parallel_loop3A_254 : i32 to index
      %parallel_loop3A_256 = arith.index_cast %parallel_loop3A_104 : i32 to index
      %parallel_loop3A_257 = tpu.vector_load %arg10[%parallel_loop3A_255, %parallel_loop3A_256] {strides = array<i32>} : memref<16x1024xf32, #tpu.memory_space<vmem>>, vector<1x16xf32>,
      %parallel_loop3A_258 = vector.shape_cast %parallel_loop3A_257 : vector<1x16xf32> to vector<16xf32>
      %parallel_loop3A_259 = arith.mulf %parallel_loop3A_258, %parallel_loop3A_107 : vector<16xf32>
      %parallel_loop3A_260 = arith.addf %parallel_loop3A_259, %parallel_loop3A_110 : vector<16xf32>
      %parallel_loop3A_261 = arith.constant 11 : i32
      %parallel_loop3A_262 = arith.index_cast %parallel_loop3A_261 : i32 to index
      %parallel_loop3A_263 = arith.index_cast %parallel_loop3A_104 : i32 to index
      %parallel_loop3A_264 = tpu.vector_load %arg14[%parallel_loop3A_262, %parallel_loop3A_263] {strides = array<i32>} : memref<16x1024xf32, #tpu.memory_space<vmem>>, vector<1x16xf32>,
      %parallel_loop3A_265 = vector.shape_cast %parallel_loop3A_264 : vector<1x16xf32> to vector<16xf32>
      %parallel_loop3A_266 = vector.shape_cast %parallel_loop3A_260 : vector<16xf32> to vector<1x16xf32>
      tpu.vector_store %arg14[%parallel_loop3A_262, %parallel_loop3A_263], %parallel_loop3A_266 {strides = array<i32>} : memref<16x1024xf32, #tpu.memory_space<vmem>>, vector<1x16xf32>,
      %parallel_loop3A_267 = arith.constant 12 : i32
      %parallel_loop3A_268 = arith.index_cast %parallel_loop3A_267 : i32 to index
      %parallel_loop3A_269 = arith.index_cast %parallel_loop3A_104 : i32 to index
      %parallel_loop3A_270 = tpu.vector_load %arg10[%parallel_loop3A_268, %parallel_loop3A_269] {strides = array<i32>} : memref<16x1024xf32, #tpu.memory_space<vmem>>, vector<1x16xf32>,
      %parallel_loop3A_271 = vector.shape_cast %parallel_loop3A_270 : vector<1x16xf32> to vector<16xf32>
      %parallel_loop3A_272 = arith.mulf %parallel_loop3A_271, %parallel_loop3A_107 : vector<16xf32>
      %parallel_loop3A_273 = arith.addf %parallel_loop3A_272, %parallel_loop3A_110 : vector<16xf32>
      %parallel_loop3A_274 = arith.constant 12 : i32
      %parallel_loop3A_275 = arith.index_cast %parallel_loop3A_274 : i32 to index
      %parallel_loop3A_276 = arith.index_cast %parallel_loop3A_104 : i32 to index
      %parallel_loop3A_277 = tpu.vector_load %arg14[%parallel_loop3A_275, %parallel_loop3A_276] {strides = array<i32>} : memref<16x1024xf32, #tpu.memory_space<vmem>>, vector<1x16xf32>,
      %parallel_loop3A_278 = vector.shape_cast %parallel_loop3A_277 : vector<1x16xf32> to vector<16xf32>
      %parallel_loop3A_279 = vector.shape_cast %parallel_loop3A_273 : vector<16xf32> to vector<1x16xf32>
      tpu.vector_store %arg14[%parallel_loop3A_275, %parallel_loop3A_276], %parallel_loop3A_279 {strides = array<i32>} : memref<16x1024xf32, #tpu.memory_space<vmem>>, vector<1x16xf32>,
      %parallel_loop3A_280 = arith.constant 13 : i32
      %parallel_loop3A_281 = arith.index_cast %parallel_loop3A_280 : i32 to index
      %parallel_loop3A_282 = arith.index_cast %parallel_loop3A_104 : i32 to index
      %parallel_loop3A_283 = tpu.vector_load %arg10[%parallel_loop3A_281, %parallel_loop3A_282] {strides = array<i32>} : memref<16x1024xf32, #tpu.memory_space<vmem>>, vector<1x16xf32>,
      %parallel_loop3A_284 = vector.shape_cast %parallel_loop3A_283 : vector<1x16xf32> to vector<16xf32>
      %parallel_loop3A_285 = arith.mulf %parallel_loop3A_284, %parallel_loop3A_107 : vector<16xf32>
      %parallel_loop3A_286 = arith.addf %parallel_loop3A_285, %parallel_loop3A_110 : vector<16xf32>
      %parallel_loop3A_287 = arith.constant 13 : i32
      %parallel_loop3A_288 = arith.index_cast %parallel_loop3A_287 : i32 to index
      %parallel_loop3A_289 = arith.index_cast %parallel_loop3A_104 : i32 to index
      %parallel_loop3A_290 = tpu.vector_load %arg14[%parallel_loop3A_288, %parallel_loop3A_289] {strides = array<i32>} : memref<16x1024xf32, #tpu.memory_space<vmem>>, vector<1x16xf32>,
      %parallel_loop3A_291 = vector.shape_cast %parallel_loop3A_290 : vector<1x16xf32> to vector<16xf32>
      %parallel_loop3A_292 = vector.shape_cast %parallel_loop3A_286 : vector<16xf32> to vector<1x16xf32>
      tpu.vector_store %arg14[%parallel_loop3A_288, %parallel_loop3A_289], %parallel_loop3A_292 {strides = array<i32>} : memref<16x1024xf32, #tpu.memory_space<vmem>>, vector<1x16xf32>,
      %parallel_loop3A_293 = arith.constant 14 : i32
      %parallel_loop3A_294 = arith.index_cast %parallel_loop3A_293 : i32 to index
      %parallel_loop3A_295 = arith.index_cast %parallel_loop3A_104 : i32 to index
      %parallel_loop3A_296 = tpu.vector_load %arg10[%parallel_loop3A_294, %parallel_loop3A_295] {strides = array<i32>} : memref<16x1024xf32, #tpu.memory_space<vmem>>, vector<1x16xf32>,
      %parallel_loop3A_297 = vector.shape_cast %parallel_loop3A_296 : vector<1x16xf32> to vector<16xf32>
      %parallel_loop3A_298 = arith.mulf %parallel_loop3A_297, %parallel_loop3A_107 : vector<16xf32>
      %parallel_loop3A_299 = arith.addf %parallel_loop3A_298, %parallel_loop3A_110 : vector<16xf32>
      %parallel_loop3A_300 = arith.constant 14 : i32
      %parallel_loop3A_301 = arith.index_cast %parallel_loop3A_300 : i32 to index
      %parallel_loop3A_302 = arith.index_cast %parallel_loop3A_104 : i32 to index
      %parallel_loop3A_303 = tpu.vector_load %arg14[%parallel_loop3A_301, %parallel_loop3A_302] {strides = array<i32>} : memref<16x1024xf32, #tpu.memory_space<vmem>>, vector<1x16xf32>,
      %parallel_loop3A_304 = vector.shape_cast %parallel_loop3A_303 : vector<1x16xf32> to vector<16xf32>
      %parallel_loop3A_305 = vector.shape_cast %parallel_loop3A_299 : vector<16xf32> to vector<1x16xf32>
      tpu.vector_store %arg14[%parallel_loop3A_301, %parallel_loop3A_302], %parallel_loop3A_305 {strides = array<i32>} : memref<16x1024xf32, #tpu.memory_space<vmem>>, vector<1x16xf32>,
      %parallel_loop3A_306 = arith.constant 15 : i32
      %parallel_loop3A_307 = arith.index_cast %parallel_loop3A_306 : i32 to index
      %parallel_loop3A_308 = arith.index_cast %parallel_loop3A_104 : i32 to index
      %parallel_loop3A_309 = tpu.vector_load %arg10[%parallel_loop3A_307, %parallel_loop3A_308] {strides = array<i32>} : memref<16x1024xf32, #tpu.memory_space<vmem>>, vector<1x16xf32>,
      %parallel_loop3A_310 = vector.shape_cast %parallel_loop3A_309 : vector<1x16xf32> to vector<16xf32>
      %parallel_loop3A_311 = arith.mulf %parallel_loop3A_310, %parallel_loop3A_107 : vector<16xf32>
      %parallel_loop3A_312 = arith.addf %parallel_loop3A_311, %parallel_loop3A_110 : vector<16xf32>
      %parallel_loop3A_313 = arith.constant 15 : i32
      %parallel_loop3A_314 = arith.index_cast %parallel_loop3A_313 : i32 to index
      %parallel_loop3A_315 = arith.index_cast %parallel_loop3A_104 : i32 to index
      %parallel_loop3A_316 = tpu.vector_load %arg14[%parallel_loop3A_314, %parallel_loop3A_315] {strides = array<i32>} : memref<16x1024xf32, #tpu.memory_space<vmem>>, vector<1x16xf32>,
      %parallel_loop3A_317 = vector.shape_cast %parallel_loop3A_316 : vector<1x16xf32> to vector<16xf32>
      %parallel_loop3A_318 = vector.shape_cast %parallel_loop3A_312 : vector<16xf32> to vector<1x16xf32>
      tpu.vector_store %arg14[%parallel_loop3A_314, %parallel_loop3A_315], %parallel_loop3A_318 {strides = array<i32>} : memref<16x1024xf32, #tpu.memory_space<vmem>>, vector<1x16xf32>,
    } {sc.loop_unroll_factor = 8 : i64, sc.parallel_access}
    %add3A_28 = arith.constant 0 : i32
    %add3A_29 = arith.addi %mul3A_2, %add3A_28 : i32
    %dma_start3A_30 = arith.constant 0 : i32
    %dma_start3A_31 = tpu.memref_slice %arg6[%add3A_29, %dma_start3A_30] : memref<32768x1024xf32, #tpu.memory_space<hbm>> -> memref<16x1024xf32, #tpu.memory_space<hbm>>
    %dma_start3A_32 = arith.constant 0 : i32
    %dma_start3A_33 = tpu.memref_slice %arg6[%add3A_29, %dma_start3A_32] : memref<32768x1024xf32, #tpu.memory_space<hbm>> -> memref<16x1024xf32, #tpu.memory_space<hbm>>
    tpu.enqueue_dma source(%arg14 : memref<16x1024xf32, #tpu.memory_space<vmem>>) target(%dma_start3A_33 : memref<16x1024xf32, #tpu.memory_space<hbm>>) target_semaphore(%arg20 : memref<!tpu.dma_semaphore, #tpu.memory_space<semaphore_mem>>)
    %dma_wait3A_34 = arith.constant 16 : i32
    %dma_wait3A_35 = tpu.memref_slice %arg7[%dma_wait3A_34] : memref<1024xi32, #tpu.memory_space<vmem>> -> memref<16xi32, #tpu.memory_space<vmem>>
    %dma_wait3A_36 = arith.constant 0 : i32
    %dma_wait3A_37 = arith.constant 0 : i32
    %dma_wait3A_38 = tpu.memref_slice %arg2[%dma_wait3A_36, %dma_wait3A_37] : memref<8192x1024xf32, #tpu.memory_space<hbm>> -> memref<8192x1024xf32, #tpu.memory_space<hbm>>
    tpu.wait_indirect_dma semaphore(%arg17 : memref<!tpu.dma_semaphore, #tpu.memory_space<semaphore_mem>>) src(%dma_wait3A_38 : memref<8192x1024xf32, #tpu.memory_space<hbm>>) dst(%arg11 : memref<16x1024xf32, #tpu.memory_space<vmem>>)
    %parallel_loop3A_39 = arith.constant 0 : i32
    %parallel_loop3A_40 = arith.constant 1024 : i32
    %parallel_loop3A_41 = arith.constant 16 : i32
    scf.for %parallel_loop3A_104 = %parallel_loop3A_39 to %parallel_loop3A_40 step %parallel_loop3A_41  : i32 {
      %parallel_loop3A_105 = arith.index_cast %parallel_loop3A_104 : i32 to index
      %parallel_loop3A_106 = tpu.vector_load %arg8[%parallel_loop3A_105] {strides = array<i32>} : memref<1024xf32, #tpu.memory_space<vmem>>, vector<16xf32>,
      %parallel_loop3A_107 = vector.shape_cast %parallel_loop3A_106 : vector<16xf32> to vector<16xf32>
      %parallel_loop3A_108 = arith.index_cast %parallel_loop3A_104 : i32 to index
      %parallel_loop3A_109 = tpu.vector_load %arg9[%parallel_loop3A_108] {strides = array<i32>} : memref<1024xf32, #tpu.memory_space<vmem>>, vector<16xf32>,
      %parallel_loop3A_110 = vector.shape_cast %parallel_loop3A_109 : vector<16xf32> to vector<16xf32>
      %parallel_loop3A_111 = arith.constant 0 : i32
      %parallel_loop3A_112 = arith.index_cast %parallel_loop3A_111 : i32 to index
      %parallel_loop3A_113 = arith.index_cast %parallel_loop3A_104 : i32 to index
      %parallel_loop3A_114 = tpu.vector_load %arg11[%parallel_loop3A_112, %parallel_loop3A_113] {strides = array<i32>} : memref<16x1024xf32, #tpu.memory_space<vmem>>, vector<1x16xf32>,
      %parallel_loop3A_115 = vector.shape_cast %parallel_loop3A_114 : vector<1x16xf32> to vector<16xf32>
      %parallel_loop3A_116 = arith.mulf %parallel_loop3A_115, %parallel_loop3A_107 : vector<16xf32>
      %parallel_loop3A_117 = arith.addf %parallel_loop3A_116, %parallel_loop3A_110 : vector<16xf32>
      %parallel_loop3A_118 = arith.constant 0 : i32
      %parallel_loop3A_119 = arith.index_cast %parallel_loop3A_118 : i32 to index
      %parallel_loop3A_120 = arith.index_cast %parallel_loop3A_104 : i32 to index
      %parallel_loop3A_121 = tpu.vector_load %arg15[%parallel_loop3A_119, %parallel_loop3A_120] {strides = array<i32>} : memref<16x1024xf32, #tpu.memory_space<vmem>>, vector<1x16xf32>,
      %parallel_loop3A_122 = vector.shape_cast %parallel_loop3A_121 : vector<1x16xf32> to vector<16xf32>
      %parallel_loop3A_123 = vector.shape_cast %parallel_loop3A_117 : vector<16xf32> to vector<1x16xf32>
      tpu.vector_store %arg15[%parallel_loop3A_119, %parallel_loop3A_120], %parallel_loop3A_123 {strides = array<i32>} : memref<16x1024xf32, #tpu.memory_space<vmem>>, vector<1x16xf32>,
      %parallel_loop3A_124 = arith.constant 1 : i32
      %parallel_loop3A_125 = arith.index_cast %parallel_loop3A_124 : i32 to index
      %parallel_loop3A_126 = arith.index_cast %parallel_loop3A_104 : i32 to index
      %parallel_loop3A_127 = tpu.vector_load %arg11[%parallel_loop3A_125, %parallel_loop3A_126] {strides = array<i32>} : memref<16x1024xf32, #tpu.memory_space<vmem>>, vector<1x16xf32>,
      %parallel_loop3A_128 = vector.shape_cast %parallel_loop3A_127 : vector<1x16xf32> to vector<16xf32>
      %parallel_loop3A_129 = arith.mulf %parallel_loop3A_128, %parallel_loop3A_107 : vector<16xf32>
      %parallel_loop3A_130 = arith.addf %parallel_loop3A_129, %parallel_loop3A_110 : vector<16xf32>
      %parallel_loop3A_131 = arith.constant 1 : i32
      %parallel_loop3A_132 = arith.index_cast %parallel_loop3A_131 : i32 to index
      %parallel_loop3A_133 = arith.index_cast %parallel_loop3A_104 : i32 to index
      %parallel_loop3A_134 = tpu.vector_load %arg15[%parallel_loop3A_132, %parallel_loop3A_133] {strides = array<i32>} : memref<16x1024xf32, #tpu.memory_space<vmem>>, vector<1x16xf32>,
      %parallel_loop3A_135 = vector.shape_cast %parallel_loop3A_134 : vector<1x16xf32> to vector<16xf32>
      %parallel_loop3A_136 = vector.shape_cast %parallel_loop3A_130 : vector<16xf32> to vector<1x16xf32>
      tpu.vector_store %arg15[%parallel_loop3A_132, %parallel_loop3A_133], %parallel_loop3A_136 {strides = array<i32>} : memref<16x1024xf32, #tpu.memory_space<vmem>>, vector<1x16xf32>,
      %parallel_loop3A_137 = arith.constant 2 : i32
      %parallel_loop3A_138 = arith.index_cast %parallel_loop3A_137 : i32 to index
      %parallel_loop3A_139 = arith.index_cast %parallel_loop3A_104 : i32 to index
      %parallel_loop3A_140 = tpu.vector_load %arg11[%parallel_loop3A_138, %parallel_loop3A_139] {strides = array<i32>} : memref<16x1024xf32, #tpu.memory_space<vmem>>, vector<1x16xf32>,
      %parallel_loop3A_141 = vector.shape_cast %parallel_loop3A_140 : vector<1x16xf32> to vector<16xf32>
      %parallel_loop3A_142 = arith.mulf %parallel_loop3A_141, %parallel_loop3A_107 : vector<16xf32>
      %parallel_loop3A_143 = arith.addf %parallel_loop3A_142, %parallel_loop3A_110 : vector<16xf32>
      %parallel_loop3A_144 = arith.constant 2 : i32
      %parallel_loop3A_145 = arith.index_cast %parallel_loop3A_144 : i32 to index
      %parallel_loop3A_146 = arith.index_cast %parallel_loop3A_104 : i32 to index
      %parallel_loop3A_147 = tpu.vector_load %arg15[%parallel_loop3A_145, %parallel_loop3A_146] {strides = array<i32>} : memref<16x1024xf32, #tpu.memory_space<vmem>>, vector<1x16xf32>,
      %parallel_loop3A_148 = vector.shape_cast %parallel_loop3A_147 : vector<1x16xf32> to vector<16xf32>
      %parallel_loop3A_149 = vector.shape_cast %parallel_loop3A_143 : vector<16xf32> to vector<1x16xf32>
      tpu.vector_store %arg15[%parallel_loop3A_145, %parallel_loop3A_146], %parallel_loop3A_149 {strides = array<i32>} : memref<16x1024xf32, #tpu.memory_space<vmem>>, vector<1x16xf32>,
      %parallel_loop3A_150 = arith.constant 3 : i32
      %parallel_loop3A_151 = arith.index_cast %parallel_loop3A_150 : i32 to index
      %parallel_loop3A_152 = arith.index_cast %parallel_loop3A_104 : i32 to index
      %parallel_loop3A_153 = tpu.vector_load %arg11[%parallel_loop3A_151, %parallel_loop3A_152] {strides = array<i32>} : memref<16x1024xf32, #tpu.memory_space<vmem>>, vector<1x16xf32>,
      %parallel_loop3A_154 = vector.shape_cast %parallel_loop3A_153 : vector<1x16xf32> to vector<16xf32>
      %parallel_loop3A_155 = arith.mulf %parallel_loop3A_154, %parallel_loop3A_107 : vector<16xf32>
      %parallel_loop3A_156 = arith.addf %parallel_loop3A_155, %parallel_loop3A_110 : vector<16xf32>
      %parallel_loop3A_157 = arith.constant 3 : i32
      %parallel_loop3A_158 = arith.index_cast %parallel_loop3A_157 : i32 to index
      %parallel_loop3A_159 = arith.index_cast %parallel_loop3A_104 : i32 to index
      %parallel_loop3A_160 = tpu.vector_load %arg15[%parallel_loop3A_158, %parallel_loop3A_159] {strides = array<i32>} : memref<16x1024xf32, #tpu.memory_space<vmem>>, vector<1x16xf32>,
      %parallel_loop3A_161 = vector.shape_cast %parallel_loop3A_160 : vector<1x16xf32> to vector<16xf32>
      %parallel_loop3A_162 = vector.shape_cast %parallel_loop3A_156 : vector<16xf32> to vector<1x16xf32>
      tpu.vector_store %arg15[%parallel_loop3A_158, %parallel_loop3A_159], %parallel_loop3A_162 {strides = array<i32>} : memref<16x1024xf32, #tpu.memory_space<vmem>>, vector<1x16xf32>,
      %parallel_loop3A_163 = arith.constant 4 : i32
      %parallel_loop3A_164 = arith.index_cast %parallel_loop3A_163 : i32 to index
      %parallel_loop3A_165 = arith.index_cast %parallel_loop3A_104 : i32 to index
      %parallel_loop3A_166 = tpu.vector_load %arg11[%parallel_loop3A_164, %parallel_loop3A_165] {strides = array<i32>} : memref<16x1024xf32, #tpu.memory_space<vmem>>, vector<1x16xf32>,
      %parallel_loop3A_167 = vector.shape_cast %parallel_loop3A_166 : vector<1x16xf32> to vector<16xf32>
      %parallel_loop3A_168 = arith.mulf %parallel_loop3A_167, %parallel_loop3A_107 : vector<16xf32>
      %parallel_loop3A_169 = arith.addf %parallel_loop3A_168, %parallel_loop3A_110 : vector<16xf32>
      %parallel_loop3A_170 = arith.constant 4 : i32
      %parallel_loop3A_171 = arith.index_cast %parallel_loop3A_170 : i32 to index
      %parallel_loop3A_172 = arith.index_cast %parallel_loop3A_104 : i32 to index
      %parallel_loop3A_173 = tpu.vector_load %arg15[%parallel_loop3A_171, %parallel_loop3A_172] {strides = array<i32>} : memref<16x1024xf32, #tpu.memory_space<vmem>>, vector<1x16xf32>,
      %parallel_loop3A_174 = vector.shape_cast %parallel_loop3A_173 : vector<1x16xf32> to vector<16xf32>
      %parallel_loop3A_175 = vector.shape_cast %parallel_loop3A_169 : vector<16xf32> to vector<1x16xf32>
      tpu.vector_store %arg15[%parallel_loop3A_171, %parallel_loop3A_172], %parallel_loop3A_175 {strides = array<i32>} : memref<16x1024xf32, #tpu.memory_space<vmem>>, vector<1x16xf32>,
      %parallel_loop3A_176 = arith.constant 5 : i32
      %parallel_loop3A_177 = arith.index_cast %parallel_loop3A_176 : i32 to index
      %parallel_loop3A_178 = arith.index_cast %parallel_loop3A_104 : i32 to index
      %parallel_loop3A_179 = tpu.vector_load %arg11[%parallel_loop3A_177, %parallel_loop3A_178] {strides = array<i32>} : memref<16x1024xf32, #tpu.memory_space<vmem>>, vector<1x16xf32>,
      %parallel_loop3A_180 = vector.shape_cast %parallel_loop3A_179 : vector<1x16xf32> to vector<16xf32>
      %parallel_loop3A_181 = arith.mulf %parallel_loop3A_180, %parallel_loop3A_107 : vector<16xf32>
      %parallel_loop3A_182 = arith.addf %parallel_loop3A_181, %parallel_loop3A_110 : vector<16xf32>
      %parallel_loop3A_183 = arith.constant 5 : i32
      %parallel_loop3A_184 = arith.index_cast %parallel_loop3A_183 : i32 to index
      %parallel_loop3A_185 = arith.index_cast %parallel_loop3A_104 : i32 to index
      %parallel_loop3A_186 = tpu.vector_load %arg15[%parallel_loop3A_184, %parallel_loop3A_185] {strides = array<i32>} : memref<16x1024xf32, #tpu.memory_space<vmem>>, vector<1x16xf32>,
      %parallel_loop3A_187 = vector.shape_cast %parallel_loop3A_186 : vector<1x16xf32> to vector<16xf32>
      %parallel_loop3A_188 = vector.shape_cast %parallel_loop3A_182 : vector<16xf32> to vector<1x16xf32>
      tpu.vector_store %arg15[%parallel_loop3A_184, %parallel_loop3A_185], %parallel_loop3A_188 {strides = array<i32>} : memref<16x1024xf32, #tpu.memory_space<vmem>>, vector<1x16xf32>,
      %parallel_loop3A_189 = arith.constant 6 : i32
      %parallel_loop3A_190 = arith.index_cast %parallel_loop3A_189 : i32 to index
      %parallel_loop3A_191 = arith.index_cast %parallel_loop3A_104 : i32 to index
      %parallel_loop3A_192 = tpu.vector_load %arg11[%parallel_loop3A_190, %parallel_loop3A_191] {strides = array<i32>} : memref<16x1024xf32, #tpu.memory_space<vmem>>, vector<1x16xf32>,
      %parallel_loop3A_193 = vector.shape_cast %parallel_loop3A_192 : vector<1x16xf32> to vector<16xf32>
      %parallel_loop3A_194 = arith.mulf %parallel_loop3A_193, %parallel_loop3A_107 : vector<16xf32>
      %parallel_loop3A_195 = arith.addf %parallel_loop3A_194, %parallel_loop3A_110 : vector<16xf32>
      %parallel_loop3A_196 = arith.constant 6 : i32
      %parallel_loop3A_197 = arith.index_cast %parallel_loop3A_196 : i32 to index
      %parallel_loop3A_198 = arith.index_cast %parallel_loop3A_104 : i32 to index
      %parallel_loop3A_199 = tpu.vector_load %arg15[%parallel_loop3A_197, %parallel_loop3A_198] {strides = array<i32>} : memref<16x1024xf32, #tpu.memory_space<vmem>>, vector<1x16xf32>,
      %parallel_loop3A_200 = vector.shape_cast %parallel_loop3A_199 : vector<1x16xf32> to vector<16xf32>
      %parallel_loop3A_201 = vector.shape_cast %parallel_loop3A_195 : vector<16xf32> to vector<1x16xf32>
      tpu.vector_store %arg15[%parallel_loop3A_197, %parallel_loop3A_198], %parallel_loop3A_201 {strides = array<i32>} : memref<16x1024xf32, #tpu.memory_space<vmem>>, vector<1x16xf32>,
      %parallel_loop3A_202 = arith.constant 7 : i32
      %parallel_loop3A_203 = arith.index_cast %parallel_loop3A_202 : i32 to index
      %parallel_loop3A_204 = arith.index_cast %parallel_loop3A_104 : i32 to index
      %parallel_loop3A_205 = tpu.vector_load %arg11[%parallel_loop3A_203, %parallel_loop3A_204] {strides = array<i32>} : memref<16x1024xf32, #tpu.memory_space<vmem>>, vector<1x16xf32>,
      %parallel_loop3A_206 = vector.shape_cast %parallel_loop3A_205 : vector<1x16xf32> to vector<16xf32>
      %parallel_loop3A_207 = arith.mulf %parallel_loop3A_206, %parallel_loop3A_107 : vector<16xf32>
      %parallel_loop3A_208 = arith.addf %parallel_loop3A_207, %parallel_loop3A_110 : vector<16xf32>
      %parallel_loop3A_209 = arith.constant 7 : i32
      %parallel_loop3A_210 = arith.index_cast %parallel_loop3A_209 : i32 to index
      %parallel_loop3A_211 = arith.index_cast %parallel_loop3A_104 : i32 to index
      %parallel_loop3A_212 = tpu.vector_load %arg15[%parallel_loop3A_210, %parallel_loop3A_211] {strides = array<i32>} : memref<16x1024xf32, #tpu.memory_space<vmem>>, vector<1x16xf32>,
      %parallel_loop3A_213 = vector.shape_cast %parallel_loop3A_212 : vector<1x16xf32> to vector<16xf32>
      %parallel_loop3A_214 = vector.shape_cast %parallel_loop3A_208 : vector<16xf32> to vector<1x16xf32>
      tpu.vector_store %arg15[%parallel_loop3A_210, %parallel_loop3A_211], %parallel_loop3A_214 {strides = array<i32>} : memref<16x1024xf32, #tpu.memory_space<vmem>>, vector<1x16xf32>,
      %parallel_loop3A_215 = arith.constant 8 : i32
      %parallel_loop3A_216 = arith.index_cast %parallel_loop3A_215 : i32 to index
      %parallel_loop3A_217 = arith.index_cast %parallel_loop3A_104 : i32 to index
      %parallel_loop3A_218 = tpu.vector_load %arg11[%parallel_loop3A_216, %parallel_loop3A_217] {strides = array<i32>} : memref<16x1024xf32, #tpu.memory_space<vmem>>, vector<1x16xf32>,
      %parallel_loop3A_219 = vector.shape_cast %parallel_loop3A_218 : vector<1x16xf32> to vector<16xf32>
      %parallel_loop3A_220 = arith.mulf %parallel_loop3A_219, %parallel_loop3A_107 : vector<16xf32>
      %parallel_loop3A_221 = arith.addf %parallel_loop3A_220, %parallel_loop3A_110 : vector<16xf32>
      %parallel_loop3A_222 = arith.constant 8 : i32
      %parallel_loop3A_223 = arith.index_cast %parallel_loop3A_222 : i32 to index
      %parallel_loop3A_224 = arith.index_cast %parallel_loop3A_104 : i32 to index
      %parallel_loop3A_225 = tpu.vector_load %arg15[%parallel_loop3A_223, %parallel_loop3A_224] {strides = array<i32>} : memref<16x1024xf32, #tpu.memory_space<vmem>>, vector<1x16xf32>,
      %parallel_loop3A_226 = vector.shape_cast %parallel_loop3A_225 : vector<1x16xf32> to vector<16xf32>
      %parallel_loop3A_227 = vector.shape_cast %parallel_loop3A_221 : vector<16xf32> to vector<1x16xf32>
      tpu.vector_store %arg15[%parallel_loop3A_223, %parallel_loop3A_224], %parallel_loop3A_227 {strides = array<i32>} : memref<16x1024xf32, #tpu.memory_space<vmem>>, vector<1x16xf32>,
      %parallel_loop3A_228 = arith.constant 9 : i32
      %parallel_loop3A_229 = arith.index_cast %parallel_loop3A_228 : i32 to index
      %parallel_loop3A_230 = arith.index_cast %parallel_loop3A_104 : i32 to index
      %parallel_loop3A_231 = tpu.vector_load %arg11[%parallel_loop3A_229, %parallel_loop3A_230] {strides = array<i32>} : memref<16x1024xf32, #tpu.memory_space<vmem>>, vector<1x16xf32>,
      %parallel_loop3A_232 = vector.shape_cast %parallel_loop3A_231 : vector<1x16xf32> to vector<16xf32>
      %parallel_loop3A_233 = arith.mulf %parallel_loop3A_232, %parallel_loop3A_107 : vector<16xf32>
      %parallel_loop3A_234 = arith.addf %parallel_loop3A_233, %parallel_loop3A_110 : vector<16xf32>
      %parallel_loop3A_235 = arith.constant 9 : i32
      %parallel_loop3A_236 = arith.index_cast %parallel_loop3A_235 : i32 to index
      %parallel_loop3A_237 = arith.index_cast %parallel_loop3A_104 : i32 to index
      %parallel_loop3A_238 = tpu.vector_load %arg15[%parallel_loop3A_236, %parallel_loop3A_237] {strides = array<i32>} : memref<16x1024xf32, #tpu.memory_space<vmem>>, vector<1x16xf32>,
      %parallel_loop3A_239 = vector.shape_cast %parallel_loop3A_238 : vector<1x16xf32> to vector<16xf32>
      %parallel_loop3A_240 = vector.shape_cast %parallel_loop3A_234 : vector<16xf32> to vector<1x16xf32>
      tpu.vector_store %arg15[%parallel_loop3A_236, %parallel_loop3A_237], %parallel_loop3A_240 {strides = array<i32>} : memref<16x1024xf32, #tpu.memory_space<vmem>>, vector<1x16xf32>,
      %parallel_loop3A_241 = arith.constant 10 : i32
      %parallel_loop3A_242 = arith.index_cast %parallel_loop3A_241 : i32 to index
      %parallel_loop3A_243 = arith.index_cast %parallel_loop3A_104 : i32 to index
      %parallel_loop3A_244 = tpu.vector_load %arg11[%parallel_loop3A_242, %parallel_loop3A_243] {strides = array<i32>} : memref<16x1024xf32, #tpu.memory_space<vmem>>, vector<1x16xf32>,
      %parallel_loop3A_245 = vector.shape_cast %parallel_loop3A_244 : vector<1x16xf32> to vector<16xf32>
      %parallel_loop3A_246 = arith.mulf %parallel_loop3A_245, %parallel_loop3A_107 : vector<16xf32>
      %parallel_loop3A_247 = arith.addf %parallel_loop3A_246, %parallel_loop3A_110 : vector<16xf32>
      %parallel_loop3A_248 = arith.constant 10 : i32
      %parallel_loop3A_249 = arith.index_cast %parallel_loop3A_248 : i32 to index
      %parallel_loop3A_250 = arith.index_cast %parallel_loop3A_104 : i32 to index
      %parallel_loop3A_251 = tpu.vector_load %arg15[%parallel_loop3A_249, %parallel_loop3A_250] {strides = array<i32>} : memref<16x1024xf32, #tpu.memory_space<vmem>>, vector<1x16xf32>,
      %parallel_loop3A_252 = vector.shape_cast %parallel_loop3A_251 : vector<1x16xf32> to vector<16xf32>
      %parallel_loop3A_253 = vector.shape_cast %parallel_loop3A_247 : vector<16xf32> to vector<1x16xf32>
      tpu.vector_store %arg15[%parallel_loop3A_249, %parallel_loop3A_250], %parallel_loop3A_253 {strides = array<i32>} : memref<16x1024xf32, #tpu.memory_space<vmem>>, vector<1x16xf32>,
      %parallel_loop3A_254 = arith.constant 11 : i32
      %parallel_loop3A_255 = arith.index_cast %parallel_loop3A_254 : i32 to index
      %parallel_loop3A_256 = arith.index_cast %parallel_loop3A_104 : i32 to index
      %parallel_loop3A_257 = tpu.vector_load %arg11[%parallel_loop3A_255, %parallel_loop3A_256] {strides = array<i32>} : memref<16x1024xf32, #tpu.memory_space<vmem>>, vector<1x16xf32>,
      %parallel_loop3A_258 = vector.shape_cast %parallel_loop3A_257 : vector<1x16xf32> to vector<16xf32>
      %parallel_loop3A_259 = arith.mulf %parallel_loop3A_258, %parallel_loop3A_107 : vector<16xf32>
      %parallel_loop3A_260 = arith.addf %parallel_loop3A_259, %parallel_loop3A_110 : vector<16xf32>
      %parallel_loop3A_261 = arith.constant 11 : i32
      %parallel_loop3A_262 = arith.index_cast %parallel_loop3A_261 : i32 to index
      %parallel_loop3A_263 = arith.index_cast %parallel_loop3A_104 : i32 to index
      %parallel_loop3A_264 = tpu.vector_load %arg15[%parallel_loop3A_262, %parallel_loop3A_263] {strides = array<i32>} : memref<16x1024xf32, #tpu.memory_space<vmem>>, vector<1x16xf32>,
      %parallel_loop3A_265 = vector.shape_cast %parallel_loop3A_264 : vector<1x16xf32> to vector<16xf32>
      %parallel_loop3A_266 = vector.shape_cast %parallel_loop3A_260 : vector<16xf32> to vector<1x16xf32>
      tpu.vector_store %arg15[%parallel_loop3A_262, %parallel_loop3A_263], %parallel_loop3A_266 {strides = array<i32>} : memref<16x1024xf32, #tpu.memory_space<vmem>>, vector<1x16xf32>,
      %parallel_loop3A_267 = arith.constant 12 : i32
      %parallel_loop3A_268 = arith.index_cast %parallel_loop3A_267 : i32 to index
      %parallel_loop3A_269 = arith.index_cast %parallel_loop3A_104 : i32 to index
      %parallel_loop3A_270 = tpu.vector_load %arg11[%parallel_loop3A_268, %parallel_loop3A_269] {strides = array<i32>} : memref<16x1024xf32, #tpu.memory_space<vmem>>, vector<1x16xf32>,
      %parallel_loop3A_271 = vector.shape_cast %parallel_loop3A_270 : vector<1x16xf32> to vector<16xf32>
      %parallel_loop3A_272 = arith.mulf %parallel_loop3A_271, %parallel_loop3A_107 : vector<16xf32>
      %parallel_loop3A_273 = arith.addf %parallel_loop3A_272, %parallel_loop3A_110 : vector<16xf32>
      %parallel_loop3A_274 = arith.constant 12 : i32
      %parallel_loop3A_275 = arith.index_cast %parallel_loop3A_274 : i32 to index
      %parallel_loop3A_276 = arith.index_cast %parallel_loop3A_104 : i32 to index
      %parallel_loop3A_277 = tpu.vector_load %arg15[%parallel_loop3A_275, %parallel_loop3A_276] {strides = array<i32>} : memref<16x1024xf32, #tpu.memory_space<vmem>>, vector<1x16xf32>,
      %parallel_loop3A_278 = vector.shape_cast %parallel_loop3A_277 : vector<1x16xf32> to vector<16xf32>
      %parallel_loop3A_279 = vector.shape_cast %parallel_loop3A_273 : vector<16xf32> to vector<1x16xf32>
      tpu.vector_store %arg15[%parallel_loop3A_275, %parallel_loop3A_276], %parallel_loop3A_279 {strides = array<i32>} : memref<16x1024xf32, #tpu.memory_space<vmem>>, vector<1x16xf32>,
      %parallel_loop3A_280 = arith.constant 13 : i32
      %parallel_loop3A_281 = arith.index_cast %parallel_loop3A_280 : i32 to index
      %parallel_loop3A_282 = arith.index_cast %parallel_loop3A_104 : i32 to index
      %parallel_loop3A_283 = tpu.vector_load %arg11[%parallel_loop3A_281, %parallel_loop3A_282] {strides = array<i32>} : memref<16x1024xf32, #tpu.memory_space<vmem>>, vector<1x16xf32>,
      %parallel_loop3A_284 = vector.shape_cast %parallel_loop3A_283 : vector<1x16xf32> to vector<16xf32>
      %parallel_loop3A_285 = arith.mulf %parallel_loop3A_284, %parallel_loop3A_107 : vector<16xf32>
      %parallel_loop3A_286 = arith.addf %parallel_loop3A_285, %parallel_loop3A_110 : vector<16xf32>
      %parallel_loop3A_287 = arith.constant 13 : i32
      %parallel_loop3A_288 = arith.index_cast %parallel_loop3A_287 : i32 to index
      %parallel_loop3A_289 = arith.index_cast %parallel_loop3A_104 : i32 to index
      %parallel_loop3A_290 = tpu.vector_load %arg15[%parallel_loop3A_288, %parallel_loop3A_289] {strides = array<i32>} : memref<16x1024xf32, #tpu.memory_space<vmem>>, vector<1x16xf32>,
      %parallel_loop3A_291 = vector.shape_cast %parallel_loop3A_290 : vector<1x16xf32> to vector<16xf32>
      %parallel_loop3A_292 = vector.shape_cast %parallel_loop3A_286 : vector<16xf32> to vector<1x16xf32>
      tpu.vector_store %arg15[%parallel_loop3A_288, %parallel_loop3A_289], %parallel_loop3A_292 {strides = array<i32>} : memref<16x1024xf32, #tpu.memory_space<vmem>>, vector<1x16xf32>,
      %parallel_loop3A_293 = arith.constant 14 : i32
      %parallel_loop3A_294 = arith.index_cast %parallel_loop3A_293 : i32 to index
      %parallel_loop3A_295 = arith.index_cast %parallel_loop3A_104 : i32 to index
      %parallel_loop3A_296 = tpu.vector_load %arg11[%parallel_loop3A_294, %parallel_loop3A_295] {strides = array<i32>} : memref<16x1024xf32, #tpu.memory_space<vmem>>, vector<1x16xf32>,
      %parallel_loop3A_297 = vector.shape_cast %parallel_loop3A_296 : vector<1x16xf32> to vector<16xf32>
      %parallel_loop3A_298 = arith.mulf %parallel_loop3A_297, %parallel_loop3A_107 : vector<16xf32>
      %parallel_loop3A_299 = arith.addf %parallel_loop3A_298, %parallel_loop3A_110 : vector<16xf32>
      %parallel_loop3A_300 = arith.constant 14 : i32
      %parallel_loop3A_301 = arith.index_cast %parallel_loop3A_300 : i32 to index
      %parallel_loop3A_302 = arith.index_cast %parallel_loop3A_104 : i32 to index
      %parallel_loop3A_303 = tpu.vector_load %arg15[%parallel_loop3A_301, %parallel_loop3A_302] {strides = array<i32>} : memref<16x1024xf32, #tpu.memory_space<vmem>>, vector<1x16xf32>,
      %parallel_loop3A_304 = vector.shape_cast %parallel_loop3A_303 : vector<1x16xf32> to vector<16xf32>
      %parallel_loop3A_305 = vector.shape_cast %parallel_loop3A_299 : vector<16xf32> to vector<1x16xf32>
      tpu.vector_store %arg15[%parallel_loop3A_301, %parallel_loop3A_302], %parallel_loop3A_305 {strides = array<i32>} : memref<16x1024xf32, #tpu.memory_space<vmem>>, vector<1x16xf32>,
      %parallel_loop3A_306 = arith.constant 15 : i32
      %parallel_loop3A_307 = arith.index_cast %parallel_loop3A_306 : i32 to index
      %parallel_loop3A_308 = arith.index_cast %parallel_loop3A_104 : i32 to index
      %parallel_loop3A_309 = tpu.vector_load %arg11[%parallel_loop3A_307, %parallel_loop3A_308] {strides = array<i32>} : memref<16x1024xf32, #tpu.memory_space<vmem>>, vector<1x16xf32>,
      %parallel_loop3A_310 = vector.shape_cast %parallel_loop3A_309 : vector<1x16xf32> to vector<16xf32>
      %parallel_loop3A_311 = arith.mulf %parallel_loop3A_310, %parallel_loop3A_107 : vector<16xf32>
      %parallel_loop3A_312 = arith.addf %parallel_loop3A_311, %parallel_loop3A_110 : vector<16xf32>
      %parallel_loop3A_313 = arith.constant 15 : i32
      %parallel_loop3A_314 = arith.index_cast %parallel_loop3A_313 : i32 to index
      %parallel_loop3A_315 = arith.index_cast %parallel_loop3A_104 : i32 to index
      %parallel_loop3A_316 = tpu.vector_load %arg15[%parallel_loop3A_314, %parallel_loop3A_315] {strides = array<i32>} : memref<16x1024xf32, #tpu.memory_space<vmem>>, vector<1x16xf32>,
      %parallel_loop3A_317 = vector.shape_cast %parallel_loop3A_316 : vector<1x16xf32> to vector<16xf32>
      %parallel_loop3A_318 = vector.shape_cast %parallel_loop3A_312 : vector<16xf32> to vector<1x16xf32>
      tpu.vector_store %arg15[%parallel_loop3A_314, %parallel_loop3A_315], %parallel_loop3A_318 {strides = array<i32>} : memref<16x1024xf32, #tpu.memory_space<vmem>>, vector<1x16xf32>,
    } {sc.loop_unroll_factor = 8 : i64, sc.parallel_access}
    %add3A_42 = arith.constant 16 : i32
    %add3A_43 = arith.addi %mul3A_2, %add3A_42 : i32
    %dma_start3A_44 = arith.constant 0 : i32
    %dma_start3A_45 = tpu.memref_slice %arg6[%add3A_43, %dma_start3A_44] : memref<32768x1024xf32, #tpu.memory_space<hbm>> -> memref<16x1024xf32, #tpu.memory_space<hbm>>
    %dma_start3A_46 = arith.constant 0 : i32
    %dma_start3A_47 = tpu.memref_slice %arg6[%add3A_43, %dma_start3A_46] : memref<32768x1024xf32, #tpu.memory_space<hbm>> -> memref<16x1024xf32, #tpu.memory_space<hbm>>
    tpu.enqueue_dma source(%arg15 : memref<16x1024xf32, #tpu.memory_space<vmem>>) target(%dma_start3A_47 : memref<16x1024xf32, #tpu.memory_space<hbm>>) target_semaphore(%arg21 : memref<!tpu.dma_semaphore, #tpu.memory_space<semaphore_mem>>)
    %scan3A = arith.constant 0 : i32
    %scan3A_48 = arith.constant 15 : i32
    %scan3A_49 = arith.addi %scan3A, %scan3A_48 : i32
    %scan3A_50 = arith.constant 1 : i32
    scf.for %scan3A_104 = %scan3A to %scan3A_49 step %scan3A_50  : i32 {
      %mul3A_105 = arith.constant 64 : i32
      %mul3A_106 = arith.muli %scan3A_104, %mul3A_105 : i32
      %add3A_107 = arith.constant 32 : i32
      %add3A_108 = arith.addi %add3A_107, %mul3A_106 : i32
      %add3A_109 = arith.constant 0 : i32
      %add3A_110 = arith.addi %add3A_108, %add3A_109 : i32
      %add3A_111 = arith.constant 32 : i32
      %add3A_112 = arith.addi %add3A_110, %add3A_111 : i32
      %dma_start3A_113 = tpu.memref_slice %arg7[%add3A_112] : memref<1024xi32, #tpu.memory_space<vmem>> -> memref<16xi32, #tpu.memory_space<vmem>>
      %dma_start3A_114 = arith.constant 0 : i32
      %dma_start3A_115 = arith.constant 0 : i32
      %dma_start3A_116 = tpu.memref_slice %arg2[%dma_start3A_114, %dma_start3A_115] : memref<8192x1024xf32, #tpu.memory_space<hbm>> -> memref<8192x1024xf32, #tpu.memory_space<hbm>>
      tpu.enqueue_indirect_dma source(%dma_start3A_116 : memref<8192x1024xf32, #tpu.memory_space<hbm>>) target(%arg10 : memref<16x1024xf32, #tpu.memory_space<vmem>>) offsets(%dma_start3A_113 : memref<16xi32, #tpu.memory_space<vmem>>) semaphore(%arg16 : memref<!tpu.dma_semaphore, #tpu.memory_space<semaphore_mem>>)
      %sub3A = arith.constant 32 : i32
      %sub3A_117 = arith.subi %add3A_110, %sub3A : i32
      %add3A_118 = arith.addi %mul3A_2, %sub3A_117 : i32
      %dma_wait3A_119 = arith.constant 0 : i32
      %dma_wait3A_120 = tpu.memref_slice %arg6[%add3A_118, %dma_wait3A_119] : memref<32768x1024xf32, #tpu.memory_space<hbm>> -> memref<16x1024xf32, #tpu.memory_space<hbm>>
      %dma_wait3A_121 = arith.constant 0 : i32
      %dma_wait3A_122 = tpu.memref_slice %arg6[%add3A_118, %dma_wait3A_121] : memref<32768x1024xf32, #tpu.memory_space<hbm>> -> memref<16x1024xf32, #tpu.memory_space<hbm>>
      tpu.wait_dma2 semaphore(%arg20 : memref<!tpu.dma_semaphore, #tpu.memory_space<semaphore_mem>>) src(%arg14 : memref<16x1024xf32, #tpu.memory_space<vmem>>) dst(%dma_wait3A_122 : memref<16x1024xf32, #tpu.memory_space<hbm>>)
      %dma_wait3A_123 = tpu.memref_slice %arg7[%add3A_110] : memref<1024xi32, #tpu.memory_space<vmem>> -> memref<16xi32, #tpu.memory_space<vmem>>
      %dma_wait3A_124 = arith.constant 0 : i32
      %dma_wait3A_125 = arith.constant 0 : i32
      %dma_wait3A_126 = tpu.memref_slice %arg2[%dma_wait3A_124, %dma_wait3A_125] : memref<8192x1024xf32, #tpu.memory_space<hbm>> -> memref<8192x1024xf32, #tpu.memory_space<hbm>>
      tpu.wait_indirect_dma semaphore(%arg18 : memref<!tpu.dma_semaphore, #tpu.memory_space<semaphore_mem>>) src(%dma_wait3A_126 : memref<8192x1024xf32, #tpu.memory_space<hbm>>) dst(%arg12 : memref<16x1024xf32, #tpu.memory_space<vmem>>)
      %parallel_loop3A_127 = arith.constant 0 : i32
      %parallel_loop3A_128 = arith.constant 1024 : i32
      %parallel_loop3A_129 = arith.constant 16 : i32
      scf.for %parallel_loop3A_216 = %parallel_loop3A_127 to %parallel_loop3A_128 step %parallel_loop3A_129  : i32 {
        %parallel_loop3A_217 = arith.index_cast %parallel_loop3A_216 : i32 to index
        %parallel_loop3A_218 = tpu.vector_load %arg8[%parallel_loop3A_217] {strides = array<i32>} : memref<1024xf32, #tpu.memory_space<vmem>>, vector<16xf32>,
        %parallel_loop3A_219 = vector.shape_cast %parallel_loop3A_218 : vector<16xf32> to vector<16xf32>
        %parallel_loop3A_220 = arith.index_cast %parallel_loop3A_216 : i32 to index
        %parallel_loop3A_221 = tpu.vector_load %arg9[%parallel_loop3A_220] {strides = array<i32>} : memref<1024xf32, #tpu.memory_space<vmem>>, vector<16xf32>,
        %parallel_loop3A_222 = vector.shape_cast %parallel_loop3A_221 : vector<16xf32> to vector<16xf32>
        %parallel_loop3A_223 = arith.constant 0 : i32
        %parallel_loop3A_224 = arith.index_cast %parallel_loop3A_223 : i32 to index
        %parallel_loop3A_225 = arith.index_cast %parallel_loop3A_216 : i32 to index
        %parallel_loop3A_226 = tpu.vector_load %arg12[%parallel_loop3A_224, %parallel_loop3A_225] {strides = array<i32>} : memref<16x1024xf32, #tpu.memory_space<vmem>>, vector<1x16xf32>,
        %parallel_loop3A_227 = vector.shape_cast %parallel_loop3A_226 : vector<1x16xf32> to vector<16xf32>
        %parallel_loop3A_228 = arith.mulf %parallel_loop3A_227, %parallel_loop3A_219 : vector<16xf32>
        %parallel_loop3A_229 = arith.addf %parallel_loop3A_228, %parallel_loop3A_222 : vector<16xf32>
        %parallel_loop3A_230 = arith.constant 0 : i32
        %parallel_loop3A_231 = arith.index_cast %parallel_loop3A_230 : i32 to index
        %parallel_loop3A_232 = arith.index_cast %parallel_loop3A_216 : i32 to index
        %parallel_loop3A_233 = tpu.vector_load %arg14[%parallel_loop3A_231, %parallel_loop3A_232] {strides = array<i32>} : memref<16x1024xf32, #tpu.memory_space<vmem>>, vector<1x16xf32>,
        %parallel_loop3A_234 = vector.shape_cast %parallel_loop3A_233 : vector<1x16xf32> to vector<16xf32>
        %parallel_loop3A_235 = vector.shape_cast %parallel_loop3A_229 : vector<16xf32> to vector<1x16xf32>
        tpu.vector_store %arg14[%parallel_loop3A_231, %parallel_loop3A_232], %parallel_loop3A_235 {strides = array<i32>} : memref<16x1024xf32, #tpu.memory_space<vmem>>, vector<1x16xf32>,
        %parallel_loop3A_236 = arith.constant 1 : i32
        %parallel_loop3A_237 = arith.index_cast %parallel_loop3A_236 : i32 to index
        %parallel_loop3A_238 = arith.index_cast %parallel_loop3A_216 : i32 to index
        %parallel_loop3A_239 = tpu.vector_load %arg12[%parallel_loop3A_237, %parallel_loop3A_238] {strides = array<i32>} : memref<16x1024xf32, #tpu.memory_space<vmem>>, vector<1x16xf32>,
        %parallel_loop3A_240 = vector.shape_cast %parallel_loop3A_239 : vector<1x16xf32> to vector<16xf32>
        %parallel_loop3A_241 = arith.mulf %parallel_loop3A_240, %parallel_loop3A_219 : vector<16xf32>
        %parallel_loop3A_242 = arith.addf %parallel_loop3A_241, %parallel_loop3A_222 : vector<16xf32>
        %parallel_loop3A_243 = arith.constant 1 : i32
        %parallel_loop3A_244 = arith.index_cast %parallel_loop3A_243 : i32 to index
        %parallel_loop3A_245 = arith.index_cast %parallel_loop3A_216 : i32 to index
        %parallel_loop3A_246 = tpu.vector_load %arg14[%parallel_loop3A_244, %parallel_loop3A_245] {strides = array<i32>} : memref<16x1024xf32, #tpu.memory_space<vmem>>, vector<1x16xf32>,
        %parallel_loop3A_247 = vector.shape_cast %parallel_loop3A_246 : vector<1x16xf32> to vector<16xf32>
        %parallel_loop3A_248 = vector.shape_cast %parallel_loop3A_242 : vector<16xf32> to vector<1x16xf32>
        tpu.vector_store %arg14[%parallel_loop3A_244, %parallel_loop3A_245], %parallel_loop3A_248 {strides = array<i32>} : memref<16x1024xf32, #tpu.memory_space<vmem>>, vector<1x16xf32>,
        %parallel_loop3A_249 = arith.constant 2 : i32
        %parallel_loop3A_250 = arith.index_cast %parallel_loop3A_249 : i32 to index
        %parallel_loop3A_251 = arith.index_cast %parallel_loop3A_216 : i32 to index
        %parallel_loop3A_252 = tpu.vector_load %arg12[%parallel_loop3A_250, %parallel_loop3A_251] {strides = array<i32>} : memref<16x1024xf32, #tpu.memory_space<vmem>>, vector<1x16xf32>,
        %parallel_loop3A_253 = vector.shape_cast %parallel_loop3A_252 : vector<1x16xf32> to vector<16xf32>
        %parallel_loop3A_254 = arith.mulf %parallel_loop3A_253, %parallel_loop3A_219 : vector<16xf32>
        %parallel_loop3A_255 = arith.addf %parallel_loop3A_254, %parallel_loop3A_222 : vector<16xf32>
        %parallel_loop3A_256 = arith.constant 2 : i32
        %parallel_loop3A_257 = arith.index_cast %parallel_loop3A_256 : i32 to index
        %parallel_loop3A_258 = arith.index_cast %parallel_loop3A_216 : i32 to index
        %parallel_loop3A_259 = tpu.vector_load %arg14[%parallel_loop3A_257, %parallel_loop3A_258] {strides = array<i32>} : memref<16x1024xf32, #tpu.memory_space<vmem>>, vector<1x16xf32>,
        %parallel_loop3A_260 = vector.shape_cast %parallel_loop3A_259 : vector<1x16xf32> to vector<16xf32>
        %parallel_loop3A_261 = vector.shape_cast %parallel_loop3A_255 : vector<16xf32> to vector<1x16xf32>
        tpu.vector_store %arg14[%parallel_loop3A_257, %parallel_loop3A_258], %parallel_loop3A_261 {strides = array<i32>} : memref<16x1024xf32, #tpu.memory_space<vmem>>, vector<1x16xf32>,
        %parallel_loop3A_262 = arith.constant 3 : i32
        %parallel_loop3A_263 = arith.index_cast %parallel_loop3A_262 : i32 to index
        %parallel_loop3A_264 = arith.index_cast %parallel_loop3A_216 : i32 to index
        %parallel_loop3A_265 = tpu.vector_load %arg12[%parallel_loop3A_263, %parallel_loop3A_264] {strides = array<i32>} : memref<16x1024xf32, #tpu.memory_space<vmem>>, vector<1x16xf32>,
        %parallel_loop3A_266 = vector.shape_cast %parallel_loop3A_265 : vector<1x16xf32> to vector<16xf32>
        %parallel_loop3A_267 = arith.mulf %parallel_loop3A_266, %parallel_loop3A_219 : vector<16xf32>
        %parallel_loop3A_268 = arith.addf %parallel_loop3A_267, %parallel_loop3A_222 : vector<16xf32>
        %parallel_loop3A_269 = arith.constant 3 : i32
        %parallel_loop3A_270 = arith.index_cast %parallel_loop3A_269 : i32 to index
        %parallel_loop3A_271 = arith.index_cast %parallel_loop3A_216 : i32 to index
        %parallel_loop3A_272 = tpu.vector_load %arg14[%parallel_loop3A_270, %parallel_loop3A_271] {strides = array<i32>} : memref<16x1024xf32, #tpu.memory_space<vmem>>, vector<1x16xf32>,
        %parallel_loop3A_273 = vector.shape_cast %parallel_loop3A_272 : vector<1x16xf32> to vector<16xf32>
        %parallel_loop3A_274 = vector.shape_cast %parallel_loop3A_268 : vector<16xf32> to vector<1x16xf32>
        tpu.vector_store %arg14[%parallel_loop3A_270, %parallel_loop3A_271], %parallel_loop3A_274 {strides = array<i32>} : memref<16x1024xf32, #tpu.memory_space<vmem>>, vector<1x16xf32>,
        %parallel_loop3A_275 = arith.constant 4 : i32
        %parallel_loop3A_276 = arith.index_cast %parallel_loop3A_275 : i32 to index
        %parallel_loop3A_277 = arith.index_cast %parallel_loop3A_216 : i32 to index
        %parallel_loop3A_278 = tpu.vector_load %arg12[%parallel_loop3A_276, %parallel_loop3A_277] {strides = array<i32>} : memref<16x1024xf32, #tpu.memory_space<vmem>>, vector<1x16xf32>,
        %parallel_loop3A_279 = vector.shape_cast %parallel_loop3A_278 : vector<1x16xf32> to vector<16xf32>
        %parallel_loop3A_280 = arith.mulf %parallel_loop3A_279, %parallel_loop3A_219 : vector<16xf32>
        %parallel_loop3A_281 = arith.addf %parallel_loop3A_280, %parallel_loop3A_222 : vector<16xf32>
        %parallel_loop3A_282 = arith.constant 4 : i32
        %parallel_loop3A_283 = arith.index_cast %parallel_loop3A_282 : i32 to index
        %parallel_loop3A_284 = arith.index_cast %parallel_loop3A_216 : i32 to index
        %parallel_loop3A_285 = tpu.vector_load %arg14[%parallel_loop3A_283, %parallel_loop3A_284] {strides = array<i32>} : memref<16x1024xf32, #tpu.memory_space<vmem>>, vector<1x16xf32>,
        %parallel_loop3A_286 = vector.shape_cast %parallel_loop3A_285 : vector<1x16xf32> to vector<16xf32>
        %parallel_loop3A_287 = vector.shape_cast %parallel_loop3A_281 : vector<16xf32> to vector<1x16xf32>
        tpu.vector_store %arg14[%parallel_loop3A_283, %parallel_loop3A_284], %parallel_loop3A_287 {strides = array<i32>} : memref<16x1024xf32, #tpu.memory_space<vmem>>, vector<1x16xf32>,
        %parallel_loop3A_288 = arith.constant 5 : i32
        %parallel_loop3A_289 = arith.index_cast %parallel_loop3A_288 : i32 to index
        %parallel_loop3A_290 = arith.index_cast %parallel_loop3A_216 : i32 to index
        %parallel_loop3A_291 = tpu.vector_load %arg12[%parallel_loop3A_289, %parallel_loop3A_290] {strides = array<i32>} : memref<16x1024xf32, #tpu.memory_space<vmem>>, vector<1x16xf32>,
        %parallel_loop3A_292 = vector.shape_cast %parallel_loop3A_291 : vector<1x16xf32> to vector<16xf32>
        %parallel_loop3A_293 = arith.mulf %parallel_loop3A_292, %parallel_loop3A_219 : vector<16xf32>
        %parallel_loop3A_294 = arith.addf %parallel_loop3A_293, %parallel_loop3A_222 : vector<16xf32>
        %parallel_loop3A_295 = arith.constant 5 : i32
        %parallel_loop3A_296 = arith.index_cast %parallel_loop3A_295 : i32 to index
        %parallel_loop3A_297 = arith.index_cast %parallel_loop3A_216 : i32 to index
        %parallel_loop3A_298 = tpu.vector_load %arg14[%parallel_loop3A_296, %parallel_loop3A_297] {strides = array<i32>} : memref<16x1024xf32, #tpu.memory_space<vmem>>, vector<1x16xf32>,
        %parallel_loop3A_299 = vector.shape_cast %parallel_loop3A_298 : vector<1x16xf32> to vector<16xf32>
        %parallel_loop3A_300 = vector.shape_cast %parallel_loop3A_294 : vector<16xf32> to vector<1x16xf32>
        tpu.vector_store %arg14[%parallel_loop3A_296, %parallel_loop3A_297], %parallel_loop3A_300 {strides = array<i32>} : memref<16x1024xf32, #tpu.memory_space<vmem>>, vector<1x16xf32>,
        %parallel_loop3A_301 = arith.constant 6 : i32
        %parallel_loop3A_302 = arith.index_cast %parallel_loop3A_301 : i32 to index
        %parallel_loop3A_303 = arith.index_cast %parallel_loop3A_216 : i32 to index
        %parallel_loop3A_304 = tpu.vector_load %arg12[%parallel_loop3A_302, %parallel_loop3A_303] {strides = array<i32>} : memref<16x1024xf32, #tpu.memory_space<vmem>>, vector<1x16xf32>,
        %parallel_loop3A_305 = vector.shape_cast %parallel_loop3A_304 : vector<1x16xf32> to vector<16xf32>
        %parallel_loop3A_306 = arith.mulf %parallel_loop3A_305, %parallel_loop3A_219 : vector<16xf32>
        %parallel_loop3A_307 = arith.addf %parallel_loop3A_306, %parallel_loop3A_222 : vector<16xf32>
        %parallel_loop3A_308 = arith.constant 6 : i32
        %parallel_loop3A_309 = arith.index_cast %parallel_loop3A_308 : i32 to index
        %parallel_loop3A_310 = arith.index_cast %parallel_loop3A_216 : i32 to index
        %parallel_loop3A_311 = tpu.vector_load %arg14[%parallel_loop3A_309, %parallel_loop3A_310] {strides = array<i32>} : memref<16x1024xf32, #tpu.memory_space<vmem>>, vector<1x16xf32>,
        %parallel_loop3A_312 = vector.shape_cast %parallel_loop3A_311 : vector<1x16xf32> to vector<16xf32>
        %parallel_loop3A_313 = vector.shape_cast %parallel_loop3A_307 : vector<16xf32> to vector<1x16xf32>
        tpu.vector_store %arg14[%parallel_loop3A_309, %parallel_loop3A_310], %parallel_loop3A_313 {strides = array<i32>} : memref<16x1024xf32, #tpu.memory_space<vmem>>, vector<1x16xf32>,
        %parallel_loop3A_314 = arith.constant 7 : i32
        %parallel_loop3A_315 = arith.index_cast %parallel_loop3A_314 : i32 to index
        %parallel_loop3A_316 = arith.index_cast %parallel_loop3A_216 : i32 to index
        %parallel_loop3A_317 = tpu.vector_load %arg12[%parallel_loop3A_315, %parallel_loop3A_316] {strides = array<i32>} : memref<16x1024xf32, #tpu.memory_space<vmem>>, vector<1x16xf32>,
        %parallel_loop3A_318 = vector.shape_cast %parallel_loop3A_317 : vector<1x16xf32> to vector<16xf32>
        %parallel_loop3A_319 = arith.mulf %parallel_loop3A_318, %parallel_loop3A_219 : vector<16xf32>
        %parallel_loop3A_320 = arith.addf %parallel_loop3A_319, %parallel_loop3A_222 : vector<16xf32>
        %parallel_loop3A_321 = arith.constant 7 : i32
        %parallel_loop3A_322 = arith.index_cast %parallel_loop3A_321 : i32 to index
        %parallel_loop3A_323 = arith.index_cast %parallel_loop3A_216 : i32 to index
        %parallel_loop3A_324 = tpu.vector_load %arg14[%parallel_loop3A_322, %parallel_loop3A_323] {strides = array<i32>} : memref<16x1024xf32, #tpu.memory_space<vmem>>, vector<1x16xf32>,
        %parallel_loop3A_325 = vector.shape_cast %parallel_loop3A_324 : vector<1x16xf32> to vector<16xf32>
        %parallel_loop3A_326 = vector.shape_cast %parallel_loop3A_320 : vector<16xf32> to vector<1x16xf32>
        tpu.vector_store %arg14[%parallel_loop3A_322, %parallel_loop3A_323], %parallel_loop3A_326 {strides = array<i32>} : memref<16x1024xf32, #tpu.memory_space<vmem>>, vector<1x16xf32>,
        %parallel_loop3A_327 = arith.constant 8 : i32
        %parallel_loop3A_328 = arith.index_cast %parallel_loop3A_327 : i32 to index
        %parallel_loop3A_329 = arith.index_cast %parallel_loop3A_216 : i32 to index
        %parallel_loop3A_330 = tpu.vector_load %arg12[%parallel_loop3A_328, %parallel_loop3A_329] {strides = array<i32>} : memref<16x1024xf32, #tpu.memory_space<vmem>>, vector<1x16xf32>,
        %parallel_loop3A_331 = vector.shape_cast %parallel_loop3A_330 : vector<1x16xf32> to vector<16xf32>
        %parallel_loop3A_332 = arith.mulf %parallel_loop3A_331, %parallel_loop3A_219 : vector<16xf32>
        %parallel_loop3A_333 = arith.addf %parallel_loop3A_332, %parallel_loop3A_222 : vector<16xf32>
        %parallel_loop3A_334 = arith.constant 8 : i32
        %parallel_loop3A_335 = arith.index_cast %parallel_loop3A_334 : i32 to index
        %parallel_loop3A_336 = arith.index_cast %parallel_loop3A_216 : i32 to index
        %parallel_loop3A_337 = tpu.vector_load %arg14[%parallel_loop3A_335, %parallel_loop3A_336] {strides = array<i32>} : memref<16x1024xf32, #tpu.memory_space<vmem>>, vector<1x16xf32>,
        %parallel_loop3A_338 = vector.shape_cast %parallel_loop3A_337 : vector<1x16xf32> to vector<16xf32>
        %parallel_loop3A_339 = vector.shape_cast %parallel_loop3A_333 : vector<16xf32> to vector<1x16xf32>
        tpu.vector_store %arg14[%parallel_loop3A_335, %parallel_loop3A_336], %parallel_loop3A_339 {strides = array<i32>} : memref<16x1024xf32, #tpu.memory_space<vmem>>, vector<1x16xf32>,
        %parallel_loop3A_340 = arith.constant 9 : i32
        %parallel_loop3A_341 = arith.index_cast %parallel_loop3A_340 : i32 to index
        %parallel_loop3A_342 = arith.index_cast %parallel_loop3A_216 : i32 to index
        %parallel_loop3A_343 = tpu.vector_load %arg12[%parallel_loop3A_341, %parallel_loop3A_342] {strides = array<i32>} : memref<16x1024xf32, #tpu.memory_space<vmem>>, vector<1x16xf32>,
        %parallel_loop3A_344 = vector.shape_cast %parallel_loop3A_343 : vector<1x16xf32> to vector<16xf32>
        %parallel_loop3A_345 = arith.mulf %parallel_loop3A_344, %parallel_loop3A_219 : vector<16xf32>
        %parallel_loop3A_346 = arith.addf %parallel_loop3A_345, %parallel_loop3A_222 : vector<16xf32>
        %parallel_loop3A_347 = arith.constant 9 : i32
        %parallel_loop3A_348 = arith.index_cast %parallel_loop3A_347 : i32 to index
        %parallel_loop3A_349 = arith.index_cast %parallel_loop3A_216 : i32 to index
        %parallel_loop3A_350 = tpu.vector_load %arg14[%parallel_loop3A_348, %parallel_loop3A_349] {strides = array<i32>} : memref<16x1024xf32, #tpu.memory_space<vmem>>, vector<1x16xf32>,
        %parallel_loop3A_351 = vector.shape_cast %parallel_loop3A_350 : vector<1x16xf32> to vector<16xf32>
        %parallel_loop3A_352 = vector.shape_cast %parallel_loop3A_346 : vector<16xf32> to vector<1x16xf32>
        tpu.vector_store %arg14[%parallel_loop3A_348, %parallel_loop3A_349], %parallel_loop3A_352 {strides = array<i32>} : memref<16x1024xf32, #tpu.memory_space<vmem>>, vector<1x16xf32>,
        %parallel_loop3A_353 = arith.constant 10 : i32
        %parallel_loop3A_354 = arith.index_cast %parallel_loop3A_353 : i32 to index
        %parallel_loop3A_355 = arith.index_cast %parallel_loop3A_216 : i32 to index
        %parallel_loop3A_356 = tpu.vector_load %arg12[%parallel_loop3A_354, %parallel_loop3A_355] {strides = array<i32>} : memref<16x1024xf32, #tpu.memory_space<vmem>>, vector<1x16xf32>,
        %parallel_loop3A_357 = vector.shape_cast %parallel_loop3A_356 : vector<1x16xf32> to vector<16xf32>
        %parallel_loop3A_358 = arith.mulf %parallel_loop3A_357, %parallel_loop3A_219 : vector<16xf32>
        %parallel_loop3A_359 = arith.addf %parallel_loop3A_358, %parallel_loop3A_222 : vector<16xf32>
        %parallel_loop3A_360 = arith.constant 10 : i32
        %parallel_loop3A_361 = arith.index_cast %parallel_loop3A_360 : i32 to index
        %parallel_loop3A_362 = arith.index_cast %parallel_loop3A_216 : i32 to index
        %parallel_loop3A_363 = tpu.vector_load %arg14[%parallel_loop3A_361, %parallel_loop3A_362] {strides = array<i32>} : memref<16x1024xf32, #tpu.memory_space<vmem>>, vector<1x16xf32>,
        %parallel_loop3A_364 = vector.shape_cast %parallel_loop3A_363 : vector<1x16xf32> to vector<16xf32>
        %parallel_loop3A_365 = vector.shape_cast %parallel_loop3A_359 : vector<16xf32> to vector<1x16xf32>
        tpu.vector_store %arg14[%parallel_loop3A_361, %parallel_loop3A_362], %parallel_loop3A_365 {strides = array<i32>} : memref<16x1024xf32, #tpu.memory_space<vmem>>, vector<1x16xf32>,
        %parallel_loop3A_366 = arith.constant 11 : i32
        %parallel_loop3A_367 = arith.index_cast %parallel_loop3A_366 : i32 to index
        %parallel_loop3A_368 = arith.index_cast %parallel_loop3A_216 : i32 to index
        %parallel_loop3A_369 = tpu.vector_load %arg12[%parallel_loop3A_367, %parallel_loop3A_368] {strides = array<i32>} : memref<16x1024xf32, #tpu.memory_space<vmem>>, vector<1x16xf32>,
        %parallel_loop3A_370 = vector.shape_cast %parallel_loop3A_369 : vector<1x16xf32> to vector<16xf32>
        %parallel_loop3A_371 = arith.mulf %parallel_loop3A_370, %parallel_loop3A_219 : vector<16xf32>
        %parallel_loop3A_372 = arith.addf %parallel_loop3A_371, %parallel_loop3A_222 : vector<16xf32>
        %parallel_loop3A_373 = arith.constant 11 : i32
        %parallel_loop3A_374 = arith.index_cast %parallel_loop3A_373 : i32 to index
        %parallel_loop3A_375 = arith.index_cast %parallel_loop3A_216 : i32 to index
        %parallel_loop3A_376 = tpu.vector_load %arg14[%parallel_loop3A_374, %parallel_loop3A_375] {strides = array<i32>} : memref<16x1024xf32, #tpu.memory_space<vmem>>, vector<1x16xf32>,
        %parallel_loop3A_377 = vector.shape_cast %parallel_loop3A_376 : vector<1x16xf32> to vector<16xf32>
        %parallel_loop3A_378 = vector.shape_cast %parallel_loop3A_372 : vector<16xf32> to vector<1x16xf32>
        tpu.vector_store %arg14[%parallel_loop3A_374, %parallel_loop3A_375], %parallel_loop3A_378 {strides = array<i32>} : memref<16x1024xf32, #tpu.memory_space<vmem>>, vector<1x16xf32>,
        %parallel_loop3A_379 = arith.constant 12 : i32
        %parallel_loop3A_380 = arith.index_cast %parallel_loop3A_379 : i32 to index
        %parallel_loop3A_381 = arith.index_cast %parallel_loop3A_216 : i32 to index
        %parallel_loop3A_382 = tpu.vector_load %arg12[%parallel_loop3A_380, %parallel_loop3A_381] {strides = array<i32>} : memref<16x1024xf32, #tpu.memory_space<vmem>>, vector<1x16xf32>,
        %parallel_loop3A_383 = vector.shape_cast %parallel_loop3A_382 : vector<1x16xf32> to vector<16xf32>
        %parallel_loop3A_384 = arith.mulf %parallel_loop3A_383, %parallel_loop3A_219 : vector<16xf32>
        %parallel_loop3A_385 = arith.addf %parallel_loop3A_384, %parallel_loop3A_222 : vector<16xf32>
        %parallel_loop3A_386 = arith.constant 12 : i32
        %parallel_loop3A_387 = arith.index_cast %parallel_loop3A_386 : i32 to index
        %parallel_loop3A_388 = arith.index_cast %parallel_loop3A_216 : i32 to index
        %parallel_loop3A_389 = tpu.vector_load %arg14[%parallel_loop3A_387, %parallel_loop3A_388] {strides = array<i32>} : memref<16x1024xf32, #tpu.memory_space<vmem>>, vector<1x16xf32>,
        %parallel_loop3A_390 = vector.shape_cast %parallel_loop3A_389 : vector<1x16xf32> to vector<16xf32>
        %parallel_loop3A_391 = vector.shape_cast %parallel_loop3A_385 : vector<16xf32> to vector<1x16xf32>
        tpu.vector_store %arg14[%parallel_loop3A_387, %parallel_loop3A_388], %parallel_loop3A_391 {strides = array<i32>} : memref<16x1024xf32, #tpu.memory_space<vmem>>, vector<1x16xf32>,
        %parallel_loop3A_392 = arith.constant 13 : i32
        %parallel_loop3A_393 = arith.index_cast %parallel_loop3A_392 : i32 to index
        %parallel_loop3A_394 = arith.index_cast %parallel_loop3A_216 : i32 to index
        %parallel_loop3A_395 = tpu.vector_load %arg12[%parallel_loop3A_393, %parallel_loop3A_394] {strides = array<i32>} : memref<16x1024xf32, #tpu.memory_space<vmem>>, vector<1x16xf32>,
        %parallel_loop3A_396 = vector.shape_cast %parallel_loop3A_395 : vector<1x16xf32> to vector<16xf32>
        %parallel_loop3A_397 = arith.mulf %parallel_loop3A_396, %parallel_loop3A_219 : vector<16xf32>
        %parallel_loop3A_398 = arith.addf %parallel_loop3A_397, %parallel_loop3A_222 : vector<16xf32>
        %parallel_loop3A_399 = arith.constant 13 : i32
        %parallel_loop3A_400 = arith.index_cast %parallel_loop3A_399 : i32 to index
        %parallel_loop3A_401 = arith.index_cast %parallel_loop3A_216 : i32 to index
        %parallel_loop3A_402 = tpu.vector_load %arg14[%parallel_loop3A_400, %parallel_loop3A_401] {strides = array<i32>} : memref<16x1024xf32, #tpu.memory_space<vmem>>, vector<1x16xf32>,
        %parallel_loop3A_403 = vector.shape_cast %parallel_loop3A_402 : vector<1x16xf32> to vector<16xf32>
        %parallel_loop3A_404 = vector.shape_cast %parallel_loop3A_398 : vector<16xf32> to vector<1x16xf32>
        tpu.vector_store %arg14[%parallel_loop3A_400, %parallel_loop3A_401], %parallel_loop3A_404 {strides = array<i32>} : memref<16x1024xf32, #tpu.memory_space<vmem>>, vector<1x16xf32>,
        %parallel_loop3A_405 = arith.constant 14 : i32
        %parallel_loop3A_406 = arith.index_cast %parallel_loop3A_405 : i32 to index
        %parallel_loop3A_407 = arith.index_cast %parallel_loop3A_216 : i32 to index
        %parallel_loop3A_408 = tpu.vector_load %arg12[%parallel_loop3A_406, %parallel_loop3A_407] {strides = array<i32>} : memref<16x1024xf32, #tpu.memory_space<vmem>>, vector<1x16xf32>,
        %parallel_loop3A_409 = vector.shape_cast %parallel_loop3A_408 : vector<1x16xf32> to vector<16xf32>
        %parallel_loop3A_410 = arith.mulf %parallel_loop3A_409, %parallel_loop3A_219 : vector<16xf32>
        %parallel_loop3A_411 = arith.addf %parallel_loop3A_410, %parallel_loop3A_222 : vector<16xf32>
        %parallel_loop3A_412 = arith.constant 14 : i32
        %parallel_loop3A_413 = arith.index_cast %parallel_loop3A_412 : i32 to index
        %parallel_loop3A_414 = arith.index_cast %parallel_loop3A_216 : i32 to index
        %parallel_loop3A_415 = tpu.vector_load %arg14[%parallel_loop3A_413, %parallel_loop3A_414] {strides = array<i32>} : memref<16x1024xf32, #tpu.memory_space<vmem>>, vector<1x16xf32>,
        %parallel_loop3A_416 = vector.shape_cast %parallel_loop3A_415 : vector<1x16xf32> to vector<16xf32>
        %parallel_loop3A_417 = vector.shape_cast %parallel_loop3A_411 : vector<16xf32> to vector<1x16xf32>
        tpu.vector_store %arg14[%parallel_loop3A_413, %parallel_loop3A_414], %parallel_loop3A_417 {strides = array<i32>} : memref<16x1024xf32, #tpu.memory_space<vmem>>, vector<1x16xf32>,
        %parallel_loop3A_418 = arith.constant 15 : i32
        %parallel_loop3A_419 = arith.index_cast %parallel_loop3A_418 : i32 to index
        %parallel_loop3A_420 = arith.index_cast %parallel_loop3A_216 : i32 to index
        %parallel_loop3A_421 = tpu.vector_load %arg12[%parallel_loop3A_419, %parallel_loop3A_420] {strides = array<i32>} : memref<16x1024xf32, #tpu.memory_space<vmem>>, vector<1x16xf32>,
        %parallel_loop3A_422 = vector.shape_cast %parallel_loop3A_421 : vector<1x16xf32> to vector<16xf32>
        %parallel_loop3A_423 = arith.mulf %parallel_loop3A_422, %parallel_loop3A_219 : vector<16xf32>
        %parallel_loop3A_424 = arith.addf %parallel_loop3A_423, %parallel_loop3A_222 : vector<16xf32>
        %parallel_loop3A_425 = arith.constant 15 : i32
        %parallel_loop3A_426 = arith.index_cast %parallel_loop3A_425 : i32 to index
        %parallel_loop3A_427 = arith.index_cast %parallel_loop3A_216 : i32 to index
        %parallel_loop3A_428 = tpu.vector_load %arg14[%parallel_loop3A_426, %parallel_loop3A_427] {strides = array<i32>} : memref<16x1024xf32, #tpu.memory_space<vmem>>, vector<1x16xf32>,
        %parallel_loop3A_429 = vector.shape_cast %parallel_loop3A_428 : vector<1x16xf32> to vector<16xf32>
        %parallel_loop3A_430 = vector.shape_cast %parallel_loop3A_424 : vector<16xf32> to vector<1x16xf32>
        tpu.vector_store %arg14[%parallel_loop3A_426, %parallel_loop3A_427], %parallel_loop3A_430 {strides = array<i32>} : memref<16x1024xf32, #tpu.memory_space<vmem>>, vector<1x16xf32>,
      } {sc.loop_unroll_factor = 8 : i64, sc.parallel_access}
      %add3A_130 = arith.addi %mul3A_2, %add3A_110 : i32
      %dma_start3A_131 = arith.constant 0 : i32
      %dma_start3A_132 = tpu.memref_slice %arg6[%add3A_130, %dma_start3A_131] : memref<32768x1024xf32, #tpu.memory_space<hbm>> -> memref<16x1024xf32, #tpu.memory_space<hbm>>
      %dma_start3A_133 = arith.constant 0 : i32
      %dma_start3A_134 = tpu.memref_slice %arg6[%add3A_130, %dma_start3A_133] : memref<32768x1024xf32, #tpu.memory_space<hbm>> -> memref<16x1024xf32, #tpu.memory_space<hbm>>
      tpu.enqueue_dma source(%arg14 : memref<16x1024xf32, #tpu.memory_space<vmem>>) target(%dma_start3A_134 : memref<16x1024xf32, #tpu.memory_space<hbm>>) target_semaphore(%arg20 : memref<!tpu.dma_semaphore, #tpu.memory_space<semaphore_mem>>)
      %add3A_135 = arith.constant 16 : i32
      %add3A_136 = arith.addi %add3A_108, %add3A_135 : i32
      %add3A_137 = arith.constant 32 : i32
      %add3A_138 = arith.addi %add3A_136, %add3A_137 : i32
      %dma_start3A_139 = tpu.memref_slice %arg7[%add3A_138] : memref<1024xi32, #tpu.memory_space<vmem>> -> memref<16xi32, #tpu.memory_space<vmem>>
      %dma_start3A_140 = arith.constant 0 : i32
      %dma_start3A_141 = arith.constant 0 : i32
      %dma_start3A_142 = tpu.memref_slice %arg2[%dma_start3A_140, %dma_start3A_141] : memref<8192x1024xf32, #tpu.memory_space<hbm>> -> memref<8192x1024xf32, #tpu.memory_space<hbm>>
      tpu.enqueue_indirect_dma source(%dma_start3A_142 : memref<8192x1024xf32, #tpu.memory_space<hbm>>) target(%arg11 : memref<16x1024xf32, #tpu.memory_space<vmem>>) offsets(%dma_start3A_139 : memref<16xi32, #tpu.memory_space<vmem>>) semaphore(%arg17 : memref<!tpu.dma_semaphore, #tpu.memory_space<semaphore_mem>>)
      %sub3A_143 = arith.constant 32 : i32
      %sub3A_144 = arith.subi %add3A_136, %sub3A_143 : i32
      %add3A_145 = arith.addi %mul3A_2, %sub3A_144 : i32
      %dma_wait3A_146 = arith.constant 0 : i32
      %dma_wait3A_147 = tpu.memref_slice %arg6[%add3A_145, %dma_wait3A_146] : memref<32768x1024xf32, #tpu.memory_space<hbm>> -> memref<16x1024xf32, #tpu.memory_space<hbm>>
      %dma_wait3A_148 = arith.constant 0 : i32
      %dma_wait3A_149 = tpu.memref_slice %arg6[%add3A_145, %dma_wait3A_148] : memref<32768x1024xf32, #tpu.memory_space<hbm>> -> memref<16x1024xf32, #tpu.memory_space<hbm>>
      tpu.wait_dma2 semaphore(%arg21 : memref<!tpu.dma_semaphore, #tpu.memory_space<semaphore_mem>>) src(%arg15 : memref<16x1024xf32, #tpu.memory_space<vmem>>) dst(%dma_wait3A_149 : memref<16x1024xf32, #tpu.memory_space<hbm>>)
      %dma_wait3A_150 = tpu.memref_slice %arg7[%add3A_136] : memref<1024xi32, #tpu.memory_space<vmem>> -> memref<16xi32, #tpu.memory_space<vmem>>
      %dma_wait3A_151 = arith.constant 0 : i32
      %dma_wait3A_152 = arith.constant 0 : i32
      %dma_wait3A_153 = tpu.memref_slice %arg2[%dma_wait3A_151, %dma_wait3A_152] : memref<8192x1024xf32, #tpu.memory_space<hbm>> -> memref<8192x1024xf32, #tpu.memory_space<hbm>>
      tpu.wait_indirect_dma semaphore(%arg19 : memref<!tpu.dma_semaphore, #tpu.memory_space<semaphore_mem>>) src(%dma_wait3A_153 : memref<8192x1024xf32, #tpu.memory_space<hbm>>) dst(%arg13 : memref<16x1024xf32, #tpu.memory_space<vmem>>)
      %parallel_loop3A_154 = arith.constant 0 : i32
      %parallel_loop3A_155 = arith.constant 1024 : i32
      %parallel_loop3A_156 = arith.constant 16 : i32
      scf.for %parallel_loop3A_216 = %parallel_loop3A_154 to %parallel_loop3A_155 step %parallel_loop3A_156  : i32 {
        %parallel_loop3A_217 = arith.index_cast %parallel_loop3A_216 : i32 to index
        %parallel_loop3A_218 = tpu.vector_load %arg8[%parallel_loop3A_217] {strides = array<i32>} : memref<1024xf32, #tpu.memory_space<vmem>>, vector<16xf32>,
        %parallel_loop3A_219 = vector.shape_cast %parallel_loop3A_218 : vector<16xf32> to vector<16xf32>
        %parallel_loop3A_220 = arith.index_cast %parallel_loop3A_216 : i32 to index
        %parallel_loop3A_221 = tpu.vector_load %arg9[%parallel_loop3A_220] {strides = array<i32>} : memref<1024xf32, #tpu.memory_space<vmem>>, vector<16xf32>,
        %parallel_loop3A_222 = vector.shape_cast %parallel_loop3A_221 : vector<16xf32> to vector<16xf32>
        %parallel_loop3A_223 = arith.constant 0 : i32
        %parallel_loop3A_224 = arith.index_cast %parallel_loop3A_223 : i32 to index
        %parallel_loop3A_225 = arith.index_cast %parallel_loop3A_216 : i32 to index
        %parallel_loop3A_226 = tpu.vector_load %arg13[%parallel_loop3A_224, %parallel_loop3A_225] {strides = array<i32>} : memref<16x1024xf32, #tpu.memory_space<vmem>>, vector<1x16xf32>,
        %parallel_loop3A_227 = vector.shape_cast %parallel_loop3A_226 : vector<1x16xf32> to vector<16xf32>
        %parallel_loop3A_228 = arith.mulf %parallel_loop3A_227, %parallel_loop3A_219 : vector<16xf32>
        %parallel_loop3A_229 = arith.addf %parallel_loop3A_228, %parallel_loop3A_222 : vector<16xf32>
        %parallel_loop3A_230 = arith.constant 0 : i32
        %parallel_loop3A_231 = arith.index_cast %parallel_loop3A_230 : i32 to index
        %parallel_loop3A_232 = arith.index_cast %parallel_loop3A_216 : i32 to index
        %parallel_loop3A_233 = tpu.vector_load %arg15[%parallel_loop3A_231, %parallel_loop3A_232] {strides = array<i32>} : memref<16x1024xf32, #tpu.memory_space<vmem>>, vector<1x16xf32>,
        %parallel_loop3A_234 = vector.shape_cast %parallel_loop3A_233 : vector<1x16xf32> to vector<16xf32>
        %parallel_loop3A_235 = vector.shape_cast %parallel_loop3A_229 : vector<16xf32> to vector<1x16xf32>
        tpu.vector_store %arg15[%parallel_loop3A_231, %parallel_loop3A_232], %parallel_loop3A_235 {strides = array<i32>} : memref<16x1024xf32, #tpu.memory_space<vmem>>, vector<1x16xf32>,
        %parallel_loop3A_236 = arith.constant 1 : i32
        %parallel_loop3A_237 = arith.index_cast %parallel_loop3A_236 : i32 to index
        %parallel_loop3A_238 = arith.index_cast %parallel_loop3A_216 : i32 to index
        %parallel_loop3A_239 = tpu.vector_load %arg13[%parallel_loop3A_237, %parallel_loop3A_238] {strides = array<i32>} : memref<16x1024xf32, #tpu.memory_space<vmem>>, vector<1x16xf32>,
        %parallel_loop3A_240 = vector.shape_cast %parallel_loop3A_239 : vector<1x16xf32> to vector<16xf32>
        %parallel_loop3A_241 = arith.mulf %parallel_loop3A_240, %parallel_loop3A_219 : vector<16xf32>
        %parallel_loop3A_242 = arith.addf %parallel_loop3A_241, %parallel_loop3A_222 : vector<16xf32>
        %parallel_loop3A_243 = arith.constant 1 : i32
        %parallel_loop3A_244 = arith.index_cast %parallel_loop3A_243 : i32 to index
        %parallel_loop3A_245 = arith.index_cast %parallel_loop3A_216 : i32 to index
        %parallel_loop3A_246 = tpu.vector_load %arg15[%parallel_loop3A_244, %parallel_loop3A_245] {strides = array<i32>} : memref<16x1024xf32, #tpu.memory_space<vmem>>, vector<1x16xf32>,
        %parallel_loop3A_247 = vector.shape_cast %parallel_loop3A_246 : vector<1x16xf32> to vector<16xf32>
        %parallel_loop3A_248 = vector.shape_cast %parallel_loop3A_242 : vector<16xf32> to vector<1x16xf32>
        tpu.vector_store %arg15[%parallel_loop3A_244, %parallel_loop3A_245], %parallel_loop3A_248 {strides = array<i32>} : memref<16x1024xf32, #tpu.memory_space<vmem>>, vector<1x16xf32>,
        %parallel_loop3A_249 = arith.constant 2 : i32
        %parallel_loop3A_250 = arith.index_cast %parallel_loop3A_249 : i32 to index
        %parallel_loop3A_251 = arith.index_cast %parallel_loop3A_216 : i32 to index
        %parallel_loop3A_252 = tpu.vector_load %arg13[%parallel_loop3A_250, %parallel_loop3A_251] {strides = array<i32>} : memref<16x1024xf32, #tpu.memory_space<vmem>>, vector<1x16xf32>,
        %parallel_loop3A_253 = vector.shape_cast %parallel_loop3A_252 : vector<1x16xf32> to vector<16xf32>
        %parallel_loop3A_254 = arith.mulf %parallel_loop3A_253, %parallel_loop3A_219 : vector<16xf32>
        %parallel_loop3A_255 = arith.addf %parallel_loop3A_254, %parallel_loop3A_222 : vector<16xf32>
        %parallel_loop3A_256 = arith.constant 2 : i32
        %parallel_loop3A_257 = arith.index_cast %parallel_loop3A_256 : i32 to index
        %parallel_loop3A_258 = arith.index_cast %parallel_loop3A_216 : i32 to index
        %parallel_loop3A_259 = tpu.vector_load %arg15[%parallel_loop3A_257, %parallel_loop3A_258] {strides = array<i32>} : memref<16x1024xf32, #tpu.memory_space<vmem>>, vector<1x16xf32>,
        %parallel_loop3A_260 = vector.shape_cast %parallel_loop3A_259 : vector<1x16xf32> to vector<16xf32>
        %parallel_loop3A_261 = vector.shape_cast %parallel_loop3A_255 : vector<16xf32> to vector<1x16xf32>
        tpu.vector_store %arg15[%parallel_loop3A_257, %parallel_loop3A_258], %parallel_loop3A_261 {strides = array<i32>} : memref<16x1024xf32, #tpu.memory_space<vmem>>, vector<1x16xf32>,
        %parallel_loop3A_262 = arith.constant 3 : i32
        %parallel_loop3A_263 = arith.index_cast %parallel_loop3A_262 : i32 to index
        %parallel_loop3A_264 = arith.index_cast %parallel_loop3A_216 : i32 to index
        %parallel_loop3A_265 = tpu.vector_load %arg13[%parallel_loop3A_263, %parallel_loop3A_264] {strides = array<i32>} : memref<16x1024xf32, #tpu.memory_space<vmem>>, vector<1x16xf32>,
        %parallel_loop3A_266 = vector.shape_cast %parallel_loop3A_265 : vector<1x16xf32> to vector<16xf32>
        %parallel_loop3A_267 = arith.mulf %parallel_loop3A_266, %parallel_loop3A_219 : vector<16xf32>
        %parallel_loop3A_268 = arith.addf %parallel_loop3A_267, %parallel_loop3A_222 : vector<16xf32>
        %parallel_loop3A_269 = arith.constant 3 : i32
        %parallel_loop3A_270 = arith.index_cast %parallel_loop3A_269 : i32 to index
        %parallel_loop3A_271 = arith.index_cast %parallel_loop3A_216 : i32 to index
        %parallel_loop3A_272 = tpu.vector_load %arg15[%parallel_loop3A_270, %parallel_loop3A_271] {strides = array<i32>} : memref<16x1024xf32, #tpu.memory_space<vmem>>, vector<1x16xf32>,
        %parallel_loop3A_273 = vector.shape_cast %parallel_loop3A_272 : vector<1x16xf32> to vector<16xf32>
        %parallel_loop3A_274 = vector.shape_cast %parallel_loop3A_268 : vector<16xf32> to vector<1x16xf32>
        tpu.vector_store %arg15[%parallel_loop3A_270, %parallel_loop3A_271], %parallel_loop3A_274 {strides = array<i32>} : memref<16x1024xf32, #tpu.memory_space<vmem>>, vector<1x16xf32>,
        %parallel_loop3A_275 = arith.constant 4 : i32
        %parallel_loop3A_276 = arith.index_cast %parallel_loop3A_275 : i32 to index
        %parallel_loop3A_277 = arith.index_cast %parallel_loop3A_216 : i32 to index
        %parallel_loop3A_278 = tpu.vector_load %arg13[%parallel_loop3A_276, %parallel_loop3A_277] {strides = array<i32>} : memref<16x1024xf32, #tpu.memory_space<vmem>>, vector<1x16xf32>,
        %parallel_loop3A_279 = vector.shape_cast %parallel_loop3A_278 : vector<1x16xf32> to vector<16xf32>
        %parallel_loop3A_280 = arith.mulf %parallel_loop3A_279, %parallel_loop3A_219 : vector<16xf32>
        %parallel_loop3A_281 = arith.addf %parallel_loop3A_280, %parallel_loop3A_222 : vector<16xf32>
        %parallel_loop3A_282 = arith.constant 4 : i32
        %parallel_loop3A_283 = arith.index_cast %parallel_loop3A_282 : i32 to index
        %parallel_loop3A_284 = arith.index_cast %parallel_loop3A_216 : i32 to index
        %parallel_loop3A_285 = tpu.vector_load %arg15[%parallel_loop3A_283, %parallel_loop3A_284] {strides = array<i32>} : memref<16x1024xf32, #tpu.memory_space<vmem>>, vector<1x16xf32>,
        %parallel_loop3A_286 = vector.shape_cast %parallel_loop3A_285 : vector<1x16xf32> to vector<16xf32>
        %parallel_loop3A_287 = vector.shape_cast %parallel_loop3A_281 : vector<16xf32> to vector<1x16xf32>
        tpu.vector_store %arg15[%parallel_loop3A_283, %parallel_loop3A_284], %parallel_loop3A_287 {strides = array<i32>} : memref<16x1024xf32, #tpu.memory_space<vmem>>, vector<1x16xf32>,
        %parallel_loop3A_288 = arith.constant 5 : i32
        %parallel_loop3A_289 = arith.index_cast %parallel_loop3A_288 : i32 to index
        %parallel_loop3A_290 = arith.index_cast %parallel_loop3A_216 : i32 to index
        %parallel_loop3A_291 = tpu.vector_load %arg13[%parallel_loop3A_289, %parallel_loop3A_290] {strides = array<i32>} : memref<16x1024xf32, #tpu.memory_space<vmem>>, vector<1x16xf32>,
        %parallel_loop3A_292 = vector.shape_cast %parallel_loop3A_291 : vector<1x16xf32> to vector<16xf32>
        %parallel_loop3A_293 = arith.mulf %parallel_loop3A_292, %parallel_loop3A_219 : vector<16xf32>
        %parallel_loop3A_294 = arith.addf %parallel_loop3A_293, %parallel_loop3A_222 : vector<16xf32>
        %parallel_loop3A_295 = arith.constant 5 : i32
        %parallel_loop3A_296 = arith.index_cast %parallel_loop3A_295 : i32 to index
        %parallel_loop3A_297 = arith.index_cast %parallel_loop3A_216 : i32 to index
        %parallel_loop3A_298 = tpu.vector_load %arg15[%parallel_loop3A_296, %parallel_loop3A_297] {strides = array<i32>} : memref<16x1024xf32, #tpu.memory_space<vmem>>, vector<1x16xf32>,
        %parallel_loop3A_299 = vector.shape_cast %parallel_loop3A_298 : vector<1x16xf32> to vector<16xf32>
        %parallel_loop3A_300 = vector.shape_cast %parallel_loop3A_294 : vector<16xf32> to vector<1x16xf32>
        tpu.vector_store %arg15[%parallel_loop3A_296, %parallel_loop3A_297], %parallel_loop3A_300 {strides = array<i32>} : memref<16x1024xf32, #tpu.memory_space<vmem>>, vector<1x16xf32>,
        %parallel_loop3A_301 = arith.constant 6 : i32
        %parallel_loop3A_302 = arith.index_cast %parallel_loop3A_301 : i32 to index
        %parallel_loop3A_303 = arith.index_cast %parallel_loop3A_216 : i32 to index
        %parallel_loop3A_304 = tpu.vector_load %arg13[%parallel_loop3A_302, %parallel_loop3A_303] {strides = array<i32>} : memref<16x1024xf32, #tpu.memory_space<vmem>>, vector<1x16xf32>,
        %parallel_loop3A_305 = vector.shape_cast %parallel_loop3A_304 : vector<1x16xf32> to vector<16xf32>
        %parallel_loop3A_306 = arith.mulf %parallel_loop3A_305, %parallel_loop3A_219 : vector<16xf32>
        %parallel_loop3A_307 = arith.addf %parallel_loop3A_306, %parallel_loop3A_222 : vector<16xf32>
        %parallel_loop3A_308 = arith.constant 6 : i32
        %parallel_loop3A_309 = arith.index_cast %parallel_loop3A_308 : i32 to index
        %parallel_loop3A_310 = arith.index_cast %parallel_loop3A_216 : i32 to index
        %parallel_loop3A_311 = tpu.vector_load %arg15[%parallel_loop3A_309, %parallel_loop3A_310] {strides = array<i32>} : memref<16x1024xf32, #tpu.memory_space<vmem>>, vector<1x16xf32>,
        %parallel_loop3A_312 = vector.shape_cast %parallel_loop3A_311 : vector<1x16xf32> to vector<16xf32>
        %parallel_loop3A_313 = vector.shape_cast %parallel_loop3A_307 : vector<16xf32> to vector<1x16xf32>
        tpu.vector_store %arg15[%parallel_loop3A_309, %parallel_loop3A_310], %parallel_loop3A_313 {strides = array<i32>} : memref<16x1024xf32, #tpu.memory_space<vmem>>, vector<1x16xf32>,
        %parallel_loop3A_314 = arith.constant 7 : i32
        %parallel_loop3A_315 = arith.index_cast %parallel_loop3A_314 : i32 to index
        %parallel_loop3A_316 = arith.index_cast %parallel_loop3A_216 : i32 to index
        %parallel_loop3A_317 = tpu.vector_load %arg13[%parallel_loop3A_315, %parallel_loop3A_316] {strides = array<i32>} : memref<16x1024xf32, #tpu.memory_space<vmem>>, vector<1x16xf32>,
        %parallel_loop3A_318 = vector.shape_cast %parallel_loop3A_317 : vector<1x16xf32> to vector<16xf32>
        %parallel_loop3A_319 = arith.mulf %parallel_loop3A_318, %parallel_loop3A_219 : vector<16xf32>
        %parallel_loop3A_320 = arith.addf %parallel_loop3A_319, %parallel_loop3A_222 : vector<16xf32>
        %parallel_loop3A_321 = arith.constant 7 : i32
        %parallel_loop3A_322 = arith.index_cast %parallel_loop3A_321 : i32 to index
        %parallel_loop3A_323 = arith.index_cast %parallel_loop3A_216 : i32 to index
        %parallel_loop3A_324 = tpu.vector_load %arg15[%parallel_loop3A_322, %parallel_loop3A_323] {strides = array<i32>} : memref<16x1024xf32, #tpu.memory_space<vmem>>, vector<1x16xf32>,
        %parallel_loop3A_325 = vector.shape_cast %parallel_loop3A_324 : vector<1x16xf32> to vector<16xf32>
        %parallel_loop3A_326 = vector.shape_cast %parallel_loop3A_320 : vector<16xf32> to vector<1x16xf32>
        tpu.vector_store %arg15[%parallel_loop3A_322, %parallel_loop3A_323], %parallel_loop3A_326 {strides = array<i32>} : memref<16x1024xf32, #tpu.memory_space<vmem>>, vector<1x16xf32>,
        %parallel_loop3A_327 = arith.constant 8 : i32
        %parallel_loop3A_328 = arith.index_cast %parallel_loop3A_327 : i32 to index
        %parallel_loop3A_329 = arith.index_cast %parallel_loop3A_216 : i32 to index
        %parallel_loop3A_330 = tpu.vector_load %arg13[%parallel_loop3A_328, %parallel_loop3A_329] {strides = array<i32>} : memref<16x1024xf32, #tpu.memory_space<vmem>>, vector<1x16xf32>,
        %parallel_loop3A_331 = vector.shape_cast %parallel_loop3A_330 : vector<1x16xf32> to vector<16xf32>
        %parallel_loop3A_332 = arith.mulf %parallel_loop3A_331, %parallel_loop3A_219 : vector<16xf32>
        %parallel_loop3A_333 = arith.addf %parallel_loop3A_332, %parallel_loop3A_222 : vector<16xf32>
        %parallel_loop3A_334 = arith.constant 8 : i32
        %parallel_loop3A_335 = arith.index_cast %parallel_loop3A_334 : i32 to index
        %parallel_loop3A_336 = arith.index_cast %parallel_loop3A_216 : i32 to index
        %parallel_loop3A_337 = tpu.vector_load %arg15[%parallel_loop3A_335, %parallel_loop3A_336] {strides = array<i32>} : memref<16x1024xf32, #tpu.memory_space<vmem>>, vector<1x16xf32>,
        %parallel_loop3A_338 = vector.shape_cast %parallel_loop3A_337 : vector<1x16xf32> to vector<16xf32>
        %parallel_loop3A_339 = vector.shape_cast %parallel_loop3A_333 : vector<16xf32> to vector<1x16xf32>
        tpu.vector_store %arg15[%parallel_loop3A_335, %parallel_loop3A_336], %parallel_loop3A_339 {strides = array<i32>} : memref<16x1024xf32, #tpu.memory_space<vmem>>, vector<1x16xf32>,
        %parallel_loop3A_340 = arith.constant 9 : i32
        %parallel_loop3A_341 = arith.index_cast %parallel_loop3A_340 : i32 to index
        %parallel_loop3A_342 = arith.index_cast %parallel_loop3A_216 : i32 to index
        %parallel_loop3A_343 = tpu.vector_load %arg13[%parallel_loop3A_341, %parallel_loop3A_342] {strides = array<i32>} : memref<16x1024xf32, #tpu.memory_space<vmem>>, vector<1x16xf32>,
        %parallel_loop3A_344 = vector.shape_cast %parallel_loop3A_343 : vector<1x16xf32> to vector<16xf32>
        %parallel_loop3A_345 = arith.mulf %parallel_loop3A_344, %parallel_loop3A_219 : vector<16xf32>
        %parallel_loop3A_346 = arith.addf %parallel_loop3A_345, %parallel_loop3A_222 : vector<16xf32>
        %parallel_loop3A_347 = arith.constant 9 : i32
        %parallel_loop3A_348 = arith.index_cast %parallel_loop3A_347 : i32 to index
        %parallel_loop3A_349 = arith.index_cast %parallel_loop3A_216 : i32 to index
        %parallel_loop3A_350 = tpu.vector_load %arg15[%parallel_loop3A_348, %parallel_loop3A_349] {strides = array<i32>} : memref<16x1024xf32, #tpu.memory_space<vmem>>, vector<1x16xf32>,
        %parallel_loop3A_351 = vector.shape_cast %parallel_loop3A_350 : vector<1x16xf32> to vector<16xf32>
        %parallel_loop3A_352 = vector.shape_cast %parallel_loop3A_346 : vector<16xf32> to vector<1x16xf32>
        tpu.vector_store %arg15[%parallel_loop3A_348, %parallel_loop3A_349], %parallel_loop3A_352 {strides = array<i32>} : memref<16x1024xf32, #tpu.memory_space<vmem>>, vector<1x16xf32>,
        %parallel_loop3A_353 = arith.constant 10 : i32
        %parallel_loop3A_354 = arith.index_cast %parallel_loop3A_353 : i32 to index
        %parallel_loop3A_355 = arith.index_cast %parallel_loop3A_216 : i32 to index
        %parallel_loop3A_356 = tpu.vector_load %arg13[%parallel_loop3A_354, %parallel_loop3A_355] {strides = array<i32>} : memref<16x1024xf32, #tpu.memory_space<vmem>>, vector<1x16xf32>,
        %parallel_loop3A_357 = vector.shape_cast %parallel_loop3A_356 : vector<1x16xf32> to vector<16xf32>
        %parallel_loop3A_358 = arith.mulf %parallel_loop3A_357, %parallel_loop3A_219 : vector<16xf32>
        %parallel_loop3A_359 = arith.addf %parallel_loop3A_358, %parallel_loop3A_222 : vector<16xf32>
        %parallel_loop3A_360 = arith.constant 10 : i32
        %parallel_loop3A_361 = arith.index_cast %parallel_loop3A_360 : i32 to index
        %parallel_loop3A_362 = arith.index_cast %parallel_loop3A_216 : i32 to index
        %parallel_loop3A_363 = tpu.vector_load %arg15[%parallel_loop3A_361, %parallel_loop3A_362] {strides = array<i32>} : memref<16x1024xf32, #tpu.memory_space<vmem>>, vector<1x16xf32>,
        %parallel_loop3A_364 = vector.shape_cast %parallel_loop3A_363 : vector<1x16xf32> to vector<16xf32>
        %parallel_loop3A_365 = vector.shape_cast %parallel_loop3A_359 : vector<16xf32> to vector<1x16xf32>
        tpu.vector_store %arg15[%parallel_loop3A_361, %parallel_loop3A_362], %parallel_loop3A_365 {strides = array<i32>} : memref<16x1024xf32, #tpu.memory_space<vmem>>, vector<1x16xf32>,
        %parallel_loop3A_366 = arith.constant 11 : i32
        %parallel_loop3A_367 = arith.index_cast %parallel_loop3A_366 : i32 to index
        %parallel_loop3A_368 = arith.index_cast %parallel_loop3A_216 : i32 to index
        %parallel_loop3A_369 = tpu.vector_load %arg13[%parallel_loop3A_367, %parallel_loop3A_368] {strides = array<i32>} : memref<16x1024xf32, #tpu.memory_space<vmem>>, vector<1x16xf32>,
        %parallel_loop3A_370 = vector.shape_cast %parallel_loop3A_369 : vector<1x16xf32> to vector<16xf32>
        %parallel_loop3A_371 = arith.mulf %parallel_loop3A_370, %parallel_loop3A_219 : vector<16xf32>
        %parallel_loop3A_372 = arith.addf %parallel_loop3A_371, %parallel_loop3A_222 : vector<16xf32>
        %parallel_loop3A_373 = arith.constant 11 : i32
        %parallel_loop3A_374 = arith.index_cast %parallel_loop3A_373 : i32 to index
        %parallel_loop3A_375 = arith.index_cast %parallel_loop3A_216 : i32 to index
        %parallel_loop3A_376 = tpu.vector_load %arg15[%parallel_loop3A_374, %parallel_loop3A_375] {strides = array<i32>} : memref<16x1024xf32, #tpu.memory_space<vmem>>, vector<1x16xf32>,
        %parallel_loop3A_377 = vector.shape_cast %parallel_loop3A_376 : vector<1x16xf32> to vector<16xf32>
        %parallel_loop3A_378 = vector.shape_cast %parallel_loop3A_372 : vector<16xf32> to vector<1x16xf32>
        tpu.vector_store %arg15[%parallel_loop3A_374, %parallel_loop3A_375], %parallel_loop3A_378 {strides = array<i32>} : memref<16x1024xf32, #tpu.memory_space<vmem>>, vector<1x16xf32>,
        %parallel_loop3A_379 = arith.constant 12 : i32
        %parallel_loop3A_380 = arith.index_cast %parallel_loop3A_379 : i32 to index
        %parallel_loop3A_381 = arith.index_cast %parallel_loop3A_216 : i32 to index
        %parallel_loop3A_382 = tpu.vector_load %arg13[%parallel_loop3A_380, %parallel_loop3A_381] {strides = array<i32>} : memref<16x1024xf32, #tpu.memory_space<vmem>>, vector<1x16xf32>,
        %parallel_loop3A_383 = vector.shape_cast %parallel_loop3A_382 : vector<1x16xf32> to vector<16xf32>
        %parallel_loop3A_384 = arith.mulf %parallel_loop3A_383, %parallel_loop3A_219 : vector<16xf32>
        %parallel_loop3A_385 = arith.addf %parallel_loop3A_384, %parallel_loop3A_222 : vector<16xf32>
        %parallel_loop3A_386 = arith.constant 12 : i32
        %parallel_loop3A_387 = arith.index_cast %parallel_loop3A_386 : i32 to index
        %parallel_loop3A_388 = arith.index_cast %parallel_loop3A_216 : i32 to index
        %parallel_loop3A_389 = tpu.vector_load %arg15[%parallel_loop3A_387, %parallel_loop3A_388] {strides = array<i32>} : memref<16x1024xf32, #tpu.memory_space<vmem>>, vector<1x16xf32>,
        %parallel_loop3A_390 = vector.shape_cast %parallel_loop3A_389 : vector<1x16xf32> to vector<16xf32>
        %parallel_loop3A_391 = vector.shape_cast %parallel_loop3A_385 : vector<16xf32> to vector<1x16xf32>
        tpu.vector_store %arg15[%parallel_loop3A_387, %parallel_loop3A_388], %parallel_loop3A_391 {strides = array<i32>} : memref<16x1024xf32, #tpu.memory_space<vmem>>, vector<1x16xf32>,
        %parallel_loop3A_392 = arith.constant 13 : i32
        %parallel_loop3A_393 = arith.index_cast %parallel_loop3A_392 : i32 to index
        %parallel_loop3A_394 = arith.index_cast %parallel_loop3A_216 : i32 to index
        %parallel_loop3A_395 = tpu.vector_load %arg13[%parallel_loop3A_393, %parallel_loop3A_394] {strides = array<i32>} : memref<16x1024xf32, #tpu.memory_space<vmem>>, vector<1x16xf32>,
        %parallel_loop3A_396 = vector.shape_cast %parallel_loop3A_395 : vector<1x16xf32> to vector<16xf32>
        %parallel_loop3A_397 = arith.mulf %parallel_loop3A_396, %parallel_loop3A_219 : vector<16xf32>
        %parallel_loop3A_398 = arith.addf %parallel_loop3A_397, %parallel_loop3A_222 : vector<16xf32>
        %parallel_loop3A_399 = arith.constant 13 : i32
        %parallel_loop3A_400 = arith.index_cast %parallel_loop3A_399 : i32 to index
        %parallel_loop3A_401 = arith.index_cast %parallel_loop3A_216 : i32 to index
        %parallel_loop3A_402 = tpu.vector_load %arg15[%parallel_loop3A_400, %parallel_loop3A_401] {strides = array<i32>} : memref<16x1024xf32, #tpu.memory_space<vmem>>, vector<1x16xf32>,
        %parallel_loop3A_403 = vector.shape_cast %parallel_loop3A_402 : vector<1x16xf32> to vector<16xf32>
        %parallel_loop3A_404 = vector.shape_cast %parallel_loop3A_398 : vector<16xf32> to vector<1x16xf32>
        tpu.vector_store %arg15[%parallel_loop3A_400, %parallel_loop3A_401], %parallel_loop3A_404 {strides = array<i32>} : memref<16x1024xf32, #tpu.memory_space<vmem>>, vector<1x16xf32>,
        %parallel_loop3A_405 = arith.constant 14 : i32
        %parallel_loop3A_406 = arith.index_cast %parallel_loop3A_405 : i32 to index
        %parallel_loop3A_407 = arith.index_cast %parallel_loop3A_216 : i32 to index
        %parallel_loop3A_408 = tpu.vector_load %arg13[%parallel_loop3A_406, %parallel_loop3A_407] {strides = array<i32>} : memref<16x1024xf32, #tpu.memory_space<vmem>>, vector<1x16xf32>,
        %parallel_loop3A_409 = vector.shape_cast %parallel_loop3A_408 : vector<1x16xf32> to vector<16xf32>
        %parallel_loop3A_410 = arith.mulf %parallel_loop3A_409, %parallel_loop3A_219 : vector<16xf32>
        %parallel_loop3A_411 = arith.addf %parallel_loop3A_410, %parallel_loop3A_222 : vector<16xf32>
        %parallel_loop3A_412 = arith.constant 14 : i32
        %parallel_loop3A_413 = arith.index_cast %parallel_loop3A_412 : i32 to index
        %parallel_loop3A_414 = arith.index_cast %parallel_loop3A_216 : i32 to index
        %parallel_loop3A_415 = tpu.vector_load %arg15[%parallel_loop3A_413, %parallel_loop3A_414] {strides = array<i32>} : memref<16x1024xf32, #tpu.memory_space<vmem>>, vector<1x16xf32>,
        %parallel_loop3A_416 = vector.shape_cast %parallel_loop3A_415 : vector<1x16xf32> to vector<16xf32>
        %parallel_loop3A_417 = vector.shape_cast %parallel_loop3A_411 : vector<16xf32> to vector<1x16xf32>
        tpu.vector_store %arg15[%parallel_loop3A_413, %parallel_loop3A_414], %parallel_loop3A_417 {strides = array<i32>} : memref<16x1024xf32, #tpu.memory_space<vmem>>, vector<1x16xf32>,
        %parallel_loop3A_418 = arith.constant 15 : i32
        %parallel_loop3A_419 = arith.index_cast %parallel_loop3A_418 : i32 to index
        %parallel_loop3A_420 = arith.index_cast %parallel_loop3A_216 : i32 to index
        %parallel_loop3A_421 = tpu.vector_load %arg13[%parallel_loop3A_419, %parallel_loop3A_420] {strides = array<i32>} : memref<16x1024xf32, #tpu.memory_space<vmem>>, vector<1x16xf32>,
        %parallel_loop3A_422 = vector.shape_cast %parallel_loop3A_421 : vector<1x16xf32> to vector<16xf32>
        %parallel_loop3A_423 = arith.mulf %parallel_loop3A_422, %parallel_loop3A_219 : vector<16xf32>
        %parallel_loop3A_424 = arith.addf %parallel_loop3A_423, %parallel_loop3A_222 : vector<16xf32>
        %parallel_loop3A_425 = arith.constant 15 : i32
        %parallel_loop3A_426 = arith.index_cast %parallel_loop3A_425 : i32 to index
        %parallel_loop3A_427 = arith.index_cast %parallel_loop3A_216 : i32 to index
        %parallel_loop3A_428 = tpu.vector_load %arg15[%parallel_loop3A_426, %parallel_loop3A_427] {strides = array<i32>} : memref<16x1024xf32, #tpu.memory_space<vmem>>, vector<1x16xf32>,
        %parallel_loop3A_429 = vector.shape_cast %parallel_loop3A_428 : vector<1x16xf32> to vector<16xf32>
        %parallel_loop3A_430 = vector.shape_cast %parallel_loop3A_424 : vector<16xf32> to vector<1x16xf32>
        tpu.vector_store %arg15[%parallel_loop3A_426, %parallel_loop3A_427], %parallel_loop3A_430 {strides = array<i32>} : memref<16x1024xf32, #tpu.memory_space<vmem>>, vector<1x16xf32>,
      } {sc.loop_unroll_factor = 8 : i64, sc.parallel_access}
      %add3A_157 = arith.addi %mul3A_2, %add3A_136 : i32
      %dma_start3A_158 = arith.constant 0 : i32
      %dma_start3A_159 = tpu.memref_slice %arg6[%add3A_157, %dma_start3A_158] : memref<32768x1024xf32, #tpu.memory_space<hbm>> -> memref<16x1024xf32, #tpu.memory_space<hbm>>
      %dma_start3A_160 = arith.constant 0 : i32
      %dma_start3A_161 = tpu.memref_slice %arg6[%add3A_157, %dma_start3A_160] : memref<32768x1024xf32, #tpu.memory_space<hbm>> -> memref<16x1024xf32, #tpu.memory_space<hbm>>
      tpu.enqueue_dma source(%arg15 : memref<16x1024xf32, #tpu.memory_space<vmem>>) target(%dma_start3A_161 : memref<16x1024xf32, #tpu.memory_space<hbm>>) target_semaphore(%arg21 : memref<!tpu.dma_semaphore, #tpu.memory_space<semaphore_mem>>)
      %add3A_162 = arith.constant 32 : i32
      %add3A_163 = arith.addi %add3A_108, %add3A_162 : i32
      %add3A_164 = arith.constant 32 : i32
      %add3A_165 = arith.addi %add3A_163, %add3A_164 : i32
      %dma_start3A_166 = tpu.memref_slice %arg7[%add3A_165] : memref<1024xi32, #tpu.memory_space<vmem>> -> memref<16xi32, #tpu.memory_space<vmem>>
      %dma_start3A_167 = arith.constant 0 : i32
      %dma_start3A_168 = arith.constant 0 : i32
      %dma_start3A_169 = tpu.memref_slice %arg2[%dma_start3A_167, %dma_start3A_168] : memref<8192x1024xf32, #tpu.memory_space<hbm>> -> memref<8192x1024xf32, #tpu.memory_space<hbm>>
      tpu.enqueue_indirect_dma source(%dma_start3A_169 : memref<8192x1024xf32, #tpu.memory_space<hbm>>) target(%arg12 : memref<16x1024xf32, #tpu.memory_space<vmem>>) offsets(%dma_start3A_166 : memref<16xi32, #tpu.memory_space<vmem>>) semaphore(%arg18 : memref<!tpu.dma_semaphore, #tpu.memory_space<semaphore_mem>>)
      %sub3A_170 = arith.constant 32 : i32
      %sub3A_171 = arith.subi %add3A_163, %sub3A_170 : i32
      %add3A_172 = arith.addi %mul3A_2, %sub3A_171 : i32
      %dma_wait3A_173 = arith.constant 0 : i32
      %dma_wait3A_174 = tpu.memref_slice %arg6[%add3A_172, %dma_wait3A_173] : memref<32768x1024xf32, #tpu.memory_space<hbm>> -> memref<16x1024xf32, #tpu.memory_space<hbm>>
      %dma_wait3A_175 = arith.constant 0 : i32
      %dma_wait3A_176 = tpu.memref_slice %arg6[%add3A_172, %dma_wait3A_175] : memref<32768x1024xf32, #tpu.memory_space<hbm>> -> memref<16x1024xf32, #tpu.memory_space<hbm>>
      tpu.wait_dma2 semaphore(%arg20 : memref<!tpu.dma_semaphore, #tpu.memory_space<semaphore_mem>>) src(%arg14 : memref<16x1024xf32, #tpu.memory_space<vmem>>) dst(%dma_wait3A_176 : memref<16x1024xf32, #tpu.memory_space<hbm>>)
      %dma_wait3A_177 = tpu.memref_slice %arg7[%add3A_163] : memref<1024xi32, #tpu.memory_space<vmem>> -> memref<16xi32, #tpu.memory_space<vmem>>
      %dma_wait3A_178 = arith.constant 0 : i32
      %dma_wait3A_179 = arith.constant 0 : i32
      %dma_wait3A_180 = tpu.memref_slice %arg2[%dma_wait3A_178, %dma_wait3A_179] : memref<8192x1024xf32, #tpu.memory_space<hbm>> -> memref<8192x1024xf32, #tpu.memory_space<hbm>>
      tpu.wait_indirect_dma semaphore(%arg16 : memref<!tpu.dma_semaphore, #tpu.memory_space<semaphore_mem>>) src(%dma_wait3A_180 : memref<8192x1024xf32, #tpu.memory_space<hbm>>) dst(%arg10 : memref<16x1024xf32, #tpu.memory_space<vmem>>)
      %parallel_loop3A_181 = arith.constant 0 : i32
      %parallel_loop3A_182 = arith.constant 1024 : i32
      %parallel_loop3A_183 = arith.constant 16 : i32
      scf.for %parallel_loop3A_216 = %parallel_loop3A_181 to %parallel_loop3A_182 step %parallel_loop3A_183  : i32 {
        %parallel_loop3A_217 = arith.index_cast %parallel_loop3A_216 : i32 to index
        %parallel_loop3A_218 = tpu.vector_load %arg8[%parallel_loop3A_217] {strides = array<i32>} : memref<1024xf32, #tpu.memory_space<vmem>>, vector<16xf32>,
        %parallel_loop3A_219 = vector.shape_cast %parallel_loop3A_218 : vector<16xf32> to vector<16xf32>
        %parallel_loop3A_220 = arith.index_cast %parallel_loop3A_216 : i32 to index
        %parallel_loop3A_221 = tpu.vector_load %arg9[%parallel_loop3A_220] {strides = array<i32>} : memref<1024xf32, #tpu.memory_space<vmem>>, vector<16xf32>,
        %parallel_loop3A_222 = vector.shape_cast %parallel_loop3A_221 : vector<16xf32> to vector<16xf32>
        %parallel_loop3A_223 = arith.constant 0 : i32
        %parallel_loop3A_224 = arith.index_cast %parallel_loop3A_223 : i32 to index
        %parallel_loop3A_225 = arith.index_cast %parallel_loop3A_216 : i32 to index
        %parallel_loop3A_226 = tpu.vector_load %arg10[%parallel_loop3A_224, %parallel_loop3A_225] {strides = array<i32>} : memref<16x1024xf32, #tpu.memory_space<vmem>>, vector<1x16xf32>,
        %parallel_loop3A_227 = vector.shape_cast %parallel_loop3A_226 : vector<1x16xf32> to vector<16xf32>
        %parallel_loop3A_228 = arith.mulf %parallel_loop3A_227, %parallel_loop3A_219 : vector<16xf32>
        %parallel_loop3A_229 = arith.addf %parallel_loop3A_228, %parallel_loop3A_222 : vector<16xf32>
        %parallel_loop3A_230 = arith.constant 0 : i32
        %parallel_loop3A_231 = arith.index_cast %parallel_loop3A_230 : i32 to index
        %parallel_loop3A_232 = arith.index_cast %parallel_loop3A_216 : i32 to index
        %parallel_loop3A_233 = tpu.vector_load %arg14[%parallel_loop3A_231, %parallel_loop3A_232] {strides = array<i32>} : memref<16x1024xf32, #tpu.memory_space<vmem>>, vector<1x16xf32>,
        %parallel_loop3A_234 = vector.shape_cast %parallel_loop3A_233 : vector<1x16xf32> to vector<16xf32>
        %parallel_loop3A_235 = vector.shape_cast %parallel_loop3A_229 : vector<16xf32> to vector<1x16xf32>
        tpu.vector_store %arg14[%parallel_loop3A_231, %parallel_loop3A_232], %parallel_loop3A_235 {strides = array<i32>} : memref<16x1024xf32, #tpu.memory_space<vmem>>, vector<1x16xf32>,
        %parallel_loop3A_236 = arith.constant 1 : i32
        %parallel_loop3A_237 = arith.index_cast %parallel_loop3A_236 : i32 to index
        %parallel_loop3A_238 = arith.index_cast %parallel_loop3A_216 : i32 to index
        %parallel_loop3A_239 = tpu.vector_load %arg10[%parallel_loop3A_237, %parallel_loop3A_238] {strides = array<i32>} : memref<16x1024xf32, #tpu.memory_space<vmem>>, vector<1x16xf32>,
        %parallel_loop3A_240 = vector.shape_cast %parallel_loop3A_239 : vector<1x16xf32> to vector<16xf32>
        %parallel_loop3A_241 = arith.mulf %parallel_loop3A_240, %parallel_loop3A_219 : vector<16xf32>
        %parallel_loop3A_242 = arith.addf %parallel_loop3A_241, %parallel_loop3A_222 : vector<16xf32>
        %parallel_loop3A_243 = arith.constant 1 : i32
        %parallel_loop3A_244 = arith.index_cast %parallel_loop3A_243 : i32 to index
        %parallel_loop3A_245 = arith.index_cast %parallel_loop3A_216 : i32 to index
        %parallel_loop3A_246 = tpu.vector_load %arg14[%parallel_loop3A_244, %parallel_loop3A_245] {strides = array<i32>} : memref<16x1024xf32, #tpu.memory_space<vmem>>, vector<1x16xf32>,
        %parallel_loop3A_247 = vector.shape_cast %parallel_loop3A_246 : vector<1x16xf32> to vector<16xf32>
        %parallel_loop3A_248 = vector.shape_cast %parallel_loop3A_242 : vector<16xf32> to vector<1x16xf32>
        tpu.vector_store %arg14[%parallel_loop3A_244, %parallel_loop3A_245], %parallel_loop3A_248 {strides = array<i32>} : memref<16x1024xf32, #tpu.memory_space<vmem>>, vector<1x16xf32>,
        %parallel_loop3A_249 = arith.constant 2 : i32
        %parallel_loop3A_250 = arith.index_cast %parallel_loop3A_249 : i32 to index
        %parallel_loop3A_251 = arith.index_cast %parallel_loop3A_216 : i32 to index
        %parallel_loop3A_252 = tpu.vector_load %arg10[%parallel_loop3A_250, %parallel_loop3A_251] {strides = array<i32>} : memref<16x1024xf32, #tpu.memory_space<vmem>>, vector<1x16xf32>,
        %parallel_loop3A_253 = vector.shape_cast %parallel_loop3A_252 : vector<1x16xf32> to vector<16xf32>
        %parallel_loop3A_254 = arith.mulf %parallel_loop3A_253, %parallel_loop3A_219 : vector<16xf32>
        %parallel_loop3A_255 = arith.addf %parallel_loop3A_254, %parallel_loop3A_222 : vector<16xf32>
        %parallel_loop3A_256 = arith.constant 2 : i32
        %parallel_loop3A_257 = arith.index_cast %parallel_loop3A_256 : i32 to index
        %parallel_loop3A_258 = arith.index_cast %parallel_loop3A_216 : i32 to index
        %parallel_loop3A_259 = tpu.vector_load %arg14[%parallel_loop3A_257, %parallel_loop3A_258] {strides = array<i32>} : memref<16x1024xf32, #tpu.memory_space<vmem>>, vector<1x16xf32>,
        %parallel_loop3A_260 = vector.shape_cast %parallel_loop3A_259 : vector<1x16xf32> to vector<16xf32>
        %parallel_loop3A_261 = vector.shape_cast %parallel_loop3A_255 : vector<16xf32> to vector<1x16xf32>
        tpu.vector_store %arg14[%parallel_loop3A_257, %parallel_loop3A_258], %parallel_loop3A_261 {strides = array<i32>} : memref<16x1024xf32, #tpu.memory_space<vmem>>, vector<1x16xf32>,
        %parallel_loop3A_262 = arith.constant 3 : i32
        %parallel_loop3A_263 = arith.index_cast %parallel_loop3A_262 : i32 to index
        %parallel_loop3A_264 = arith.index_cast %parallel_loop3A_216 : i32 to index
        %parallel_loop3A_265 = tpu.vector_load %arg10[%parallel_loop3A_263, %parallel_loop3A_264] {strides = array<i32>} : memref<16x1024xf32, #tpu.memory_space<vmem>>, vector<1x16xf32>,
        %parallel_loop3A_266 = vector.shape_cast %parallel_loop3A_265 : vector<1x16xf32> to vector<16xf32>
        %parallel_loop3A_267 = arith.mulf %parallel_loop3A_266, %parallel_loop3A_219 : vector<16xf32>
        %parallel_loop3A_268 = arith.addf %parallel_loop3A_267, %parallel_loop3A_222 : vector<16xf32>
        %parallel_loop3A_269 = arith.constant 3 : i32
        %parallel_loop3A_270 = arith.index_cast %parallel_loop3A_269 : i32 to index
        %parallel_loop3A_271 = arith.index_cast %parallel_loop3A_216 : i32 to index
        %parallel_loop3A_272 = tpu.vector_load %arg14[%parallel_loop3A_270, %parallel_loop3A_271] {strides = array<i32>} : memref<16x1024xf32, #tpu.memory_space<vmem>>, vector<1x16xf32>,
        %parallel_loop3A_273 = vector.shape_cast %parallel_loop3A_272 : vector<1x16xf32> to vector<16xf32>
        %parallel_loop3A_274 = vector.shape_cast %parallel_loop3A_268 : vector<16xf32> to vector<1x16xf32>
        tpu.vector_store %arg14[%parallel_loop3A_270, %parallel_loop3A_271], %parallel_loop3A_274 {strides = array<i32>} : memref<16x1024xf32, #tpu.memory_space<vmem>>, vector<1x16xf32>,
        %parallel_loop3A_275 = arith.constant 4 : i32
        %parallel_loop3A_276 = arith.index_cast %parallel_loop3A_275 : i32 to index
        %parallel_loop3A_277 = arith.index_cast %parallel_loop3A_216 : i32 to index
        %parallel_loop3A_278 = tpu.vector_load %arg10[%parallel_loop3A_276, %parallel_loop3A_277] {strides = array<i32>} : memref<16x1024xf32, #tpu.memory_space<vmem>>, vector<1x16xf32>,
        %parallel_loop3A_279 = vector.shape_cast %parallel_loop3A_278 : vector<1x16xf32> to vector<16xf32>
        %parallel_loop3A_280 = arith.mulf %parallel_loop3A_279, %parallel_loop3A_219 : vector<16xf32>
        %parallel_loop3A_281 = arith.addf %parallel_loop3A_280, %parallel_loop3A_222 : vector<16xf32>
        %parallel_loop3A_282 = arith.constant 4 : i32
        %parallel_loop3A_283 = arith.index_cast %parallel_loop3A_282 : i32 to index
        %parallel_loop3A_284 = arith.index_cast %parallel_loop3A_216 : i32 to index
        %parallel_loop3A_285 = tpu.vector_load %arg14[%parallel_loop3A_283, %parallel_loop3A_284] {strides = array<i32>} : memref<16x1024xf32, #tpu.memory_space<vmem>>, vector<1x16xf32>,
        %parallel_loop3A_286 = vector.shape_cast %parallel_loop3A_285 : vector<1x16xf32> to vector<16xf32>
        %parallel_loop3A_287 = vector.shape_cast %parallel_loop3A_281 : vector<16xf32> to vector<1x16xf32>
        tpu.vector_store %arg14[%parallel_loop3A_283, %parallel_loop3A_284], %parallel_loop3A_287 {strides = array<i32>} : memref<16x1024xf32, #tpu.memory_space<vmem>>, vector<1x16xf32>,
        %parallel_loop3A_288 = arith.constant 5 : i32
        %parallel_loop3A_289 = arith.index_cast %parallel_loop3A_288 : i32 to index
        %parallel_loop3A_290 = arith.index_cast %parallel_loop3A_216 : i32 to index
        %parallel_loop3A_291 = tpu.vector_load %arg10[%parallel_loop3A_289, %parallel_loop3A_290] {strides = array<i32>} : memref<16x1024xf32, #tpu.memory_space<vmem>>, vector<1x16xf32>,
        %parallel_loop3A_292 = vector.shape_cast %parallel_loop3A_291 : vector<1x16xf32> to vector<16xf32>
        %parallel_loop3A_293 = arith.mulf %parallel_loop3A_292, %parallel_loop3A_219 : vector<16xf32>
        %parallel_loop3A_294 = arith.addf %parallel_loop3A_293, %parallel_loop3A_222 : vector<16xf32>
        %parallel_loop3A_295 = arith.constant 5 : i32
        %parallel_loop3A_296 = arith.index_cast %parallel_loop3A_295 : i32 to index
        %parallel_loop3A_297 = arith.index_cast %parallel_loop3A_216 : i32 to index
        %parallel_loop3A_298 = tpu.vector_load %arg14[%parallel_loop3A_296, %parallel_loop3A_297] {strides = array<i32>} : memref<16x1024xf32, #tpu.memory_space<vmem>>, vector<1x16xf32>,
        %parallel_loop3A_299 = vector.shape_cast %parallel_loop3A_298 : vector<1x16xf32> to vector<16xf32>
        %parallel_loop3A_300 = vector.shape_cast %parallel_loop3A_294 : vector<16xf32> to vector<1x16xf32>
        tpu.vector_store %arg14[%parallel_loop3A_296, %parallel_loop3A_297], %parallel_loop3A_300 {strides = array<i32>} : memref<16x1024xf32, #tpu.memory_space<vmem>>, vector<1x16xf32>,
        %parallel_loop3A_301 = arith.constant 6 : i32
        %parallel_loop3A_302 = arith.index_cast %parallel_loop3A_301 : i32 to index
        %parallel_loop3A_303 = arith.index_cast %parallel_loop3A_216 : i32 to index
        %parallel_loop3A_304 = tpu.vector_load %arg10[%parallel_loop3A_302, %parallel_loop3A_303] {strides = array<i32>} : memref<16x1024xf32, #tpu.memory_space<vmem>>, vector<1x16xf32>,
        %parallel_loop3A_305 = vector.shape_cast %parallel_loop3A_304 : vector<1x16xf32> to vector<16xf32>
        %parallel_loop3A_306 = arith.mulf %parallel_loop3A_305, %parallel_loop3A_219 : vector<16xf32>
        %parallel_loop3A_307 = arith.addf %parallel_loop3A_306, %parallel_loop3A_222 : vector<16xf32>
        %parallel_loop3A_308 = arith.constant 6 : i32
        %parallel_loop3A_309 = arith.index_cast %parallel_loop3A_308 : i32 to index
        %parallel_loop3A_310 = arith.index_cast %parallel_loop3A_216 : i32 to index
        %parallel_loop3A_311 = tpu.vector_load %arg14[%parallel_loop3A_309, %parallel_loop3A_310] {strides = array<i32>} : memref<16x1024xf32, #tpu.memory_space<vmem>>, vector<1x16xf32>,
        %parallel_loop3A_312 = vector.shape_cast %parallel_loop3A_311 : vector<1x16xf32> to vector<16xf32>
        %parallel_loop3A_313 = vector.shape_cast %parallel_loop3A_307 : vector<16xf32> to vector<1x16xf32>
        tpu.vector_store %arg14[%parallel_loop3A_309, %parallel_loop3A_310], %parallel_loop3A_313 {strides = array<i32>} : memref<16x1024xf32, #tpu.memory_space<vmem>>, vector<1x16xf32>,
        %parallel_loop3A_314 = arith.constant 7 : i32
        %parallel_loop3A_315 = arith.index_cast %parallel_loop3A_314 : i32 to index
        %parallel_loop3A_316 = arith.index_cast %parallel_loop3A_216 : i32 to index
        %parallel_loop3A_317 = tpu.vector_load %arg10[%parallel_loop3A_315, %parallel_loop3A_316] {strides = array<i32>} : memref<16x1024xf32, #tpu.memory_space<vmem>>, vector<1x16xf32>,
        %parallel_loop3A_318 = vector.shape_cast %parallel_loop3A_317 : vector<1x16xf32> to vector<16xf32>
        %parallel_loop3A_319 = arith.mulf %parallel_loop3A_318, %parallel_loop3A_219 : vector<16xf32>
        %parallel_loop3A_320 = arith.addf %parallel_loop3A_319, %parallel_loop3A_222 : vector<16xf32>
        %parallel_loop3A_321 = arith.constant 7 : i32
        %parallel_loop3A_322 = arith.index_cast %parallel_loop3A_321 : i32 to index
        %parallel_loop3A_323 = arith.index_cast %parallel_loop3A_216 : i32 to index
        %parallel_loop3A_324 = tpu.vector_load %arg14[%parallel_loop3A_322, %parallel_loop3A_323] {strides = array<i32>} : memref<16x1024xf32, #tpu.memory_space<vmem>>, vector<1x16xf32>,
        %parallel_loop3A_325 = vector.shape_cast %parallel_loop3A_324 : vector<1x16xf32> to vector<16xf32>
        %parallel_loop3A_326 = vector.shape_cast %parallel_loop3A_320 : vector<16xf32> to vector<1x16xf32>
        tpu.vector_store %arg14[%parallel_loop3A_322, %parallel_loop3A_323], %parallel_loop3A_326 {strides = array<i32>} : memref<16x1024xf32, #tpu.memory_space<vmem>>, vector<1x16xf32>,
        %parallel_loop3A_327 = arith.constant 8 : i32
        %parallel_loop3A_328 = arith.index_cast %parallel_loop3A_327 : i32 to index
        %parallel_loop3A_329 = arith.index_cast %parallel_loop3A_216 : i32 to index
        %parallel_loop3A_330 = tpu.vector_load %arg10[%parallel_loop3A_328, %parallel_loop3A_329] {strides = array<i32>} : memref<16x1024xf32, #tpu.memory_space<vmem>>, vector<1x16xf32>,
        %parallel_loop3A_331 = vector.shape_cast %parallel_loop3A_330 : vector<1x16xf32> to vector<16xf32>
        %parallel_loop3A_332 = arith.mulf %parallel_loop3A_331, %parallel_loop3A_219 : vector<16xf32>
        %parallel_loop3A_333 = arith.addf %parallel_loop3A_332, %parallel_loop3A_222 : vector<16xf32>
        %parallel_loop3A_334 = arith.constant 8 : i32
        %parallel_loop3A_335 = arith.index_cast %parallel_loop3A_334 : i32 to index
        %parallel_loop3A_336 = arith.index_cast %parallel_loop3A_216 : i32 to index
        %parallel_loop3A_337 = tpu.vector_load %arg14[%parallel_loop3A_335, %parallel_loop3A_336] {strides = array<i32>} : memref<16x1024xf32, #tpu.memory_space<vmem>>, vector<1x16xf32>,
        %parallel_loop3A_338 = vector.shape_cast %parallel_loop3A_337 : vector<1x16xf32> to vector<16xf32>
        %parallel_loop3A_339 = vector.shape_cast %parallel_loop3A_333 : vector<16xf32> to vector<1x16xf32>
        tpu.vector_store %arg14[%parallel_loop3A_335, %parallel_loop3A_336], %parallel_loop3A_339 {strides = array<i32>} : memref<16x1024xf32, #tpu.memory_space<vmem>>, vector<1x16xf32>,
        %parallel_loop3A_340 = arith.constant 9 : i32
        %parallel_loop3A_341 = arith.index_cast %parallel_loop3A_340 : i32 to index
        %parallel_loop3A_342 = arith.index_cast %parallel_loop3A_216 : i32 to index
        %parallel_loop3A_343 = tpu.vector_load %arg10[%parallel_loop3A_341, %parallel_loop3A_342] {strides = array<i32>} : memref<16x1024xf32, #tpu.memory_space<vmem>>, vector<1x16xf32>,
        %parallel_loop3A_344 = vector.shape_cast %parallel_loop3A_343 : vector<1x16xf32> to vector<16xf32>
        %parallel_loop3A_345 = arith.mulf %parallel_loop3A_344, %parallel_loop3A_219 : vector<16xf32>
        %parallel_loop3A_346 = arith.addf %parallel_loop3A_345, %parallel_loop3A_222 : vector<16xf32>
        %parallel_loop3A_347 = arith.constant 9 : i32
        %parallel_loop3A_348 = arith.index_cast %parallel_loop3A_347 : i32 to index
        %parallel_loop3A_349 = arith.index_cast %parallel_loop3A_216 : i32 to index
        %parallel_loop3A_350 = tpu.vector_load %arg14[%parallel_loop3A_348, %parallel_loop3A_349] {strides = array<i32>} : memref<16x1024xf32, #tpu.memory_space<vmem>>, vector<1x16xf32>,
        %parallel_loop3A_351 = vector.shape_cast %parallel_loop3A_350 : vector<1x16xf32> to vector<16xf32>
        %parallel_loop3A_352 = vector.shape_cast %parallel_loop3A_346 : vector<16xf32> to vector<1x16xf32>
        tpu.vector_store %arg14[%parallel_loop3A_348, %parallel_loop3A_349], %parallel_loop3A_352 {strides = array<i32>} : memref<16x1024xf32, #tpu.memory_space<vmem>>, vector<1x16xf32>,
        %parallel_loop3A_353 = arith.constant 10 : i32
        %parallel_loop3A_354 = arith.index_cast %parallel_loop3A_353 : i32 to index
        %parallel_loop3A_355 = arith.index_cast %parallel_loop3A_216 : i32 to index
        %parallel_loop3A_356 = tpu.vector_load %arg10[%parallel_loop3A_354, %parallel_loop3A_355] {strides = array<i32>} : memref<16x1024xf32, #tpu.memory_space<vmem>>, vector<1x16xf32>,
        %parallel_loop3A_357 = vector.shape_cast %parallel_loop3A_356 : vector<1x16xf32> to vector<16xf32>
        %parallel_loop3A_358 = arith.mulf %parallel_loop3A_357, %parallel_loop3A_219 : vector<16xf32>
        %parallel_loop3A_359 = arith.addf %parallel_loop3A_358, %parallel_loop3A_222 : vector<16xf32>
        %parallel_loop3A_360 = arith.constant 10 : i32
        %parallel_loop3A_361 = arith.index_cast %parallel_loop3A_360 : i32 to index
        %parallel_loop3A_362 = arith.index_cast %parallel_loop3A_216 : i32 to index
        %parallel_loop3A_363 = tpu.vector_load %arg14[%parallel_loop3A_361, %parallel_loop3A_362] {strides = array<i32>} : memref<16x1024xf32, #tpu.memory_space<vmem>>, vector<1x16xf32>,
        %parallel_loop3A_364 = vector.shape_cast %parallel_loop3A_363 : vector<1x16xf32> to vector<16xf32>
        %parallel_loop3A_365 = vector.shape_cast %parallel_loop3A_359 : vector<16xf32> to vector<1x16xf32>
        tpu.vector_store %arg14[%parallel_loop3A_361, %parallel_loop3A_362], %parallel_loop3A_365 {strides = array<i32>} : memref<16x1024xf32, #tpu.memory_space<vmem>>, vector<1x16xf32>,
        %parallel_loop3A_366 = arith.constant 11 : i32
        %parallel_loop3A_367 = arith.index_cast %parallel_loop3A_366 : i32 to index
        %parallel_loop3A_368 = arith.index_cast %parallel_loop3A_216 : i32 to index
        %parallel_loop3A_369 = tpu.vector_load %arg10[%parallel_loop3A_367, %parallel_loop3A_368] {strides = array<i32>} : memref<16x1024xf32, #tpu.memory_space<vmem>>, vector<1x16xf32>,
        %parallel_loop3A_370 = vector.shape_cast %parallel_loop3A_369 : vector<1x16xf32> to vector<16xf32>
        %parallel_loop3A_371 = arith.mulf %parallel_loop3A_370, %parallel_loop3A_219 : vector<16xf32>
        %parallel_loop3A_372 = arith.addf %parallel_loop3A_371, %parallel_loop3A_222 : vector<16xf32>
        %parallel_loop3A_373 = arith.constant 11 : i32
        %parallel_loop3A_374 = arith.index_cast %parallel_loop3A_373 : i32 to index
        %parallel_loop3A_375 = arith.index_cast %parallel_loop3A_216 : i32 to index
        %parallel_loop3A_376 = tpu.vector_load %arg14[%parallel_loop3A_374, %parallel_loop3A_375] {strides = array<i32>} : memref<16x1024xf32, #tpu.memory_space<vmem>>, vector<1x16xf32>,
        %parallel_loop3A_377 = vector.shape_cast %parallel_loop3A_376 : vector<1x16xf32> to vector<16xf32>
        %parallel_loop3A_378 = vector.shape_cast %parallel_loop3A_372 : vector<16xf32> to vector<1x16xf32>
        tpu.vector_store %arg14[%parallel_loop3A_374, %parallel_loop3A_375], %parallel_loop3A_378 {strides = array<i32>} : memref<16x1024xf32, #tpu.memory_space<vmem>>, vector<1x16xf32>,
        %parallel_loop3A_379 = arith.constant 12 : i32
        %parallel_loop3A_380 = arith.index_cast %parallel_loop3A_379 : i32 to index
        %parallel_loop3A_381 = arith.index_cast %parallel_loop3A_216 : i32 to index
        %parallel_loop3A_382 = tpu.vector_load %arg10[%parallel_loop3A_380, %parallel_loop3A_381] {strides = array<i32>} : memref<16x1024xf32, #tpu.memory_space<vmem>>, vector<1x16xf32>,
        %parallel_loop3A_383 = vector.shape_cast %parallel_loop3A_382 : vector<1x16xf32> to vector<16xf32>
        %parallel_loop3A_384 = arith.mulf %parallel_loop3A_383, %parallel_loop3A_219 : vector<16xf32>
        %parallel_loop3A_385 = arith.addf %parallel_loop3A_384, %parallel_loop3A_222 : vector<16xf32>
        %parallel_loop3A_386 = arith.constant 12 : i32
        %parallel_loop3A_387 = arith.index_cast %parallel_loop3A_386 : i32 to index
        %parallel_loop3A_388 = arith.index_cast %parallel_loop3A_216 : i32 to index
        %parallel_loop3A_389 = tpu.vector_load %arg14[%parallel_loop3A_387, %parallel_loop3A_388] {strides = array<i32>} : memref<16x1024xf32, #tpu.memory_space<vmem>>, vector<1x16xf32>,
        %parallel_loop3A_390 = vector.shape_cast %parallel_loop3A_389 : vector<1x16xf32> to vector<16xf32>
        %parallel_loop3A_391 = vector.shape_cast %parallel_loop3A_385 : vector<16xf32> to vector<1x16xf32>
        tpu.vector_store %arg14[%parallel_loop3A_387, %parallel_loop3A_388], %parallel_loop3A_391 {strides = array<i32>} : memref<16x1024xf32, #tpu.memory_space<vmem>>, vector<1x16xf32>,
        %parallel_loop3A_392 = arith.constant 13 : i32
        %parallel_loop3A_393 = arith.index_cast %parallel_loop3A_392 : i32 to index
        %parallel_loop3A_394 = arith.index_cast %parallel_loop3A_216 : i32 to index
        %parallel_loop3A_395 = tpu.vector_load %arg10[%parallel_loop3A_393, %parallel_loop3A_394] {strides = array<i32>} : memref<16x1024xf32, #tpu.memory_space<vmem>>, vector<1x16xf32>,
        %parallel_loop3A_396 = vector.shape_cast %parallel_loop3A_395 : vector<1x16xf32> to vector<16xf32>
        %parallel_loop3A_397 = arith.mulf %parallel_loop3A_396, %parallel_loop3A_219 : vector<16xf32>
        %parallel_loop3A_398 = arith.addf %parallel_loop3A_397, %parallel_loop3A_222 : vector<16xf32>
        %parallel_loop3A_399 = arith.constant 13 : i32
        %parallel_loop3A_400 = arith.index_cast %parallel_loop3A_399 : i32 to index
        %parallel_loop3A_401 = arith.index_cast %parallel_loop3A_216 : i32 to index
        %parallel_loop3A_402 = tpu.vector_load %arg14[%parallel_loop3A_400, %parallel_loop3A_401] {strides = array<i32>} : memref<16x1024xf32, #tpu.memory_space<vmem>>, vector<1x16xf32>,
        %parallel_loop3A_403 = vector.shape_cast %parallel_loop3A_402 : vector<1x16xf32> to vector<16xf32>
        %parallel_loop3A_404 = vector.shape_cast %parallel_loop3A_398 : vector<16xf32> to vector<1x16xf32>
        tpu.vector_store %arg14[%parallel_loop3A_400, %parallel_loop3A_401], %parallel_loop3A_404 {strides = array<i32>} : memref<16x1024xf32, #tpu.memory_space<vmem>>, vector<1x16xf32>,
        %parallel_loop3A_405 = arith.constant 14 : i32
        %parallel_loop3A_406 = arith.index_cast %parallel_loop3A_405 : i32 to index
        %parallel_loop3A_407 = arith.index_cast %parallel_loop3A_216 : i32 to index
        %parallel_loop3A_408 = tpu.vector_load %arg10[%parallel_loop3A_406, %parallel_loop3A_407] {strides = array<i32>} : memref<16x1024xf32, #tpu.memory_space<vmem>>, vector<1x16xf32>,
        %parallel_loop3A_409 = vector.shape_cast %parallel_loop3A_408 : vector<1x16xf32> to vector<16xf32>
        %parallel_loop3A_410 = arith.mulf %parallel_loop3A_409, %parallel_loop3A_219 : vector<16xf32>
        %parallel_loop3A_411 = arith.addf %parallel_loop3A_410, %parallel_loop3A_222 : vector<16xf32>
        %parallel_loop3A_412 = arith.constant 14 : i32
        %parallel_loop3A_413 = arith.index_cast %parallel_loop3A_412 : i32 to index
        %parallel_loop3A_414 = arith.index_cast %parallel_loop3A_216 : i32 to index
        %parallel_loop3A_415 = tpu.vector_load %arg14[%parallel_loop3A_413, %parallel_loop3A_414] {strides = array<i32>} : memref<16x1024xf32, #tpu.memory_space<vmem>>, vector<1x16xf32>,
        %parallel_loop3A_416 = vector.shape_cast %parallel_loop3A_415 : vector<1x16xf32> to vector<16xf32>
        %parallel_loop3A_417 = vector.shape_cast %parallel_loop3A_411 : vector<16xf32> to vector<1x16xf32>
        tpu.vector_store %arg14[%parallel_loop3A_413, %parallel_loop3A_414], %parallel_loop3A_417 {strides = array<i32>} : memref<16x1024xf32, #tpu.memory_space<vmem>>, vector<1x16xf32>,
        %parallel_loop3A_418 = arith.constant 15 : i32
        %parallel_loop3A_419 = arith.index_cast %parallel_loop3A_418 : i32 to index
        %parallel_loop3A_420 = arith.index_cast %parallel_loop3A_216 : i32 to index
        %parallel_loop3A_421 = tpu.vector_load %arg10[%parallel_loop3A_419, %parallel_loop3A_420] {strides = array<i32>} : memref<16x1024xf32, #tpu.memory_space<vmem>>, vector<1x16xf32>,
        %parallel_loop3A_422 = vector.shape_cast %parallel_loop3A_421 : vector<1x16xf32> to vector<16xf32>
        %parallel_loop3A_423 = arith.mulf %parallel_loop3A_422, %parallel_loop3A_219 : vector<16xf32>
        %parallel_loop3A_424 = arith.addf %parallel_loop3A_423, %parallel_loop3A_222 : vector<16xf32>
        %parallel_loop3A_425 = arith.constant 15 : i32
        %parallel_loop3A_426 = arith.index_cast %parallel_loop3A_425 : i32 to index
        %parallel_loop3A_427 = arith.index_cast %parallel_loop3A_216 : i32 to index
        %parallel_loop3A_428 = tpu.vector_load %arg14[%parallel_loop3A_426, %parallel_loop3A_427] {strides = array<i32>} : memref<16x1024xf32, #tpu.memory_space<vmem>>, vector<1x16xf32>,
        %parallel_loop3A_429 = vector.shape_cast %parallel_loop3A_428 : vector<1x16xf32> to vector<16xf32>
        %parallel_loop3A_430 = vector.shape_cast %parallel_loop3A_424 : vector<16xf32> to vector<1x16xf32>
        tpu.vector_store %arg14[%parallel_loop3A_426, %parallel_loop3A_427], %parallel_loop3A_430 {strides = array<i32>} : memref<16x1024xf32, #tpu.memory_space<vmem>>, vector<1x16xf32>,
      } {sc.loop_unroll_factor = 8 : i64, sc.parallel_access}
      %add3A_184 = arith.addi %mul3A_2, %add3A_163 : i32
      %dma_start3A_185 = arith.constant 0 : i32
      %dma_start3A_186 = tpu.memref_slice %arg6[%add3A_184, %dma_start3A_185] : memref<32768x1024xf32, #tpu.memory_space<hbm>> -> memref<16x1024xf32, #tpu.memory_space<hbm>>
      %dma_start3A_187 = arith.constant 0 : i32
      %dma_start3A_188 = tpu.memref_slice %arg6[%add3A_184, %dma_start3A_187] : memref<32768x1024xf32, #tpu.memory_space<hbm>> -> memref<16x1024xf32, #tpu.memory_space<hbm>>
      tpu.enqueue_dma source(%arg14 : memref<16x1024xf32, #tpu.memory_space<vmem>>) target(%dma_start3A_188 : memref<16x1024xf32, #tpu.memory_space<hbm>>) target_semaphore(%arg20 : memref<!tpu.dma_semaphore, #tpu.memory_space<semaphore_mem>>)
      %add3A_189 = arith.constant 48 : i32
      %add3A_190 = arith.addi %add3A_108, %add3A_189 : i32
      %add3A_191 = arith.constant 32 : i32
      %add3A_192 = arith.addi %add3A_190, %add3A_191 : i32
      %dma_start3A_193 = tpu.memref_slice %arg7[%add3A_192] : memref<1024xi32, #tpu.memory_space<vmem>> -> memref<16xi32, #tpu.memory_space<vmem>>
      %dma_start3A_194 = arith.constant 0 : i32
      %dma_start3A_195 = arith.constant 0 : i32
      %dma_start3A_196 = tpu.memref_slice %arg2[%dma_start3A_194, %dma_start3A_195] : memref<8192x1024xf32, #tpu.memory_space<hbm>> -> memref<8192x1024xf32, #tpu.memory_space<hbm>>
      tpu.enqueue_indirect_dma source(%dma_start3A_196 : memref<8192x1024xf32, #tpu.memory_space<hbm>>) target(%arg13 : memref<16x1024xf32, #tpu.memory_space<vmem>>) offsets(%dma_start3A_193 : memref<16xi32, #tpu.memory_space<vmem>>) semaphore(%arg19 : memref<!tpu.dma_semaphore, #tpu.memory_space<semaphore_mem>>)
      %sub3A_197 = arith.constant 32 : i32
      %sub3A_198 = arith.subi %add3A_190, %sub3A_197 : i32
      %add3A_199 = arith.addi %mul3A_2, %sub3A_198 : i32
      %dma_wait3A_200 = arith.constant 0 : i32
      %dma_wait3A_201 = tpu.memref_slice %arg6[%add3A_199, %dma_wait3A_200] : memref<32768x1024xf32, #tpu.memory_space<hbm>> -> memref<16x1024xf32, #tpu.memory_space<hbm>>
      %dma_wait3A_202 = arith.constant 0 : i32
      %dma_wait3A_203 = tpu.memref_slice %arg6[%add3A_199, %dma_wait3A_202] : memref<32768x1024xf32, #tpu.memory_space<hbm>> -> memref<16x1024xf32, #tpu.memory_space<hbm>>
      tpu.wait_dma2 semaphore(%arg21 : memref<!tpu.dma_semaphore, #tpu.memory_space<semaphore_mem>>) src(%arg15 : memref<16x1024xf32, #tpu.memory_space<vmem>>) dst(%dma_wait3A_203 : memref<16x1024xf32, #tpu.memory_space<hbm>>)
      %dma_wait3A_204 = tpu.memref_slice %arg7[%add3A_190] : memref<1024xi32, #tpu.memory_space<vmem>> -> memref<16xi32, #tpu.memory_space<vmem>>
      %dma_wait3A_205 = arith.constant 0 : i32
      %dma_wait3A_206 = arith.constant 0 : i32
      %dma_wait3A_207 = tpu.memref_slice %arg2[%dma_wait3A_205, %dma_wait3A_206] : memref<8192x1024xf32, #tpu.memory_space<hbm>> -> memref<8192x1024xf32, #tpu.memory_space<hbm>>
      tpu.wait_indirect_dma semaphore(%arg17 : memref<!tpu.dma_semaphore, #tpu.memory_space<semaphore_mem>>) src(%dma_wait3A_207 : memref<8192x1024xf32, #tpu.memory_space<hbm>>) dst(%arg11 : memref<16x1024xf32, #tpu.memory_space<vmem>>)
      %parallel_loop3A_208 = arith.constant 0 : i32
      %parallel_loop3A_209 = arith.constant 1024 : i32
      %parallel_loop3A_210 = arith.constant 16 : i32
      scf.for %parallel_loop3A_216 = %parallel_loop3A_208 to %parallel_loop3A_209 step %parallel_loop3A_210  : i32 {
        %parallel_loop3A_217 = arith.index_cast %parallel_loop3A_216 : i32 to index
        %parallel_loop3A_218 = tpu.vector_load %arg8[%parallel_loop3A_217] {strides = array<i32>} : memref<1024xf32, #tpu.memory_space<vmem>>, vector<16xf32>,
        %parallel_loop3A_219 = vector.shape_cast %parallel_loop3A_218 : vector<16xf32> to vector<16xf32>
        %parallel_loop3A_220 = arith.index_cast %parallel_loop3A_216 : i32 to index
        %parallel_loop3A_221 = tpu.vector_load %arg9[%parallel_loop3A_220] {strides = array<i32>} : memref<1024xf32, #tpu.memory_space<vmem>>, vector<16xf32>,
        %parallel_loop3A_222 = vector.shape_cast %parallel_loop3A_221 : vector<16xf32> to vector<16xf32>
        %parallel_loop3A_223 = arith.constant 0 : i32
        %parallel_loop3A_224 = arith.index_cast %parallel_loop3A_223 : i32 to index
        %parallel_loop3A_225 = arith.index_cast %parallel_loop3A_216 : i32 to index
        %parallel_loop3A_226 = tpu.vector_load %arg11[%parallel_loop3A_224, %parallel_loop3A_225] {strides = array<i32>} : memref<16x1024xf32, #tpu.memory_space<vmem>>, vector<1x16xf32>,
        %parallel_loop3A_227 = vector.shape_cast %parallel_loop3A_226 : vector<1x16xf32> to vector<16xf32>
        %parallel_loop3A_228 = arith.mulf %parallel_loop3A_227, %parallel_loop3A_219 : vector<16xf32>
        %parallel_loop3A_229 = arith.addf %parallel_loop3A_228, %parallel_loop3A_222 : vector<16xf32>
        %parallel_loop3A_230 = arith.constant 0 : i32
        %parallel_loop3A_231 = arith.index_cast %parallel_loop3A_230 : i32 to index
        %parallel_loop3A_232 = arith.index_cast %parallel_loop3A_216 : i32 to index
        %parallel_loop3A_233 = tpu.vector_load %arg15[%parallel_loop3A_231, %parallel_loop3A_232] {strides = array<i32>} : memref<16x1024xf32, #tpu.memory_space<vmem>>, vector<1x16xf32>,
        %parallel_loop3A_234 = vector.shape_cast %parallel_loop3A_233 : vector<1x16xf32> to vector<16xf32>
        %parallel_loop3A_235 = vector.shape_cast %parallel_loop3A_229 : vector<16xf32> to vector<1x16xf32>
        tpu.vector_store %arg15[%parallel_loop3A_231, %parallel_loop3A_232], %parallel_loop3A_235 {strides = array<i32>} : memref<16x1024xf32, #tpu.memory_space<vmem>>, vector<1x16xf32>,
        %parallel_loop3A_236 = arith.constant 1 : i32
        %parallel_loop3A_237 = arith.index_cast %parallel_loop3A_236 : i32 to index
        %parallel_loop3A_238 = arith.index_cast %parallel_loop3A_216 : i32 to index
        %parallel_loop3A_239 = tpu.vector_load %arg11[%parallel_loop3A_237, %parallel_loop3A_238] {strides = array<i32>} : memref<16x1024xf32, #tpu.memory_space<vmem>>, vector<1x16xf32>,
        %parallel_loop3A_240 = vector.shape_cast %parallel_loop3A_239 : vector<1x16xf32> to vector<16xf32>
        %parallel_loop3A_241 = arith.mulf %parallel_loop3A_240, %parallel_loop3A_219 : vector<16xf32>
        %parallel_loop3A_242 = arith.addf %parallel_loop3A_241, %parallel_loop3A_222 : vector<16xf32>
        %parallel_loop3A_243 = arith.constant 1 : i32
        %parallel_loop3A_244 = arith.index_cast %parallel_loop3A_243 : i32 to index
        %parallel_loop3A_245 = arith.index_cast %parallel_loop3A_216 : i32 to index
        %parallel_loop3A_246 = tpu.vector_load %arg15[%parallel_loop3A_244, %parallel_loop3A_245] {strides = array<i32>} : memref<16x1024xf32, #tpu.memory_space<vmem>>, vector<1x16xf32>,
        %parallel_loop3A_247 = vector.shape_cast %parallel_loop3A_246 : vector<1x16xf32> to vector<16xf32>
        %parallel_loop3A_248 = vector.shape_cast %parallel_loop3A_242 : vector<16xf32> to vector<1x16xf32>
        tpu.vector_store %arg15[%parallel_loop3A_244, %parallel_loop3A_245], %parallel_loop3A_248 {strides = array<i32>} : memref<16x1024xf32, #tpu.memory_space<vmem>>, vector<1x16xf32>,
        %parallel_loop3A_249 = arith.constant 2 : i32
        %parallel_loop3A_250 = arith.index_cast %parallel_loop3A_249 : i32 to index
        %parallel_loop3A_251 = arith.index_cast %parallel_loop3A_216 : i32 to index
        %parallel_loop3A_252 = tpu.vector_load %arg11[%parallel_loop3A_250, %parallel_loop3A_251] {strides = array<i32>} : memref<16x1024xf32, #tpu.memory_space<vmem>>, vector<1x16xf32>,
        %parallel_loop3A_253 = vector.shape_cast %parallel_loop3A_252 : vector<1x16xf32> to vector<16xf32>
        %parallel_loop3A_254 = arith.mulf %parallel_loop3A_253, %parallel_loop3A_219 : vector<16xf32>
        %parallel_loop3A_255 = arith.addf %parallel_loop3A_254, %parallel_loop3A_222 : vector<16xf32>
        %parallel_loop3A_256 = arith.constant 2 : i32
        %parallel_loop3A_257 = arith.index_cast %parallel_loop3A_256 : i32 to index
        %parallel_loop3A_258 = arith.index_cast %parallel_loop3A_216 : i32 to index
        %parallel_loop3A_259 = tpu.vector_load %arg15[%parallel_loop3A_257, %parallel_loop3A_258] {strides = array<i32>} : memref<16x1024xf32, #tpu.memory_space<vmem>>, vector<1x16xf32>,
        %parallel_loop3A_260 = vector.shape_cast %parallel_loop3A_259 : vector<1x16xf32> to vector<16xf32>
        %parallel_loop3A_261 = vector.shape_cast %parallel_loop3A_255 : vector<16xf32> to vector<1x16xf32>
        tpu.vector_store %arg15[%parallel_loop3A_257, %parallel_loop3A_258], %parallel_loop3A_261 {strides = array<i32>} : memref<16x1024xf32, #tpu.memory_space<vmem>>, vector<1x16xf32>,
        %parallel_loop3A_262 = arith.constant 3 : i32
        %parallel_loop3A_263 = arith.index_cast %parallel_loop3A_262 : i32 to index
        %parallel_loop3A_264 = arith.index_cast %parallel_loop3A_216 : i32 to index
        %parallel_loop3A_265 = tpu.vector_load %arg11[%parallel_loop3A_263, %parallel_loop3A_264] {strides = array<i32>} : memref<16x1024xf32, #tpu.memory_space<vmem>>, vector<1x16xf32>,
        %parallel_loop3A_266 = vector.shape_cast %parallel_loop3A_265 : vector<1x16xf32> to vector<16xf32>
        %parallel_loop3A_267 = arith.mulf %parallel_loop3A_266, %parallel_loop3A_219 : vector<16xf32>
        %parallel_loop3A_268 = arith.addf %parallel_loop3A_267, %parallel_loop3A_222 : vector<16xf32>
        %parallel_loop3A_269 = arith.constant 3 : i32
        %parallel_loop3A_270 = arith.index_cast %parallel_loop3A_269 : i32 to index
        %parallel_loop3A_271 = arith.index_cast %parallel_loop3A_216 : i32 to index
        %parallel_loop3A_272 = tpu.vector_load %arg15[%parallel_loop3A_270, %parallel_loop3A_271] {strides = array<i32>} : memref<16x1024xf32, #tpu.memory_space<vmem>>, vector<1x16xf32>,
        %parallel_loop3A_273 = vector.shape_cast %parallel_loop3A_272 : vector<1x16xf32> to vector<16xf32>
        %parallel_loop3A_274 = vector.shape_cast %parallel_loop3A_268 : vector<16xf32> to vector<1x16xf32>
        tpu.vector_store %arg15[%parallel_loop3A_270, %parallel_loop3A_271], %parallel_loop3A_274 {strides = array<i32>} : memref<16x1024xf32, #tpu.memory_space<vmem>>, vector<1x16xf32>,
        %parallel_loop3A_275 = arith.constant 4 : i32
        %parallel_loop3A_276 = arith.index_cast %parallel_loop3A_275 : i32 to index
        %parallel_loop3A_277 = arith.index_cast %parallel_loop3A_216 : i32 to index
        %parallel_loop3A_278 = tpu.vector_load %arg11[%parallel_loop3A_276, %parallel_loop3A_277] {strides = array<i32>} : memref<16x1024xf32, #tpu.memory_space<vmem>>, vector<1x16xf32>,
        %parallel_loop3A_279 = vector.shape_cast %parallel_loop3A_278 : vector<1x16xf32> to vector<16xf32>
        %parallel_loop3A_280 = arith.mulf %parallel_loop3A_279, %parallel_loop3A_219 : vector<16xf32>
        %parallel_loop3A_281 = arith.addf %parallel_loop3A_280, %parallel_loop3A_222 : vector<16xf32>
        %parallel_loop3A_282 = arith.constant 4 : i32
        %parallel_loop3A_283 = arith.index_cast %parallel_loop3A_282 : i32 to index
        %parallel_loop3A_284 = arith.index_cast %parallel_loop3A_216 : i32 to index
        %parallel_loop3A_285 = tpu.vector_load %arg15[%parallel_loop3A_283, %parallel_loop3A_284] {strides = array<i32>} : memref<16x1024xf32, #tpu.memory_space<vmem>>, vector<1x16xf32>,
        %parallel_loop3A_286 = vector.shape_cast %parallel_loop3A_285 : vector<1x16xf32> to vector<16xf32>
        %parallel_loop3A_287 = vector.shape_cast %parallel_loop3A_281 : vector<16xf32> to vector<1x16xf32>
        tpu.vector_store %arg15[%parallel_loop3A_283, %parallel_loop3A_284], %parallel_loop3A_287 {strides = array<i32>} : memref<16x1024xf32, #tpu.memory_space<vmem>>, vector<1x16xf32>,
        %parallel_loop3A_288 = arith.constant 5 : i32
        %parallel_loop3A_289 = arith.index_cast %parallel_loop3A_288 : i32 to index
        %parallel_loop3A_290 = arith.index_cast %parallel_loop3A_216 : i32 to index
        %parallel_loop3A_291 = tpu.vector_load %arg11[%parallel_loop3A_289, %parallel_loop3A_290] {strides = array<i32>} : memref<16x1024xf32, #tpu.memory_space<vmem>>, vector<1x16xf32>,
        %parallel_loop3A_292 = vector.shape_cast %parallel_loop3A_291 : vector<1x16xf32> to vector<16xf32>
        %parallel_loop3A_293 = arith.mulf %parallel_loop3A_292, %parallel_loop3A_219 : vector<16xf32>
        %parallel_loop3A_294 = arith.addf %parallel_loop3A_293, %parallel_loop3A_222 : vector<16xf32>
        %parallel_loop3A_295 = arith.constant 5 : i32
        %parallel_loop3A_296 = arith.index_cast %parallel_loop3A_295 : i32 to index
        %parallel_loop3A_297 = arith.index_cast %parallel_loop3A_216 : i32 to index
        %parallel_loop3A_298 = tpu.vector_load %arg15[%parallel_loop3A_296, %parallel_loop3A_297] {strides = array<i32>} : memref<16x1024xf32, #tpu.memory_space<vmem>>, vector<1x16xf32>,
        %parallel_loop3A_299 = vector.shape_cast %parallel_loop3A_298 : vector<1x16xf32> to vector<16xf32>
        %parallel_loop3A_300 = vector.shape_cast %parallel_loop3A_294 : vector<16xf32> to vector<1x16xf32>
        tpu.vector_store %arg15[%parallel_loop3A_296, %parallel_loop3A_297], %parallel_loop3A_300 {strides = array<i32>} : memref<16x1024xf32, #tpu.memory_space<vmem>>, vector<1x16xf32>,
        %parallel_loop3A_301 = arith.constant 6 : i32
        %parallel_loop3A_302 = arith.index_cast %parallel_loop3A_301 : i32 to index
        %parallel_loop3A_303 = arith.index_cast %parallel_loop3A_216 : i32 to index
        %parallel_loop3A_304 = tpu.vector_load %arg11[%parallel_loop3A_302, %parallel_loop3A_303] {strides = array<i32>} : memref<16x1024xf32, #tpu.memory_space<vmem>>, vector<1x16xf32>,
        %parallel_loop3A_305 = vector.shape_cast %parallel_loop3A_304 : vector<1x16xf32> to vector<16xf32>
        %parallel_loop3A_306 = arith.mulf %parallel_loop3A_305, %parallel_loop3A_219 : vector<16xf32>
        %parallel_loop3A_307 = arith.addf %parallel_loop3A_306, %parallel_loop3A_222 : vector<16xf32>
        %parallel_loop3A_308 = arith.constant 6 : i32
        %parallel_loop3A_309 = arith.index_cast %parallel_loop3A_308 : i32 to index
        %parallel_loop3A_310 = arith.index_cast %parallel_loop3A_216 : i32 to index
        %parallel_loop3A_311 = tpu.vector_load %arg15[%parallel_loop3A_309, %parallel_loop3A_310] {strides = array<i32>} : memref<16x1024xf32, #tpu.memory_space<vmem>>, vector<1x16xf32>,
        %parallel_loop3A_312 = vector.shape_cast %parallel_loop3A_311 : vector<1x16xf32> to vector<16xf32>
        %parallel_loop3A_313 = vector.shape_cast %parallel_loop3A_307 : vector<16xf32> to vector<1x16xf32>
        tpu.vector_store %arg15[%parallel_loop3A_309, %parallel_loop3A_310], %parallel_loop3A_313 {strides = array<i32>} : memref<16x1024xf32, #tpu.memory_space<vmem>>, vector<1x16xf32>,
        %parallel_loop3A_314 = arith.constant 7 : i32
        %parallel_loop3A_315 = arith.index_cast %parallel_loop3A_314 : i32 to index
        %parallel_loop3A_316 = arith.index_cast %parallel_loop3A_216 : i32 to index
        %parallel_loop3A_317 = tpu.vector_load %arg11[%parallel_loop3A_315, %parallel_loop3A_316] {strides = array<i32>} : memref<16x1024xf32, #tpu.memory_space<vmem>>, vector<1x16xf32>,
        %parallel_loop3A_318 = vector.shape_cast %parallel_loop3A_317 : vector<1x16xf32> to vector<16xf32>
        %parallel_loop3A_319 = arith.mulf %parallel_loop3A_318, %parallel_loop3A_219 : vector<16xf32>
        %parallel_loop3A_320 = arith.addf %parallel_loop3A_319, %parallel_loop3A_222 : vector<16xf32>
        %parallel_loop3A_321 = arith.constant 7 : i32
        %parallel_loop3A_322 = arith.index_cast %parallel_loop3A_321 : i32 to index
        %parallel_loop3A_323 = arith.index_cast %parallel_loop3A_216 : i32 to index
        %parallel_loop3A_324 = tpu.vector_load %arg15[%parallel_loop3A_322, %parallel_loop3A_323] {strides = array<i32>} : memref<16x1024xf32, #tpu.memory_space<vmem>>, vector<1x16xf32>,
        %parallel_loop3A_325 = vector.shape_cast %parallel_loop3A_324 : vector<1x16xf32> to vector<16xf32>
        %parallel_loop3A_326 = vector.shape_cast %parallel_loop3A_320 : vector<16xf32> to vector<1x16xf32>
        tpu.vector_store %arg15[%parallel_loop3A_322, %parallel_loop3A_323], %parallel_loop3A_326 {strides = array<i32>} : memref<16x1024xf32, #tpu.memory_space<vmem>>, vector<1x16xf32>,
        %parallel_loop3A_327 = arith.constant 8 : i32
        %parallel_loop3A_328 = arith.index_cast %parallel_loop3A_327 : i32 to index
        %parallel_loop3A_329 = arith.index_cast %parallel_loop3A_216 : i32 to index
        %parallel_loop3A_330 = tpu.vector_load %arg11[%parallel_loop3A_328, %parallel_loop3A_329] {strides = array<i32>} : memref<16x1024xf32, #tpu.memory_space<vmem>>, vector<1x16xf32>,
        %parallel_loop3A_331 = vector.shape_cast %parallel_loop3A_330 : vector<1x16xf32> to vector<16xf32>
        %parallel_loop3A_332 = arith.mulf %parallel_loop3A_331, %parallel_loop3A_219 : vector<16xf32>
        %parallel_loop3A_333 = arith.addf %parallel_loop3A_332, %parallel_loop3A_222 : vector<16xf32>
        %parallel_loop3A_334 = arith.constant 8 : i32
        %parallel_loop3A_335 = arith.index_cast %parallel_loop3A_334 : i32 to index
        %parallel_loop3A_336 = arith.index_cast %parallel_loop3A_216 : i32 to index
        %parallel_loop3A_337 = tpu.vector_load %arg15[%parallel_loop3A_335, %parallel_loop3A_336] {strides = array<i32>} : memref<16x1024xf32, #tpu.memory_space<vmem>>, vector<1x16xf32>,
        %parallel_loop3A_338 = vector.shape_cast %parallel_loop3A_337 : vector<1x16xf32> to vector<16xf32>
        %parallel_loop3A_339 = vector.shape_cast %parallel_loop3A_333 : vector<16xf32> to vector<1x16xf32>
        tpu.vector_store %arg15[%parallel_loop3A_335, %parallel_loop3A_336], %parallel_loop3A_339 {strides = array<i32>} : memref<16x1024xf32, #tpu.memory_space<vmem>>, vector<1x16xf32>,
        %parallel_loop3A_340 = arith.constant 9 : i32
        %parallel_loop3A_341 = arith.index_cast %parallel_loop3A_340 : i32 to index
        %parallel_loop3A_342 = arith.index_cast %parallel_loop3A_216 : i32 to index
        %parallel_loop3A_343 = tpu.vector_load %arg11[%parallel_loop3A_341, %parallel_loop3A_342] {strides = array<i32>} : memref<16x1024xf32, #tpu.memory_space<vmem>>, vector<1x16xf32>,
        %parallel_loop3A_344 = vector.shape_cast %parallel_loop3A_343 : vector<1x16xf32> to vector<16xf32>
        %parallel_loop3A_345 = arith.mulf %parallel_loop3A_344, %parallel_loop3A_219 : vector<16xf32>
        %parallel_loop3A_346 = arith.addf %parallel_loop3A_345, %parallel_loop3A_222 : vector<16xf32>
        %parallel_loop3A_347 = arith.constant 9 : i32
        %parallel_loop3A_348 = arith.index_cast %parallel_loop3A_347 : i32 to index
        %parallel_loop3A_349 = arith.index_cast %parallel_loop3A_216 : i32 to index
        %parallel_loop3A_350 = tpu.vector_load %arg15[%parallel_loop3A_348, %parallel_loop3A_349] {strides = array<i32>} : memref<16x1024xf32, #tpu.memory_space<vmem>>, vector<1x16xf32>,
        %parallel_loop3A_351 = vector.shape_cast %parallel_loop3A_350 : vector<1x16xf32> to vector<16xf32>
        %parallel_loop3A_352 = vector.shape_cast %parallel_loop3A_346 : vector<16xf32> to vector<1x16xf32>
        tpu.vector_store %arg15[%parallel_loop3A_348, %parallel_loop3A_349], %parallel_loop3A_352 {strides = array<i32>} : memref<16x1024xf32, #tpu.memory_space<vmem>>, vector<1x16xf32>,
        %parallel_loop3A_353 = arith.constant 10 : i32
        %parallel_loop3A_354 = arith.index_cast %parallel_loop3A_353 : i32 to index
        %parallel_loop3A_355 = arith.index_cast %parallel_loop3A_216 : i32 to index
        %parallel_loop3A_356 = tpu.vector_load %arg11[%parallel_loop3A_354, %parallel_loop3A_355] {strides = array<i32>} : memref<16x1024xf32, #tpu.memory_space<vmem>>, vector<1x16xf32>,
        %parallel_loop3A_357 = vector.shape_cast %parallel_loop3A_356 : vector<1x16xf32> to vector<16xf32>
        %parallel_loop3A_358 = arith.mulf %parallel_loop3A_357, %parallel_loop3A_219 : vector<16xf32>
        %parallel_loop3A_359 = arith.addf %parallel_loop3A_358, %parallel_loop3A_222 : vector<16xf32>
        %parallel_loop3A_360 = arith.constant 10 : i32
        %parallel_loop3A_361 = arith.index_cast %parallel_loop3A_360 : i32 to index
        %parallel_loop3A_362 = arith.index_cast %parallel_loop3A_216 : i32 to index
        %parallel_loop3A_363 = tpu.vector_load %arg15[%parallel_loop3A_361, %parallel_loop3A_362] {strides = array<i32>} : memref<16x1024xf32, #tpu.memory_space<vmem>>, vector<1x16xf32>,
        %parallel_loop3A_364 = vector.shape_cast %parallel_loop3A_363 : vector<1x16xf32> to vector<16xf32>
        %parallel_loop3A_365 = vector.shape_cast %parallel_loop3A_359 : vector<16xf32> to vector<1x16xf32>
        tpu.vector_store %arg15[%parallel_loop3A_361, %parallel_loop3A_362], %parallel_loop3A_365 {strides = array<i32>} : memref<16x1024xf32, #tpu.memory_space<vmem>>, vector<1x16xf32>,
        %parallel_loop3A_366 = arith.constant 11 : i32
        %parallel_loop3A_367 = arith.index_cast %parallel_loop3A_366 : i32 to index
        %parallel_loop3A_368 = arith.index_cast %parallel_loop3A_216 : i32 to index
        %parallel_loop3A_369 = tpu.vector_load %arg11[%parallel_loop3A_367, %parallel_loop3A_368] {strides = array<i32>} : memref<16x1024xf32, #tpu.memory_space<vmem>>, vector<1x16xf32>,
        %parallel_loop3A_370 = vector.shape_cast %parallel_loop3A_369 : vector<1x16xf32> to vector<16xf32>
        %parallel_loop3A_371 = arith.mulf %parallel_loop3A_370, %parallel_loop3A_219 : vector<16xf32>
        %parallel_loop3A_372 = arith.addf %parallel_loop3A_371, %parallel_loop3A_222 : vector<16xf32>
        %parallel_loop3A_373 = arith.constant 11 : i32
        %parallel_loop3A_374 = arith.index_cast %parallel_loop3A_373 : i32 to index
        %parallel_loop3A_375 = arith.index_cast %parallel_loop3A_216 : i32 to index
        %parallel_loop3A_376 = tpu.vector_load %arg15[%parallel_loop3A_374, %parallel_loop3A_375] {strides = array<i32>} : memref<16x1024xf32, #tpu.memory_space<vmem>>, vector<1x16xf32>,
        %parallel_loop3A_377 = vector.shape_cast %parallel_loop3A_376 : vector<1x16xf32> to vector<16xf32>
        %parallel_loop3A_378 = vector.shape_cast %parallel_loop3A_372 : vector<16xf32> to vector<1x16xf32>
        tpu.vector_store %arg15[%parallel_loop3A_374, %parallel_loop3A_375], %parallel_loop3A_378 {strides = array<i32>} : memref<16x1024xf32, #tpu.memory_space<vmem>>, vector<1x16xf32>,
        %parallel_loop3A_379 = arith.constant 12 : i32
        %parallel_loop3A_380 = arith.index_cast %parallel_loop3A_379 : i32 to index
        %parallel_loop3A_381 = arith.index_cast %parallel_loop3A_216 : i32 to index
        %parallel_loop3A_382 = tpu.vector_load %arg11[%parallel_loop3A_380, %parallel_loop3A_381] {strides = array<i32>} : memref<16x1024xf32, #tpu.memory_space<vmem>>, vector<1x16xf32>,
        %parallel_loop3A_383 = vector.shape_cast %parallel_loop3A_382 : vector<1x16xf32> to vector<16xf32>
        %parallel_loop3A_384 = arith.mulf %parallel_loop3A_383, %parallel_loop3A_219 : vector<16xf32>
        %parallel_loop3A_385 = arith.addf %parallel_loop3A_384, %parallel_loop3A_222 : vector<16xf32>
        %parallel_loop3A_386 = arith.constant 12 : i32
        %parallel_loop3A_387 = arith.index_cast %parallel_loop3A_386 : i32 to index
        %parallel_loop3A_388 = arith.index_cast %parallel_loop3A_216 : i32 to index
        %parallel_loop3A_389 = tpu.vector_load %arg15[%parallel_loop3A_387, %parallel_loop3A_388] {strides = array<i32>} : memref<16x1024xf32, #tpu.memory_space<vmem>>, vector<1x16xf32>,
        %parallel_loop3A_390 = vector.shape_cast %parallel_loop3A_389 : vector<1x16xf32> to vector<16xf32>
        %parallel_loop3A_391 = vector.shape_cast %parallel_loop3A_385 : vector<16xf32> to vector<1x16xf32>
        tpu.vector_store %arg15[%parallel_loop3A_387, %parallel_loop3A_388], %parallel_loop3A_391 {strides = array<i32>} : memref<16x1024xf32, #tpu.memory_space<vmem>>, vector<1x16xf32>,
        %parallel_loop3A_392 = arith.constant 13 : i32
        %parallel_loop3A_393 = arith.index_cast %parallel_loop3A_392 : i32 to index
        %parallel_loop3A_394 = arith.index_cast %parallel_loop3A_216 : i32 to index
        %parallel_loop3A_395 = tpu.vector_load %arg11[%parallel_loop3A_393, %parallel_loop3A_394] {strides = array<i32>} : memref<16x1024xf32, #tpu.memory_space<vmem>>, vector<1x16xf32>,
        %parallel_loop3A_396 = vector.shape_cast %parallel_loop3A_395 : vector<1x16xf32> to vector<16xf32>
        %parallel_loop3A_397 = arith.mulf %parallel_loop3A_396, %parallel_loop3A_219 : vector<16xf32>
        %parallel_loop3A_398 = arith.addf %parallel_loop3A_397, %parallel_loop3A_222 : vector<16xf32>
        %parallel_loop3A_399 = arith.constant 13 : i32
        %parallel_loop3A_400 = arith.index_cast %parallel_loop3A_399 : i32 to index
        %parallel_loop3A_401 = arith.index_cast %parallel_loop3A_216 : i32 to index
        %parallel_loop3A_402 = tpu.vector_load %arg15[%parallel_loop3A_400, %parallel_loop3A_401] {strides = array<i32>} : memref<16x1024xf32, #tpu.memory_space<vmem>>, vector<1x16xf32>,
        %parallel_loop3A_403 = vector.shape_cast %parallel_loop3A_402 : vector<1x16xf32> to vector<16xf32>
        %parallel_loop3A_404 = vector.shape_cast %parallel_loop3A_398 : vector<16xf32> to vector<1x16xf32>
        tpu.vector_store %arg15[%parallel_loop3A_400, %parallel_loop3A_401], %parallel_loop3A_404 {strides = array<i32>} : memref<16x1024xf32, #tpu.memory_space<vmem>>, vector<1x16xf32>,
        %parallel_loop3A_405 = arith.constant 14 : i32
        %parallel_loop3A_406 = arith.index_cast %parallel_loop3A_405 : i32 to index
        %parallel_loop3A_407 = arith.index_cast %parallel_loop3A_216 : i32 to index
        %parallel_loop3A_408 = tpu.vector_load %arg11[%parallel_loop3A_406, %parallel_loop3A_407] {strides = array<i32>} : memref<16x1024xf32, #tpu.memory_space<vmem>>, vector<1x16xf32>,
        %parallel_loop3A_409 = vector.shape_cast %parallel_loop3A_408 : vector<1x16xf32> to vector<16xf32>
        %parallel_loop3A_410 = arith.mulf %parallel_loop3A_409, %parallel_loop3A_219 : vector<16xf32>
        %parallel_loop3A_411 = arith.addf %parallel_loop3A_410, %parallel_loop3A_222 : vector<16xf32>
        %parallel_loop3A_412 = arith.constant 14 : i32
        %parallel_loop3A_413 = arith.index_cast %parallel_loop3A_412 : i32 to index
        %parallel_loop3A_414 = arith.index_cast %parallel_loop3A_216 : i32 to index
        %parallel_loop3A_415 = tpu.vector_load %arg15[%parallel_loop3A_413, %parallel_loop3A_414] {strides = array<i32>} : memref<16x1024xf32, #tpu.memory_space<vmem>>, vector<1x16xf32>,
        %parallel_loop3A_416 = vector.shape_cast %parallel_loop3A_415 : vector<1x16xf32> to vector<16xf32>
        %parallel_loop3A_417 = vector.shape_cast %parallel_loop3A_411 : vector<16xf32> to vector<1x16xf32>
        tpu.vector_store %arg15[%parallel_loop3A_413, %parallel_loop3A_414], %parallel_loop3A_417 {strides = array<i32>} : memref<16x1024xf32, #tpu.memory_space<vmem>>, vector<1x16xf32>,
        %parallel_loop3A_418 = arith.constant 15 : i32
        %parallel_loop3A_419 = arith.index_cast %parallel_loop3A_418 : i32 to index
        %parallel_loop3A_420 = arith.index_cast %parallel_loop3A_216 : i32 to index
        %parallel_loop3A_421 = tpu.vector_load %arg11[%parallel_loop3A_419, %parallel_loop3A_420] {strides = array<i32>} : memref<16x1024xf32, #tpu.memory_space<vmem>>, vector<1x16xf32>,
        %parallel_loop3A_422 = vector.shape_cast %parallel_loop3A_421 : vector<1x16xf32> to vector<16xf32>
        %parallel_loop3A_423 = arith.mulf %parallel_loop3A_422, %parallel_loop3A_219 : vector<16xf32>
        %parallel_loop3A_424 = arith.addf %parallel_loop3A_423, %parallel_loop3A_222 : vector<16xf32>
        %parallel_loop3A_425 = arith.constant 15 : i32
        %parallel_loop3A_426 = arith.index_cast %parallel_loop3A_425 : i32 to index
        %parallel_loop3A_427 = arith.index_cast %parallel_loop3A_216 : i32 to index
        %parallel_loop3A_428 = tpu.vector_load %arg15[%parallel_loop3A_426, %parallel_loop3A_427] {strides = array<i32>} : memref<16x1024xf32, #tpu.memory_space<vmem>>, vector<1x16xf32>,
        %parallel_loop3A_429 = vector.shape_cast %parallel_loop3A_428 : vector<1x16xf32> to vector<16xf32>
        %parallel_loop3A_430 = vector.shape_cast %parallel_loop3A_424 : vector<16xf32> to vector<1x16xf32>
        tpu.vector_store %arg15[%parallel_loop3A_426, %parallel_loop3A_427], %parallel_loop3A_430 {strides = array<i32>} : memref<16x1024xf32, #tpu.memory_space<vmem>>, vector<1x16xf32>,
      } {sc.loop_unroll_factor = 8 : i64, sc.parallel_access}
      %add3A_211 = arith.addi %mul3A_2, %add3A_190 : i32
      %dma_start3A_212 = arith.constant 0 : i32
      %dma_start3A_213 = tpu.memref_slice %arg6[%add3A_211, %dma_start3A_212] : memref<32768x1024xf32, #tpu.memory_space<hbm>> -> memref<16x1024xf32, #tpu.memory_space<hbm>>
      %dma_start3A_214 = arith.constant 0 : i32
      %dma_start3A_215 = tpu.memref_slice %arg6[%add3A_211, %dma_start3A_214] : memref<32768x1024xf32, #tpu.memory_space<hbm>> -> memref<16x1024xf32, #tpu.memory_space<hbm>>
      tpu.enqueue_dma source(%arg15 : memref<16x1024xf32, #tpu.memory_space<vmem>>) target(%dma_start3A_215 : memref<16x1024xf32, #tpu.memory_space<hbm>>) target_semaphore(%arg21 : memref<!tpu.dma_semaphore, #tpu.memory_space<semaphore_mem>>)
    }
    %scan3A_51 = arith.constant 15 : i32
    %add3A_52 = arith.constant 960 : i32
    %add3A_53 = arith.addi %mul3A_2, %add3A_52 : i32
    %dma_wait3A_54 = arith.constant 0 : i32
    %dma_wait3A_55 = tpu.memref_slice %arg6[%add3A_53, %dma_wait3A_54] : memref<32768x1024xf32, #tpu.memory_space<hbm>> -> memref<16x1024xf32, #tpu.memory_space<hbm>>
    %dma_wait3A_56 = arith.constant 0 : i32
    %dma_wait3A_57 = tpu.memref_slice %arg6[%add3A_53, %dma_wait3A_56] : memref<32768x1024xf32, #tpu.memory_space<hbm>> -> memref<16x1024xf32, #tpu.memory_space<hbm>>
    tpu.wait_dma2 semaphore(%arg20 : memref<!tpu.dma_semaphore, #tpu.memory_space<semaphore_mem>>) src(%arg14 : memref<16x1024xf32, #tpu.memory_space<vmem>>) dst(%dma_wait3A_57 : memref<16x1024xf32, #tpu.memory_space<hbm>>)
    %dma_wait3A_58 = arith.constant 992 : i32
    %dma_wait3A_59 = tpu.memref_slice %arg7[%dma_wait3A_58] : memref<1024xi32, #tpu.memory_space<vmem>> -> memref<16xi32, #tpu.memory_space<vmem>>
    %dma_wait3A_60 = arith.constant 0 : i32
    %dma_wait3A_61 = arith.constant 0 : i32
    %dma_wait3A_62 = tpu.memref_slice %arg2[%dma_wait3A_60, %dma_wait3A_61] : memref<8192x1024xf32, #tpu.memory_space<hbm>> -> memref<8192x1024xf32, #tpu.memory_space<hbm>>
    tpu.wait_indirect_dma semaphore(%arg18 : memref<!tpu.dma_semaphore, #tpu.memory_space<semaphore_mem>>) src(%dma_wait3A_62 : memref<8192x1024xf32, #tpu.memory_space<hbm>>) dst(%arg12 : memref<16x1024xf32, #tpu.memory_space<vmem>>)
    %parallel_loop3A_63 = arith.constant 0 : i32
    %parallel_loop3A_64 = arith.constant 1024 : i32
    %parallel_loop3A_65 = arith.constant 16 : i32
    scf.for %parallel_loop3A_104 = %parallel_loop3A_63 to %parallel_loop3A_64 step %parallel_loop3A_65  : i32 {
      %parallel_loop3A_105 = arith.index_cast %parallel_loop3A_104 : i32 to index
      %parallel_loop3A_106 = tpu.vector_load %arg8[%parallel_loop3A_105] {strides = array<i32>} : memref<1024xf32, #tpu.memory_space<vmem>>, vector<16xf32>,
      %parallel_loop3A_107 = vector.shape_cast %parallel_loop3A_106 : vector<16xf32> to vector<16xf32>
      %parallel_loop3A_108 = arith.index_cast %parallel_loop3A_104 : i32 to index
      %parallel_loop3A_109 = tpu.vector_load %arg9[%parallel_loop3A_108] {strides = array<i32>} : memref<1024xf32, #tpu.memory_space<vmem>>, vector<16xf32>,
      %parallel_loop3A_110 = vector.shape_cast %parallel_loop3A_109 : vector<16xf32> to vector<16xf32>
      %parallel_loop3A_111 = arith.constant 0 : i32
      %parallel_loop3A_112 = arith.index_cast %parallel_loop3A_111 : i32 to index
      %parallel_loop3A_113 = arith.index_cast %parallel_loop3A_104 : i32 to index
      %parallel_loop3A_114 = tpu.vector_load %arg12[%parallel_loop3A_112, %parallel_loop3A_113] {strides = array<i32>} : memref<16x1024xf32, #tpu.memory_space<vmem>>, vector<1x16xf32>,
      %parallel_loop3A_115 = vector.shape_cast %parallel_loop3A_114 : vector<1x16xf32> to vector<16xf32>
      %parallel_loop3A_116 = arith.mulf %parallel_loop3A_115, %parallel_loop3A_107 : vector<16xf32>
      %parallel_loop3A_117 = arith.addf %parallel_loop3A_116, %parallel_loop3A_110 : vector<16xf32>
      %parallel_loop3A_118 = arith.constant 0 : i32
      %parallel_loop3A_119 = arith.index_cast %parallel_loop3A_118 : i32 to index
      %parallel_loop3A_120 = arith.index_cast %parallel_loop3A_104 : i32 to index
      %parallel_loop3A_121 = tpu.vector_load %arg14[%parallel_loop3A_119, %parallel_loop3A_120] {strides = array<i32>} : memref<16x1024xf32, #tpu.memory_space<vmem>>, vector<1x16xf32>,
      %parallel_loop3A_122 = vector.shape_cast %parallel_loop3A_121 : vector<1x16xf32> to vector<16xf32>
      %parallel_loop3A_123 = vector.shape_cast %parallel_loop3A_117 : vector<16xf32> to vector<1x16xf32>
      tpu.vector_store %arg14[%parallel_loop3A_119, %parallel_loop3A_120], %parallel_loop3A_123 {strides = array<i32>} : memref<16x1024xf32, #tpu.memory_space<vmem>>, vector<1x16xf32>,
      %parallel_loop3A_124 = arith.constant 1 : i32
      %parallel_loop3A_125 = arith.index_cast %parallel_loop3A_124 : i32 to index
      %parallel_loop3A_126 = arith.index_cast %parallel_loop3A_104 : i32 to index
      %parallel_loop3A_127 = tpu.vector_load %arg12[%parallel_loop3A_125, %parallel_loop3A_126] {strides = array<i32>} : memref<16x1024xf32, #tpu.memory_space<vmem>>, vector<1x16xf32>,
      %parallel_loop3A_128 = vector.shape_cast %parallel_loop3A_127 : vector<1x16xf32> to vector<16xf32>
      %parallel_loop3A_129 = arith.mulf %parallel_loop3A_128, %parallel_loop3A_107 : vector<16xf32>
      %parallel_loop3A_130 = arith.addf %parallel_loop3A_129, %parallel_loop3A_110 : vector<16xf32>
      %parallel_loop3A_131 = arith.constant 1 : i32
      %parallel_loop3A_132 = arith.index_cast %parallel_loop3A_131 : i32 to index
      %parallel_loop3A_133 = arith.index_cast %parallel_loop3A_104 : i32 to index
      %parallel_loop3A_134 = tpu.vector_load %arg14[%parallel_loop3A_132, %parallel_loop3A_133] {strides = array<i32>} : memref<16x1024xf32, #tpu.memory_space<vmem>>, vector<1x16xf32>,
      %parallel_loop3A_135 = vector.shape_cast %parallel_loop3A_134 : vector<1x16xf32> to vector<16xf32>
      %parallel_loop3A_136 = vector.shape_cast %parallel_loop3A_130 : vector<16xf32> to vector<1x16xf32>
      tpu.vector_store %arg14[%parallel_loop3A_132, %parallel_loop3A_133], %parallel_loop3A_136 {strides = array<i32>} : memref<16x1024xf32, #tpu.memory_space<vmem>>, vector<1x16xf32>,
      %parallel_loop3A_137 = arith.constant 2 : i32
      %parallel_loop3A_138 = arith.index_cast %parallel_loop3A_137 : i32 to index
      %parallel_loop3A_139 = arith.index_cast %parallel_loop3A_104 : i32 to index
      %parallel_loop3A_140 = tpu.vector_load %arg12[%parallel_loop3A_138, %parallel_loop3A_139] {strides = array<i32>} : memref<16x1024xf32, #tpu.memory_space<vmem>>, vector<1x16xf32>,
      %parallel_loop3A_141 = vector.shape_cast %parallel_loop3A_140 : vector<1x16xf32> to vector<16xf32>
      %parallel_loop3A_142 = arith.mulf %parallel_loop3A_141, %parallel_loop3A_107 : vector<16xf32>
      %parallel_loop3A_143 = arith.addf %parallel_loop3A_142, %parallel_loop3A_110 : vector<16xf32>
      %parallel_loop3A_144 = arith.constant 2 : i32
      %parallel_loop3A_145 = arith.index_cast %parallel_loop3A_144 : i32 to index
      %parallel_loop3A_146 = arith.index_cast %parallel_loop3A_104 : i32 to index
      %parallel_loop3A_147 = tpu.vector_load %arg14[%parallel_loop3A_145, %parallel_loop3A_146] {strides = array<i32>} : memref<16x1024xf32, #tpu.memory_space<vmem>>, vector<1x16xf32>,
      %parallel_loop3A_148 = vector.shape_cast %parallel_loop3A_147 : vector<1x16xf32> to vector<16xf32>
      %parallel_loop3A_149 = vector.shape_cast %parallel_loop3A_143 : vector<16xf32> to vector<1x16xf32>
      tpu.vector_store %arg14[%parallel_loop3A_145, %parallel_loop3A_146], %parallel_loop3A_149 {strides = array<i32>} : memref<16x1024xf32, #tpu.memory_space<vmem>>, vector<1x16xf32>,
      %parallel_loop3A_150 = arith.constant 3 : i32
      %parallel_loop3A_151 = arith.index_cast %parallel_loop3A_150 : i32 to index
      %parallel_loop3A_152 = arith.index_cast %parallel_loop3A_104 : i32 to index
      %parallel_loop3A_153 = tpu.vector_load %arg12[%parallel_loop3A_151, %parallel_loop3A_152] {strides = array<i32>} : memref<16x1024xf32, #tpu.memory_space<vmem>>, vector<1x16xf32>,
      %parallel_loop3A_154 = vector.shape_cast %parallel_loop3A_153 : vector<1x16xf32> to vector<16xf32>
      %parallel_loop3A_155 = arith.mulf %parallel_loop3A_154, %parallel_loop3A_107 : vector<16xf32>
      %parallel_loop3A_156 = arith.addf %parallel_loop3A_155, %parallel_loop3A_110 : vector<16xf32>
      %parallel_loop3A_157 = arith.constant 3 : i32
      %parallel_loop3A_158 = arith.index_cast %parallel_loop3A_157 : i32 to index
      %parallel_loop3A_159 = arith.index_cast %parallel_loop3A_104 : i32 to index
      %parallel_loop3A_160 = tpu.vector_load %arg14[%parallel_loop3A_158, %parallel_loop3A_159] {strides = array<i32>} : memref<16x1024xf32, #tpu.memory_space<vmem>>, vector<1x16xf32>,
      %parallel_loop3A_161 = vector.shape_cast %parallel_loop3A_160 : vector<1x16xf32> to vector<16xf32>
      %parallel_loop3A_162 = vector.shape_cast %parallel_loop3A_156 : vector<16xf32> to vector<1x16xf32>
      tpu.vector_store %arg14[%parallel_loop3A_158, %parallel_loop3A_159], %parallel_loop3A_162 {strides = array<i32>} : memref<16x1024xf32, #tpu.memory_space<vmem>>, vector<1x16xf32>,
      %parallel_loop3A_163 = arith.constant 4 : i32
      %parallel_loop3A_164 = arith.index_cast %parallel_loop3A_163 : i32 to index
      %parallel_loop3A_165 = arith.index_cast %parallel_loop3A_104 : i32 to index
      %parallel_loop3A_166 = tpu.vector_load %arg12[%parallel_loop3A_164, %parallel_loop3A_165] {strides = array<i32>} : memref<16x1024xf32, #tpu.memory_space<vmem>>, vector<1x16xf32>,
      %parallel_loop3A_167 = vector.shape_cast %parallel_loop3A_166 : vector<1x16xf32> to vector<16xf32>
      %parallel_loop3A_168 = arith.mulf %parallel_loop3A_167, %parallel_loop3A_107 : vector<16xf32>
      %parallel_loop3A_169 = arith.addf %parallel_loop3A_168, %parallel_loop3A_110 : vector<16xf32>
      %parallel_loop3A_170 = arith.constant 4 : i32
      %parallel_loop3A_171 = arith.index_cast %parallel_loop3A_170 : i32 to index
      %parallel_loop3A_172 = arith.index_cast %parallel_loop3A_104 : i32 to index
      %parallel_loop3A_173 = tpu.vector_load %arg14[%parallel_loop3A_171, %parallel_loop3A_172] {strides = array<i32>} : memref<16x1024xf32, #tpu.memory_space<vmem>>, vector<1x16xf32>,
      %parallel_loop3A_174 = vector.shape_cast %parallel_loop3A_173 : vector<1x16xf32> to vector<16xf32>
      %parallel_loop3A_175 = vector.shape_cast %parallel_loop3A_169 : vector<16xf32> to vector<1x16xf32>
      tpu.vector_store %arg14[%parallel_loop3A_171, %parallel_loop3A_172], %parallel_loop3A_175 {strides = array<i32>} : memref<16x1024xf32, #tpu.memory_space<vmem>>, vector<1x16xf32>,
      %parallel_loop3A_176 = arith.constant 5 : i32
      %parallel_loop3A_177 = arith.index_cast %parallel_loop3A_176 : i32 to index
      %parallel_loop3A_178 = arith.index_cast %parallel_loop3A_104 : i32 to index
      %parallel_loop3A_179 = tpu.vector_load %arg12[%parallel_loop3A_177, %parallel_loop3A_178] {strides = array<i32>} : memref<16x1024xf32, #tpu.memory_space<vmem>>, vector<1x16xf32>,
      %parallel_loop3A_180 = vector.shape_cast %parallel_loop3A_179 : vector<1x16xf32> to vector<16xf32>
      %parallel_loop3A_181 = arith.mulf %parallel_loop3A_180, %parallel_loop3A_107 : vector<16xf32>
      %parallel_loop3A_182 = arith.addf %parallel_loop3A_181, %parallel_loop3A_110 : vector<16xf32>
      %parallel_loop3A_183 = arith.constant 5 : i32
      %parallel_loop3A_184 = arith.index_cast %parallel_loop3A_183 : i32 to index
      %parallel_loop3A_185 = arith.index_cast %parallel_loop3A_104 : i32 to index
      %parallel_loop3A_186 = tpu.vector_load %arg14[%parallel_loop3A_184, %parallel_loop3A_185] {strides = array<i32>} : memref<16x1024xf32, #tpu.memory_space<vmem>>, vector<1x16xf32>,
      %parallel_loop3A_187 = vector.shape_cast %parallel_loop3A_186 : vector<1x16xf32> to vector<16xf32>
      %parallel_loop3A_188 = vector.shape_cast %parallel_loop3A_182 : vector<16xf32> to vector<1x16xf32>
      tpu.vector_store %arg14[%parallel_loop3A_184, %parallel_loop3A_185], %parallel_loop3A_188 {strides = array<i32>} : memref<16x1024xf32, #tpu.memory_space<vmem>>, vector<1x16xf32>,
      %parallel_loop3A_189 = arith.constant 6 : i32
      %parallel_loop3A_190 = arith.index_cast %parallel_loop3A_189 : i32 to index
      %parallel_loop3A_191 = arith.index_cast %parallel_loop3A_104 : i32 to index
      %parallel_loop3A_192 = tpu.vector_load %arg12[%parallel_loop3A_190, %parallel_loop3A_191] {strides = array<i32>} : memref<16x1024xf32, #tpu.memory_space<vmem>>, vector<1x16xf32>,
      %parallel_loop3A_193 = vector.shape_cast %parallel_loop3A_192 : vector<1x16xf32> to vector<16xf32>
      %parallel_loop3A_194 = arith.mulf %parallel_loop3A_193, %parallel_loop3A_107 : vector<16xf32>
      %parallel_loop3A_195 = arith.addf %parallel_loop3A_194, %parallel_loop3A_110 : vector<16xf32>
      %parallel_loop3A_196 = arith.constant 6 : i32
      %parallel_loop3A_197 = arith.index_cast %parallel_loop3A_196 : i32 to index
      %parallel_loop3A_198 = arith.index_cast %parallel_loop3A_104 : i32 to index
      %parallel_loop3A_199 = tpu.vector_load %arg14[%parallel_loop3A_197, %parallel_loop3A_198] {strides = array<i32>} : memref<16x1024xf32, #tpu.memory_space<vmem>>, vector<1x16xf32>,
      %parallel_loop3A_200 = vector.shape_cast %parallel_loop3A_199 : vector<1x16xf32> to vector<16xf32>
      %parallel_loop3A_201 = vector.shape_cast %parallel_loop3A_195 : vector<16xf32> to vector<1x16xf32>
      tpu.vector_store %arg14[%parallel_loop3A_197, %parallel_loop3A_198], %parallel_loop3A_201 {strides = array<i32>} : memref<16x1024xf32, #tpu.memory_space<vmem>>, vector<1x16xf32>,
      %parallel_loop3A_202 = arith.constant 7 : i32
      %parallel_loop3A_203 = arith.index_cast %parallel_loop3A_202 : i32 to index
      %parallel_loop3A_204 = arith.index_cast %parallel_loop3A_104 : i32 to index
      %parallel_loop3A_205 = tpu.vector_load %arg12[%parallel_loop3A_203, %parallel_loop3A_204] {strides = array<i32>} : memref<16x1024xf32, #tpu.memory_space<vmem>>, vector<1x16xf32>,
      %parallel_loop3A_206 = vector.shape_cast %parallel_loop3A_205 : vector<1x16xf32> to vector<16xf32>
      %parallel_loop3A_207 = arith.mulf %parallel_loop3A_206, %parallel_loop3A_107 : vector<16xf32>
      %parallel_loop3A_208 = arith.addf %parallel_loop3A_207, %parallel_loop3A_110 : vector<16xf32>
      %parallel_loop3A_209 = arith.constant 7 : i32
      %parallel_loop3A_210 = arith.index_cast %parallel_loop3A_209 : i32 to index
      %parallel_loop3A_211 = arith.index_cast %parallel_loop3A_104 : i32 to index
      %parallel_loop3A_212 = tpu.vector_load %arg14[%parallel_loop3A_210, %parallel_loop3A_211] {strides = array<i32>} : memref<16x1024xf32, #tpu.memory_space<vmem>>, vector<1x16xf32>,
      %parallel_loop3A_213 = vector.shape_cast %parallel_loop3A_212 : vector<1x16xf32> to vector<16xf32>
      %parallel_loop3A_214 = vector.shape_cast %parallel_loop3A_208 : vector<16xf32> to vector<1x16xf32>
      tpu.vector_store %arg14[%parallel_loop3A_210, %parallel_loop3A_211], %parallel_loop3A_214 {strides = array<i32>} : memref<16x1024xf32, #tpu.memory_space<vmem>>, vector<1x16xf32>,
      %parallel_loop3A_215 = arith.constant 8 : i32
      %parallel_loop3A_216 = arith.index_cast %parallel_loop3A_215 : i32 to index
      %parallel_loop3A_217 = arith.index_cast %parallel_loop3A_104 : i32 to index
      %parallel_loop3A_218 = tpu.vector_load %arg12[%parallel_loop3A_216, %parallel_loop3A_217] {strides = array<i32>} : memref<16x1024xf32, #tpu.memory_space<vmem>>, vector<1x16xf32>,
      %parallel_loop3A_219 = vector.shape_cast %parallel_loop3A_218 : vector<1x16xf32> to vector<16xf32>
      %parallel_loop3A_220 = arith.mulf %parallel_loop3A_219, %parallel_loop3A_107 : vector<16xf32>
      %parallel_loop3A_221 = arith.addf %parallel_loop3A_220, %parallel_loop3A_110 : vector<16xf32>
      %parallel_loop3A_222 = arith.constant 8 : i32
      %parallel_loop3A_223 = arith.index_cast %parallel_loop3A_222 : i32 to index
      %parallel_loop3A_224 = arith.index_cast %parallel_loop3A_104 : i32 to index
      %parallel_loop3A_225 = tpu.vector_load %arg14[%parallel_loop3A_223, %parallel_loop3A_224] {strides = array<i32>} : memref<16x1024xf32, #tpu.memory_space<vmem>>, vector<1x16xf32>,
      %parallel_loop3A_226 = vector.shape_cast %parallel_loop3A_225 : vector<1x16xf32> to vector<16xf32>
      %parallel_loop3A_227 = vector.shape_cast %parallel_loop3A_221 : vector<16xf32> to vector<1x16xf32>
      tpu.vector_store %arg14[%parallel_loop3A_223, %parallel_loop3A_224], %parallel_loop3A_227 {strides = array<i32>} : memref<16x1024xf32, #tpu.memory_space<vmem>>, vector<1x16xf32>,
      %parallel_loop3A_228 = arith.constant 9 : i32
      %parallel_loop3A_229 = arith.index_cast %parallel_loop3A_228 : i32 to index
      %parallel_loop3A_230 = arith.index_cast %parallel_loop3A_104 : i32 to index
      %parallel_loop3A_231 = tpu.vector_load %arg12[%parallel_loop3A_229, %parallel_loop3A_230] {strides = array<i32>} : memref<16x1024xf32, #tpu.memory_space<vmem>>, vector<1x16xf32>,
      %parallel_loop3A_232 = vector.shape_cast %parallel_loop3A_231 : vector<1x16xf32> to vector<16xf32>
      %parallel_loop3A_233 = arith.mulf %parallel_loop3A_232, %parallel_loop3A_107 : vector<16xf32>
      %parallel_loop3A_234 = arith.addf %parallel_loop3A_233, %parallel_loop3A_110 : vector<16xf32>
      %parallel_loop3A_235 = arith.constant 9 : i32
      %parallel_loop3A_236 = arith.index_cast %parallel_loop3A_235 : i32 to index
      %parallel_loop3A_237 = arith.index_cast %parallel_loop3A_104 : i32 to index
      %parallel_loop3A_238 = tpu.vector_load %arg14[%parallel_loop3A_236, %parallel_loop3A_237] {strides = array<i32>} : memref<16x1024xf32, #tpu.memory_space<vmem>>, vector<1x16xf32>,
      %parallel_loop3A_239 = vector.shape_cast %parallel_loop3A_238 : vector<1x16xf32> to vector<16xf32>
      %parallel_loop3A_240 = vector.shape_cast %parallel_loop3A_234 : vector<16xf32> to vector<1x16xf32>
      tpu.vector_store %arg14[%parallel_loop3A_236, %parallel_loop3A_237], %parallel_loop3A_240 {strides = array<i32>} : memref<16x1024xf32, #tpu.memory_space<vmem>>, vector<1x16xf32>,
      %parallel_loop3A_241 = arith.constant 10 : i32
      %parallel_loop3A_242 = arith.index_cast %parallel_loop3A_241 : i32 to index
      %parallel_loop3A_243 = arith.index_cast %parallel_loop3A_104 : i32 to index
      %parallel_loop3A_244 = tpu.vector_load %arg12[%parallel_loop3A_242, %parallel_loop3A_243] {strides = array<i32>} : memref<16x1024xf32, #tpu.memory_space<vmem>>, vector<1x16xf32>,
      %parallel_loop3A_245 = vector.shape_cast %parallel_loop3A_244 : vector<1x16xf32> to vector<16xf32>
      %parallel_loop3A_246 = arith.mulf %parallel_loop3A_245, %parallel_loop3A_107 : vector<16xf32>
      %parallel_loop3A_247 = arith.addf %parallel_loop3A_246, %parallel_loop3A_110 : vector<16xf32>
      %parallel_loop3A_248 = arith.constant 10 : i32
      %parallel_loop3A_249 = arith.index_cast %parallel_loop3A_248 : i32 to index
      %parallel_loop3A_250 = arith.index_cast %parallel_loop3A_104 : i32 to index
      %parallel_loop3A_251 = tpu.vector_load %arg14[%parallel_loop3A_249, %parallel_loop3A_250] {strides = array<i32>} : memref<16x1024xf32, #tpu.memory_space<vmem>>, vector<1x16xf32>,
      %parallel_loop3A_252 = vector.shape_cast %parallel_loop3A_251 : vector<1x16xf32> to vector<16xf32>
      %parallel_loop3A_253 = vector.shape_cast %parallel_loop3A_247 : vector<16xf32> to vector<1x16xf32>
      tpu.vector_store %arg14[%parallel_loop3A_249, %parallel_loop3A_250], %parallel_loop3A_253 {strides = array<i32>} : memref<16x1024xf32, #tpu.memory_space<vmem>>, vector<1x16xf32>,
      %parallel_loop3A_254 = arith.constant 11 : i32
      %parallel_loop3A_255 = arith.index_cast %parallel_loop3A_254 : i32 to index
      %parallel_loop3A_256 = arith.index_cast %parallel_loop3A_104 : i32 to index
      %parallel_loop3A_257 = tpu.vector_load %arg12[%parallel_loop3A_255, %parallel_loop3A_256] {strides = array<i32>} : memref<16x1024xf32, #tpu.memory_space<vmem>>, vector<1x16xf32>,
      %parallel_loop3A_258 = vector.shape_cast %parallel_loop3A_257 : vector<1x16xf32> to vector<16xf32>
      %parallel_loop3A_259 = arith.mulf %parallel_loop3A_258, %parallel_loop3A_107 : vector<16xf32>
      %parallel_loop3A_260 = arith.addf %parallel_loop3A_259, %parallel_loop3A_110 : vector<16xf32>
      %parallel_loop3A_261 = arith.constant 11 : i32
      %parallel_loop3A_262 = arith.index_cast %parallel_loop3A_261 : i32 to index
      %parallel_loop3A_263 = arith.index_cast %parallel_loop3A_104 : i32 to index
      %parallel_loop3A_264 = tpu.vector_load %arg14[%parallel_loop3A_262, %parallel_loop3A_263] {strides = array<i32>} : memref<16x1024xf32, #tpu.memory_space<vmem>>, vector<1x16xf32>,
      %parallel_loop3A_265 = vector.shape_cast %parallel_loop3A_264 : vector<1x16xf32> to vector<16xf32>
      %parallel_loop3A_266 = vector.shape_cast %parallel_loop3A_260 : vector<16xf32> to vector<1x16xf32>
      tpu.vector_store %arg14[%parallel_loop3A_262, %parallel_loop3A_263], %parallel_loop3A_266 {strides = array<i32>} : memref<16x1024xf32, #tpu.memory_space<vmem>>, vector<1x16xf32>,
      %parallel_loop3A_267 = arith.constant 12 : i32
      %parallel_loop3A_268 = arith.index_cast %parallel_loop3A_267 : i32 to index
      %parallel_loop3A_269 = arith.index_cast %parallel_loop3A_104 : i32 to index
      %parallel_loop3A_270 = tpu.vector_load %arg12[%parallel_loop3A_268, %parallel_loop3A_269] {strides = array<i32>} : memref<16x1024xf32, #tpu.memory_space<vmem>>, vector<1x16xf32>,
      %parallel_loop3A_271 = vector.shape_cast %parallel_loop3A_270 : vector<1x16xf32> to vector<16xf32>
      %parallel_loop3A_272 = arith.mulf %parallel_loop3A_271, %parallel_loop3A_107 : vector<16xf32>
      %parallel_loop3A_273 = arith.addf %parallel_loop3A_272, %parallel_loop3A_110 : vector<16xf32>
      %parallel_loop3A_274 = arith.constant 12 : i32
      %parallel_loop3A_275 = arith.index_cast %parallel_loop3A_274 : i32 to index
      %parallel_loop3A_276 = arith.index_cast %parallel_loop3A_104 : i32 to index
      %parallel_loop3A_277 = tpu.vector_load %arg14[%parallel_loop3A_275, %parallel_loop3A_276] {strides = array<i32>} : memref<16x1024xf32, #tpu.memory_space<vmem>>, vector<1x16xf32>,
      %parallel_loop3A_278 = vector.shape_cast %parallel_loop3A_277 : vector<1x16xf32> to vector<16xf32>
      %parallel_loop3A_279 = vector.shape_cast %parallel_loop3A_273 : vector<16xf32> to vector<1x16xf32>
      tpu.vector_store %arg14[%parallel_loop3A_275, %parallel_loop3A_276], %parallel_loop3A_279 {strides = array<i32>} : memref<16x1024xf32, #tpu.memory_space<vmem>>, vector<1x16xf32>,
      %parallel_loop3A_280 = arith.constant 13 : i32
      %parallel_loop3A_281 = arith.index_cast %parallel_loop3A_280 : i32 to index
      %parallel_loop3A_282 = arith.index_cast %parallel_loop3A_104 : i32 to index
      %parallel_loop3A_283 = tpu.vector_load %arg12[%parallel_loop3A_281, %parallel_loop3A_282] {strides = array<i32>} : memref<16x1024xf32, #tpu.memory_space<vmem>>, vector<1x16xf32>,
      %parallel_loop3A_284 = vector.shape_cast %parallel_loop3A_283 : vector<1x16xf32> to vector<16xf32>
      %parallel_loop3A_285 = arith.mulf %parallel_loop3A_284, %parallel_loop3A_107 : vector<16xf32>
      %parallel_loop3A_286 = arith.addf %parallel_loop3A_285, %parallel_loop3A_110 : vector<16xf32>
      %parallel_loop3A_287 = arith.constant 13 : i32
      %parallel_loop3A_288 = arith.index_cast %parallel_loop3A_287 : i32 to index
      %parallel_loop3A_289 = arith.index_cast %parallel_loop3A_104 : i32 to index
      %parallel_loop3A_290 = tpu.vector_load %arg14[%parallel_loop3A_288, %parallel_loop3A_289] {strides = array<i32>} : memref<16x1024xf32, #tpu.memory_space<vmem>>, vector<1x16xf32>,
      %parallel_loop3A_291 = vector.shape_cast %parallel_loop3A_290 : vector<1x16xf32> to vector<16xf32>
      %parallel_loop3A_292 = vector.shape_cast %parallel_loop3A_286 : vector<16xf32> to vector<1x16xf32>
      tpu.vector_store %arg14[%parallel_loop3A_288, %parallel_loop3A_289], %parallel_loop3A_292 {strides = array<i32>} : memref<16x1024xf32, #tpu.memory_space<vmem>>, vector<1x16xf32>,
      %parallel_loop3A_293 = arith.constant 14 : i32
      %parallel_loop3A_294 = arith.index_cast %parallel_loop3A_293 : i32 to index
      %parallel_loop3A_295 = arith.index_cast %parallel_loop3A_104 : i32 to index
      %parallel_loop3A_296 = tpu.vector_load %arg12[%parallel_loop3A_294, %parallel_loop3A_295] {strides = array<i32>} : memref<16x1024xf32, #tpu.memory_space<vmem>>, vector<1x16xf32>,
      %parallel_loop3A_297 = vector.shape_cast %parallel_loop3A_296 : vector<1x16xf32> to vector<16xf32>
      %parallel_loop3A_298 = arith.mulf %parallel_loop3A_297, %parallel_loop3A_107 : vector<16xf32>
      %parallel_loop3A_299 = arith.addf %parallel_loop3A_298, %parallel_loop3A_110 : vector<16xf32>
      %parallel_loop3A_300 = arith.constant 14 : i32
      %parallel_loop3A_301 = arith.index_cast %parallel_loop3A_300 : i32 to index
      %parallel_loop3A_302 = arith.index_cast %parallel_loop3A_104 : i32 to index
      %parallel_loop3A_303 = tpu.vector_load %arg14[%parallel_loop3A_301, %parallel_loop3A_302] {strides = array<i32>} : memref<16x1024xf32, #tpu.memory_space<vmem>>, vector<1x16xf32>,
      %parallel_loop3A_304 = vector.shape_cast %parallel_loop3A_303 : vector<1x16xf32> to vector<16xf32>
      %parallel_loop3A_305 = vector.shape_cast %parallel_loop3A_299 : vector<16xf32> to vector<1x16xf32>
      tpu.vector_store %arg14[%parallel_loop3A_301, %parallel_loop3A_302], %parallel_loop3A_305 {strides = array<i32>} : memref<16x1024xf32, #tpu.memory_space<vmem>>, vector<1x16xf32>,
      %parallel_loop3A_306 = arith.constant 15 : i32
      %parallel_loop3A_307 = arith.index_cast %parallel_loop3A_306 : i32 to index
      %parallel_loop3A_308 = arith.index_cast %parallel_loop3A_104 : i32 to index
      %parallel_loop3A_309 = tpu.vector_load %arg12[%parallel_loop3A_307, %parallel_loop3A_308] {strides = array<i32>} : memref<16x1024xf32, #tpu.memory_space<vmem>>, vector<1x16xf32>,
      %parallel_loop3A_310 = vector.shape_cast %parallel_loop3A_309 : vector<1x16xf32> to vector<16xf32>
      %parallel_loop3A_311 = arith.mulf %parallel_loop3A_310, %parallel_loop3A_107 : vector<16xf32>
      %parallel_loop3A_312 = arith.addf %parallel_loop3A_311, %parallel_loop3A_110 : vector<16xf32>
      %parallel_loop3A_313 = arith.constant 15 : i32
      %parallel_loop3A_314 = arith.index_cast %parallel_loop3A_313 : i32 to index
      %parallel_loop3A_315 = arith.index_cast %parallel_loop3A_104 : i32 to index
      %parallel_loop3A_316 = tpu.vector_load %arg14[%parallel_loop3A_314, %parallel_loop3A_315] {strides = array<i32>} : memref<16x1024xf32, #tpu.memory_space<vmem>>, vector<1x16xf32>,
      %parallel_loop3A_317 = vector.shape_cast %parallel_loop3A_316 : vector<1x16xf32> to vector<16xf32>
      %parallel_loop3A_318 = vector.shape_cast %parallel_loop3A_312 : vector<16xf32> to vector<1x16xf32>
      tpu.vector_store %arg14[%parallel_loop3A_314, %parallel_loop3A_315], %parallel_loop3A_318 {strides = array<i32>} : memref<16x1024xf32, #tpu.memory_space<vmem>>, vector<1x16xf32>,
    } {sc.loop_unroll_factor = 8 : i64, sc.parallel_access}
    %add3A_66 = arith.constant 992 : i32
    %add3A_67 = arith.addi %mul3A_2, %add3A_66 : i32
    %dma_start3A_68 = arith.constant 0 : i32
    %dma_start3A_69 = tpu.memref_slice %arg6[%add3A_67, %dma_start3A_68] : memref<32768x1024xf32, #tpu.memory_space<hbm>> -> memref<16x1024xf32, #tpu.memory_space<hbm>>
    %dma_start3A_70 = arith.constant 0 : i32
    %dma_start3A_71 = tpu.memref_slice %arg6[%add3A_67, %dma_start3A_70] : memref<32768x1024xf32, #tpu.memory_space<hbm>> -> memref<16x1024xf32, #tpu.memory_space<hbm>>
    tpu.enqueue_dma source(%arg14 : memref<16x1024xf32, #tpu.memory_space<vmem>>) target(%dma_start3A_71 : memref<16x1024xf32, #tpu.memory_space<hbm>>) target_semaphore(%arg20 : memref<!tpu.dma_semaphore, #tpu.memory_space<semaphore_mem>>)
    %add3A_72 = arith.constant 976 : i32
    %add3A_73 = arith.addi %mul3A_2, %add3A_72 : i32
    %dma_wait3A_74 = arith.constant 0 : i32
    %dma_wait3A_75 = tpu.memref_slice %arg6[%add3A_73, %dma_wait3A_74] : memref<32768x1024xf32, #tpu.memory_space<hbm>> -> memref<16x1024xf32, #tpu.memory_space<hbm>>
    %dma_wait3A_76 = arith.constant 0 : i32
    %dma_wait3A_77 = tpu.memref_slice %arg6[%add3A_73, %dma_wait3A_76] : memref<32768x1024xf32, #tpu.memory_space<hbm>> -> memref<16x1024xf32, #tpu.memory_space<hbm>>
    tpu.wait_dma2 semaphore(%arg21 : memref<!tpu.dma_semaphore, #tpu.memory_space<semaphore_mem>>) src(%arg15 : memref<16x1024xf32, #tpu.memory_space<vmem>>) dst(%dma_wait3A_77 : memref<16x1024xf32, #tpu.memory_space<hbm>>)
    %dma_wait3A_78 = arith.constant 1008 : i32
    %dma_wait3A_79 = tpu.memref_slice %arg7[%dma_wait3A_78] : memref<1024xi32, #tpu.memory_space<vmem>> -> memref<16xi32, #tpu.memory_space<vmem>>
    %dma_wait3A_80 = arith.constant 0 : i32
    %dma_wait3A_81 = arith.constant 0 : i32
    %dma_wait3A_82 = tpu.memref_slice %arg2[%dma_wait3A_80, %dma_wait3A_81] : memref<8192x1024xf32, #tpu.memory_space<hbm>> -> memref<8192x1024xf32, #tpu.memory_space<hbm>>
    tpu.wait_indirect_dma semaphore(%arg19 : memref<!tpu.dma_semaphore, #tpu.memory_space<semaphore_mem>>) src(%dma_wait3A_82 : memref<8192x1024xf32, #tpu.memory_space<hbm>>) dst(%arg13 : memref<16x1024xf32, #tpu.memory_space<vmem>>)
    %parallel_loop3A_83 = arith.constant 0 : i32
    %parallel_loop3A_84 = arith.constant 1024 : i32
    %parallel_loop3A_85 = arith.constant 16 : i32
    scf.for %parallel_loop3A_104 = %parallel_loop3A_83 to %parallel_loop3A_84 step %parallel_loop3A_85  : i32 {
      %parallel_loop3A_105 = arith.index_cast %parallel_loop3A_104 : i32 to index
      %parallel_loop3A_106 = tpu.vector_load %arg8[%parallel_loop3A_105] {strides = array<i32>} : memref<1024xf32, #tpu.memory_space<vmem>>, vector<16xf32>,
      %parallel_loop3A_107 = vector.shape_cast %parallel_loop3A_106 : vector<16xf32> to vector<16xf32>
      %parallel_loop3A_108 = arith.index_cast %parallel_loop3A_104 : i32 to index
      %parallel_loop3A_109 = tpu.vector_load %arg9[%parallel_loop3A_108] {strides = array<i32>} : memref<1024xf32, #tpu.memory_space<vmem>>, vector<16xf32>,
      %parallel_loop3A_110 = vector.shape_cast %parallel_loop3A_109 : vector<16xf32> to vector<16xf32>
      %parallel_loop3A_111 = arith.constant 0 : i32
      %parallel_loop3A_112 = arith.index_cast %parallel_loop3A_111 : i32 to index
      %parallel_loop3A_113 = arith.index_cast %parallel_loop3A_104 : i32 to index
      %parallel_loop3A_114 = tpu.vector_load %arg13[%parallel_loop3A_112, %parallel_loop3A_113] {strides = array<i32>} : memref<16x1024xf32, #tpu.memory_space<vmem>>, vector<1x16xf32>,
      %parallel_loop3A_115 = vector.shape_cast %parallel_loop3A_114 : vector<1x16xf32> to vector<16xf32>
      %parallel_loop3A_116 = arith.mulf %parallel_loop3A_115, %parallel_loop3A_107 : vector<16xf32>
      %parallel_loop3A_117 = arith.addf %parallel_loop3A_116, %parallel_loop3A_110 : vector<16xf32>
      %parallel_loop3A_118 = arith.constant 0 : i32
      %parallel_loop3A_119 = arith.index_cast %parallel_loop3A_118 : i32 to index
      %parallel_loop3A_120 = arith.index_cast %parallel_loop3A_104 : i32 to index
      %parallel_loop3A_121 = tpu.vector_load %arg15[%parallel_loop3A_119, %parallel_loop3A_120] {strides = array<i32>} : memref<16x1024xf32, #tpu.memory_space<vmem>>, vector<1x16xf32>,
      %parallel_loop3A_122 = vector.shape_cast %parallel_loop3A_121 : vector<1x16xf32> to vector<16xf32>
      %parallel_loop3A_123 = vector.shape_cast %parallel_loop3A_117 : vector<16xf32> to vector<1x16xf32>
      tpu.vector_store %arg15[%parallel_loop3A_119, %parallel_loop3A_120], %parallel_loop3A_123 {strides = array<i32>} : memref<16x1024xf32, #tpu.memory_space<vmem>>, vector<1x16xf32>,
      %parallel_loop3A_124 = arith.constant 1 : i32
      %parallel_loop3A_125 = arith.index_cast %parallel_loop3A_124 : i32 to index
      %parallel_loop3A_126 = arith.index_cast %parallel_loop3A_104 : i32 to index
      %parallel_loop3A_127 = tpu.vector_load %arg13[%parallel_loop3A_125, %parallel_loop3A_126] {strides = array<i32>} : memref<16x1024xf32, #tpu.memory_space<vmem>>, vector<1x16xf32>,
      %parallel_loop3A_128 = vector.shape_cast %parallel_loop3A_127 : vector<1x16xf32> to vector<16xf32>
      %parallel_loop3A_129 = arith.mulf %parallel_loop3A_128, %parallel_loop3A_107 : vector<16xf32>
      %parallel_loop3A_130 = arith.addf %parallel_loop3A_129, %parallel_loop3A_110 : vector<16xf32>
      %parallel_loop3A_131 = arith.constant 1 : i32
      %parallel_loop3A_132 = arith.index_cast %parallel_loop3A_131 : i32 to index
      %parallel_loop3A_133 = arith.index_cast %parallel_loop3A_104 : i32 to index
      %parallel_loop3A_134 = tpu.vector_load %arg15[%parallel_loop3A_132, %parallel_loop3A_133] {strides = array<i32>} : memref<16x1024xf32, #tpu.memory_space<vmem>>, vector<1x16xf32>,
      %parallel_loop3A_135 = vector.shape_cast %parallel_loop3A_134 : vector<1x16xf32> to vector<16xf32>
      %parallel_loop3A_136 = vector.shape_cast %parallel_loop3A_130 : vector<16xf32> to vector<1x16xf32>
      tpu.vector_store %arg15[%parallel_loop3A_132, %parallel_loop3A_133], %parallel_loop3A_136 {strides = array<i32>} : memref<16x1024xf32, #tpu.memory_space<vmem>>, vector<1x16xf32>,
      %parallel_loop3A_137 = arith.constant 2 : i32
      %parallel_loop3A_138 = arith.index_cast %parallel_loop3A_137 : i32 to index
      %parallel_loop3A_139 = arith.index_cast %parallel_loop3A_104 : i32 to index
      %parallel_loop3A_140 = tpu.vector_load %arg13[%parallel_loop3A_138, %parallel_loop3A_139] {strides = array<i32>} : memref<16x1024xf32, #tpu.memory_space<vmem>>, vector<1x16xf32>,
      %parallel_loop3A_141 = vector.shape_cast %parallel_loop3A_140 : vector<1x16xf32> to vector<16xf32>
      %parallel_loop3A_142 = arith.mulf %parallel_loop3A_141, %parallel_loop3A_107 : vector<16xf32>
      %parallel_loop3A_143 = arith.addf %parallel_loop3A_142, %parallel_loop3A_110 : vector<16xf32>
      %parallel_loop3A_144 = arith.constant 2 : i32
      %parallel_loop3A_145 = arith.index_cast %parallel_loop3A_144 : i32 to index
      %parallel_loop3A_146 = arith.index_cast %parallel_loop3A_104 : i32 to index
      %parallel_loop3A_147 = tpu.vector_load %arg15[%parallel_loop3A_145, %parallel_loop3A_146] {strides = array<i32>} : memref<16x1024xf32, #tpu.memory_space<vmem>>, vector<1x16xf32>,
      %parallel_loop3A_148 = vector.shape_cast %parallel_loop3A_147 : vector<1x16xf32> to vector<16xf32>
      %parallel_loop3A_149 = vector.shape_cast %parallel_loop3A_143 : vector<16xf32> to vector<1x16xf32>
      tpu.vector_store %arg15[%parallel_loop3A_145, %parallel_loop3A_146], %parallel_loop3A_149 {strides = array<i32>} : memref<16x1024xf32, #tpu.memory_space<vmem>>, vector<1x16xf32>,
      %parallel_loop3A_150 = arith.constant 3 : i32
      %parallel_loop3A_151 = arith.index_cast %parallel_loop3A_150 : i32 to index
      %parallel_loop3A_152 = arith.index_cast %parallel_loop3A_104 : i32 to index
      %parallel_loop3A_153 = tpu.vector_load %arg13[%parallel_loop3A_151, %parallel_loop3A_152] {strides = array<i32>} : memref<16x1024xf32, #tpu.memory_space<vmem>>, vector<1x16xf32>,
      %parallel_loop3A_154 = vector.shape_cast %parallel_loop3A_153 : vector<1x16xf32> to vector<16xf32>
      %parallel_loop3A_155 = arith.mulf %parallel_loop3A_154, %parallel_loop3A_107 : vector<16xf32>
      %parallel_loop3A_156 = arith.addf %parallel_loop3A_155, %parallel_loop3A_110 : vector<16xf32>
      %parallel_loop3A_157 = arith.constant 3 : i32
      %parallel_loop3A_158 = arith.index_cast %parallel_loop3A_157 : i32 to index
      %parallel_loop3A_159 = arith.index_cast %parallel_loop3A_104 : i32 to index
      %parallel_loop3A_160 = tpu.vector_load %arg15[%parallel_loop3A_158, %parallel_loop3A_159] {strides = array<i32>} : memref<16x1024xf32, #tpu.memory_space<vmem>>, vector<1x16xf32>,
      %parallel_loop3A_161 = vector.shape_cast %parallel_loop3A_160 : vector<1x16xf32> to vector<16xf32>
      %parallel_loop3A_162 = vector.shape_cast %parallel_loop3A_156 : vector<16xf32> to vector<1x16xf32>
      tpu.vector_store %arg15[%parallel_loop3A_158, %parallel_loop3A_159], %parallel_loop3A_162 {strides = array<i32>} : memref<16x1024xf32, #tpu.memory_space<vmem>>, vector<1x16xf32>,
      %parallel_loop3A_163 = arith.constant 4 : i32
      %parallel_loop3A_164 = arith.index_cast %parallel_loop3A_163 : i32 to index
      %parallel_loop3A_165 = arith.index_cast %parallel_loop3A_104 : i32 to index
      %parallel_loop3A_166 = tpu.vector_load %arg13[%parallel_loop3A_164, %parallel_loop3A_165] {strides = array<i32>} : memref<16x1024xf32, #tpu.memory_space<vmem>>, vector<1x16xf32>,
      %parallel_loop3A_167 = vector.shape_cast %parallel_loop3A_166 : vector<1x16xf32> to vector<16xf32>
      %parallel_loop3A_168 = arith.mulf %parallel_loop3A_167, %parallel_loop3A_107 : vector<16xf32>
      %parallel_loop3A_169 = arith.addf %parallel_loop3A_168, %parallel_loop3A_110 : vector<16xf32>
      %parallel_loop3A_170 = arith.constant 4 : i32
      %parallel_loop3A_171 = arith.index_cast %parallel_loop3A_170 : i32 to index
      %parallel_loop3A_172 = arith.index_cast %parallel_loop3A_104 : i32 to index
      %parallel_loop3A_173 = tpu.vector_load %arg15[%parallel_loop3A_171, %parallel_loop3A_172] {strides = array<i32>} : memref<16x1024xf32, #tpu.memory_space<vmem>>, vector<1x16xf32>,
      %parallel_loop3A_174 = vector.shape_cast %parallel_loop3A_173 : vector<1x16xf32> to vector<16xf32>
      %parallel_loop3A_175 = vector.shape_cast %parallel_loop3A_169 : vector<16xf32> to vector<1x16xf32>
      tpu.vector_store %arg15[%parallel_loop3A_171, %parallel_loop3A_172], %parallel_loop3A_175 {strides = array<i32>} : memref<16x1024xf32, #tpu.memory_space<vmem>>, vector<1x16xf32>,
      %parallel_loop3A_176 = arith.constant 5 : i32
      %parallel_loop3A_177 = arith.index_cast %parallel_loop3A_176 : i32 to index
      %parallel_loop3A_178 = arith.index_cast %parallel_loop3A_104 : i32 to index
      %parallel_loop3A_179 = tpu.vector_load %arg13[%parallel_loop3A_177, %parallel_loop3A_178] {strides = array<i32>} : memref<16x1024xf32, #tpu.memory_space<vmem>>, vector<1x16xf32>,
      %parallel_loop3A_180 = vector.shape_cast %parallel_loop3A_179 : vector<1x16xf32> to vector<16xf32>
      %parallel_loop3A_181 = arith.mulf %parallel_loop3A_180, %parallel_loop3A_107 : vector<16xf32>
      %parallel_loop3A_182 = arith.addf %parallel_loop3A_181, %parallel_loop3A_110 : vector<16xf32>
      %parallel_loop3A_183 = arith.constant 5 : i32
      %parallel_loop3A_184 = arith.index_cast %parallel_loop3A_183 : i32 to index
      %parallel_loop3A_185 = arith.index_cast %parallel_loop3A_104 : i32 to index
      %parallel_loop3A_186 = tpu.vector_load %arg15[%parallel_loop3A_184, %parallel_loop3A_185] {strides = array<i32>} : memref<16x1024xf32, #tpu.memory_space<vmem>>, vector<1x16xf32>,
      %parallel_loop3A_187 = vector.shape_cast %parallel_loop3A_186 : vector<1x16xf32> to vector<16xf32>
      %parallel_loop3A_188 = vector.shape_cast %parallel_loop3A_182 : vector<16xf32> to vector<1x16xf32>
      tpu.vector_store %arg15[%parallel_loop3A_184, %parallel_loop3A_185], %parallel_loop3A_188 {strides = array<i32>} : memref<16x1024xf32, #tpu.memory_space<vmem>>, vector<1x16xf32>,
      %parallel_loop3A_189 = arith.constant 6 : i32
      %parallel_loop3A_190 = arith.index_cast %parallel_loop3A_189 : i32 to index
      %parallel_loop3A_191 = arith.index_cast %parallel_loop3A_104 : i32 to index
      %parallel_loop3A_192 = tpu.vector_load %arg13[%parallel_loop3A_190, %parallel_loop3A_191] {strides = array<i32>} : memref<16x1024xf32, #tpu.memory_space<vmem>>, vector<1x16xf32>,
      %parallel_loop3A_193 = vector.shape_cast %parallel_loop3A_192 : vector<1x16xf32> to vector<16xf32>
      %parallel_loop3A_194 = arith.mulf %parallel_loop3A_193, %parallel_loop3A_107 : vector<16xf32>
      %parallel_loop3A_195 = arith.addf %parallel_loop3A_194, %parallel_loop3A_110 : vector<16xf32>
      %parallel_loop3A_196 = arith.constant 6 : i32
      %parallel_loop3A_197 = arith.index_cast %parallel_loop3A_196 : i32 to index
      %parallel_loop3A_198 = arith.index_cast %parallel_loop3A_104 : i32 to index
      %parallel_loop3A_199 = tpu.vector_load %arg15[%parallel_loop3A_197, %parallel_loop3A_198] {strides = array<i32>} : memref<16x1024xf32, #tpu.memory_space<vmem>>, vector<1x16xf32>,
      %parallel_loop3A_200 = vector.shape_cast %parallel_loop3A_199 : vector<1x16xf32> to vector<16xf32>
      %parallel_loop3A_201 = vector.shape_cast %parallel_loop3A_195 : vector<16xf32> to vector<1x16xf32>
      tpu.vector_store %arg15[%parallel_loop3A_197, %parallel_loop3A_198], %parallel_loop3A_201 {strides = array<i32>} : memref<16x1024xf32, #tpu.memory_space<vmem>>, vector<1x16xf32>,
      %parallel_loop3A_202 = arith.constant 7 : i32
      %parallel_loop3A_203 = arith.index_cast %parallel_loop3A_202 : i32 to index
      %parallel_loop3A_204 = arith.index_cast %parallel_loop3A_104 : i32 to index
      %parallel_loop3A_205 = tpu.vector_load %arg13[%parallel_loop3A_203, %parallel_loop3A_204] {strides = array<i32>} : memref<16x1024xf32, #tpu.memory_space<vmem>>, vector<1x16xf32>,
      %parallel_loop3A_206 = vector.shape_cast %parallel_loop3A_205 : vector<1x16xf32> to vector<16xf32>
      %parallel_loop3A_207 = arith.mulf %parallel_loop3A_206, %parallel_loop3A_107 : vector<16xf32>
      %parallel_loop3A_208 = arith.addf %parallel_loop3A_207, %parallel_loop3A_110 : vector<16xf32>
      %parallel_loop3A_209 = arith.constant 7 : i32
      %parallel_loop3A_210 = arith.index_cast %parallel_loop3A_209 : i32 to index
      %parallel_loop3A_211 = arith.index_cast %parallel_loop3A_104 : i32 to index
      %parallel_loop3A_212 = tpu.vector_load %arg15[%parallel_loop3A_210, %parallel_loop3A_211] {strides = array<i32>} : memref<16x1024xf32, #tpu.memory_space<vmem>>, vector<1x16xf32>,
      %parallel_loop3A_213 = vector.shape_cast %parallel_loop3A_212 : vector<1x16xf32> to vector<16xf32>
      %parallel_loop3A_214 = vector.shape_cast %parallel_loop3A_208 : vector<16xf32> to vector<1x16xf32>
      tpu.vector_store %arg15[%parallel_loop3A_210, %parallel_loop3A_211], %parallel_loop3A_214 {strides = array<i32>} : memref<16x1024xf32, #tpu.memory_space<vmem>>, vector<1x16xf32>,
      %parallel_loop3A_215 = arith.constant 8 : i32
      %parallel_loop3A_216 = arith.index_cast %parallel_loop3A_215 : i32 to index
      %parallel_loop3A_217 = arith.index_cast %parallel_loop3A_104 : i32 to index
      %parallel_loop3A_218 = tpu.vector_load %arg13[%parallel_loop3A_216, %parallel_loop3A_217] {strides = array<i32>} : memref<16x1024xf32, #tpu.memory_space<vmem>>, vector<1x16xf32>,
      %parallel_loop3A_219 = vector.shape_cast %parallel_loop3A_218 : vector<1x16xf32> to vector<16xf32>
      %parallel_loop3A_220 = arith.mulf %parallel_loop3A_219, %parallel_loop3A_107 : vector<16xf32>
      %parallel_loop3A_221 = arith.addf %parallel_loop3A_220, %parallel_loop3A_110 : vector<16xf32>
      %parallel_loop3A_222 = arith.constant 8 : i32
      %parallel_loop3A_223 = arith.index_cast %parallel_loop3A_222 : i32 to index
      %parallel_loop3A_224 = arith.index_cast %parallel_loop3A_104 : i32 to index
      %parallel_loop3A_225 = tpu.vector_load %arg15[%parallel_loop3A_223, %parallel_loop3A_224] {strides = array<i32>} : memref<16x1024xf32, #tpu.memory_space<vmem>>, vector<1x16xf32>,
      %parallel_loop3A_226 = vector.shape_cast %parallel_loop3A_225 : vector<1x16xf32> to vector<16xf32>
      %parallel_loop3A_227 = vector.shape_cast %parallel_loop3A_221 : vector<16xf32> to vector<1x16xf32>
      tpu.vector_store %arg15[%parallel_loop3A_223, %parallel_loop3A_224], %parallel_loop3A_227 {strides = array<i32>} : memref<16x1024xf32, #tpu.memory_space<vmem>>, vector<1x16xf32>,
      %parallel_loop3A_228 = arith.constant 9 : i32
      %parallel_loop3A_229 = arith.index_cast %parallel_loop3A_228 : i32 to index
      %parallel_loop3A_230 = arith.index_cast %parallel_loop3A_104 : i32 to index
      %parallel_loop3A_231 = tpu.vector_load %arg13[%parallel_loop3A_229, %parallel_loop3A_230] {strides = array<i32>} : memref<16x1024xf32, #tpu.memory_space<vmem>>, vector<1x16xf32>,
      %parallel_loop3A_232 = vector.shape_cast %parallel_loop3A_231 : vector<1x16xf32> to vector<16xf32>
      %parallel_loop3A_233 = arith.mulf %parallel_loop3A_232, %parallel_loop3A_107 : vector<16xf32>
      %parallel_loop3A_234 = arith.addf %parallel_loop3A_233, %parallel_loop3A_110 : vector<16xf32>
      %parallel_loop3A_235 = arith.constant 9 : i32
      %parallel_loop3A_236 = arith.index_cast %parallel_loop3A_235 : i32 to index
      %parallel_loop3A_237 = arith.index_cast %parallel_loop3A_104 : i32 to index
      %parallel_loop3A_238 = tpu.vector_load %arg15[%parallel_loop3A_236, %parallel_loop3A_237] {strides = array<i32>} : memref<16x1024xf32, #tpu.memory_space<vmem>>, vector<1x16xf32>,
      %parallel_loop3A_239 = vector.shape_cast %parallel_loop3A_238 : vector<1x16xf32> to vector<16xf32>
      %parallel_loop3A_240 = vector.shape_cast %parallel_loop3A_234 : vector<16xf32> to vector<1x16xf32>
      tpu.vector_store %arg15[%parallel_loop3A_236, %parallel_loop3A_237], %parallel_loop3A_240 {strides = array<i32>} : memref<16x1024xf32, #tpu.memory_space<vmem>>, vector<1x16xf32>,
      %parallel_loop3A_241 = arith.constant 10 : i32
      %parallel_loop3A_242 = arith.index_cast %parallel_loop3A_241 : i32 to index
      %parallel_loop3A_243 = arith.index_cast %parallel_loop3A_104 : i32 to index
      %parallel_loop3A_244 = tpu.vector_load %arg13[%parallel_loop3A_242, %parallel_loop3A_243] {strides = array<i32>} : memref<16x1024xf32, #tpu.memory_space<vmem>>, vector<1x16xf32>,
      %parallel_loop3A_245 = vector.shape_cast %parallel_loop3A_244 : vector<1x16xf32> to vector<16xf32>
      %parallel_loop3A_246 = arith.mulf %parallel_loop3A_245, %parallel_loop3A_107 : vector<16xf32>
      %parallel_loop3A_247 = arith.addf %parallel_loop3A_246, %parallel_loop3A_110 : vector<16xf32>
      %parallel_loop3A_248 = arith.constant 10 : i32
      %parallel_loop3A_249 = arith.index_cast %parallel_loop3A_248 : i32 to index
      %parallel_loop3A_250 = arith.index_cast %parallel_loop3A_104 : i32 to index
      %parallel_loop3A_251 = tpu.vector_load %arg15[%parallel_loop3A_249, %parallel_loop3A_250] {strides = array<i32>} : memref<16x1024xf32, #tpu.memory_space<vmem>>, vector<1x16xf32>,
      %parallel_loop3A_252 = vector.shape_cast %parallel_loop3A_251 : vector<1x16xf32> to vector<16xf32>
      %parallel_loop3A_253 = vector.shape_cast %parallel_loop3A_247 : vector<16xf32> to vector<1x16xf32>
      tpu.vector_store %arg15[%parallel_loop3A_249, %parallel_loop3A_250], %parallel_loop3A_253 {strides = array<i32>} : memref<16x1024xf32, #tpu.memory_space<vmem>>, vector<1x16xf32>,
      %parallel_loop3A_254 = arith.constant 11 : i32
      %parallel_loop3A_255 = arith.index_cast %parallel_loop3A_254 : i32 to index
      %parallel_loop3A_256 = arith.index_cast %parallel_loop3A_104 : i32 to index
      %parallel_loop3A_257 = tpu.vector_load %arg13[%parallel_loop3A_255, %parallel_loop3A_256] {strides = array<i32>} : memref<16x1024xf32, #tpu.memory_space<vmem>>, vector<1x16xf32>,
      %parallel_loop3A_258 = vector.shape_cast %parallel_loop3A_257 : vector<1x16xf32> to vector<16xf32>
      %parallel_loop3A_259 = arith.mulf %parallel_loop3A_258, %parallel_loop3A_107 : vector<16xf32>
      %parallel_loop3A_260 = arith.addf %parallel_loop3A_259, %parallel_loop3A_110 : vector<16xf32>
      %parallel_loop3A_261 = arith.constant 11 : i32
      %parallel_loop3A_262 = arith.index_cast %parallel_loop3A_261 : i32 to index
      %parallel_loop3A_263 = arith.index_cast %parallel_loop3A_104 : i32 to index
      %parallel_loop3A_264 = tpu.vector_load %arg15[%parallel_loop3A_262, %parallel_loop3A_263] {strides = array<i32>} : memref<16x1024xf32, #tpu.memory_space<vmem>>, vector<1x16xf32>,
      %parallel_loop3A_265 = vector.shape_cast %parallel_loop3A_264 : vector<1x16xf32> to vector<16xf32>
      %parallel_loop3A_266 = vector.shape_cast %parallel_loop3A_260 : vector<16xf32> to vector<1x16xf32>
      tpu.vector_store %arg15[%parallel_loop3A_262, %parallel_loop3A_263], %parallel_loop3A_266 {strides = array<i32>} : memref<16x1024xf32, #tpu.memory_space<vmem>>, vector<1x16xf32>,
      %parallel_loop3A_267 = arith.constant 12 : i32
      %parallel_loop3A_268 = arith.index_cast %parallel_loop3A_267 : i32 to index
      %parallel_loop3A_269 = arith.index_cast %parallel_loop3A_104 : i32 to index
      %parallel_loop3A_270 = tpu.vector_load %arg13[%parallel_loop3A_268, %parallel_loop3A_269] {strides = array<i32>} : memref<16x1024xf32, #tpu.memory_space<vmem>>, vector<1x16xf32>,
      %parallel_loop3A_271 = vector.shape_cast %parallel_loop3A_270 : vector<1x16xf32> to vector<16xf32>
      %parallel_loop3A_272 = arith.mulf %parallel_loop3A_271, %parallel_loop3A_107 : vector<16xf32>
      %parallel_loop3A_273 = arith.addf %parallel_loop3A_272, %parallel_loop3A_110 : vector<16xf32>
      %parallel_loop3A_274 = arith.constant 12 : i32
      %parallel_loop3A_275 = arith.index_cast %parallel_loop3A_274 : i32 to index
      %parallel_loop3A_276 = arith.index_cast %parallel_loop3A_104 : i32 to index
      %parallel_loop3A_277 = tpu.vector_load %arg15[%parallel_loop3A_275, %parallel_loop3A_276] {strides = array<i32>} : memref<16x1024xf32, #tpu.memory_space<vmem>>, vector<1x16xf32>,
      %parallel_loop3A_278 = vector.shape_cast %parallel_loop3A_277 : vector<1x16xf32> to vector<16xf32>
      %parallel_loop3A_279 = vector.shape_cast %parallel_loop3A_273 : vector<16xf32> to vector<1x16xf32>
      tpu.vector_store %arg15[%parallel_loop3A_275, %parallel_loop3A_276], %parallel_loop3A_279 {strides = array<i32>} : memref<16x1024xf32, #tpu.memory_space<vmem>>, vector<1x16xf32>,
      %parallel_loop3A_280 = arith.constant 13 : i32
      %parallel_loop3A_281 = arith.index_cast %parallel_loop3A_280 : i32 to index
      %parallel_loop3A_282 = arith.index_cast %parallel_loop3A_104 : i32 to index
      %parallel_loop3A_283 = tpu.vector_load %arg13[%parallel_loop3A_281, %parallel_loop3A_282] {strides = array<i32>} : memref<16x1024xf32, #tpu.memory_space<vmem>>, vector<1x16xf32>,
      %parallel_loop3A_284 = vector.shape_cast %parallel_loop3A_283 : vector<1x16xf32> to vector<16xf32>
      %parallel_loop3A_285 = arith.mulf %parallel_loop3A_284, %parallel_loop3A_107 : vector<16xf32>
      %parallel_loop3A_286 = arith.addf %parallel_loop3A_285, %parallel_loop3A_110 : vector<16xf32>
      %parallel_loop3A_287 = arith.constant 13 : i32
      %parallel_loop3A_288 = arith.index_cast %parallel_loop3A_287 : i32 to index
      %parallel_loop3A_289 = arith.index_cast %parallel_loop3A_104 : i32 to index
      %parallel_loop3A_290 = tpu.vector_load %arg15[%parallel_loop3A_288, %parallel_loop3A_289] {strides = array<i32>} : memref<16x1024xf32, #tpu.memory_space<vmem>>, vector<1x16xf32>,
      %parallel_loop3A_291 = vector.shape_cast %parallel_loop3A_290 : vector<1x16xf32> to vector<16xf32>
      %parallel_loop3A_292 = vector.shape_cast %parallel_loop3A_286 : vector<16xf32> to vector<1x16xf32>
      tpu.vector_store %arg15[%parallel_loop3A_288, %parallel_loop3A_289], %parallel_loop3A_292 {strides = array<i32>} : memref<16x1024xf32, #tpu.memory_space<vmem>>, vector<1x16xf32>,
      %parallel_loop3A_293 = arith.constant 14 : i32
      %parallel_loop3A_294 = arith.index_cast %parallel_loop3A_293 : i32 to index
      %parallel_loop3A_295 = arith.index_cast %parallel_loop3A_104 : i32 to index
      %parallel_loop3A_296 = tpu.vector_load %arg13[%parallel_loop3A_294, %parallel_loop3A_295] {strides = array<i32>} : memref<16x1024xf32, #tpu.memory_space<vmem>>, vector<1x16xf32>,
      %parallel_loop3A_297 = vector.shape_cast %parallel_loop3A_296 : vector<1x16xf32> to vector<16xf32>
      %parallel_loop3A_298 = arith.mulf %parallel_loop3A_297, %parallel_loop3A_107 : vector<16xf32>
      %parallel_loop3A_299 = arith.addf %parallel_loop3A_298, %parallel_loop3A_110 : vector<16xf32>
      %parallel_loop3A_300 = arith.constant 14 : i32
      %parallel_loop3A_301 = arith.index_cast %parallel_loop3A_300 : i32 to index
      %parallel_loop3A_302 = arith.index_cast %parallel_loop3A_104 : i32 to index
      %parallel_loop3A_303 = tpu.vector_load %arg15[%parallel_loop3A_301, %parallel_loop3A_302] {strides = array<i32>} : memref<16x1024xf32, #tpu.memory_space<vmem>>, vector<1x16xf32>,
      %parallel_loop3A_304 = vector.shape_cast %parallel_loop3A_303 : vector<1x16xf32> to vector<16xf32>
      %parallel_loop3A_305 = vector.shape_cast %parallel_loop3A_299 : vector<16xf32> to vector<1x16xf32>
      tpu.vector_store %arg15[%parallel_loop3A_301, %parallel_loop3A_302], %parallel_loop3A_305 {strides = array<i32>} : memref<16x1024xf32, #tpu.memory_space<vmem>>, vector<1x16xf32>,
      %parallel_loop3A_306 = arith.constant 15 : i32
      %parallel_loop3A_307 = arith.index_cast %parallel_loop3A_306 : i32 to index
      %parallel_loop3A_308 = arith.index_cast %parallel_loop3A_104 : i32 to index
      %parallel_loop3A_309 = tpu.vector_load %arg13[%parallel_loop3A_307, %parallel_loop3A_308] {strides = array<i32>} : memref<16x1024xf32, #tpu.memory_space<vmem>>, vector<1x16xf32>,
      %parallel_loop3A_310 = vector.shape_cast %parallel_loop3A_309 : vector<1x16xf32> to vector<16xf32>
      %parallel_loop3A_311 = arith.mulf %parallel_loop3A_310, %parallel_loop3A_107 : vector<16xf32>
      %parallel_loop3A_312 = arith.addf %parallel_loop3A_311, %parallel_loop3A_110 : vector<16xf32>
      %parallel_loop3A_313 = arith.constant 15 : i32
      %parallel_loop3A_314 = arith.index_cast %parallel_loop3A_313 : i32 to index
      %parallel_loop3A_315 = arith.index_cast %parallel_loop3A_104 : i32 to index
      %parallel_loop3A_316 = tpu.vector_load %arg15[%parallel_loop3A_314, %parallel_loop3A_315] {strides = array<i32>} : memref<16x1024xf32, #tpu.memory_space<vmem>>, vector<1x16xf32>,
      %parallel_loop3A_317 = vector.shape_cast %parallel_loop3A_316 : vector<1x16xf32> to vector<16xf32>
      %parallel_loop3A_318 = vector.shape_cast %parallel_loop3A_312 : vector<16xf32> to vector<1x16xf32>
      tpu.vector_store %arg15[%parallel_loop3A_314, %parallel_loop3A_315], %parallel_loop3A_318 {strides = array<i32>} : memref<16x1024xf32, #tpu.memory_space<vmem>>, vector<1x16xf32>,
    } {sc.loop_unroll_factor = 8 : i64, sc.parallel_access}
    %add3A_86 = arith.constant 1008 : i32
    %add3A_87 = arith.addi %mul3A_2, %add3A_86 : i32
    %dma_start3A_88 = arith.constant 0 : i32
    %dma_start3A_89 = tpu.memref_slice %arg6[%add3A_87, %dma_start3A_88] : memref<32768x1024xf32, #tpu.memory_space<hbm>> -> memref<16x1024xf32, #tpu.memory_space<hbm>>
    %dma_start3A_90 = arith.constant 0 : i32
    %dma_start3A_91 = tpu.memref_slice %arg6[%add3A_87, %dma_start3A_90] : memref<32768x1024xf32, #tpu.memory_space<hbm>> -> memref<16x1024xf32, #tpu.memory_space<hbm>>
    tpu.enqueue_dma source(%arg15 : memref<16x1024xf32, #tpu.memory_space<vmem>>) target(%dma_start3A_91 : memref<16x1024xf32, #tpu.memory_space<hbm>>) target_semaphore(%arg21 : memref<!tpu.dma_semaphore, #tpu.memory_space<semaphore_mem>>)
    %add3A_92 = arith.constant 992 : i32
    %add3A_93 = arith.addi %mul3A_2, %add3A_92 : i32
    %dma_wait3A_94 = arith.constant 0 : i32
    %dma_wait3A_95 = tpu.memref_slice %arg6[%add3A_93, %dma_wait3A_94] : memref<32768x1024xf32, #tpu.memory_space<hbm>> -> memref<16x1024xf32, #tpu.memory_space<hbm>>
    %dma_wait3A_96 = arith.constant 0 : i32
    %dma_wait3A_97 = tpu.memref_slice %arg6[%add3A_93, %dma_wait3A_96] : memref<32768x1024xf32, #tpu.memory_space<hbm>> -> memref<16x1024xf32, #tpu.memory_space<hbm>>
    tpu.wait_dma2 semaphore(%arg20 : memref<!tpu.dma_semaphore, #tpu.memory_space<semaphore_mem>>) src(%arg14 : memref<16x1024xf32, #tpu.memory_space<vmem>>) dst(%dma_wait3A_97 : memref<16x1024xf32, #tpu.memory_space<hbm>>)
    %add3A_98 = arith.constant 1008 : i32
    %add3A_99 = arith.addi %mul3A_2, %add3A_98 : i32
    %dma_wait3A_100 = arith.constant 0 : i32
    %dma_wait3A_101 = tpu.memref_slice %arg6[%add3A_99, %dma_wait3A_100] : memref<32768x1024xf32, #tpu.memory_space<hbm>> -> memref<16x1024xf32, #tpu.memory_space<hbm>>
    %dma_wait3A_102 = arith.constant 0 : i32
    %dma_wait3A_103 = tpu.memref_slice %arg6[%add3A_99, %dma_wait3A_102] : memref<32768x1024xf32, #tpu.memory_space<hbm>> -> memref<16x1024xf32, #tpu.memory_space<hbm>>
    tpu.wait_dma2 semaphore(%arg21 : memref<!tpu.dma_semaphore, #tpu.memory_space<semaphore_mem>>) src(%arg15 : memref<16x1024xf32, #tpu.memory_space<vmem>>) dst(%dma_wait3A_103 : memref<16x1024xf32, #tpu.memory_space<hbm>>)
    return
  }
}

</mosaic_0001>

<sc_bundles>
// kernel: kernel.3.cloned.1.call-start
scs
__scs_entry_jumppad:
0x0: {  	(pc) =	sbr.rel $0x88, $3  }
0x1: {  	(tag) =	ssettag $0x0;
	lr =	simm.s32 $0x1  }
0x2: {  	[smem:$0x3F9D] =	sst lr;
	_ =	strace $0xD0000000  }
0x3: {  	_ = 	snop  }
0x4: {  	_ = 	snop  }
0x5: {  	_ = 	snop  }
0x6: {  	_ = 	snop  }
0x7: {  	_ = 	snop  }
__scs_overlays_trampoline_lowered:
0x8: {  	[smem:$0x3FAC] =	sst s0  }
0x9: {  	[smem:$0x3FAD] =	sst s1  }
0xa: {  	[smem:$0x3FAE] =	sst s2  }
0xb: {  	[smem:$0x3FAF] =	sst s3  }
0xc: {  	[smem:$0x3FB0] =	sst s4  }
0xd: {  	[smem:$0x3FB1] =	sst s5  }
0xe: {  	[smem:$0x3FB2] =	sst s6  }
0xf: {  	[smem:$0x3FB3] =	sst s7  }
0x10: {  	[smem:$0x3FB4] =	sst s8  }
0x11: {  	[smem:$0x3FB5] =	sst s9;
	s0 =	simm.s32 @!p0 $0x0  }
0x12: {  	s1 =	sld [smem:$0x3F9B];
	s0 =	simm.s32 @p0 $0x1  }
0x13: {  	[smem:$0x3FB6] =	sst s0;
	s0 =	simm.s32 @!p1 $0x0  }
0x14: {  	s2 =	sld [smem:$0x3F9A];
	s0 =	simm.s32 @p1 $0x1  }
0x15: {  	[smem:$0x3FB7] =	sst s0;
	s0 =	simm.s32 @!p2 $0x0  }
0x16: {  	s3 =	sld [smem:$0x3FDB];
	s0 =	simm.s32 @p2 $0x1  }
0x17: {  	s4 =	simm.s32 $0x1BF5;
	[smem:$0x3FB9] =	sst s0  }
0x18: {  	s0 =	sld [smem:$0x3F9C];
	_ =	swait.ge [sflag:s4], $0x0  }
0x19: {  	s7 =	sld [smem:$0x3F9D]  }
0x1a: {  	s8 =	sadd.s32 $0xFFFFE003, lr  }
0x1b: {  	s9 =	sadd.s32 $0xFFFFFEF7, lr;
	s5 =	simm.s32 $0xFFFFFFFF;
	p2 =	slt.u32 s8, $0xFFFFF086  }
0x1c: {  	p1 =	slt.u32 s9, $0xF7A;
	s5 =	simm.s32 @!p2 $0x0  }
0x1d: {  	s5 =	simm.s32 @p1 $0x1;
	p0 =	seq.s32 s7, s2  }
0x1e: {  	s7 =	smul.u32 @!p0 $0xF7A, s2;
	p2 =	seq.s32 @!p0 s5, $0x0  }
0x1f: {  	s9 =	smul.u32 $0xF7A, s1;
	s8 =	simm.s32 @!p0 $0x1BF5;
	p2 =	por !p2, p0  }
0x20: {  	[sflag:s8] =	ssyncset.s32 @!p0 $0xFFFFF086;
	s6 =	sadd.s32 @!p0 s3, s7;
	s7 =	simm.s32 @!p0 $0x108  }
0x21: {  	s3 =	sadd.s32 s3, s9;
	s6 =	sadd.s32 @!p0 $0x88, s6;
	s7 =	simm.s32 @p2 $0x1082  }
0x22: {  	[simem:s7], [sflag:s8] =	dma.local @!p0 [hbm:s6], $0xF7A  }
0x23: {  	s9 =	sor.u32 $0xD0000000, s2;
	s6 =	simm.s32 $0x108;
	_ =	swait.ge @!p0 [sflag:s8], $0x0  }
0x24: {  	s3 =	sadd.s32 $0x88, s3;
	s6 =	simm.s32 @!p1 $0x1082;
	[sflag:s4] =	ssyncset.s32 $0xFFFFF086  }
0x25: {  	[simem:s6], [sflag:s4] =	dma.local [hbm:s3], $0xF7A  }
0x26: {  	[smem:$0x3F9D] =	sst s1;
	(tag) =	ssettag s2;
	_ =	strace s9  }
0x27: {  	s1 =	sld [smem:$0x3FAD]  }
0x28: {  	s2 =	sld [smem:$0x3FAE]  }
0x29: {  	s4 =	sld [smem:$0x3FB0]  }
0x2a: {  	p0 =	seq.s32 s5, $0x0;
	s5 =	sld [smem:$0x3FB1]  }
0x2b: {  	s6 =	sld [smem:$0x3FB2]  }
0x2c: {  	s7 =	sld [smem:$0x3FB3]  }
0x2d: {  	s3 =	simm.s32 $0x108;
	s8 =	sld [smem:$0x3FB4]  }
0x2e: {  	s3 =	simm.s32 @!p0 $0x1082;
	s9 =	sld [smem:$0x3FB5]  }
0x2f: {  	lr =	sadd.s32 s0, s3;
	s0 =	sld [smem:$0x3FAC]  }
0x30: {  	s3 =	sld [smem:$0x3FAF]  }
0x31: {  	[smem:$0x3FB8] =	sst s10  }
0x32: {  	s10 =	sld [smem:$0x3FB6];
	_ =	sdelay $0x3  }
0x33: {  	p0 =	seq.s32 s10, $0x1;
	s10 =	sld [smem:$0x3FB8];
	_ =	sdelay $0x3  }
0x34: {  	[smem:$0x3FB8] =	sst s10  }
0x35: {  	s10 =	sld [smem:$0x3FB7];
	_ =	sdelay $0x3  }
0x36: {  	p1 =	seq.s32 s10, $0x1;
	s10 =	sld [smem:$0x3FB8];
	_ =	sdelay $0x3  }
0x37: {  	[smem:$0x3FB8] =	sst s10  }
0x38: {  	s10 =	sld [smem:$0x3FB9]  }
0x39: {  	_ = 	snop;
	(pc) =	sbr.ind lr, $3  }
0x3a: {  	_ = 	snop  }
0x3b: {  	_ = 	snop  }
0x3c: {  	p2 =	seq.s32 s10, $0x1;
	s10 =	sld [smem:$0x3FB8]  }
0x3d: {  	_ =	shalt  }
0x3e: {  	_ =	shalt  }
0x3f: {  	_ =	shalt  }
0x40: {  	_ =	shalt  }
0x41: {  	_ =	shalt  }
0x42: {  	_ =	shalt  }
0x43: {  	_ =	shalt  }
0x44: {  	_ =	shalt  }
0x45: {  	_ =	shalt  }
0x46: {  	_ =	shalt  }
0x47: {  	_ =	shalt  }
0x48: {  	_ =	shalt  }
0x49: {  	_ =	shalt  }
0x4a: {  	_ =	shalt  }
0x4b: {  	_ =	shalt  }
0x4c: {  	_ =	shalt  }
0x4d: {  	_ =	shalt  }
0x4e: {  	_ =	shalt  }
0x4f: {  	_ =	shalt  }
0x50: {  	_ =	shalt  }
0x51: {  	_ =	shalt  }
0x52: {  	_ =	shalt  }
0x53: {  	_ =	shalt  }
0x54: {  	_ =	shalt  }
0x55: {  	_ =	shalt  }
0x56: {  	_ =	shalt  }
0x57: {  	_ =	shalt  }
0x58: {  	_ =	shalt  }
0x59: {  	_ =	shalt  }
0x5a: {  	_ =	shalt  }
0x5b: {  	_ =	shalt  }
0x5c: {  	_ =	shalt  }
0x5d: {  	_ =	shalt  }
0x5e: {  	_ =	shalt  }
0x5f: {  	_ =	shalt  }
0x60: {  	_ =	shalt  }
0x61: {  	_ =	shalt  }
0x62: {  	_ =	shalt  }
0x63: {  	_ =	shalt  }
0x64: {  	_ =	shalt  }
0x65: {  	_ =	shalt  }
0x66: {  	_ =	shalt  }
0x67: {  	_ =	shalt  }
0x68: {  	_ =	shalt  }
0x69: {  	_ =	shalt  }
0x6a: {  	_ =	shalt  }
0x6b: {  	_ =	shalt  }
0x6c: {  	_ =	shalt  }
0x6d: {  	_ =	shalt  }
0x6e: {  	_ =	shalt  }
0x6f: {  	_ =	shalt  }
0x70: {  	_ =	shalt  }
0x71: {  	_ =	shalt  }
0x72: {  	_ =	shalt  }
0x73: {  	_ =	shalt  }
0x74: {  	_ =	shalt  }
0x75: {  	_ =	shalt  }
0x76: {  	_ =	shalt  }
0x77: {  	_ =	shalt  }
0x78: {  	_ =	shalt  }
0x79: {  	_ =	shalt  }
0x7a: {  	_ =	shalt  }
0x7b: {  	_ =	shalt  }
0x7c: {  	_ =	shalt  }
0x7d: {  	_ =	shalt  }
0x7e: {  	_ =	shalt  }
0x7f: {  	_ =	shalt  }
0x80: {  	_ =	shalt  }
0x81: {  	_ =	shalt  }
0x82: {  	_ =	shalt  }
0x83: {  	_ =	shalt  }
0x84: {  	_ =	shalt  }
0x85: {  	_ =	shalt  }
0x86: {  	_ =	shalt  }
0x87: {  	_ =	shalt  }
.Lfunc_end0:
.L_simem_size_0:
called_computation_lowered:
.L_overlay_start_0:
0x88: {  	s2 =	sld [smem:$0x3FD9]  }
0x89: {  	s3 =	sld [smem:$0x3FFE];
	_ =	sdelay $0x1  }
0x8a: {  	s1 =	srdreg.scid  }
0x8b: {  	s0 =	sand.u32 $0x1, s1  }
0x8c: {  	s17 =	sshll.u32 s0, $0xA;
	s2 =	sadd.s32 s3, s2  }
0x8d: {  	s2 =	sadd.s32 s2, s17  }
0x8e: {  	[smem:$0x3FC4] =	sst s2  }
0x8f: {  	_ = 	snop  }
0x90: {  	s2 =	sld [smem:$0x3FC8]  }
0x91: {  	s18 =	sld [smem:$0x3FC7]  }
0x92: {  	s4 =	sld [smem:$0x3FC6]  }
0x93: {  	s5 =	sld [smem:$0x3FD0];
	(tm) =	ssettm $0x1  }
0x94: {  	s6 =	sld [smem:$0x3FFB];
	_ =	sdelay $0x3  }
0x95: {  	_ =	strace s6  }
0x96: {  	s6 =	sld [smem:$0x3FFC];
	_ =	sdelay $0x3  }
0x97: {  	_ =	strace s6  }
0x98: {  	s6 =	sld [smem:$0x3FFD];
	_ =	sdelay $0x3  }
0x99: {  	_ =	strace s6  }
0x9a: {  	_ =	strace $0x8FFFFFFF  }
0x9b: {  	s19 =	sld [smem:$0x3FDB];
	_ =	sdelay $0x1  }
0x9c: {  	s7 =	simm.s32 $_scs_section_size  }
0x9d: {  	s8 =	simm.s32 $_size__tile_overlayer_lowered;
	s9 =	simm.s32 $_tile_overlayer_lowered  }
0x9e: {  	s22 =	simm.s32 $0x1BFF;
	s21 =	sshll.u32 s9, $0x1;
	s6 =	sadd.s32 s7, s19  }
0x9f: {  	s10 =	simm.s32 $0x0;
	s20 =	sshll.u32 s8, $0x1;
	s8 =	sadd.s32 s21, s6  }
0xa0: {  	[timem:s10], [sflag:s22] =	dma.local [hbm:s8], s20  }
0xa1: {  	_ =	swait.ge [sflag:s22], s20  }
0xa2: {  	s7 =	ssub.s32 $0x0, s20;
	[sflag:s22] =	ssyncset.done $0x0  }
0xa3: {  	[sflag:s22] =	ssyncadd.s32 s7;
	_ =	sdelay $0x1  }
0xa4: {  	s23 =	simm.s32 $0x1B8B  }
0xa5: {  	_ =	swait.ge [sflag:s23], $0x1  }
0xa6: {  	[sflag:s23] =	ssyncset.done $0x0  }
0xa7: {  	s25 =	simm.s32 $0x1B8E;
	s24 =	sld [smem:$0x3FFE];
	[sflag:s23] =	ssyncadd.s32 $0xFFFFFFFF  }
0xa8: {  	s26 =	simm.s32 $execute0_lowered;
	[smem:$0x3FD2] =	sst s25  }
0xa9: {  	s8 =	sshll.u32 s26, $0x1;
	_ =	strace $0x80000046;
	[dreg:$0x1] =	wrdreg $0xFFFFFFFF  }
0xaa: {  	s28 =	simm.s32 $_size_execute0_lowered;
	s6 =	sadd.s32 s6, s8;
	[dreg:$0x0] =	wrdreg $0x0  }
0xab: {  	s8 =	sshll.u32 s28, $0x1;
	[dreg:$0x2] =	wrdreg s6  }
0xac: {  	[dreg:$0x3] =	wrdreg s8  }
0xad: {  	[dreg:$0x4] =	wrdreg $0xC0  }
0xae: {  	_ =	task [dreg:s10], $0x5FFFF  }
0xaf: {  	[dreg:$0x1] =	wrdreg $0xFFFFFFFF  }
0xb0: {  	[dreg:$0x0] =	wrdreg $0x60  }
0xb1: {  	[dreg:$0x2] =	wrdreg s2  }
0xb2: {  	[dreg:$0x3] =	wrdreg s24  }
0xb3: {  	[dreg:$0x4] =	wrdreg s18  }
0xb4: {  	[dreg:$0x5] =	wrdreg s4  }
0xb5: {  	[dreg:$0x6] =	wrdreg s5  }
0xb6: {  	[dreg:$0x7] =	wrdreg $0x9  }
0xb7: {  	_ =	task.clear_ibuf [dreg:s10], $0x8FFFF;
	_ =	strace $0x90000046  }
0xb8: {  	s29 =	simm.s32 $0x9;
	_ =	strace $0x80000048  }
0xb9: {  	_ =	swait.ge [sflag:s29], $0x1  }
0xba: {  	[sflag:s29] =	ssyncadd.s32 $0xFFFFFFFF  }
0xbb: {  	_ =	strace $0x90000048  }
0xbc: {  	_ =	sfence  }
0xbd: {  	s30 =	sld [smem:$0x0];
	_ =	sdelay $0x2  }
0xbe: {  	s31 =	sshll.u32 s1, $0xD;
	s1 =	sshrl.u32 s1, $0x2  }
0xbf: {  	s3 =	sand.u32 $0x4000, s31;
	s1 =	sadd.s32 s1, s30  }
0xc0: {  	s0 =	sor.u32 s3, s0;
	s1 =	sshll.u32 s1, $0x11  }
0xc1: {  	s0 =	sor.u32 s1, s0  }
0xc2: {  	s0 =	sadd.s32 $0x8F2B, s0  }
0xc3: {  	[sflag:s0] =	ssyncadd.remote.s32 $0x1  }
0xc4: {  	_ =	sfence.sel $0xFFFF  }
0xc5: {  	[dreg:$0x0] =	wrdreg $0xFFFFFFFF;
	(pc) =	sbr.abs _section_cstart, $3  }
0xc6: {  	[dreg:$0x1] =	wrdreg $0xFFFFFFFF  }
0xc7: {  	_ =	task.clear_ibuf [dreg:s10], $0x2FFFF;
	_ =	strace $0x9FFFFFFF  }
0xc8: {  	(tm) =	ssettm $0x7FFFFFFF  }
0xc9: {  	_ =	shalt  }
tec
execute0_lowered:
.L_overlay_start_1:
0x0: {  	(tag) =	ssettag $0x1  }
0x1: {  	s0 =	rddreg [dreg:$0x0]  }
0x2: {  	s1 =	rddreg [dreg:$0x1];
	s2 =	srdreg.scid  }
0x3: {  	s5 =	rddreg [dreg:$0x4];
	s3 =	stileid.u32;
	s6 =	simm.s32 $0x0  }
0x4: {  	s20 =	simm.s32 $0xCC00;
	s21 =	simm.s32 $0xD400;
	s28 =	simm.s32 $0x10400  }
0x5: {  	s29 =	simm.s32 $0x1;
	s30 =	simm.s32 $0x10C00;
	s31 =	simm.s32 $0x2  }
0x6: {  	s18 =	simm.s32 $0x4;
	s12 =	simm.s32 $0x0;
	s19 =	simm.s32 $0x0  }
0x7: {  	s2 =	sand.u32 $0x1, s2;
	s3 =	sshll.u32 s3, $0xB;
	[smem:$0x7FF] =	sst s6  }
0x8: {  	s9 =	sadd.s32 $0x100, s0;
	s4 =	sshll.u32 s2, $0xA;
	s2 =	ssub.s32 $0x2, s2  }
0x9: {  	s10 =	sadd.s32 $0x200, s0;
	s7 =	sor.u32 s4, s3;
	s22 =	sshrl.u32 s2, $0x1  }
0xa: {  	s11 =	sadd.s32 $0x300, s0;
	s3 =	sshrl.u32 s7, $0x3;
	s2 =	ssub.s32 s2, s22  }
0xb: {  	_ =	strace $0x80000047;
	s1 =	sadd.s32 s3, s1;
	s26 =	smax.u32 s2, $0x1  }
0xc: {  	s23 =	sshll.u32 s7, $0x7;
	s1 =	sadd.s32 $0x400, s1;
	[dreg:$0xb] =	wrdreg s26  }
0xd: {  	s4 =	simm.s32 $0x6;
	[dreg:$0x6] =	wrdreg s1;
	s1 =	sadd.s32 s5, s23  }
0xe: {  	s22 =	simm.s32 $0xDC00;
	s24 =	sadd.s32 $0x800, s1;
	[dreg:$0x7] =	wrdreg s1  }
0xf: {  	s2 =	simm.s32 $0x5;
	s25 =	sadd.s32 $0x1F000, s1;
	[dreg:$0x8] =	wrdreg s24  }
0x10: {  	v2 =	vlaneseq.u32;
	s3 =	simm.s32 $0x3;
	s1 =	sadd.s32 $0x1F800, s1;
	[dreg:$0x9] =	wrdreg s25  }
0x11: {  	vm0 =	vmmov $0xffff;
	v1 =	vshrl.u32 v2, $0x3;
	s26 =	simm.s32 $0xFC00;
	s23 =	simm.s32 $0xE400;
	[dreg:$0xa] =	wrdreg s1  }
0x12: {  	v0 =	vand.u32 $0x7, v2;
	v2 =	vor.u32 $0x8, v2;
	v1 =	vmul.u32 $0x8, v1;
	s24 =	simm.s32 $0xEC00;
	s25 =	simm.s32 $0xF400;
	s1 =	simm.s32 $0x14C00  }
.LBB2_1:
0x13: {  	[dreg:$0xc] =	wrdreg s12  }
0x14: {  	s8 =	rddreg [dreg:$0x6];
	s14 =	simm.s32 $0x7  }
0x15: {  	[tilespmem:s6], [sflag:$0x7] =	stream.linear.gather [hbm4b:s8+s6], $0x400, $0x38;
	[tilespmem:$0x18C00] =	vst v63  }
0x16: {  	_ =	swait.ge [sflag:s14], $0x400  }
0x17: {  	[sflag:s14] =	ssyncset.done $0x0  }
0x18: {  	[sflag:s14] =	ssyncadd.s32 $0xFFFFFC00  }
0x19: {  	s13 =	simm.s32 $0x400;
	s15 =	rddreg [dreg:$0x2]  }
0x1a: {  	[tilespmem:s13], [sflag:$0x7] =	stream.linear.gather [hbm4b:s15+s6], $0x400, $0x38;
	[tilespmem:$0x18C00] =	vst v63  }
0x1b: {  	_ =	swait.ge [sflag:s14], $0x400  }
0x1c: {  	[sflag:s14] =	ssyncset.done $0x0  }
0x1d: {  	[sflag:s14] =	ssyncadd.s32 $0xFFFFFC00  }
0x1e: {  	s17 =	simm.s32 $0x800;
	s16 =	rddreg [dreg:$0x3]  }
0x1f: {  	[tilespmem:s17], [sflag:$0x7] =	stream.linear.gather [hbm4b:s16+s6], $0x400, $0x38;
	[tilespmem:$0x18C00] =	vst v63  }
0x20: {  	_ =	swait.ge [sflag:s14], $0x400  }
0x21: {  	[sflag:s14] =	ssyncset.done $0x0  }
0x22: {  	[sflag:s14] =	ssyncadd.s32 $0xFFFFFC00  }
0x23: {  	v3 =	vld [tilespmem:$0x0];
	_ =	sdelay $0x4  }
0x24: {  	v4 =	vshll.u32 v3, $0x3  }
0x25: {  	v3 =	vand.u32 $0x7, v3;
	v4 =	vand.u32 $0xFFFFFFC0, v4  }
0x26: {  	v3 =	vor.u32 v3, v4  }
0x27: {  	v4 =	vperm.xlane v3, v0;
	_ =	sdelay $0x1  }
0x28: {  	v4 =	vadd.s32 v1, v4;
	_ =	sdelay $0x3  }
0x29: {  	s12 =	simm.s32 $0xC00  }
0x2a: {  	[tilespmem:s12], [sflag:$0x1] =	stream.indirect_vreg.gather [hbm4b:s0+s6], $0x80, v4, vm0, $0xb8;
	[tilespmem:$0x18C00] =	vst v63  }
0x2b: {  	s13 =	simm.s32 $0x1400;
	v3 =	vperm.xlane v3, v2  }
0x2c: {  	[tilespmem:s13], [sflag:$0x1] =	stream.indirect_vreg.gather [hbm4b:s9+s6], $0x80, v4, vm0, $0xb8;
	[tilespmem:$0x18C00] =	vst v63  }
0x2d: {  	s14 =	simm.s32 $0x1C00;
	v3 =	vadd.s32 v1, v3  }
0x2e: {  	[tilespmem:s14], [sflag:$0x1] =	stream.indirect_vreg.gather [hbm4b:s10+s6], $0x80, v4, vm0, $0xb8;
	[tilespmem:$0x18C00] =	vst v63  }
0x2f: {  	s15 =	simm.s32 $0x2400  }
0x30: {  	[tilespmem:s15], [sflag:$0x1] =	stream.indirect_vreg.gather [hbm4b:s11+s6], $0x80, v4, vm0, $0xb8;
	[tilespmem:$0x18C00] =	vst v63  }
0x31: {  	s16 =	simm.s32 $0x2C00  }
0x32: {  	[tilespmem:s16], [sflag:$0x1] =	stream.indirect_vreg.gather [hbm4b:s0+s6], $0x80, v3, vm0, $0xb8;
	[tilespmem:$0x18C00] =	vst v63  }
0x33: {  	s17 =	simm.s32 $0x3400  }
0x34: {  	[tilespmem:s17], [sflag:$0x1] =	stream.indirect_vreg.gather [hbm4b:s9+s6], $0x80, v3, vm0, $0xb8;
	[tilespmem:$0x18C00] =	vst v63  }
0x35: {  	s12 =	simm.s32 $0x3C00  }
0x36: {  	[tilespmem:s12], [sflag:$0x1] =	stream.indirect_vreg.gather [hbm4b:s10+s6], $0x80, v3, vm0, $0xb8;
	[tilespmem:$0x18C00] =	vst v63  }
0x37: {  	s13 =	simm.s32 $0x4400  }
0x38: {  	[tilespmem:s13], [sflag:$0x1] =	stream.indirect_vreg.gather [hbm4b:s11+s6], $0x80, v3, vm0, $0xb8;
	[tilespmem:$0x18C00] =	vst v63  }
0x39: {  	v3 =	vld [tilespmem:$0x10];
	_ =	sdelay $0x4  }
0x3a: {  	v61 =	vshll.u32 v3, $0x3  }
0x3b: {  	v3 =	vand.u32 $0x7, v3;
	v4 =	vand.u32 $0xFFFFFFC0, v61  }
0x3c: {  	v3 =	vor.u32 v3, v4  }
0x3d: {  	v4 =	vperm.xlane v3, v0;
	_ =	sdelay $0x1  }
0x3e: {  	v4 =	vadd.s32 v1, v4;
	_ =	sdelay $0x3  }
0x3f: {  	s14 =	simm.s32 $0x4C00  }
0x40: {  	[tilespmem:s14], [sflag:$0x2] =	stream.indirect_vreg.gather [hbm4b:s0+s6], $0x80, v4, vm0, $0xb8;
	[tilespmem:$0x18C00] =	vst v63  }
0x41: {  	s15 =	simm.s32 $0x5400;
	v3 =	vperm.xlane v3, v2  }
0x42: {  	[tilespmem:s15], [sflag:$0x2] =	stream.indirect_vreg.gather [hbm4b:s9+s6], $0x80, v4, vm0, $0xb8;
	[tilespmem:$0x18C00] =	vst v63  }
0x43: {  	s16 =	simm.s32 $0x5C00;
	v3 =	vadd.s32 v1, v3  }
0x44: {  	[tilespmem:s16], [sflag:$0x2] =	stream.indirect_vreg.gather [hbm4b:s10+s6], $0x80, v4, vm0, $0xb8;
	[tilespmem:$0x18C00] =	vst v63  }
0x45: {  	s17 =	simm.s32 $0x6400  }
0x46: {  	[tilespmem:s17], [sflag:$0x2] =	stream.indirect_vreg.gather [hbm4b:s11+s6], $0x80, v4, vm0, $0xb8;
	[tilespmem:$0x18C00] =	vst v63  }
0x47: {  	s12 =	simm.s32 $0x6C00  }
0x48: {  	[tilespmem:s12], [sflag:$0x2] =	stream.indirect_vreg.gather [hbm4b:s0+s6], $0x80, v3, vm0, $0xb8;
	[tilespmem:$0x18C00] =	vst v63  }
0x49: {  	s13 =	simm.s32 $0x7400  }
0x4a: {  	[tilespmem:s13], [sflag:$0x2] =	stream.indirect_vreg.gather [hbm4b:s9+s6], $0x80, v3, vm0, $0xb8;
	[tilespmem:$0x18C00] =	vst v63  }
0x4b: {  	s14 =	simm.s32 $0x7C00  }
0x4c: {  	[tilespmem:s14], [sflag:$0x2] =	stream.indirect_vreg.gather [hbm4b:s10+s6], $0x80, v3, vm0, $0xb8;
	[tilespmem:$0x18C00] =	vst v63  }
0x4d: {  	s15 =	simm.s32 $0x8400  }
0x4e: {  	[tilespmem:s15], [sflag:$0x2] =	stream.indirect_vreg.gather [hbm4b:s11+s6], $0x80, v3, vm0, $0xb8;
	[tilespmem:$0x18C00] =	vst v63  }
0x4f: {  	v3 =	vld [tilespmem:$0x20];
	_ =	sdelay $0x4  }
0x50: {  	v62 =	vshll.u32 v3, $0x3  }
0x51: {  	v3 =	vand.u32 $0x7, v3;
	v4 =	vand.u32 $0xFFFFFFC0, v62  }
0x52: {  	v3 =	vor.u32 v3, v4  }
0x53: {  	v4 =	vperm.xlane v3, v0;
	_ =	sdelay $0x1  }
0x54: {  	v4 =	vadd.s32 v1, v4;
	_ =	sdelay $0x3  }
0x55: {  	s16 =	simm.s32 $0x8C00  }
0x56: {  	[tilespmem:s16], [sflag:$0x3] =	stream.indirect_vreg.gather [hbm4b:s0+s6], $0x80, v4, vm0, $0xb8;
	[tilespmem:$0x18C00] =	vst v63  }
0x57: {  	s17 =	simm.s32 $0x9400;
	v3 =	vperm.xlane v3, v2  }
0x58: {  	[tilespmem:s17], [sflag:$0x3] =	stream.indirect_vreg.gather [hbm4b:s9+s6], $0x80, v4, vm0, $0xb8;
	[tilespmem:$0x18C00] =	vst v63  }
0x59: {  	s12 =	simm.s32 $0x9C00;
	v3 =	vadd.s32 v1, v3  }
0x5a: {  	[tilespmem:s12], [sflag:$0x3] =	stream.indirect_vreg.gather [hbm4b:s10+s6], $0x80, v4, vm0, $0xb8;
	[tilespmem:$0x18C00] =	vst v63  }
0x5b: {  	s13 =	simm.s32 $0xA400  }
0x5c: {  	[tilespmem:s13], [sflag:$0x3] =	stream.indirect_vreg.gather [hbm4b:s11+s6], $0x80, v4, vm0, $0xb8;
	[tilespmem:$0x18C00] =	vst v63  }
0x5d: {  	s14 =	simm.s32 $0xAC00  }
0x5e: {  	[tilespmem:s14], [sflag:$0x3] =	stream.indirect_vreg.gather [hbm4b:s0+s6], $0x80, v3, vm0, $0xb8;
	[tilespmem:$0x18C00] =	vst v63  }
0x5f: {  	s15 =	simm.s32 $0xB400  }
0x60: {  	[tilespmem:s15], [sflag:$0x3] =	stream.indirect_vreg.gather [hbm4b:s9+s6], $0x80, v3, vm0, $0xb8;
	[tilespmem:$0x18C00] =	vst v63  }
0x61: {  	s16 =	simm.s32 $0xBC00  }
0x62: {  	[tilespmem:s16], [sflag:$0x3] =	stream.indirect_vreg.gather [hbm4b:s10+s6], $0x80, v3, vm0, $0xb8;
	[tilespmem:$0x18C00] =	vst v63  }
0x63: {  	s17 =	simm.s32 $0xC400  }
0x64: {  	[tilespmem:s17], [sflag:$0x3] =	stream.indirect_vreg.gather [hbm4b:s11+s6], $0x80, v3, vm0, $0xb8;
	[tilespmem:$0x18C00] =	vst v63  }
0x65: {  	v3 =	vld [tilespmem:$0x30];
	_ =	sdelay $0x4  }
0x66: {  	v63 =	vshll.u32 v3, $0x3  }
0x67: {  	v3 =	vand.u32 $0x7, v3;
	v4 =	vand.u32 $0xFFFFFFC0, v63  }
0x68: {  	v3 =	vor.u32 v3, v4  }
0x69: {  	v4 =	vperm.xlane v3, v0;
	_ =	sdelay $0x1  }
0x6a: {  	v4 =	vadd.s32 v1, v4;
	_ =	sdelay $0x4  }
0x6b: {  	[tilespmem:s20], [sflag:$0x4] =	stream.indirect_vreg.gather [hbm4b:s0+s6], $0x80, v4, vm0, $0xb8;
	[tilespmem:$0x18C00] =	vst v63  }
0x6c: {  	v3 =	vperm.xlane v3, v2  }
0x6d: {  	[tilespmem:s21], [sflag:$0x4] =	stream.indirect_vreg.gather [hbm4b:s9+s6], $0x80, v4, vm0, $0xb8;
	[tilespmem:$0x18C00] =	vst v63  }
0x6e: {  	v3 =	vadd.s32 v1, v3  }
0x6f: {  	[tilespmem:s22], [sflag:$0x4] =	stream.indirect_vreg.gather [hbm4b:s10+s6], $0x80, v4, vm0, $0xb8;
	[tilespmem:$0x18C00] =	vst v63  }
0x70: {  	_ = 	snop  }
0x71: {  	[tilespmem:s23], [sflag:$0x4] =	stream.indirect_vreg.gather [hbm4b:s11+s6], $0x80, v4, vm0, $0xb8;
	[tilespmem:$0x18C00] =	vst v63  }
0x72: {  	_ = 	snop  }
0x73: {  	[tilespmem:s24], [sflag:$0x4] =	stream.indirect_vreg.gather [hbm4b:s0+s6], $0x80, v3, vm0, $0xb8;
	[tilespmem:$0x18C00] =	vst v63  }
0x74: {  	_ = 	snop  }
0x75: {  	[tilespmem:s25], [sflag:$0x4] =	stream.indirect_vreg.gather [hbm4b:s9+s6], $0x80, v3, vm0, $0xb8;
	[tilespmem:$0x18C00] =	vst v63  }
0x76: {  	_ = 	snop  }
0x77: {  	[tilespmem:s26], [sflag:$0x4] =	stream.indirect_vreg.gather [hbm4b:s10+s6], $0x80, v3, vm0, $0xb8;
	[tilespmem:$0x18C00] =	vst v63  }
0x78: {  	_ = 	snop  }
0x79: {  	[tilespmem:s28], [sflag:$0x4] =	stream.indirect_vreg.gather [hbm4b:s11+s6], $0x80, v3, vm0, $0xb8;
	[tilespmem:$0x18C00] =	vst v63  }
0x7a: {  	_ =	swait.ge [sflag:s29], $0x4000  }
0x7b: {  	[sflag:s29] =	ssyncset.done $0x0  }
0x7c: {  	s8 =	simm.s32 $0x0;
	[sflag:s29] =	ssyncadd.s32 $0xFFFFC000  }
.LBB2_2:
0x7d: {  	v3 =	vld [tilespmem:s8+$0x400]  }
0x7e: {  	v5 =	vld [tilespmem:s8+$0x800]  }
0x7f: {  	v22 =	vld [tilespmem:s8+$0x410]  }
0x80: {  	s12 =	sshll.u32 s8, $0x3;
	v4 =	vld [tilespmem:s8+$0x810]  }
0x81: {  	v6 =	vld [tilespmem:s12+$0xC00]  }
0x82: {  	v7 =	vld [tilespmem:s12+$0xC80]  }
0x83: {  	v8 =	vld [tilespmem:s12+$0xD00]  }
0x84: {  	v9 =	vld [tilespmem:s12+$0xD80]  }
0x85: {  	v10 =	vld [tilespmem:s12+$0xE00]  }
0x86: {  	v11 =	vld [tilespmem:s12+$0xE80]  }
0x87: {  	v12 =	vld [tilespmem:s12+$0xF00]  }
0x88: {  	v13 =	vld [tilespmem:s12+$0xF80]  }
0x89: {  	v14 =	vld [tilespmem:s12+$0x2C00]  }
0x8a: {  	v15 =	vld [tilespmem:s12+$0x2C80]  }
0x8b: {  	v16 =	vld [tilespmem:s12+$0x2D00]  }
0x8c: {  	v17 =	vld [tilespmem:s12+$0x2D80]  }
0x8d: {  	v18 =	vld [tilespmem:s12+$0x2E00]  }
0x8e: {  	v19 =	vld [tilespmem:s12+$0x2E80]  }
0x8f: {  	v20 =	vld [tilespmem:s12+$0x2F00]  }
0x90: {  	v21 =	vld [tilespmem:s12+$0x2F80]  }
0x91: {  	v23 =	vld [tilespmem:s12+$0xC10]  }
0x92: {  	v24 =	vld [tilespmem:s12+$0xC90]  }
0x93: {  	v25 =	vld [tilespmem:s12+$0xD10];
	v6 =	vmul.f32 v6, v3  }
0x94: {  	v26 =	vld [tilespmem:s12+$0xD90];
	v7 =	vmul.f32 v7, v3  }
0x95: {  	v27 =	vld [tilespmem:s12+$0xE10];
	v8 =	vmul.f32 v8, v3;
	v6 =	vadd.f32 v6, v5  }
0x96: {  	v28 =	vld [tilespmem:s12+$0x2C10];
	v9 =	vmul.f32 v9, v3;
	v7 =	vadd.f32 v7, v5  }
0x97: {  	v31 =	vld [tilespmem:s12+$0x2C90];
	v57 =	vmul.f32 v10, v3;
	v56 =	vadd.f32 v8, v5;
	[tilespmem:s12+$0x10C00] =	vst v6  }
0x98: {  	v34 =	vld [tilespmem:s12+$0x2D10];
	v59 =	vmul.f32 v11, v3;
	v58 =	vadd.f32 v9, v5;
	[tilespmem:s12+$0x10C80] =	vst v7  }
0x99: {  	v37 =	vld [tilespmem:s12+$0x2D90];
	v61 =	vmul.f32 v12, v3;
	v60 =	vadd.f32 v57, v5;
	[tilespmem:s12+$0x10D00] =	vst v56  }
0x9a: {  	v10 =	vld [tilespmem:s12+$0xE90];
	v63 =	vmul.f32 v13, v3;
	v62 =	vadd.f32 v59, v5;
	[tilespmem:s12+$0x10D80] =	vst v58  }
0x9b: {  	v11 =	vld [tilespmem:s12+$0xF10];
	v30 =	vmul.f32 v14, v3;
	v29 =	vadd.f32 v61, v5;
	[tilespmem:s12+$0x10E00] =	vst v60  }
0x9c: {  	v12 =	vld [tilespmem:s12+$0xF90];
	v33 =	vmul.f32 v15, v3;
	v32 =	vadd.f32 v63, v5;
	[tilespmem:s12+$0x10E80] =	vst v62  }
0x9d: {  	v36 =	vmul.f32 v16, v3;
	v39 =	vmul.f32 v17, v3;
	v17 =	vld [tilespmem:s12+$0x2E10];
	v35 =	vadd.f32 v30, v5;
	[tilespmem:s12+$0x10F00] =	vst v29  }
0x9e: {  	v41 =	vmul.f32 v18, v3;
	v18 =	vld [tilespmem:s12+$0x2E90];
	v38 =	vadd.f32 v33, v5;
	[tilespmem:s12+$0x10F80] =	vst v32  }
0x9f: {  	v43 =	vmul.f32 v19, v3;
	v19 =	vld [tilespmem:s12+$0x2F10];
	v40 =	vadd.f32 v36, v5;
	[tilespmem:s12+$0x12C00] =	vst v35  }
0xa0: {  	v45 =	vmul.f32 v20, v3;
	v20 =	vld [tilespmem:s12+$0x2F90];
	v42 =	vadd.f32 v39, v5;
	[tilespmem:s12+$0x12C80] =	vst v38  }
0xa1: {  	v47 =	vmul.f32 v21, v3;
	v21 =	vld [tilespmem:s8+$0x420];
	v44 =	vadd.f32 v41, v5;
	[tilespmem:s12+$0x12D00] =	vst v40  }
0xa2: {  	v3 =	vld [tilespmem:s8+$0x820];
	v46 =	vadd.f32 v43, v5;
	[tilespmem:s12+$0x12D80] =	vst v42  }
0xa3: {  	v49 =	vmul.f32 v23, v22;
	v23 =	vld [tilespmem:s12+$0xCA0];
	v48 =	vadd.f32 v45, v5;
	[tilespmem:s12+$0x12E00] =	vst v44  }
0xa4: {  	v50 =	vmul.f32 v24, v22;
	v24 =	vld [tilespmem:s12+$0xD20];
	v5 =	vadd.f32 v47, v5;
	[tilespmem:s12+$0x12E80] =	vst v46  }
0xa5: {  	v52 =	vmul.f32 v25, v22;
	v54 =	vmul.f32 v26, v22;
	v26 =	vld [tilespmem:s12+$0xF20];
	v51 =	vadd.f32 v49, v4;
	[tilespmem:s12+$0x12F00] =	vst v48  }
0xa6: {  	v28 =	vmul.f32 v28, v22;
	v15 =	vld [tilespmem:s8+$0x460];
	v53 =	vadd.f32 v50, v4;
	[tilespmem:s12+$0x12F80] =	vst v5  }
0xa7: {  	v31 =	vmul.f32 v31, v22;
	v16 =	vld [tilespmem:s8+$0x870];
	v55 =	vadd.f32 v52, v4;
	[tilespmem:s12+$0x10C10] =	vst v51  }
0xa8: {  	v34 =	vmul.f32 v34, v22;
	v9 =	vld [tilespmem:s12+$0xC20];
	v33 =	vadd.f32 v28, v4;
	[tilespmem:s12+$0x10C90] =	vst v53  }
0xa9: {  	v57 =	vld [tilespmem:s12+$0xDA0];
	v36 =	vadd.f32 v31, v4;
	[tilespmem:s12+$0x10D10] =	vst v55  }
0xaa: {  	v37 =	vmul.f32 v37, v22;
	v39 =	vadd.f32 v34, v4;
	v41 =	vld [tilespmem:s12+$0x2DA0];
	[tilespmem:s12+$0x12C10] =	vst v33  }
0xab: {  	v47 =	vld [tilespmem:s12+$0x2EA0];
	v56 =	vmul.f32 v27, v22;
	v58 =	vadd.f32 v54, v4;
	[tilespmem:s12+$0x12C90] =	vst v36  }
0xac: {  	v50 =	vld [tilespmem:s12+$0x2F20];
	v42 =	vadd.f32 v37, v4;
	[tilespmem:s12+$0x12D10] =	vst v39;
	v59 =	vmul.f32 v10, v22  }
0xad: {  	v8 =	vld [tilespmem:s8+$0x470];
	v61 =	vmul.f32 v11, v22;
	v60 =	vadd.f32 v56, v4;
	[tilespmem:s12+$0x10D90] =	vst v58  }
0xae: {  	v29 =	vld [tilespmem:s12+$0xFA0];
	v63 =	vmul.f32 v12, v22;
	[tilespmem:s12+$0x12D90] =	vst v42;
	v62 =	vadd.f32 v59, v4  }
0xaf: {  	v32 =	vld [tilespmem:s12+$0x2C20];
	v40 =	vmul.f32 v17, v22;
	v27 =	vadd.f32 v61, v4;
	[tilespmem:s12+$0x10E10] =	vst v60  }
0xb0: {  	v35 =	vld [tilespmem:s12+$0x2CA0];
	v43 =	vmul.f32 v18, v22;
	v30 =	vadd.f32 v63, v4;
	[tilespmem:s12+$0x10E90] =	vst v62  }
0xb1: {  	v38 =	vld [tilespmem:s12+$0x2D20];
	v46 =	vmul.f32 v19, v22;
	v45 =	vadd.f32 v40, v4;
	[tilespmem:s12+$0x10F10] =	vst v27  }
0xb2: {  	v44 =	vld [tilespmem:s12+$0x2E20];
	v49 =	vmul.f32 v20, v22;
	v48 =	vadd.f32 v43, v4;
	[tilespmem:s12+$0x10F90] =	vst v30  }
0xb3: {  	v7 =	vld [tilespmem:s8+$0x430];
	v53 =	vmul.f32 v23, v21;
	v51 =	vadd.f32 v46, v4;
	[tilespmem:s12+$0x12E10] =	vst v45  }
0xb4: {  	v33 =	vld [tilespmem:s12+$0xEB0];
	v55 =	vmul.f32 v24, v21;
	v4 =	vadd.f32 v49, v4;
	[tilespmem:s12+$0x12E90] =	vst v48  }
0xb5: {  	v36 =	vld [tilespmem:s12+$0xF30];
	v26 =	vmul.f32 v26, v21;
	v56 =	vadd.f32 v53, v3;
	[tilespmem:s12+$0x12F10] =	vst v51  }
0xb6: {  	v39 =	vld [tilespmem:s12+$0xFB0];
	v52 =	vmul.f32 v9, v21;
	v59 =	vadd.f32 v55, v3;
	[tilespmem:s12+$0x12F90] =	vst v4  }
0xb7: {  	v10 =	vld [tilespmem:s12+$0xE20];
	v57 =	vmul.f32 v57, v21;
	v31 =	vadd.f32 v26, v3;
	[tilespmem:s12+$0x10CA0] =	vst v56  }
0xb8: {  	v11 =	vld [tilespmem:s12+$0xEA0];
	v41 =	vmul.f32 v41, v21;
	v54 =	vadd.f32 v52, v3;
	[tilespmem:s12+$0x10D20] =	vst v59  }
0xb9: {  	v22 =	vld [tilespmem:s8+$0x830];
	v47 =	vmul.f32 v47, v21;
	v62 =	vadd.f32 v57, v3;
	[tilespmem:s12+$0x10F20] =	vst v31  }
0xba: {  	v24 =	vld [tilespmem:s12+$0xD30];
	v50 =	vmul.f32 v50, v21;
	v46 =	vadd.f32 v41, v3;
	[tilespmem:s12+$0x10C20] =	vst v54  }
0xbb: {  	v12 =	vld [tilespmem:s8+$0x840];
	v29 =	vmul.f32 v29, v21;
	v52 =	vadd.f32 v47, v3;
	[tilespmem:s12+$0x10DA0] =	vst v62  }
0xbc: {  	v17 =	vld [tilespmem:s8+$0x450];
	v32 =	vmul.f32 v32, v21;
	v55 =	vadd.f32 v50, v3;
	[tilespmem:s12+$0x12DA0] =	vst v46  }
0xbd: {  	v9 =	vld [tilespmem:s12+$0x2FA0];
	v35 =	vmul.f32 v35, v21;
	v34 =	vadd.f32 v29, v3;
	[tilespmem:s12+$0x12EA0] =	vst v52  }
0xbe: {  	v58 =	vld [tilespmem:s12+$0xC30];
	v38 =	vmul.f32 v38, v21;
	v37 =	vadd.f32 v32, v3;
	[tilespmem:s12+$0x12F20] =	vst v55  }
0xbf: {  	v61 =	vld [tilespmem:s12+$0xCB0];
	v44 =	vmul.f32 v44, v21;
	v40 =	vadd.f32 v35, v3;
	[tilespmem:s12+$0x10FA0] =	vst v34  }
0xc0: {  	v18 =	vld [tilespmem:s8+$0x850];
	v60 =	vmul.f32 v10, v21;
	v43 =	vadd.f32 v38, v3;
	[tilespmem:s12+$0x12C20] =	vst v37  }
0xc1: {  	v27 =	vld [tilespmem:s12+$0xDB0];
	v63 =	vmul.f32 v11, v21;
	v49 =	vadd.f32 v44, v3;
	[tilespmem:s12+$0x12CA0] =	vst v40  }
0xc2: {  	v30 =	vld [tilespmem:s12+$0xE30];
	v25 =	vadd.f32 v60, v3;
	v53 =	vmul.f32 v9, v21;
	[tilespmem:s12+$0x12D20] =	vst v43  }
0xc3: {  	v42 =	vld [tilespmem:s12+$0x2C30];
	v56 =	vmul.f32 v58, v7;
	v28 =	vadd.f32 v63, v3;
	[tilespmem:s12+$0x12E20] =	vst v49  }
0xc4: {  	v26 =	vld [tilespmem:s12+$0xC40];
	v58 =	vmul.f32 v61, v7;
	[tilespmem:s12+$0x10E20] =	vst v25;
	v3 =	vadd.f32 v53, v3  }
0xc5: {  	v45 =	vld [tilespmem:s12+$0x2CB0];
	v61 =	vmul.f32 v24, v7;
	v60 =	vadd.f32 v56, v22;
	[tilespmem:s12+$0x10EA0] =	vst v28  }
0xc6: {  	v48 =	vld [tilespmem:s12+$0x2D30];
	v63 =	vmul.f32 v27, v7;
	[tilespmem:s12+$0x12FA0] =	vst v3;
	v3 =	vadd.f32 v58, v22  }
0xc7: {  	v51 =	vld [tilespmem:s12+$0x2DB0];
	v23 =	vadd.f32 v61, v22;
	v24 =	vmul.f32 v30, v7;
	[tilespmem:s12+$0x10C30] =	vst v60  }
0xc8: {  	v57 =	vld [tilespmem:s12+$0x2EB0];
	v25 =	vmul.f32 v33, v7;
	[tilespmem:s12+$0x10CB0] =	vst v3;
	v3 =	vadd.f32 v63, v22  }
0xc9: {  	v59 =	vld [tilespmem:s12+$0x2F30];
	v28 =	vmul.f32 v36, v7;
	[tilespmem:s12+$0x10D30] =	vst v23;
	v27 =	vadd.f32 v24, v22  }
0xca: {  	v31 =	vld [tilespmem:s12+$0xD40];
	v30 =	vmul.f32 v39, v7;
	[tilespmem:s12+$0x10DB0] =	vst v3;
	v3 =	vadd.f32 v25, v22  }
0xcb: {  	v41 =	vld [tilespmem:s12+$0xF40];
	v33 =	vmul.f32 v42, v7;
	v32 =	vadd.f32 v28, v22;
	[tilespmem:s12+$0x10E30] =	vst v27  }
0xcc: {  	v11 =	vld [tilespmem:s8+$0x440];
	v35 =	vmul.f32 v45, v7;
	[tilespmem:s12+$0x10EB0] =	vst v3;
	v3 =	vadd.f32 v30, v22  }
0xcd: {  	v62 =	vld [tilespmem:s12+$0x2FB0];
	v38 =	vmul.f32 v48, v7;
	v37 =	vadd.f32 v33, v22;
	[tilespmem:s12+$0x10F30] =	vst v32  }
0xce: {  	v50 =	vld [tilespmem:s12+$0x2D40];
	v40 =	vmul.f32 v51, v7;
	[tilespmem:s12+$0x10FB0] =	vst v3;
	v3 =	vadd.f32 v35, v22  }
0xcf: {  	v29 =	vld [tilespmem:s12+$0xCC0];
	v5 =	vmul.f32 v59, v7;
	v42 =	vadd.f32 v38, v22;
	[tilespmem:s12+$0x12C30] =	vst v37  }
0xd0: {  	v54 =	vld [tilespmem:s12+$0x2E30];
	v45 =	vmul.f32 v57, v7;
	[tilespmem:s12+$0x12CB0] =	vst v3;
	v3 =	vadd.f32 v40, v22  }
0xd1: {  	v34 =	vld [tilespmem:s12+$0xDC0];
	v51 =	vmul.f32 v26, v11;
	v5 =	vadd.f32 v5, v22;
	[tilespmem:s12+$0x12D30] =	vst v42  }
0xd2: {  	v36 =	vld [tilespmem:s12+$0xE40];
	v49 =	vmul.f32 v62, v7;
	[tilespmem:s12+$0x12DB0] =	vst v3;
	v3 =	vadd.f32 v45, v22  }
0xd3: {  	v39 =	vld [tilespmem:s12+$0xEC0];
	v56 =	vmul.f32 v31, v11;
	v55 =	vadd.f32 v51, v12;
	[tilespmem:s12+$0x12F30] =	vst v5  }
0xd4: {  	v46 =	vld [tilespmem:s12+$0x2C40];
	v53 =	vmul.f32 v29, v11;
	[tilespmem:s12+$0x12EB0] =	vst v3;
	v3 =	vadd.f32 v49, v22  }
0xd5: {  	v44 =	vld [tilespmem:s12+$0xFC0];
	v43 =	vmul.f32 v54, v7;
	v60 =	vadd.f32 v56, v12;
	[tilespmem:s12+$0x10C40] =	vst v55  }
0xd6: {  	v24 =	vld [tilespmem:s12+$0xC50];
	v58 =	vmul.f32 v34, v11;
	[tilespmem:s12+$0x12FB0] =	vst v3;
	v3 =	vadd.f32 v53, v12  }
0xd7: {  	v48 =	vld [tilespmem:s12+$0x2CC0];
	v47 =	vadd.f32 v43, v22;
	v61 =	vmul.f32 v36, v11;
	[tilespmem:s12+$0x10D40] =	vst v60  }
0xd8: {  	v29 =	vld [tilespmem:s12+$0xD50];
	v63 =	vmul.f32 v39, v11;
	[tilespmem:s12+$0x10CC0] =	vst v3;
	v3 =	vadd.f32 v58, v12  }
0xd9: {  	v52 =	vld [tilespmem:s12+$0x2DC0];
	v26 =	vmul.f32 v46, v11;
	[tilespmem:s12+$0x12E30] =	vst v47;
	v21 =	vadd.f32 v61, v12  }
0xda: {  	v57 =	vld [tilespmem:s12+$0x2EC0];
	v23 =	vmul.f32 v44, v11;
	[tilespmem:s12+$0x10DC0] =	vst v3;
	v3 =	vadd.f32 v63, v12  }
0xdb: {  	v59 =	vld [tilespmem:s12+$0x2F40];
	v46 =	vmul.f32 v24, v17;
	v30 =	vadd.f32 v26, v12;
	[tilespmem:s12+$0x10E40] =	vst v21  }
0xdc: {  	v34 =	vld [tilespmem:s12+$0xE50];
	v28 =	vmul.f32 v48, v11;
	[tilespmem:s12+$0x10EC0] =	vst v3;
	v3 =	vadd.f32 v23, v12  }
0xdd: {  	v31 =	vmul.f32 v50, v11;
	v62 =	vld [tilespmem:s12+$0x2FC0];
	v51 =	vmul.f32 v29, v17;
	v50 =	vadd.f32 v46, v18;
	[tilespmem:s12+$0x12C40] =	vst v30  }
0xde: {  	v54 =	vld [tilespmem:s12+$0x2E40];
	v33 =	vmul.f32 v52, v11;
	[tilespmem:s12+$0x10FC0] =	vst v3;
	v3 =	vadd.f32 v28, v12  }
0xdf: {  	v27 =	vld [tilespmem:s12+$0xCD0];
	v55 =	vadd.f32 v51, v18;
	[tilespmem:s12+$0x10C50] =	vst v50  }
0xe0: {  	v38 =	vmul.f32 v57, v11;
	v39 =	vld [tilespmem:s12+$0xF50];
	[tilespmem:s12+$0x12CC0] =	vst v3;
	v3 =	vadd.f32 v33, v12  }
0xe1: {  	v32 =	vld [tilespmem:s12+$0xDD0];
	v56 =	vmul.f32 v34, v17;
	v35 =	vadd.f32 v31, v12;
	[tilespmem:s12+$0x10D50] =	vst v55  }
0xe2: {  	v44 =	vld [tilespmem:s12+$0x2C50];
	v43 =	vmul.f32 v62, v11;
	[tilespmem:s12+$0x12DC0] =	vst v3;
	v3 =	vadd.f32 v38, v12  }
0xe3: {  	v37 =	vld [tilespmem:s12+$0xED0];
	v36 =	vmul.f32 v54, v11;
	v60 =	vadd.f32 v56, v18;
	[tilespmem:s12+$0x12D40] =	vst v35  }
0xe4: {  	v52 =	vld [tilespmem:s12+$0x2DD0];
	v48 =	vmul.f32 v27, v17;
	[tilespmem:s12+$0x12EC0] =	vst v3;
	v3 =	vadd.f32 v43, v12  }
0xe5: {  	v42 =	vld [tilespmem:s12+$0xFD0];
	v61 =	vmul.f32 v39, v17;
	v40 =	vadd.f32 v36, v12;
	[tilespmem:s12+$0x10E50] =	vst v60  }
0xe6: {  	v57 =	vld [tilespmem:s12+$0x2ED0];
	v53 =	vmul.f32 v32, v17;
	[tilespmem:s12+$0x12FC0] =	vst v3;
	v3 =	vadd.f32 v48, v18  }
0xe7: {  	v47 =	vld [tilespmem:s12+$0x2CD0];
	v19 =	vadd.f32 v61, v18;
	[tilespmem:s12+$0x12E40] =	vst v40;
	v22 =	vmul.f32 v41, v11  }
0xe8: {  	v49 =	vld [tilespmem:s12+$0x2D50];
	v58 =	vmul.f32 v37, v17;
	[tilespmem:s12+$0x10CD0] =	vst v3;
	v3 =	vadd.f32 v53, v18  }
0xe9: {  	v54 =	vld [tilespmem:s12+$0x2E50];
	[tilespmem:s12+$0x10F50] =	vst v19;
	v41 =	vmul.f32 v59, v11;
	v25 =	vadd.f32 v22, v12  }
0xea: {  	v26 =	vmul.f32 v52, v17;
	v52 =	vld [tilespmem:s12+$0x2E60];
	v63 =	vmul.f32 v42, v17;
	[tilespmem:s12+$0x10DD0] =	vst v3;
	v3 =	vadd.f32 v58, v18  }
0xeb: {  	v62 =	vld [tilespmem:s12+$0x2FD0];
	v20 =	vmul.f32 v44, v17;
	v45 =	vadd.f32 v41, v12;
	[tilespmem:s12+$0x10F40] =	vst v25  }
0xec: {  	v21 =	vmul.f32 v47, v17;
	v11 =	vld [tilespmem:s8+$0x860];
	[tilespmem:s12+$0x10ED0] =	vst v3;
	v3 =	vadd.f32 v63, v18  }
0xed: {  	v31 =	vmul.f32 v57, v17;
	v57 =	vld [tilespmem:s12+$0x2F60];
	[tilespmem:s12+$0x12F40] =	vst v45;
	v24 =	vmul.f32 v49, v17;
	v23 =	vadd.f32 v20, v18  }
0xee: {  	v25 =	vld [tilespmem:s12+$0xCE0];
	[tilespmem:s12+$0x10FD0] =	vst v3;
	v3 =	vadd.f32 v21, v18  }
0xef: {  	v59 =	vld [tilespmem:s12+$0x2F50];
	v20 =	vmul.f32 v52, v15;
	[tilespmem:s12+$0x12C50] =	vst v23;
	v28 =	vadd.f32 v24, v18  }
0xf0: {  	v42 =	vld [tilespmem:s12+$0x2C60];
	[tilespmem:s12+$0x12CD0] =	vst v3;
	v3 =	vadd.f32 v26, v18  }
0xf1: {  	v30 =	vld [tilespmem:s12+$0xDE0];
	v29 =	vmul.f32 v54, v17;
	v24 =	vadd.f32 v20, v11;
	[tilespmem:s12+$0x12D50] =	vst v28  }
0xf2: {  	v27 =	vld [tilespmem:s12+$0xD60];
	v36 =	vmul.f32 v62, v17;
	[tilespmem:s12+$0x12DD0] =	vst v3;
	v3 =	vadd.f32 v31, v18  }
0xf3: {  	v35 =	vld [tilespmem:s12+$0xEE0];
	v41 =	vmul.f32 v25, v15;
	v25 =	vmul.f32 v57, v15;
	v33 =	vadd.f32 v29, v18;
	[tilespmem:s12+$0x12E60] =	vst v24  }
0xf4: {  	v22 =	vld [tilespmem:s12+$0xC60];
	[tilespmem:s12+$0x12ED0] =	vst v3;
	v3 =	vadd.f32 v36, v18  }
0xf5: {  	v40 =	vld [tilespmem:s12+$0xFE0];
	v34 =	vmul.f32 v59, v17;
	v59 =	vmul.f32 v42, v15;
	v29 =	vadd.f32 v25, v11;
	[tilespmem:s12+$0x12E50] =	vst v33  }
0xf6: {  	v46 =	vmul.f32 v30, v15;
	v23 =	vld [tilespmem:s12+$0xD70];
	[tilespmem:s12+$0x12FD0] =	vst v3;
	v3 =	vadd.f32 v41, v11  }
0xf7: {  	v45 =	vld [tilespmem:s12+$0x2CE0];
	v62 =	vadd.f32 v59, v11;
	[tilespmem:s12+$0x12F60] =	vst v29  }
0xf8: {  	v47 =	vld [tilespmem:s12+$0x2D60];
	v51 =	vmul.f32 v35, v15;
	[tilespmem:s12+$0x10CE0] =	vst v3;
	v3 =	vadd.f32 v46, v11  }
0xf9: {  	v50 =	vld [tilespmem:s12+$0x2DE0];
	v39 =	vmul.f32 v22, v15;
	v38 =	vadd.f32 v34, v18;
	[tilespmem:s12+$0x12C60] =	vst v62  }
0xfa: {  	v56 =	vmul.f32 v40, v15;
	v28 =	vld [tilespmem:s12+$0xE70];
	[tilespmem:s12+$0x10DE0] =	vst v3;
	v3 =	vadd.f32 v51, v11  }
0xfb: {  	v55 =	vld [tilespmem:s12+$0x2EE0];
	v35 =	vmul.f32 v23, v8;
	[tilespmem:s12+$0x12F50] =	vst v38;
	v43 =	vadd.f32 v39, v11  }
0xfc: {  	v32 =	vld [tilespmem:s12+$0xE60];
	v61 =	vmul.f32 v45, v15;
	[tilespmem:s12+$0x10EE0] =	vst v3;
	v3 =	vadd.f32 v56, v11  }
0xfd: {  	v60 =	vld [tilespmem:s12+$0x2FE0];
	v44 =	vmul.f32 v27, v15;
	v39 =	vadd.f32 v35, v16;
	[tilespmem:s12+$0x10C60] =	vst v43  }
0xfe: {  	v17 =	vmul.f32 v50, v15;
	v33 =	vld [tilespmem:s12+$0xF70];
	[tilespmem:s12+$0x10FE0] =	vst v3;
	v3 =	vadd.f32 v61, v11  }
0xff: {  	v40 =	vmul.f32 v28, v8;
	v48 =	vadd.f32 v44, v11;
	[tilespmem:s12+$0x10D70] =	vst v39;
	v21 =	vld [tilespmem:s12+$0xCF0]  }
0x100: {  	v37 =	vld [tilespmem:s12+$0xF60];
	v22 =	vmul.f32 v55, v15;
	[tilespmem:s12+$0x12CE0] =	vst v3;
	v3 =	vadd.f32 v17, v11  }
0x101: {  	v49 =	vmul.f32 v32, v15;
	v44 =	vadd.f32 v40, v16;
	[tilespmem:s12+$0x10D60] =	vst v48;
	v26 =	vld [tilespmem:s12+$0xDF0]  }
0x102: {  	v27 =	vmul.f32 v60, v15;
	v38 =	vld [tilespmem:s12+$0x2C70];
	[tilespmem:s12+$0x12DE0] =	vst v3;
	v3 =	vadd.f32 v22, v11  }
0x103: {  	v45 =	vmul.f32 v33, v8;
	v53 =	vadd.f32 v49, v11;
	[tilespmem:s12+$0x10E70] =	vst v44;
	v31 =	vld [tilespmem:s12+$0xEF0]  }
0x104: {  	v43 =	vld [tilespmem:s12+$0x2D70];
	v32 =	vmul.f32 v21, v8;
	[tilespmem:s12+$0x12EE0] =	vst v3;
	v3 =	vadd.f32 v27, v11  }
0x105: {  	v54 =	vmul.f32 v37, v15;
	v49 =	vadd.f32 v45, v16;
	[tilespmem:s12+$0x10E60] =	vst v53;
	v36 =	vld [tilespmem:s12+$0xFF0]  }
0x106: {  	v37 =	vmul.f32 v26, v8;
	[tilespmem:s12+$0x12FE0] =	vst v3;
	v3 =	vadd.f32 v32, v16  }
0x107: {  	v50 =	vmul.f32 v38, v8;
	v58 =	vadd.f32 v54, v11;
	[tilespmem:s12+$0x10F70] =	vst v49;
	v41 =	vld [tilespmem:s12+$0x2CF0]  }
0x108: {  	v53 =	vld [tilespmem:s12+$0x2F70];
	v42 =	vmul.f32 v31, v8;
	[tilespmem:s12+$0x10CF0] =	vst v3;
	v3 =	vadd.f32 v37, v16  }
0x109: {  	v54 =	vadd.f32 v50, v16;
	v55 =	vmul.f32 v43, v8;
	[tilespmem:s12+$0x10F60] =	vst v58;
	v46 =	vld [tilespmem:s12+$0x2DF0]  }
0x10a: {  	v63 =	vmul.f32 v47, v15;
	v18 =	vld [tilespmem:s12+$0xC70];
	v47 =	vmul.f32 v36, v8;
	[tilespmem:s12+$0x10DF0] =	vst v3;
	v3 =	vadd.f32 v42, v16  }
0x10b: {  	v48 =	vld [tilespmem:s12+$0x2E70];
	[tilespmem:s12+$0x12C70] =	vst v54;
	v58 =	vadd.f32 v55, v16  }
0x10c: {  	v51 =	vld [tilespmem:s12+$0x2EF0];
	v52 =	vmul.f32 v41, v8;
	[tilespmem:s12+$0x10EF0] =	vst v3;
	v3 =	vadd.f32 v47, v16  }
0x10d: {  	v19 =	vadd.f32 v63, v11;
	[tilespmem:s12+$0x12D70] =	vst v58;
	v62 =	vmul.f32 v53, v8;
	v56 =	vld [tilespmem:s12+$0x2FF0]  }
0x10e: {  	v57 =	vmul.f32 v46, v8;
	[tilespmem:s12+$0x10FF0] =	vst v3;
	v3 =	vadd.f32 v52, v16  }
0x10f: {  	[tilespmem:s12+$0x12D60] =	vst v19;
	v63 =	vadd.f32 v62, v16;
	v30 =	vmul.f32 v18, v8  }
0x110: {  	v59 =	vmul.f32 v48, v8;
	[tilespmem:s12+$0x12CF0] =	vst v3;
	v3 =	vadd.f32 v57, v16  }
0x111: {  	p0 =	slt.u32 s8, $0x380;
	[tilespmem:s12+$0x12F70] =	vst v63;
	v34 =	vadd.f32 v30, v16;
	v60 =	vmul.f32 v51, v8  }
.Ltmp0:
0x112: {  	v61 =	vadd.f32 v59, v16;
	[tilespmem:s12+$0x12DF0] =	vst v3;
	v3 =	vmul.f32 v56, v8;
	(pc) =	sbr.rel @p0 .LBB2_2-.Ltmp0, $4  }
0x113: {  	[tilespmem:s12+$0x10C70] =	vst v34;
	v4 =	vadd.f32 v60, v16  }
0x114: {  	[tilespmem:s12+$0x12E70] =	vst v61;
	v3 =	vadd.f32 v3, v16  }
0x115: {  	[tilespmem:s12+$0x12EF0] =	vst v4  }
0x116: {  	s8 =	sadd.s32 $0x80, s8;
	[tilespmem:s12+$0x12FF0] =	vst v3  }
0x117: {  	s8 =	simm.s32 $0x0;
	s12 =	rddreg [dreg:$0x7]  }
0x118: {  	[hbm4b:s12+s8] =	stream.linear.scatter [tilespmem:s30], [sflag:$0x5], $0x4000, $0x38;
	[tilespmem:$0x18C00] =	vst v63  }
0x119: {  	_ =	swait.ge [sflag:s31], $0x4000  }
0x11a: {  	[sflag:s31] =	ssyncset.done $0x0  }
0x11b: {  	[sflag:s31] =	ssyncadd.s32 $0xFFFFC000  }
.LBB2_4:
0x11c: {  	v3 =	vld [tilespmem:s8+$0x400]  }
0x11d: {  	v5 =	vld [tilespmem:s8+$0x800]  }
0x11e: {  	v22 =	vld [tilespmem:s8+$0x410]  }
0x11f: {  	s12 =	sshll.u32 s8, $0x3;
	v4 =	vld [tilespmem:s8+$0x810]  }
0x120: {  	v6 =	vld [tilespmem:s12+$0x4C00]  }
0x121: {  	v7 =	vld [tilespmem:s12+$0x4C80]  }
0x122: {  	v8 =	vld [tilespmem:s12+$0x4D00]  }
0x123: {  	v9 =	vld [tilespmem:s12+$0x4D80]  }
0x124: {  	v10 =	vld [tilespmem:s12+$0x4E00]  }
0x125: {  	v11 =	vld [tilespmem:s12+$0x4E80]  }
0x126: {  	v12 =	vld [tilespmem:s12+$0x4F00]  }
0x127: {  	v13 =	vld [tilespmem:s12+$0x4F80]  }
0x128: {  	v14 =	vld [tilespmem:s12+$0x6C00]  }
0x129: {  	v15 =	vld [tilespmem:s12+$0x6C80]  }
0x12a: {  	v16 =	vld [tilespmem:s12+$0x6D00]  }
0x12b: {  	v17 =	vld [tilespmem:s12+$0x6D80]  }
0x12c: {  	v18 =	vld [tilespmem:s12+$0x6E00]  }
0x12d: {  	v19 =	vld [tilespmem:s12+$0x6E80]  }
0x12e: {  	v20 =	vld [tilespmem:s12+$0x6F00]  }
0x12f: {  	v21 =	vld [tilespmem:s12+$0x6F80]  }
0x130: {  	v23 =	vld [tilespmem:s12+$0x4C10]  }
0x131: {  	v24 =	vld [tilespmem:s12+$0x4C90]  }
0x132: {  	v25 =	vld [tilespmem:s12+$0x4D10];
	v6 =	vmul.f32 v6, v3  }
0x133: {  	v26 =	vld [tilespmem:s12+$0x4D90];
	v7 =	vmul.f32 v7, v3  }
0x134: {  	v27 =	vld [tilespmem:s12+$0x4E10];
	v8 =	vmul.f32 v8, v3;
	v6 =	vadd.f32 v6, v5  }
0x135: {  	v28 =	vld [tilespmem:s12+$0x6C10];
	v9 =	vmul.f32 v9, v3;
	v7 =	vadd.f32 v7, v5  }
0x136: {  	v31 =	vld [tilespmem:s12+$0x6C90];
	v57 =	vmul.f32 v10, v3;
	v56 =	vadd.f32 v8, v5;
	[tilespmem:s12+$0x14C00] =	vst v6  }
0x137: {  	v34 =	vld [tilespmem:s12+$0x6D10];
	v59 =	vmul.f32 v11, v3;
	v58 =	vadd.f32 v9, v5;
	[tilespmem:s12+$0x14C80] =	vst v7  }
0x138: {  	v37 =	vld [tilespmem:s12+$0x6D90];
	v61 =	vmul.f32 v12, v3;
	v60 =	vadd.f32 v57, v5;
	[tilespmem:s12+$0x14D00] =	vst v56  }
0x139: {  	v10 =	vld [tilespmem:s12+$0x4E90];
	v63 =	vmul.f32 v13, v3;
	v62 =	vadd.f32 v59, v5;
	[tilespmem:s12+$0x14D80] =	vst v58  }
0x13a: {  	v11 =	vld [tilespmem:s12+$0x4F10];
	v30 =	vmul.f32 v14, v3;
	v29 =	vadd.f32 v61, v5;
	[tilespmem:s12+$0x14E00] =	vst v60  }
0x13b: {  	v12 =	vld [tilespmem:s12+$0x4F90];
	v33 =	vmul.f32 v15, v3;
	v32 =	vadd.f32 v63, v5;
	[tilespmem:s12+$0x14E80] =	vst v62  }
0x13c: {  	v36 =	vmul.f32 v16, v3;
	v39 =	vmul.f32 v17, v3;
	v17 =	vld [tilespmem:s12+$0x6E10];
	v35 =	vadd.f32 v30, v5;
	[tilespmem:s12+$0x14F00] =	vst v29  }
0x13d: {  	v41 =	vmul.f32 v18, v3;
	v18 =	vld [tilespmem:s12+$0x6E90];
	v38 =	vadd.f32 v33, v5;
	[tilespmem:s12+$0x14F80] =	vst v32  }
0x13e: {  	v43 =	vmul.f32 v19, v3;
	v19 =	vld [tilespmem:s12+$0x6F10];
	v40 =	vadd.f32 v36, v5;
	[tilespmem:s12+$0x16C00] =	vst v35  }
0x13f: {  	v45 =	vmul.f32 v20, v3;
	v20 =	vld [tilespmem:s12+$0x6F90];
	v42 =	vadd.f32 v39, v5;
	[tilespmem:s12+$0x16C80] =	vst v38  }
0x140: {  	v47 =	vmul.f32 v21, v3;
	v21 =	vld [tilespmem:s8+$0x420];
	v44 =	vadd.f32 v41, v5;
	[tilespmem:s12+$0x16D00] =	vst v40  }
0x141: {  	v3 =	vld [tilespmem:s8+$0x820];
	v46 =	vadd.f32 v43, v5;
	[tilespmem:s12+$0x16D80] =	vst v42  }
0x142: {  	v49 =	vmul.f32 v23, v22;
	v23 =	vld [tilespmem:s12+$0x4CA0];
	v48 =	vadd.f32 v45, v5;
	[tilespmem:s12+$0x16E00] =	vst v44  }
0x143: {  	v50 =	vmul.f32 v24, v22;
	v24 =	vld [tilespmem:s12+$0x4D20];
	v5 =	vadd.f32 v47, v5;
	[tilespmem:s12+$0x16E80] =	vst v46  }
0x144: {  	v52 =	vmul.f32 v25, v22;
	v54 =	vmul.f32 v26, v22;
	v26 =	vld [tilespmem:s12+$0x4F20];
	v51 =	vadd.f32 v49, v4;
	[tilespmem:s12+$0x16F00] =	vst v48  }
0x145: {  	v28 =	vmul.f32 v28, v22;
	v15 =	vld [tilespmem:s8+$0x460];
	v53 =	vadd.f32 v50, v4;
	[tilespmem:s12+$0x16F80] =	vst v5  }
0x146: {  	v31 =	vmul.f32 v31, v22;
	v16 =	vld [tilespmem:s8+$0x870];
	v55 =	vadd.f32 v52, v4;
	[tilespmem:s12+$0x14C10] =	vst v51  }
0x147: {  	v34 =	vmul.f32 v34, v22;
	v9 =	vld [tilespmem:s12+$0x4C20];
	v33 =	vadd.f32 v28, v4;
	[tilespmem:s12+$0x14C90] =	vst v53  }
0x148: {  	v57 =	vld [tilespmem:s12+$0x4DA0];
	v36 =	vadd.f32 v31, v4;
	[tilespmem:s12+$0x14D10] =	vst v55  }
0x149: {  	v37 =	vmul.f32 v37, v22;
	v39 =	vadd.f32 v34, v4;
	v41 =	vld [tilespmem:s12+$0x6DA0];
	[tilespmem:s12+$0x16C10] =	vst v33  }
0x14a: {  	v47 =	vld [tilespmem:s12+$0x6EA0];
	v56 =	vmul.f32 v27, v22;
	v58 =	vadd.f32 v54, v4;
	[tilespmem:s12+$0x16C90] =	vst v36  }
0x14b: {  	v50 =	vld [tilespmem:s12+$0x6F20];
	v42 =	vadd.f32 v37, v4;
	[tilespmem:s12+$0x16D10] =	vst v39;
	v59 =	vmul.f32 v10, v22  }
0x14c: {  	v8 =	vld [tilespmem:s8+$0x470];
	v61 =	vmul.f32 v11, v22;
	v60 =	vadd.f32 v56, v4;
	[tilespmem:s12+$0x14D90] =	vst v58  }
0x14d: {  	v29 =	vld [tilespmem:s12+$0x4FA0];
	v63 =	vmul.f32 v12, v22;
	[tilespmem:s12+$0x16D90] =	vst v42;
	v62 =	vadd.f32 v59, v4  }
0x14e: {  	v32 =	vld [tilespmem:s12+$0x6C20];
	v40 =	vmul.f32 v17, v22;
	v27 =	vadd.f32 v61, v4;
	[tilespmem:s12+$0x14E10] =	vst v60  }
0x14f: {  	v35 =	vld [tilespmem:s12+$0x6CA0];
	v43 =	vmul.f32 v18, v22;
	v30 =	vadd.f32 v63, v4;
	[tilespmem:s12+$0x14E90] =	vst v62  }
0x150: {  	v38 =	vld [tilespmem:s12+$0x6D20];
	v46 =	vmul.f32 v19, v22;
	v45 =	vadd.f32 v40, v4;
	[tilespmem:s12+$0x14F10] =	vst v27  }
0x151: {  	v44 =	vld [tilespmem:s12+$0x6E20];
	v49 =	vmul.f32 v20, v22;
	v48 =	vadd.f32 v43, v4;
	[tilespmem:s12+$0x14F90] =	vst v30  }
0x152: {  	v7 =	vld [tilespmem:s8+$0x430];
	v53 =	vmul.f32 v23, v21;
	v51 =	vadd.f32 v46, v4;
	[tilespmem:s12+$0x16E10] =	vst v45  }
0x153: {  	v33 =	vld [tilespmem:s12+$0x4EB0];
	v55 =	vmul.f32 v24, v21;
	v4 =	vadd.f32 v49, v4;
	[tilespmem:s12+$0x16E90] =	vst v48  }
0x154: {  	v36 =	vld [tilespmem:s12+$0x4F30];
	v26 =	vmul.f32 v26, v21;
	v56 =	vadd.f32 v53, v3;
	[tilespmem:s12+$0x16F10] =	vst v51  }
0x155: {  	v39 =	vld [tilespmem:s12+$0x4FB0];
	v52 =	vmul.f32 v9, v21;
	v59 =	vadd.f32 v55, v3;
	[tilespmem:s12+$0x16F90] =	vst v4  }
0x156: {  	v10 =	vld [tilespmem:s12+$0x4E20];
	v57 =	vmul.f32 v57, v21;
	v31 =	vadd.f32 v26, v3;
	[tilespmem:s12+$0x14CA0] =	vst v56  }
0x157: {  	v11 =	vld [tilespmem:s12+$0x4EA0];
	v41 =	vmul.f32 v41, v21;
	v54 =	vadd.f32 v52, v3;
	[tilespmem:s12+$0x14D20] =	vst v59  }
0x158: {  	v22 =	vld [tilespmem:s8+$0x830];
	v47 =	vmul.f32 v47, v21;
	v62 =	vadd.f32 v57, v3;
	[tilespmem:s12+$0x14F20] =	vst v31  }
0x159: {  	v24 =	vld [tilespmem:s12+$0x4D30];
	v50 =	vmul.f32 v50, v21;
	v46 =	vadd.f32 v41, v3;
	[tilespmem:s12+$0x14C20] =	vst v54  }
0x15a: {  	v12 =	vld [tilespmem:s8+$0x840];
	v29 =	vmul.f32 v29, v21;
	v52 =	vadd.f32 v47, v3;
	[tilespmem:s12+$0x14DA0] =	vst v62  }
0x15b: {  	v17 =	vld [tilespmem:s8+$0x450];
	v32 =	vmul.f32 v32, v21;
	v55 =	vadd.f32 v50, v3;
	[tilespmem:s12+$0x16DA0] =	vst v46  }
0x15c: {  	v9 =	vld [tilespmem:s12+$0x6FA0];
	v35 =	vmul.f32 v35, v21;
	v34 =	vadd.f32 v29, v3;
	[tilespmem:s12+$0x16EA0] =	vst v52  }
0x15d: {  	v58 =	vld [tilespmem:s12+$0x4C30];
	v38 =	vmul.f32 v38, v21;
	v37 =	vadd.f32 v32, v3;
	[tilespmem:s12+$0x16F20] =	vst v55  }
0x15e: {  	v61 =	vld [tilespmem:s12+$0x4CB0];
	v44 =	vmul.f32 v44, v21;
	v40 =	vadd.f32 v35, v3;
	[tilespmem:s12+$0x14FA0] =	vst v34  }
0x15f: {  	v18 =	vld [tilespmem:s8+$0x850];
	v60 =	vmul.f32 v10, v21;
	v43 =	vadd.f32 v38, v3;
	[tilespmem:s12+$0x16C20] =	vst v37  }
0x160: {  	v27 =	vld [tilespmem:s12+$0x4DB0];
	v63 =	vmul.f32 v11, v21;
	v49 =	vadd.f32 v44, v3;
	[tilespmem:s12+$0x16CA0] =	vst v40  }
0x161: {  	v30 =	vld [tilespmem:s12+$0x4E30];
	v25 =	vadd.f32 v60, v3;
	v53 =	vmul.f32 v9, v21;
	[tilespmem:s12+$0x16D20] =	vst v43  }
0x162: {  	v42 =	vld [tilespmem:s12+$0x6C30];
	v56 =	vmul.f32 v58, v7;
	v28 =	vadd.f32 v63, v3;
	[tilespmem:s12+$0x16E20] =	vst v49  }
0x163: {  	v26 =	vld [tilespmem:s12+$0x4C40];
	v58 =	vmul.f32 v61, v7;
	[tilespmem:s12+$0x14E20] =	vst v25;
	v3 =	vadd.f32 v53, v3  }
0x164: {  	v45 =	vld [tilespmem:s12+$0x6CB0];
	v61 =	vmul.f32 v24, v7;
	v60 =	vadd.f32 v56, v22;
	[tilespmem:s12+$0x14EA0] =	vst v28  }
0x165: {  	v48 =	vld [tilespmem:s12+$0x6D30];
	v63 =	vmul.f32 v27, v7;
	[tilespmem:s12+$0x16FA0] =	vst v3;
	v3 =	vadd.f32 v58, v22  }
0x166: {  	v51 =	vld [tilespmem:s12+$0x6DB0];
	v23 =	vadd.f32 v61, v22;
	v24 =	vmul.f32 v30, v7;
	[tilespmem:s12+$0x14C30] =	vst v60  }
0x167: {  	v57 =	vld [tilespmem:s12+$0x6EB0];
	v25 =	vmul.f32 v33, v7;
	[tilespmem:s12+$0x14CB0] =	vst v3;
	v3 =	vadd.f32 v63, v22  }
0x168: {  	v59 =	vld [tilespmem:s12+$0x6F30];
	v28 =	vmul.f32 v36, v7;
	[tilespmem:s12+$0x14D30] =	vst v23;
	v27 =	vadd.f32 v24, v22  }
0x169: {  	v31 =	vld [tilespmem:s12+$0x4D40];
	v30 =	vmul.f32 v39, v7;
	[tilespmem:s12+$0x14DB0] =	vst v3;
	v3 =	vadd.f32 v25, v22  }
0x16a: {  	v41 =	vld [tilespmem:s12+$0x4F40];
	v33 =	vmul.f32 v42, v7;
	v32 =	vadd.f32 v28, v22;
	[tilespmem:s12+$0x14E30] =	vst v27  }
0x16b: {  	v11 =	vld [tilespmem:s8+$0x440];
	v35 =	vmul.f32 v45, v7;
	[tilespmem:s12+$0x14EB0] =	vst v3;
	v3 =	vadd.f32 v30, v22  }
0x16c: {  	v62 =	vld [tilespmem:s12+$0x6FB0];
	v38 =	vmul.f32 v48, v7;
	v37 =	vadd.f32 v33, v22;
	[tilespmem:s12+$0x14F30] =	vst v32  }
0x16d: {  	v50 =	vld [tilespmem:s12+$0x6D40];
	v40 =	vmul.f32 v51, v7;
	[tilespmem:s12+$0x14FB0] =	vst v3;
	v3 =	vadd.f32 v35, v22  }
0x16e: {  	v29 =	vld [tilespmem:s12+$0x4CC0];
	v5 =	vmul.f32 v59, v7;
	v42 =	vadd.f32 v38, v22;
	[tilespmem:s12+$0x16C30] =	vst v37  }
0x16f: {  	v54 =	vld [tilespmem:s12+$0x6E30];
	v45 =	vmul.f32 v57, v7;
	[tilespmem:s12+$0x16CB0] =	vst v3;
	v3 =	vadd.f32 v40, v22  }
0x170: {  	v34 =	vld [tilespmem:s12+$0x4DC0];
	v51 =	vmul.f32 v26, v11;
	v5 =	vadd.f32 v5, v22;
	[tilespmem:s12+$0x16D30] =	vst v42  }
0x171: {  	v36 =	vld [tilespmem:s12+$0x4E40];
	v49 =	vmul.f32 v62, v7;
	[tilespmem:s12+$0x16DB0] =	vst v3;
	v3 =	vadd.f32 v45, v22  }
0x172: {  	v39 =	vld [tilespmem:s12+$0x4EC0];
	v56 =	vmul.f32 v31, v11;
	v55 =	vadd.f32 v51, v12;
	[tilespmem:s12+$0x16F30] =	vst v5  }
0x173: {  	v46 =	vld [tilespmem:s12+$0x6C40];
	v53 =	vmul.f32 v29, v11;
	[tilespmem:s12+$0x16EB0] =	vst v3;
	v3 =	vadd.f32 v49, v22  }
0x174: {  	v44 =	vld [tilespmem:s12+$0x4FC0];
	v43 =	vmul.f32 v54, v7;
	v60 =	vadd.f32 v56, v12;
	[tilespmem:s12+$0x14C40] =	vst v55  }
0x175: {  	v24 =	vld [tilespmem:s12+$0x4C50];
	v58 =	vmul.f32 v34, v11;
	[tilespmem:s12+$0x16FB0] =	vst v3;
	v3 =	vadd.f32 v53, v12  }
0x176: {  	v48 =	vld [tilespmem:s12+$0x6CC0];
	v47 =	vadd.f32 v43, v22;
	v61 =	vmul.f32 v36, v11;
	[tilespmem:s12+$0x14D40] =	vst v60  }
0x177: {  	v29 =	vld [tilespmem:s12+$0x4D50];
	v63 =	vmul.f32 v39, v11;
	[tilespmem:s12+$0x14CC0] =	vst v3;
	v3 =	vadd.f32 v58, v12  }
0x178: {  	v52 =	vld [tilespmem:s12+$0x6DC0];
	v26 =	vmul.f32 v46, v11;
	[tilespmem:s12+$0x16E30] =	vst v47;
	v21 =	vadd.f32 v61, v12  }
0x179: {  	v57 =	vld [tilespmem:s12+$0x6EC0];
	v23 =	vmul.f32 v44, v11;
	[tilespmem:s12+$0x14DC0] =	vst v3;
	v3 =	vadd.f32 v63, v12  }
0x17a: {  	v59 =	vld [tilespmem:s12+$0x6F40];
	v46 =	vmul.f32 v24, v17;
	v30 =	vadd.f32 v26, v12;
	[tilespmem:s12+$0x14E40] =	vst v21  }
0x17b: {  	v34 =	vld [tilespmem:s12+$0x4E50];
	v28 =	vmul.f32 v48, v11;
	[tilespmem:s12+$0x14EC0] =	vst v3;
	v3 =	vadd.f32 v23, v12  }
0x17c: {  	v31 =	vmul.f32 v50, v11;
	v62 =	vld [tilespmem:s12+$0x6FC0];
	v51 =	vmul.f32 v29, v17;
	v50 =	vadd.f32 v46, v18;
	[tilespmem:s12+$0x16C40] =	vst v30  }
0x17d: {  	v54 =	vld [tilespmem:s12+$0x6E40];
	v33 =	vmul.f32 v52, v11;
	[tilespmem:s12+$0x14FC0] =	vst v3;
	v3 =	vadd.f32 v28, v12  }
0x17e: {  	v27 =	vld [tilespmem:s12+$0x4CD0];
	v55 =	vadd.f32 v51, v18;
	[tilespmem:s12+$0x14C50] =	vst v50  }
0x17f: {  	v38 =	vmul.f32 v57, v11;
	v39 =	vld [tilespmem:s12+$0x4F50];
	[tilespmem:s12+$0x16CC0] =	vst v3;
	v3 =	vadd.f32 v33, v12  }
0x180: {  	v32 =	vld [tilespmem:s12+$0x4DD0];
	v56 =	vmul.f32 v34, v17;
	v35 =	vadd.f32 v31, v12;
	[tilespmem:s12+$0x14D50] =	vst v55  }
0x181: {  	v44 =	vld [tilespmem:s12+$0x6C50];
	v43 =	vmul.f32 v62, v11;
	[tilespmem:s12+$0x16DC0] =	vst v3;
	v3 =	vadd.f32 v38, v12  }
0x182: {  	v37 =	vld [tilespmem:s12+$0x4ED0];
	v36 =	vmul.f32 v54, v11;
	v60 =	vadd.f32 v56, v18;
	[tilespmem:s12+$0x16D40] =	vst v35  }
0x183: {  	v52 =	vld [tilespmem:s12+$0x6DD0];
	v48 =	vmul.f32 v27, v17;
	[tilespmem:s12+$0x16EC0] =	vst v3;
	v3 =	vadd.f32 v43, v12  }
0x184: {  	v42 =	vld [tilespmem:s12+$0x4FD0];
	v61 =	vmul.f32 v39, v17;
	v40 =	vadd.f32 v36, v12;
	[tilespmem:s12+$0x14E50] =	vst v60  }
0x185: {  	v57 =	vld [tilespmem:s12+$0x6ED0];
	v53 =	vmul.f32 v32, v17;
	[tilespmem:s12+$0x16FC0] =	vst v3;
	v3 =	vadd.f32 v48, v18  }
0x186: {  	v47 =	vld [tilespmem:s12+$0x6CD0];
	v19 =	vadd.f32 v61, v18;
	[tilespmem:s12+$0x16E40] =	vst v40;
	v22 =	vmul.f32 v41, v11  }
0x187: {  	v49 =	vld [tilespmem:s12+$0x6D50];
	v58 =	vmul.f32 v37, v17;
	[tilespmem:s12+$0x14CD0] =	vst v3;
	v3 =	vadd.f32 v53, v18  }
0x188: {  	v54 =	vld [tilespmem:s12+$0x6E50];
	[tilespmem:s12+$0x14F50] =	vst v19;
	v41 =	vmul.f32 v59, v11;
	v25 =	vadd.f32 v22, v12  }
0x189: {  	v26 =	vmul.f32 v52, v17;
	v52 =	vld [tilespmem:s12+$0x6E60];
	v63 =	vmul.f32 v42, v17;
	[tilespmem:s12+$0x14DD0] =	vst v3;
	v3 =	vadd.f32 v58, v18  }
0x18a: {  	v62 =	vld [tilespmem:s12+$0x6FD0];
	v20 =	vmul.f32 v44, v17;
	v45 =	vadd.f32 v41, v12;
	[tilespmem:s12+$0x14F40] =	vst v25  }
0x18b: {  	v21 =	vmul.f32 v47, v17;
	v11 =	vld [tilespmem:s8+$0x860];
	[tilespmem:s12+$0x14ED0] =	vst v3;
	v3 =	vadd.f32 v63, v18  }
0x18c: {  	v31 =	vmul.f32 v57, v17;
	v57 =	vld [tilespmem:s12+$0x6F60];
	[tilespmem:s12+$0x16F40] =	vst v45;
	v24 =	vmul.f32 v49, v17;
	v23 =	vadd.f32 v20, v18  }
0x18d: {  	v25 =	vld [tilespmem:s12+$0x4CE0];
	[tilespmem:s12+$0x14FD0] =	vst v3;
	v3 =	vadd.f32 v21, v18  }
0x18e: {  	v59 =	vld [tilespmem:s12+$0x6F50];
	v20 =	vmul.f32 v52, v15;
	[tilespmem:s12+$0x16C50] =	vst v23;
	v28 =	vadd.f32 v24, v18  }
0x18f: {  	v42 =	vld [tilespmem:s12+$0x6C60];
	[tilespmem:s12+$0x16CD0] =	vst v3;
	v3 =	vadd.f32 v26, v18  }
0x190: {  	v30 =	vld [tilespmem:s12+$0x4DE0];
	v29 =	vmul.f32 v54, v17;
	v24 =	vadd.f32 v20, v11;
	[tilespmem:s12+$0x16D50] =	vst v28  }
0x191: {  	v27 =	vld [tilespmem:s12+$0x4D60];
	v36 =	vmul.f32 v62, v17;
	[tilespmem:s12+$0x16DD0] =	vst v3;
	v3 =	vadd.f32 v31, v18  }
0x192: {  	v35 =	vld [tilespmem:s12+$0x4EE0];
	v41 =	vmul.f32 v25, v15;
	v25 =	vmul.f32 v57, v15;
	v33 =	vadd.f32 v29, v18;
	[tilespmem:s12+$0x16E60] =	vst v24  }
0x193: {  	v22 =	vld [tilespmem:s12+$0x4C60];
	[tilespmem:s12+$0x16ED0] =	vst v3;
	v3 =	vadd.f32 v36, v18  }
0x194: {  	v40 =	vld [tilespmem:s12+$0x4FE0];
	v34 =	vmul.f32 v59, v17;
	v59 =	vmul.f32 v42, v15;
	v29 =	vadd.f32 v25, v11;
	[tilespmem:s12+$0x16E50] =	vst v33  }
0x195: {  	v46 =	vmul.f32 v30, v15;
	v23 =	vld [tilespmem:s12+$0x4D70];
	[tilespmem:s12+$0x16FD0] =	vst v3;
	v3 =	vadd.f32 v41, v11  }
0x196: {  	v45 =	vld [tilespmem:s12+$0x6CE0];
	v62 =	vadd.f32 v59, v11;
	[tilespmem:s12+$0x16F60] =	vst v29  }
0x197: {  	v47 =	vld [tilespmem:s12+$0x6D60];
	v51 =	vmul.f32 v35, v15;
	[tilespmem:s12+$0x14CE0] =	vst v3;
	v3 =	vadd.f32 v46, v11  }
0x198: {  	v50 =	vld [tilespmem:s12+$0x6DE0];
	v39 =	vmul.f32 v22, v15;
	v38 =	vadd.f32 v34, v18;
	[tilespmem:s12+$0x16C60] =	vst v62  }
0x199: {  	v56 =	vmul.f32 v40, v15;
	v28 =	vld [tilespmem:s12+$0x4E70];
	[tilespmem:s12+$0x14DE0] =	vst v3;
	v3 =	vadd.f32 v51, v11  }
0x19a: {  	v55 =	vld [tilespmem:s12+$0x6EE0];
	v35 =	vmul.f32 v23, v8;
	[tilespmem:s12+$0x16F50] =	vst v38;
	v43 =	vadd.f32 v39, v11  }
0x19b: {  	v32 =	vld [tilespmem:s12+$0x4E60];
	v61 =	vmul.f32 v45, v15;
	[tilespmem:s12+$0x14EE0] =	vst v3;
	v3 =	vadd.f32 v56, v11  }
0x19c: {  	v60 =	vld [tilespmem:s12+$0x6FE0];
	v44 =	vmul.f32 v27, v15;
	v39 =	vadd.f32 v35, v16;
	[tilespmem:s12+$0x14C60] =	vst v43  }
0x19d: {  	v17 =	vmul.f32 v50, v15;
	v33 =	vld [tilespmem:s12+$0x4F70];
	[tilespmem:s12+$0x14FE0] =	vst v3;
	v3 =	vadd.f32 v61, v11  }
0x19e: {  	v40 =	vmul.f32 v28, v8;
	v48 =	vadd.f32 v44, v11;
	[tilespmem:s12+$0x14D70] =	vst v39;
	v21 =	vld [tilespmem:s12+$0x4CF0]  }
0x19f: {  	v37 =	vld [tilespmem:s12+$0x4F60];
	v22 =	vmul.f32 v55, v15;
	[tilespmem:s12+$0x16CE0] =	vst v3;
	v3 =	vadd.f32 v17, v11  }
0x1a0: {  	v49 =	vmul.f32 v32, v15;
	v44 =	vadd.f32 v40, v16;
	[tilespmem:s12+$0x14D60] =	vst v48;
	v26 =	vld [tilespmem:s12+$0x4DF0]  }
0x1a1: {  	v27 =	vmul.f32 v60, v15;
	v38 =	vld [tilespmem:s12+$0x6C70];
	[tilespmem:s12+$0x16DE0] =	vst v3;
	v3 =	vadd.f32 v22, v11  }
0x1a2: {  	v45 =	vmul.f32 v33, v8;
	v53 =	vadd.f32 v49, v11;
	[tilespmem:s12+$0x14E70] =	vst v44;
	v31 =	vld [tilespmem:s12+$0x4EF0]  }
0x1a3: {  	v43 =	vld [tilespmem:s12+$0x6D70];
	v32 =	vmul.f32 v21, v8;
	[tilespmem:s12+$0x16EE0] =	vst v3;
	v3 =	vadd.f32 v27, v11  }
0x1a4: {  	v54 =	vmul.f32 v37, v15;
	v49 =	vadd.f32 v45, v16;
	[tilespmem:s12+$0x14E60] =	vst v53;
	v36 =	vld [tilespmem:s12+$0x4FF0]  }
0x1a5: {  	v37 =	vmul.f32 v26, v8;
	[tilespmem:s12+$0x16FE0] =	vst v3;
	v3 =	vadd.f32 v32, v16  }
0x1a6: {  	v50 =	vmul.f32 v38, v8;
	v58 =	vadd.f32 v54, v11;
	[tilespmem:s12+$0x14F70] =	vst v49;
	v41 =	vld [tilespmem:s12+$0x6CF0]  }
0x1a7: {  	v53 =	vld [tilespmem:s12+$0x6F70];
	v42 =	vmul.f32 v31, v8;
	[tilespmem:s12+$0x14CF0] =	vst v3;
	v3 =	vadd.f32 v37, v16  }
0x1a8: {  	v54 =	vadd.f32 v50, v16;
	v55 =	vmul.f32 v43, v8;
	[tilespmem:s12+$0x14F60] =	vst v58;
	v46 =	vld [tilespmem:s12+$0x6DF0]  }
0x1a9: {  	v63 =	vmul.f32 v47, v15;
	v18 =	vld [tilespmem:s12+$0x4C70];
	v47 =	vmul.f32 v36, v8;
	[tilespmem:s12+$0x14DF0] =	vst v3;
	v3 =	vadd.f32 v42, v16  }
0x1aa: {  	v48 =	vld [tilespmem:s12+$0x6E70];
	[tilespmem:s12+$0x16C70] =	vst v54;
	v58 =	vadd.f32 v55, v16  }
0x1ab: {  	v51 =	vld [tilespmem:s12+$0x6EF0];
	v52 =	vmul.f32 v41, v8;
	[tilespmem:s12+$0x14EF0] =	vst v3;
	v3 =	vadd.f32 v47, v16  }
0x1ac: {  	v19 =	vadd.f32 v63, v11;
	[tilespmem:s12+$0x16D70] =	vst v58;
	v62 =	vmul.f32 v53, v8;
	v56 =	vld [tilespmem:s12+$0x6FF0]  }
0x1ad: {  	v57 =	vmul.f32 v46, v8;
	[tilespmem:s12+$0x14FF0] =	vst v3;
	v3 =	vadd.f32 v52, v16  }
0x1ae: {  	[tilespmem:s12+$0x16D60] =	vst v19;
	v63 =	vadd.f32 v62, v16;
	v30 =	vmul.f32 v18, v8  }
0x1af: {  	v59 =	vmul.f32 v48, v8;
	[tilespmem:s12+$0x16CF0] =	vst v3;
	v3 =	vadd.f32 v57, v16  }
0x1b0: {  	p0 =	slt.u32 s8, $0x380;
	[tilespmem:s12+$0x16F70] =	vst v63;
	v34 =	vadd.f32 v30, v16;
	v60 =	vmul.f32 v51, v8  }
.Ltmp1:
0x1b1: {  	v61 =	vadd.f32 v59, v16;
	[tilespmem:s12+$0x16DF0] =	vst v3;
	v3 =	vmul.f32 v56, v8;
	(pc) =	sbr.rel @p0 .LBB2_4-.Ltmp1, $4  }
0x1b2: {  	[tilespmem:s12+$0x14C70] =	vst v34;
	v4 =	vadd.f32 v60, v16  }
0x1b3: {  	[tilespmem:s12+$0x16E70] =	vst v61;
	v3 =	vadd.f32 v3, v16  }
0x1b4: {  	[tilespmem:s12+$0x16EF0] =	vst v4  }
0x1b5: {  	s8 =	sadd.s32 $0x80, s8;
	[tilespmem:s12+$0x16FF0] =	vst v3  }
0x1b6: {  	s8 =	rddreg [dreg:$0x8]  }
0x1b7: {  	[hbm4b:s8+s19] =	stream.linear.scatter [tilespmem:s1], [sflag:$0x6], $0x4000, $0x38;
	[tilespmem:$0x18C00] =	vst v63  }
0x1b8: {  	s8 =	simm.s32 $0x0  }
.LBB2_6:
0x1b9: {  	s13 =	sshll.u32 s8, $0x6  }
0x1ba: {  	v3 =	vld [tilespmem:s13+$0x40];
	_ =	sdelay $0x4  }
0x1bb: {  	v4 =	vshll.u32 v3, $0x3  }
0x1bc: {  	v3 =	vand.u32 $0x7, v3;
	v4 =	vand.u32 $0xFFFFFFC0, v4  }
0x1bd: {  	v3 =	vor.u32 v3, v4  }
0x1be: {  	v4 =	vperm.xlane v3, v0;
	_ =	sdelay $0x1  }
0x1bf: {  	v4 =	vadd.s32 v1, v4;
	_ =	sdelay $0x3  }
0x1c0: {  	s12 =	simm.s32 $0xC00  }
0x1c1: {  	[tilespmem:s12], [sflag:$0x1] =	stream.indirect_vreg.gather [hbm4b:s0+s19], $0x80, v4, vm0, $0xb8;
	[tilespmem:$0x18C00] =	vst v63  }
0x1c2: {  	s15 =	simm.s32 $0x1400;
	v3 =	vperm.xlane v3, v2  }
0x1c3: {  	[tilespmem:s15], [sflag:$0x1] =	stream.indirect_vreg.gather [hbm4b:s9+s19], $0x80, v4, vm0, $0xb8;
	[tilespmem:$0x18C00] =	vst v63  }
0x1c4: {  	s16 =	simm.s32 $0x1C00;
	v3 =	vadd.s32 v1, v3  }
0x1c5: {  	[tilespmem:s16], [sflag:$0x1] =	stream.indirect_vreg.gather [hbm4b:s10+s19], $0x80, v4, vm0, $0xb8;
	[tilespmem:$0x18C00] =	vst v63  }
0x1c6: {  	s17 =	simm.s32 $0x2400  }
0x1c7: {  	[tilespmem:s17], [sflag:$0x1] =	stream.indirect_vreg.gather [hbm4b:s11+s19], $0x80, v4, vm0, $0xb8;
	[tilespmem:$0x18C00] =	vst v63  }
0x1c8: {  	s14 =	simm.s32 $0x2C00  }
0x1c9: {  	[tilespmem:s14], [sflag:$0x1] =	stream.indirect_vreg.gather [hbm4b:s0+s19], $0x80, v3, vm0, $0xb8;
	[tilespmem:$0x18C00] =	vst v63  }
0x1ca: {  	s15 =	simm.s32 $0x3400  }
0x1cb: {  	[tilespmem:s15], [sflag:$0x1] =	stream.indirect_vreg.gather [hbm4b:s9+s19], $0x80, v3, vm0, $0xb8;
	[tilespmem:$0x18C00] =	vst v63  }
0x1cc: {  	s16 =	simm.s32 $0x3C00  }
0x1cd: {  	[tilespmem:s16], [sflag:$0x1] =	stream.indirect_vreg.gather [hbm4b:s10+s19], $0x80, v3, vm0, $0xb8;
	[tilespmem:$0x18C00] =	vst v63  }
0x1ce: {  	s17 =	simm.s32 $0x4400  }
0x1cf: {  	[tilespmem:s17], [sflag:$0x1] =	stream.indirect_vreg.gather [hbm4b:s11+s19], $0x80, v3, vm0, $0xb8;
	[tilespmem:$0x18C00] =	vst v63  }
0x1d0: {  	_ =	swait.ge [sflag:s2], $0x4000  }
0x1d1: {  	[sflag:s2] =	ssyncset.done $0x0  }
0x1d2: {  	[sflag:s2] =	ssyncadd.s32 $0xFFFFC000  }
0x1d3: {  	_ =	swait.ge [sflag:s3], $0x4000  }
0x1d4: {  	[sflag:s3] =	ssyncset.done $0x0  }
0x1d5: {  	s12 =	simm.s32 $0x0;
	s14 =	sadd.s32 $0x40, s13;
	[sflag:s3] =	ssyncadd.s32 $0xFFFFC000  }
.LBB2_7:
0x1d6: {  	v3 =	vld [tilespmem:s12+$0x400]  }
0x1d7: {  	v5 =	vld [tilespmem:s12+$0x800]  }
0x1d8: {  	v22 =	vld [tilespmem:s12+$0x410]  }
0x1d9: {  	s15 =	sshll.u32 s12, $0x3;
	v4 =	vld [tilespmem:s12+$0x810]  }
0x1da: {  	v6 =	vld [tilespmem:s15+$0x8C00]  }
0x1db: {  	v7 =	vld [tilespmem:s15+$0x8C80]  }
0x1dc: {  	v8 =	vld [tilespmem:s15+$0x8D00]  }
0x1dd: {  	v9 =	vld [tilespmem:s15+$0x8D80]  }
0x1de: {  	v10 =	vld [tilespmem:s15+$0x8E00]  }
0x1df: {  	v11 =	vld [tilespmem:s15+$0x8E80]  }
0x1e0: {  	v12 =	vld [tilespmem:s15+$0x8F00]  }
0x1e1: {  	v13 =	vld [tilespmem:s15+$0x8F80]  }
0x1e2: {  	v14 =	vld [tilespmem:s15+$0xAC00]  }
0x1e3: {  	v15 =	vld [tilespmem:s15+$0xAC80]  }
0x1e4: {  	v16 =	vld [tilespmem:s15+$0xAD00]  }
0x1e5: {  	v17 =	vld [tilespmem:s15+$0xAD80]  }
0x1e6: {  	v18 =	vld [tilespmem:s15+$0xAE00]  }
0x1e7: {  	v19 =	vld [tilespmem:s15+$0xAE80]  }
0x1e8: {  	v20 =	vld [tilespmem:s15+$0xAF00]  }
0x1e9: {  	v21 =	vld [tilespmem:s15+$0xAF80]  }
0x1ea: {  	v23 =	vld [tilespmem:s15+$0x8C10]  }
0x1eb: {  	v24 =	vld [tilespmem:s15+$0x8C90]  }
0x1ec: {  	v25 =	vld [tilespmem:s15+$0x8D10];
	v6 =	vmul.f32 v6, v3  }
0x1ed: {  	v26 =	vld [tilespmem:s15+$0x8D90];
	v7 =	vmul.f32 v7, v3  }
0x1ee: {  	v27 =	vld [tilespmem:s15+$0x8E10];
	v8 =	vmul.f32 v8, v3;
	v6 =	vadd.f32 v6, v5  }
0x1ef: {  	v28 =	vld [tilespmem:s15+$0xAC10];
	v9 =	vmul.f32 v9, v3;
	v7 =	vadd.f32 v7, v5  }
0x1f0: {  	v31 =	vld [tilespmem:s15+$0xAC90];
	v57 =	vmul.f32 v10, v3;
	v56 =	vadd.f32 v8, v5;
	[tilespmem:s15+$0x10C00] =	vst v6  }
0x1f1: {  	v34 =	vld [tilespmem:s15+$0xAD10];
	v59 =	vmul.f32 v11, v3;
	v58 =	vadd.f32 v9, v5;
	[tilespmem:s15+$0x10C80] =	vst v7  }
0x1f2: {  	v37 =	vld [tilespmem:s15+$0xAD90];
	v61 =	vmul.f32 v12, v3;
	v60 =	vadd.f32 v57, v5;
	[tilespmem:s15+$0x10D00] =	vst v56  }
0x1f3: {  	v10 =	vld [tilespmem:s15+$0x8E90];
	v63 =	vmul.f32 v13, v3;
	v62 =	vadd.f32 v59, v5;
	[tilespmem:s15+$0x10D80] =	vst v58  }
0x1f4: {  	v11 =	vld [tilespmem:s15+$0x8F10];
	v30 =	vmul.f32 v14, v3;
	v29 =	vadd.f32 v61, v5;
	[tilespmem:s15+$0x10E00] =	vst v60  }
0x1f5: {  	v12 =	vld [tilespmem:s15+$0x8F90];
	v33 =	vmul.f32 v15, v3;
	v32 =	vadd.f32 v63, v5;
	[tilespmem:s15+$0x10E80] =	vst v62  }
0x1f6: {  	v36 =	vmul.f32 v16, v3;
	v39 =	vmul.f32 v17, v3;
	v17 =	vld [tilespmem:s15+$0xAE10];
	v35 =	vadd.f32 v30, v5;
	[tilespmem:s15+$0x10F00] =	vst v29  }
0x1f7: {  	v41 =	vmul.f32 v18, v3;
	v18 =	vld [tilespmem:s15+$0xAE90];
	v38 =	vadd.f32 v33, v5;
	[tilespmem:s15+$0x10F80] =	vst v32  }
0x1f8: {  	v43 =	vmul.f32 v19, v3;
	v19 =	vld [tilespmem:s15+$0xAF10];
	v40 =	vadd.f32 v36, v5;
	[tilespmem:s15+$0x12C00] =	vst v35  }
0x1f9: {  	v45 =	vmul.f32 v20, v3;
	v20 =	vld [tilespmem:s15+$0xAF90];
	v42 =	vadd.f32 v39, v5;
	[tilespmem:s15+$0x12C80] =	vst v38  }
0x1fa: {  	v47 =	vmul.f32 v21, v3;
	v21 =	vld [tilespmem:s12+$0x420];
	v44 =	vadd.f32 v41, v5;
	[tilespmem:s15+$0x12D00] =	vst v40  }
0x1fb: {  	v3 =	vld [tilespmem:s12+$0x820];
	v46 =	vadd.f32 v43, v5;
	[tilespmem:s15+$0x12D80] =	vst v42  }
0x1fc: {  	v49 =	vmul.f32 v23, v22;
	v23 =	vld [tilespmem:s15+$0x8CA0];
	v48 =	vadd.f32 v45, v5;
	[tilespmem:s15+$0x12E00] =	vst v44  }
0x1fd: {  	v50 =	vmul.f32 v24, v22;
	v24 =	vld [tilespmem:s15+$0x8D20];
	v5 =	vadd.f32 v47, v5;
	[tilespmem:s15+$0x12E80] =	vst v46  }
0x1fe: {  	v52 =	vmul.f32 v25, v22;
	v54 =	vmul.f32 v26, v22;
	v26 =	vld [tilespmem:s15+$0x8F20];
	v51 =	vadd.f32 v49, v4;
	[tilespmem:s15+$0x12F00] =	vst v48  }
0x1ff: {  	v28 =	vmul.f32 v28, v22;
	v15 =	vld [tilespmem:s12+$0x460];
	v53 =	vadd.f32 v50, v4;
	[tilespmem:s15+$0x12F80] =	vst v5  }
0x200: {  	v31 =	vmul.f32 v31, v22;
	v16 =	vld [tilespmem:s12+$0x870];
	v55 =	vadd.f32 v52, v4;
	[tilespmem:s15+$0x10C10] =	vst v51  }
0x201: {  	v34 =	vmul.f32 v34, v22;
	v9 =	vld [tilespmem:s15+$0x8C20];
	v33 =	vadd.f32 v28, v4;
	[tilespmem:s15+$0x10C90] =	vst v53  }
0x202: {  	v57 =	vld [tilespmem:s15+$0x8DA0];
	v36 =	vadd.f32 v31, v4;
	[tilespmem:s15+$0x10D10] =	vst v55  }
0x203: {  	v37 =	vmul.f32 v37, v22;
	v39 =	vadd.f32 v34, v4;
	v41 =	vld [tilespmem:s15+$0xADA0];
	[tilespmem:s15+$0x12C10] =	vst v33  }
0x204: {  	v47 =	vld [tilespmem:s15+$0xAEA0];
	v56 =	vmul.f32 v27, v22;
	v58 =	vadd.f32 v54, v4;
	[tilespmem:s15+$0x12C90] =	vst v36  }
0x205: {  	v50 =	vld [tilespmem:s15+$0xAF20];
	v42 =	vadd.f32 v37, v4;
	[tilespmem:s15+$0x12D10] =	vst v39;
	v59 =	vmul.f32 v10, v22  }
0x206: {  	v8 =	vld [tilespmem:s12+$0x470];
	v61 =	vmul.f32 v11, v22;
	v60 =	vadd.f32 v56, v4;
	[tilespmem:s15+$0x10D90] =	vst v58  }
0x207: {  	v29 =	vld [tilespmem:s15+$0x8FA0];
	v63 =	vmul.f32 v12, v22;
	[tilespmem:s15+$0x12D90] =	vst v42;
	v62 =	vadd.f32 v59, v4  }
0x208: {  	v32 =	vld [tilespmem:s15+$0xAC20];
	v40 =	vmul.f32 v17, v22;
	v27 =	vadd.f32 v61, v4;
	[tilespmem:s15+$0x10E10] =	vst v60  }
0x209: {  	v35 =	vld [tilespmem:s15+$0xACA0];
	v43 =	vmul.f32 v18, v22;
	v30 =	vadd.f32 v63, v4;
	[tilespmem:s15+$0x10E90] =	vst v62  }
0x20a: {  	v38 =	vld [tilespmem:s15+$0xAD20];
	v46 =	vmul.f32 v19, v22;
	v45 =	vadd.f32 v40, v4;
	[tilespmem:s15+$0x10F10] =	vst v27  }
0x20b: {  	v44 =	vld [tilespmem:s15+$0xAE20];
	v49 =	vmul.f32 v20, v22;
	v48 =	vadd.f32 v43, v4;
	[tilespmem:s15+$0x10F90] =	vst v30  }
0x20c: {  	v7 =	vld [tilespmem:s12+$0x430];
	v53 =	vmul.f32 v23, v21;
	v51 =	vadd.f32 v46, v4;
	[tilespmem:s15+$0x12E10] =	vst v45  }
0x20d: {  	v33 =	vld [tilespmem:s15+$0x8EB0];
	v55 =	vmul.f32 v24, v21;
	v4 =	vadd.f32 v49, v4;
	[tilespmem:s15+$0x12E90] =	vst v48  }
0x20e: {  	v36 =	vld [tilespmem:s15+$0x8F30];
	v26 =	vmul.f32 v26, v21;
	v56 =	vadd.f32 v53, v3;
	[tilespmem:s15+$0x12F10] =	vst v51  }
0x20f: {  	v39 =	vld [tilespmem:s15+$0x8FB0];
	v52 =	vmul.f32 v9, v21;
	v59 =	vadd.f32 v55, v3;
	[tilespmem:s15+$0x12F90] =	vst v4  }
0x210: {  	v10 =	vld [tilespmem:s15+$0x8E20];
	v57 =	vmul.f32 v57, v21;
	v31 =	vadd.f32 v26, v3;
	[tilespmem:s15+$0x10CA0] =	vst v56  }
0x211: {  	v11 =	vld [tilespmem:s15+$0x8EA0];
	v41 =	vmul.f32 v41, v21;
	v54 =	vadd.f32 v52, v3;
	[tilespmem:s15+$0x10D20] =	vst v59  }
0x212: {  	v22 =	vld [tilespmem:s12+$0x830];
	v47 =	vmul.f32 v47, v21;
	v62 =	vadd.f32 v57, v3;
	[tilespmem:s15+$0x10F20] =	vst v31  }
0x213: {  	v24 =	vld [tilespmem:s15+$0x8D30];
	v50 =	vmul.f32 v50, v21;
	v46 =	vadd.f32 v41, v3;
	[tilespmem:s15+$0x10C20] =	vst v54  }
0x214: {  	v12 =	vld [tilespmem:s12+$0x840];
	v29 =	vmul.f32 v29, v21;
	v52 =	vadd.f32 v47, v3;
	[tilespmem:s15+$0x10DA0] =	vst v62  }
0x215: {  	v17 =	vld [tilespmem:s12+$0x450];
	v32 =	vmul.f32 v32, v21;
	v55 =	vadd.f32 v50, v3;
	[tilespmem:s15+$0x12DA0] =	vst v46  }
0x216: {  	v9 =	vld [tilespmem:s15+$0xAFA0];
	v35 =	vmul.f32 v35, v21;
	v34 =	vadd.f32 v29, v3;
	[tilespmem:s15+$0x12EA0] =	vst v52  }
0x217: {  	v58 =	vld [tilespmem:s15+$0x8C30];
	v38 =	vmul.f32 v38, v21;
	v37 =	vadd.f32 v32, v3;
	[tilespmem:s15+$0x12F20] =	vst v55  }
0x218: {  	v61 =	vld [tilespmem:s15+$0x8CB0];
	v44 =	vmul.f32 v44, v21;
	v40 =	vadd.f32 v35, v3;
	[tilespmem:s15+$0x10FA0] =	vst v34  }
0x219: {  	v18 =	vld [tilespmem:s12+$0x850];
	v60 =	vmul.f32 v10, v21;
	v43 =	vadd.f32 v38, v3;
	[tilespmem:s15+$0x12C20] =	vst v37  }
0x21a: {  	v27 =	vld [tilespmem:s15+$0x8DB0];
	v63 =	vmul.f32 v11, v21;
	v49 =	vadd.f32 v44, v3;
	[tilespmem:s15+$0x12CA0] =	vst v40  }
0x21b: {  	v30 =	vld [tilespmem:s15+$0x8E30];
	v25 =	vadd.f32 v60, v3;
	v53 =	vmul.f32 v9, v21;
	[tilespmem:s15+$0x12D20] =	vst v43  }
0x21c: {  	v42 =	vld [tilespmem:s15+$0xAC30];
	v56 =	vmul.f32 v58, v7;
	v28 =	vadd.f32 v63, v3;
	[tilespmem:s15+$0x12E20] =	vst v49  }
0x21d: {  	v26 =	vld [tilespmem:s15+$0x8C40];
	v58 =	vmul.f32 v61, v7;
	[tilespmem:s15+$0x10E20] =	vst v25;
	v3 =	vadd.f32 v53, v3  }
0x21e: {  	v45 =	vld [tilespmem:s15+$0xACB0];
	v61 =	vmul.f32 v24, v7;
	v60 =	vadd.f32 v56, v22;
	[tilespmem:s15+$0x10EA0] =	vst v28  }
0x21f: {  	v48 =	vld [tilespmem:s15+$0xAD30];
	v63 =	vmul.f32 v27, v7;
	[tilespmem:s15+$0x12FA0] =	vst v3;
	v3 =	vadd.f32 v58, v22  }
0x220: {  	v51 =	vld [tilespmem:s15+$0xADB0];
	v23 =	vadd.f32 v61, v22;
	v24 =	vmul.f32 v30, v7;
	[tilespmem:s15+$0x10C30] =	vst v60  }
0x221: {  	v57 =	vld [tilespmem:s15+$0xAEB0];
	v25 =	vmul.f32 v33, v7;
	[tilespmem:s15+$0x10CB0] =	vst v3;
	v3 =	vadd.f32 v63, v22  }
0x222: {  	v59 =	vld [tilespmem:s15+$0xAF30];
	v28 =	vmul.f32 v36, v7;
	[tilespmem:s15+$0x10D30] =	vst v23;
	v27 =	vadd.f32 v24, v22  }
0x223: {  	v31 =	vld [tilespmem:s15+$0x8D40];
	v30 =	vmul.f32 v39, v7;
	[tilespmem:s15+$0x10DB0] =	vst v3;
	v3 =	vadd.f32 v25, v22  }
0x224: {  	v41 =	vld [tilespmem:s15+$0x8F40];
	v33 =	vmul.f32 v42, v7;
	v32 =	vadd.f32 v28, v22;
	[tilespmem:s15+$0x10E30] =	vst v27  }
0x225: {  	v11 =	vld [tilespmem:s12+$0x440];
	v35 =	vmul.f32 v45, v7;
	[tilespmem:s15+$0x10EB0] =	vst v3;
	v3 =	vadd.f32 v30, v22  }
0x226: {  	v62 =	vld [tilespmem:s15+$0xAFB0];
	v38 =	vmul.f32 v48, v7;
	v37 =	vadd.f32 v33, v22;
	[tilespmem:s15+$0x10F30] =	vst v32  }
0x227: {  	v50 =	vld [tilespmem:s15+$0xAD40];
	v40 =	vmul.f32 v51, v7;
	[tilespmem:s15+$0x10FB0] =	vst v3;
	v3 =	vadd.f32 v35, v22  }
0x228: {  	v29 =	vld [tilespmem:s15+$0x8CC0];
	v5 =	vmul.f32 v59, v7;
	v42 =	vadd.f32 v38, v22;
	[tilespmem:s15+$0x12C30] =	vst v37  }
0x229: {  	v54 =	vld [tilespmem:s15+$0xAE30];
	v45 =	vmul.f32 v57, v7;
	[tilespmem:s15+$0x12CB0] =	vst v3;
	v3 =	vadd.f32 v40, v22  }
0x22a: {  	v34 =	vld [tilespmem:s15+$0x8DC0];
	v51 =	vmul.f32 v26, v11;
	v5 =	vadd.f32 v5, v22;
	[tilespmem:s15+$0x12D30] =	vst v42  }
0x22b: {  	v36 =	vld [tilespmem:s15+$0x8E40];
	v49 =	vmul.f32 v62, v7;
	[tilespmem:s15+$0x12DB0] =	vst v3;
	v3 =	vadd.f32 v45, v22  }
0x22c: {  	v39 =	vld [tilespmem:s15+$0x8EC0];
	v56 =	vmul.f32 v31, v11;
	v55 =	vadd.f32 v51, v12;
	[tilespmem:s15+$0x12F30] =	vst v5  }
0x22d: {  	v46 =	vld [tilespmem:s15+$0xAC40];
	v53 =	vmul.f32 v29, v11;
	[tilespmem:s15+$0x12EB0] =	vst v3;
	v3 =	vadd.f32 v49, v22  }
0x22e: {  	v44 =	vld [tilespmem:s15+$0x8FC0];
	v43 =	vmul.f32 v54, v7;
	v60 =	vadd.f32 v56, v12;
	[tilespmem:s15+$0x10C40] =	vst v55  }
0x22f: {  	v24 =	vld [tilespmem:s15+$0x8C50];
	v58 =	vmul.f32 v34, v11;
	[tilespmem:s15+$0x12FB0] =	vst v3;
	v3 =	vadd.f32 v53, v12  }
0x230: {  	v48 =	vld [tilespmem:s15+$0xACC0];
	v47 =	vadd.f32 v43, v22;
	v61 =	vmul.f32 v36, v11;
	[tilespmem:s15+$0x10D40] =	vst v60  }
0x231: {  	v29 =	vld [tilespmem:s15+$0x8D50];
	v63 =	vmul.f32 v39, v11;
	[tilespmem:s15+$0x10CC0] =	vst v3;
	v3 =	vadd.f32 v58, v12  }
0x232: {  	v52 =	vld [tilespmem:s15+$0xADC0];
	v26 =	vmul.f32 v46, v11;
	[tilespmem:s15+$0x12E30] =	vst v47;
	v21 =	vadd.f32 v61, v12  }
0x233: {  	v57 =	vld [tilespmem:s15+$0xAEC0];
	v23 =	vmul.f32 v44, v11;
	[tilespmem:s15+$0x10DC0] =	vst v3;
	v3 =	vadd.f32 v63, v12  }
0x234: {  	v59 =	vld [tilespmem:s15+$0xAF40];
	v46 =	vmul.f32 v24, v17;
	v30 =	vadd.f32 v26, v12;
	[tilespmem:s15+$0x10E40] =	vst v21  }
0x235: {  	v34 =	vld [tilespmem:s15+$0x8E50];
	v28 =	vmul.f32 v48, v11;
	[tilespmem:s15+$0x10EC0] =	vst v3;
	v3 =	vadd.f32 v23, v12  }
0x236: {  	v31 =	vmul.f32 v50, v11;
	v62 =	vld [tilespmem:s15+$0xAFC0];
	v51 =	vmul.f32 v29, v17;
	v50 =	vadd.f32 v46, v18;
	[tilespmem:s15+$0x12C40] =	vst v30  }
0x237: {  	v54 =	vld [tilespmem:s15+$0xAE40];
	v33 =	vmul.f32 v52, v11;
	[tilespmem:s15+$0x10FC0] =	vst v3;
	v3 =	vadd.f32 v28, v12  }
0x238: {  	v27 =	vld [tilespmem:s15+$0x8CD0];
	v55 =	vadd.f32 v51, v18;
	[tilespmem:s15+$0x10C50] =	vst v50  }
0x239: {  	v38 =	vmul.f32 v57, v11;
	v39 =	vld [tilespmem:s15+$0x8F50];
	[tilespmem:s15+$0x12CC0] =	vst v3;
	v3 =	vadd.f32 v33, v12  }
0x23a: {  	v32 =	vld [tilespmem:s15+$0x8DD0];
	v56 =	vmul.f32 v34, v17;
	v35 =	vadd.f32 v31, v12;
	[tilespmem:s15+$0x10D50] =	vst v55  }
0x23b: {  	v44 =	vld [tilespmem:s15+$0xAC50];
	v43 =	vmul.f32 v62, v11;
	[tilespmem:s15+$0x12DC0] =	vst v3;
	v3 =	vadd.f32 v38, v12  }
0x23c: {  	v37 =	vld [tilespmem:s15+$0x8ED0];
	v36 =	vmul.f32 v54, v11;
	v60 =	vadd.f32 v56, v18;
	[tilespmem:s15+$0x12D40] =	vst v35  }
0x23d: {  	v52 =	vld [tilespmem:s15+$0xADD0];
	v48 =	vmul.f32 v27, v17;
	[tilespmem:s15+$0x12EC0] =	vst v3;
	v3 =	vadd.f32 v43, v12  }
0x23e: {  	v42 =	vld [tilespmem:s15+$0x8FD0];
	v61 =	vmul.f32 v39, v17;
	v40 =	vadd.f32 v36, v12;
	[tilespmem:s15+$0x10E50] =	vst v60  }
0x23f: {  	v57 =	vld [tilespmem:s15+$0xAED0];
	v53 =	vmul.f32 v32, v17;
	[tilespmem:s15+$0x12FC0] =	vst v3;
	v3 =	vadd.f32 v48, v18  }
0x240: {  	v47 =	vld [tilespmem:s15+$0xACD0];
	v19 =	vadd.f32 v61, v18;
	[tilespmem:s15+$0x12E40] =	vst v40;
	v22 =	vmul.f32 v41, v11  }
0x241: {  	v49 =	vld [tilespmem:s15+$0xAD50];
	v58 =	vmul.f32 v37, v17;
	[tilespmem:s15+$0x10CD0] =	vst v3;
	v3 =	vadd.f32 v53, v18  }
0x242: {  	v54 =	vld [tilespmem:s15+$0xAE50];
	[tilespmem:s15+$0x10F50] =	vst v19;
	v41 =	vmul.f32 v59, v11;
	v25 =	vadd.f32 v22, v12  }
0x243: {  	v26 =	vmul.f32 v52, v17;
	v52 =	vld [tilespmem:s15+$0xAE60];
	v63 =	vmul.f32 v42, v17;
	[tilespmem:s15+$0x10DD0] =	vst v3;
	v3 =	vadd.f32 v58, v18  }
0x244: {  	v62 =	vld [tilespmem:s15+$0xAFD0];
	v20 =	vmul.f32 v44, v17;
	v45 =	vadd.f32 v41, v12;
	[tilespmem:s15+$0x10F40] =	vst v25  }
0x245: {  	v21 =	vmul.f32 v47, v17;
	v11 =	vld [tilespmem:s12+$0x860];
	[tilespmem:s15+$0x10ED0] =	vst v3;
	v3 =	vadd.f32 v63, v18  }
0x246: {  	v31 =	vmul.f32 v57, v17;
	v57 =	vld [tilespmem:s15+$0xAF60];
	[tilespmem:s15+$0x12F40] =	vst v45;
	v24 =	vmul.f32 v49, v17;
	v23 =	vadd.f32 v20, v18  }
0x247: {  	v25 =	vld [tilespmem:s15+$0x8CE0];
	[tilespmem:s15+$0x10FD0] =	vst v3;
	v3 =	vadd.f32 v21, v18  }
0x248: {  	v59 =	vld [tilespmem:s15+$0xAF50];
	v20 =	vmul.f32 v52, v15;
	[tilespmem:s15+$0x12C50] =	vst v23;
	v28 =	vadd.f32 v24, v18  }
0x249: {  	v42 =	vld [tilespmem:s15+$0xAC60];
	[tilespmem:s15+$0x12CD0] =	vst v3;
	v3 =	vadd.f32 v26, v18  }
0x24a: {  	v30 =	vld [tilespmem:s15+$0x8DE0];
	v29 =	vmul.f32 v54, v17;
	v24 =	vadd.f32 v20, v11;
	[tilespmem:s15+$0x12D50] =	vst v28  }
0x24b: {  	v27 =	vld [tilespmem:s15+$0x8D60];
	v36 =	vmul.f32 v62, v17;
	[tilespmem:s15+$0x12DD0] =	vst v3;
	v3 =	vadd.f32 v31, v18  }
0x24c: {  	v35 =	vld [tilespmem:s15+$0x8EE0];
	v41 =	vmul.f32 v25, v15;
	v25 =	vmul.f32 v57, v15;
	v33 =	vadd.f32 v29, v18;
	[tilespmem:s15+$0x12E60] =	vst v24  }
0x24d: {  	v22 =	vld [tilespmem:s15+$0x8C60];
	[tilespmem:s15+$0x12ED0] =	vst v3;
	v3 =	vadd.f32 v36, v18  }
0x24e: {  	v40 =	vld [tilespmem:s15+$0x8FE0];
	v34 =	vmul.f32 v59, v17;
	v59 =	vmul.f32 v42, v15;
	v29 =	vadd.f32 v25, v11;
	[tilespmem:s15+$0x12E50] =	vst v33  }
0x24f: {  	v46 =	vmul.f32 v30, v15;
	v23 =	vld [tilespmem:s15+$0x8D70];
	[tilespmem:s15+$0x12FD0] =	vst v3;
	v3 =	vadd.f32 v41, v11  }
0x250: {  	v45 =	vld [tilespmem:s15+$0xACE0];
	v62 =	vadd.f32 v59, v11;
	[tilespmem:s15+$0x12F60] =	vst v29  }
0x251: {  	v47 =	vld [tilespmem:s15+$0xAD60];
	v51 =	vmul.f32 v35, v15;
	[tilespmem:s15+$0x10CE0] =	vst v3;
	v3 =	vadd.f32 v46, v11  }
0x252: {  	v50 =	vld [tilespmem:s15+$0xADE0];
	v39 =	vmul.f32 v22, v15;
	v38 =	vadd.f32 v34, v18;
	[tilespmem:s15+$0x12C60] =	vst v62  }
0x253: {  	v56 =	vmul.f32 v40, v15;
	v28 =	vld [tilespmem:s15+$0x8E70];
	[tilespmem:s15+$0x10DE0] =	vst v3;
	v3 =	vadd.f32 v51, v11  }
0x254: {  	v55 =	vld [tilespmem:s15+$0xAEE0];
	v35 =	vmul.f32 v23, v8;
	[tilespmem:s15+$0x12F50] =	vst v38;
	v43 =	vadd.f32 v39, v11  }
0x255: {  	v32 =	vld [tilespmem:s15+$0x8E60];
	v61 =	vmul.f32 v45, v15;
	[tilespmem:s15+$0x10EE0] =	vst v3;
	v3 =	vadd.f32 v56, v11  }
0x256: {  	v60 =	vld [tilespmem:s15+$0xAFE0];
	v44 =	vmul.f32 v27, v15;
	v39 =	vadd.f32 v35, v16;
	[tilespmem:s15+$0x10C60] =	vst v43  }
0x257: {  	v17 =	vmul.f32 v50, v15;
	v33 =	vld [tilespmem:s15+$0x8F70];
	[tilespmem:s15+$0x10FE0] =	vst v3;
	v3 =	vadd.f32 v61, v11  }
0x258: {  	v40 =	vmul.f32 v28, v8;
	v48 =	vadd.f32 v44, v11;
	[tilespmem:s15+$0x10D70] =	vst v39;
	v21 =	vld [tilespmem:s15+$0x8CF0]  }
0x259: {  	v37 =	vld [tilespmem:s15+$0x8F60];
	v22 =	vmul.f32 v55, v15;
	[tilespmem:s15+$0x12CE0] =	vst v3;
	v3 =	vadd.f32 v17, v11  }
0x25a: {  	v49 =	vmul.f32 v32, v15;
	v44 =	vadd.f32 v40, v16;
	[tilespmem:s15+$0x10D60] =	vst v48;
	v26 =	vld [tilespmem:s15+$0x8DF0]  }
0x25b: {  	v27 =	vmul.f32 v60, v15;
	v38 =	vld [tilespmem:s15+$0xAC70];
	[tilespmem:s15+$0x12DE0] =	vst v3;
	v3 =	vadd.f32 v22, v11  }
0x25c: {  	v45 =	vmul.f32 v33, v8;
	v53 =	vadd.f32 v49, v11;
	[tilespmem:s15+$0x10E70] =	vst v44;
	v31 =	vld [tilespmem:s15+$0x8EF0]  }
0x25d: {  	v43 =	vld [tilespmem:s15+$0xAD70];
	v32 =	vmul.f32 v21, v8;
	[tilespmem:s15+$0x12EE0] =	vst v3;
	v3 =	vadd.f32 v27, v11  }
0x25e: {  	v54 =	vmul.f32 v37, v15;
	v49 =	vadd.f32 v45, v16;
	[tilespmem:s15+$0x10E60] =	vst v53;
	v36 =	vld [tilespmem:s15+$0x8FF0]  }
0x25f: {  	v37 =	vmul.f32 v26, v8;
	[tilespmem:s15+$0x12FE0] =	vst v3;
	v3 =	vadd.f32 v32, v16  }
0x260: {  	v50 =	vmul.f32 v38, v8;
	v58 =	vadd.f32 v54, v11;
	[tilespmem:s15+$0x10F70] =	vst v49;
	v41 =	vld [tilespmem:s15+$0xACF0]  }
0x261: {  	v53 =	vld [tilespmem:s15+$0xAF70];
	v42 =	vmul.f32 v31, v8;
	[tilespmem:s15+$0x10CF0] =	vst v3;
	v3 =	vadd.f32 v37, v16  }
0x262: {  	v54 =	vadd.f32 v50, v16;
	v55 =	vmul.f32 v43, v8;
	[tilespmem:s15+$0x10F60] =	vst v58;
	v46 =	vld [tilespmem:s15+$0xADF0]  }
0x263: {  	v63 =	vmul.f32 v47, v15;
	v18 =	vld [tilespmem:s15+$0x8C70];
	v47 =	vmul.f32 v36, v8;
	[tilespmem:s15+$0x10DF0] =	vst v3;
	v3 =	vadd.f32 v42, v16  }
0x264: {  	v48 =	vld [tilespmem:s15+$0xAE70];
	[tilespmem:s15+$0x12C70] =	vst v54;
	v58 =	vadd.f32 v55, v16  }
0x265: {  	v51 =	vld [tilespmem:s15+$0xAEF0];
	v52 =	vmul.f32 v41, v8;
	[tilespmem:s15+$0x10EF0] =	vst v3;
	v3 =	vadd.f32 v47, v16  }
0x266: {  	v19 =	vadd.f32 v63, v11;
	[tilespmem:s15+$0x12D70] =	vst v58;
	v62 =	vmul.f32 v53, v8;
	v56 =	vld [tilespmem:s15+$0xAFF0]  }
0x267: {  	v57 =	vmul.f32 v46, v8;
	[tilespmem:s15+$0x10FF0] =	vst v3;
	v3 =	vadd.f32 v52, v16  }
0x268: {  	[tilespmem:s15+$0x12D60] =	vst v19;
	v63 =	vadd.f32 v62, v16;
	v30 =	vmul.f32 v18, v8  }
0x269: {  	v59 =	vmul.f32 v48, v8;
	[tilespmem:s15+$0x12CF0] =	vst v3;
	v3 =	vadd.f32 v57, v16  }
0x26a: {  	p0 =	slt.u32 s12, $0x380;
	[tilespmem:s15+$0x12F70] =	vst v63;
	v34 =	vadd.f32 v30, v16;
	v60 =	vmul.f32 v51, v8  }
.Ltmp2:
0x26b: {  	v61 =	vadd.f32 v59, v16;
	[tilespmem:s15+$0x12DF0] =	vst v3;
	v3 =	vmul.f32 v56, v8;
	(pc) =	sbr.rel @p0 .LBB2_7-.Ltmp2, $4  }
0x26c: {  	[tilespmem:s15+$0x10C70] =	vst v34;
	v4 =	vadd.f32 v60, v16  }
0x26d: {  	[tilespmem:s15+$0x12E70] =	vst v61;
	v3 =	vadd.f32 v3, v16  }
0x26e: {  	[tilespmem:s15+$0x12EF0] =	vst v4  }
0x26f: {  	s12 =	sadd.s32 $0x80, s12;
	[tilespmem:s15+$0x12FF0] =	vst v3  }
0x270: {  	s12 =	sadd.s32 s13, s7  }
0x271: {  	s12 =	sshll.u32 s12, $0x7  }
0x272: {  	s16 =	sadd.s32 s5, s12  }
0x273: {  	s12 =	simm.s32 $0x0;
	s15 =	sadd.s32 $0x1000, s16  }
0x274: {  	[hbm4b:s15+s12] =	stream.linear.scatter [tilespmem:s30], [sflag:$0x5], $0x4000, $0x38;
	[tilespmem:$0x18C00] =	vst v63  }
0x275: {  	v3 =	vld [tilespmem:s13+$0x50];
	_ =	sdelay $0x4  }
0x276: {  	v4 =	vshll.u32 v3, $0x3  }
0x277: {  	v3 =	vand.u32 $0x7, v3;
	v4 =	vand.u32 $0xFFFFFFC0, v4  }
0x278: {  	v3 =	vor.u32 v3, v4  }
0x279: {  	v4 =	vperm.xlane v3, v0;
	_ =	sdelay $0x1  }
0x27a: {  	v4 =	vadd.s32 v1, v4;
	_ =	sdelay $0x3  }
0x27b: {  	s17 =	simm.s32 $0x4C00  }
0x27c: {  	[tilespmem:s17], [sflag:$0x2] =	stream.indirect_vreg.gather [hbm4b:s0+s12], $0x80, v4, vm0, $0xb8;
	[tilespmem:$0x18C00] =	vst v63  }
0x27d: {  	v3 =	vperm.xlane v3, v2;
	s17 =	simm.s32 $0x5400  }
0x27e: {  	[tilespmem:s17], [sflag:$0x2] =	stream.indirect_vreg.gather [hbm4b:s9+s12], $0x80, v4, vm0, $0xb8;
	[tilespmem:$0x18C00] =	vst v63  }
0x27f: {  	v3 =	vadd.s32 v1, v3;
	s17 =	simm.s32 $0x5C00  }
0x280: {  	[tilespmem:s17], [sflag:$0x2] =	stream.indirect_vreg.gather [hbm4b:s10+s12], $0x80, v4, vm0, $0xb8;
	[tilespmem:$0x18C00] =	vst v63  }
0x281: {  	s17 =	simm.s32 $0x6400  }
0x282: {  	[tilespmem:s17], [sflag:$0x2] =	stream.indirect_vreg.gather [hbm4b:s11+s12], $0x80, v4, vm0, $0xb8;
	[tilespmem:$0x18C00] =	vst v63  }
0x283: {  	s17 =	simm.s32 $0x6C00  }
0x284: {  	[tilespmem:s17], [sflag:$0x2] =	stream.indirect_vreg.gather [hbm4b:s0+s12], $0x80, v3, vm0, $0xb8;
	[tilespmem:$0x18C00] =	vst v63  }
0x285: {  	s17 =	simm.s32 $0x7400  }
0x286: {  	[tilespmem:s17], [sflag:$0x2] =	stream.indirect_vreg.gather [hbm4b:s9+s12], $0x80, v3, vm0, $0xb8;
	[tilespmem:$0x18C00] =	vst v63  }
0x287: {  	s17 =	simm.s32 $0x7C00  }
0x288: {  	[tilespmem:s17], [sflag:$0x2] =	stream.indirect_vreg.gather [hbm4b:s10+s12], $0x80, v3, vm0, $0xb8;
	[tilespmem:$0x18C00] =	vst v63  }
0x289: {  	s17 =	simm.s32 $0x8400  }
0x28a: {  	[tilespmem:s17], [sflag:$0x2] =	stream.indirect_vreg.gather [hbm4b:s11+s12], $0x80, v3, vm0, $0xb8;
	[tilespmem:$0x18C00] =	vst v63  }
0x28b: {  	_ =	swait.ge [sflag:s4], $0x4000  }
0x28c: {  	[sflag:s4] =	ssyncset.done $0x0  }
0x28d: {  	[sflag:s4] =	ssyncadd.s32 $0xFFFFC000  }
0x28e: {  	_ =	swait.ge [sflag:s18], $0x4000  }
0x28f: {  	[sflag:s18] =	ssyncset.done $0x0  }
0x290: {  	s15 =	sadd.s32 $0x50, s13;
	[sflag:s18] =	ssyncadd.s32 $0xFFFFC000  }
.LBB2_9:
0x291: {  	v3 =	vld [tilespmem:s12+$0x400]  }
0x292: {  	v5 =	vld [tilespmem:s12+$0x800]  }
0x293: {  	v22 =	vld [tilespmem:s12+$0x410]  }
0x294: {  	s17 =	sshll.u32 s12, $0x3;
	v4 =	vld [tilespmem:s12+$0x810]  }
0x295: {  	v6 =	vld [tilespmem:s17+$0xCC00]  }
0x296: {  	v7 =	vld [tilespmem:s17+$0xCC80]  }
0x297: {  	v8 =	vld [tilespmem:s17+$0xCD00]  }
0x298: {  	v9 =	vld [tilespmem:s17+$0xCD80]  }
0x299: {  	v10 =	vld [tilespmem:s17+$0xCE00]  }
0x29a: {  	v11 =	vld [tilespmem:s17+$0xCE80]  }
0x29b: {  	v12 =	vld [tilespmem:s17+$0xCF00]  }
0x29c: {  	v13 =	vld [tilespmem:s17+$0xCF80]  }
0x29d: {  	v14 =	vld [tilespmem:s17+$0xEC00]  }
0x29e: {  	v15 =	vld [tilespmem:s17+$0xEC80]  }
0x29f: {  	v16 =	vld [tilespmem:s17+$0xED00]  }
0x2a0: {  	v17 =	vld [tilespmem:s17+$0xED80]  }
0x2a1: {  	v18 =	vld [tilespmem:s17+$0xEE00]  }
0x2a2: {  	v19 =	vld [tilespmem:s17+$0xEE80]  }
0x2a3: {  	v20 =	vld [tilespmem:s17+$0xEF00]  }
0x2a4: {  	v21 =	vld [tilespmem:s17+$0xEF80]  }
0x2a5: {  	v23 =	vld [tilespmem:s17+$0xCC10]  }
0x2a6: {  	v24 =	vld [tilespmem:s17+$0xCC90]  }
0x2a7: {  	v25 =	vld [tilespmem:s17+$0xCD10];
	v6 =	vmul.f32 v6, v3  }
0x2a8: {  	v26 =	vld [tilespmem:s17+$0xCD90];
	v7 =	vmul.f32 v7, v3  }
0x2a9: {  	v27 =	vld [tilespmem:s17+$0xCE10];
	v8 =	vmul.f32 v8, v3;
	v6 =	vadd.f32 v6, v5  }
0x2aa: {  	v28 =	vld [tilespmem:s17+$0xEC10];
	v9 =	vmul.f32 v9, v3;
	v7 =	vadd.f32 v7, v5  }
0x2ab: {  	v31 =	vld [tilespmem:s17+$0xEC90];
	v57 =	vmul.f32 v10, v3;
	v56 =	vadd.f32 v8, v5;
	[tilespmem:s17+$0x14C00] =	vst v6  }
0x2ac: {  	v34 =	vld [tilespmem:s17+$0xED10];
	v59 =	vmul.f32 v11, v3;
	v58 =	vadd.f32 v9, v5;
	[tilespmem:s17+$0x14C80] =	vst v7  }
0x2ad: {  	v37 =	vld [tilespmem:s17+$0xED90];
	v61 =	vmul.f32 v12, v3;
	v60 =	vadd.f32 v57, v5;
	[tilespmem:s17+$0x14D00] =	vst v56  }
0x2ae: {  	v10 =	vld [tilespmem:s17+$0xCE90];
	v63 =	vmul.f32 v13, v3;
	v62 =	vadd.f32 v59, v5;
	[tilespmem:s17+$0x14D80] =	vst v58  }
0x2af: {  	v11 =	vld [tilespmem:s17+$0xCF10];
	v30 =	vmul.f32 v14, v3;
	v29 =	vadd.f32 v61, v5;
	[tilespmem:s17+$0x14E00] =	vst v60  }
0x2b0: {  	v12 =	vld [tilespmem:s17+$0xCF90];
	v33 =	vmul.f32 v15, v3;
	v32 =	vadd.f32 v63, v5;
	[tilespmem:s17+$0x14E80] =	vst v62  }
0x2b1: {  	v36 =	vmul.f32 v16, v3;
	v39 =	vmul.f32 v17, v3;
	v17 =	vld [tilespmem:s17+$0xEE10];
	v35 =	vadd.f32 v30, v5;
	[tilespmem:s17+$0x14F00] =	vst v29  }
0x2b2: {  	v41 =	vmul.f32 v18, v3;
	v18 =	vld [tilespmem:s17+$0xEE90];
	v38 =	vadd.f32 v33, v5;
	[tilespmem:s17+$0x14F80] =	vst v32  }
0x2b3: {  	v43 =	vmul.f32 v19, v3;
	v19 =	vld [tilespmem:s17+$0xEF10];
	v40 =	vadd.f32 v36, v5;
	[tilespmem:s17+$0x16C00] =	vst v35  }
0x2b4: {  	v45 =	vmul.f32 v20, v3;
	v20 =	vld [tilespmem:s17+$0xEF90];
	v42 =	vadd.f32 v39, v5;
	[tilespmem:s17+$0x16C80] =	vst v38  }
0x2b5: {  	v47 =	vmul.f32 v21, v3;
	v21 =	vld [tilespmem:s12+$0x420];
	v44 =	vadd.f32 v41, v5;
	[tilespmem:s17+$0x16D00] =	vst v40  }
0x2b6: {  	v3 =	vld [tilespmem:s12+$0x820];
	v46 =	vadd.f32 v43, v5;
	[tilespmem:s17+$0x16D80] =	vst v42  }
0x2b7: {  	v49 =	vmul.f32 v23, v22;
	v23 =	vld [tilespmem:s17+$0xCCA0];
	v48 =	vadd.f32 v45, v5;
	[tilespmem:s17+$0x16E00] =	vst v44  }
0x2b8: {  	v50 =	vmul.f32 v24, v22;
	v24 =	vld [tilespmem:s17+$0xCD20];
	v5 =	vadd.f32 v47, v5;
	[tilespmem:s17+$0x16E80] =	vst v46  }
0x2b9: {  	v52 =	vmul.f32 v25, v22;
	v54 =	vmul.f32 v26, v22;
	v26 =	vld [tilespmem:s17+$0xCF20];
	v51 =	vadd.f32 v49, v4;
	[tilespmem:s17+$0x16F00] =	vst v48  }
0x2ba: {  	v28 =	vmul.f32 v28, v22;
	v15 =	vld [tilespmem:s12+$0x460];
	v53 =	vadd.f32 v50, v4;
	[tilespmem:s17+$0x16F80] =	vst v5  }
0x2bb: {  	v31 =	vmul.f32 v31, v22;
	v16 =	vld [tilespmem:s12+$0x870];
	v55 =	vadd.f32 v52, v4;
	[tilespmem:s17+$0x14C10] =	vst v51  }
0x2bc: {  	v34 =	vmul.f32 v34, v22;
	v9 =	vld [tilespmem:s17+$0xCC20];
	v33 =	vadd.f32 v28, v4;
	[tilespmem:s17+$0x14C90] =	vst v53  }
0x2bd: {  	v57 =	vld [tilespmem:s17+$0xCDA0];
	v36 =	vadd.f32 v31, v4;
	[tilespmem:s17+$0x14D10] =	vst v55  }
0x2be: {  	v37 =	vmul.f32 v37, v22;
	v39 =	vadd.f32 v34, v4;
	v41 =	vld [tilespmem:s17+$0xEDA0];
	[tilespmem:s17+$0x16C10] =	vst v33  }
0x2bf: {  	v47 =	vld [tilespmem:s17+$0xEEA0];
	v56 =	vmul.f32 v27, v22;
	v58 =	vadd.f32 v54, v4;
	[tilespmem:s17+$0x16C90] =	vst v36  }
0x2c0: {  	v50 =	vld [tilespmem:s17+$0xEF20];
	v42 =	vadd.f32 v37, v4;
	[tilespmem:s17+$0x16D10] =	vst v39;
	v59 =	vmul.f32 v10, v22  }
0x2c1: {  	v8 =	vld [tilespmem:s12+$0x470];
	v61 =	vmul.f32 v11, v22;
	v60 =	vadd.f32 v56, v4;
	[tilespmem:s17+$0x14D90] =	vst v58  }
0x2c2: {  	v29 =	vld [tilespmem:s17+$0xCFA0];
	v63 =	vmul.f32 v12, v22;
	[tilespmem:s17+$0x16D90] =	vst v42;
	v62 =	vadd.f32 v59, v4  }
0x2c3: {  	v32 =	vld [tilespmem:s17+$0xEC20];
	v40 =	vmul.f32 v17, v22;
	v27 =	vadd.f32 v61, v4;
	[tilespmem:s17+$0x14E10] =	vst v60  }
0x2c4: {  	v35 =	vld [tilespmem:s17+$0xECA0];
	v43 =	vmul.f32 v18, v22;
	v30 =	vadd.f32 v63, v4;
	[tilespmem:s17+$0x14E90] =	vst v62  }
0x2c5: {  	v38 =	vld [tilespmem:s17+$0xED20];
	v46 =	vmul.f32 v19, v22;
	v45 =	vadd.f32 v40, v4;
	[tilespmem:s17+$0x14F10] =	vst v27  }
0x2c6: {  	v44 =	vld [tilespmem:s17+$0xEE20];
	v49 =	vmul.f32 v20, v22;
	v48 =	vadd.f32 v43, v4;
	[tilespmem:s17+$0x14F90] =	vst v30  }
0x2c7: {  	v7 =	vld [tilespmem:s12+$0x430];
	v53 =	vmul.f32 v23, v21;
	v51 =	vadd.f32 v46, v4;
	[tilespmem:s17+$0x16E10] =	vst v45  }
0x2c8: {  	v33 =	vld [tilespmem:s17+$0xCEB0];
	v55 =	vmul.f32 v24, v21;
	v4 =	vadd.f32 v49, v4;
	[tilespmem:s17+$0x16E90] =	vst v48  }
0x2c9: {  	v36 =	vld [tilespmem:s17+$0xCF30];
	v26 =	vmul.f32 v26, v21;
	v56 =	vadd.f32 v53, v3;
	[tilespmem:s17+$0x16F10] =	vst v51  }
0x2ca: {  	v39 =	vld [tilespmem:s17+$0xCFB0];
	v52 =	vmul.f32 v9, v21;
	v59 =	vadd.f32 v55, v3;
	[tilespmem:s17+$0x16F90] =	vst v4  }
0x2cb: {  	v10 =	vld [tilespmem:s17+$0xCE20];
	v57 =	vmul.f32 v57, v21;
	v31 =	vadd.f32 v26, v3;
	[tilespmem:s17+$0x14CA0] =	vst v56  }
0x2cc: {  	v11 =	vld [tilespmem:s17+$0xCEA0];
	v41 =	vmul.f32 v41, v21;
	v54 =	vadd.f32 v52, v3;
	[tilespmem:s17+$0x14D20] =	vst v59  }
0x2cd: {  	v22 =	vld [tilespmem:s12+$0x830];
	v47 =	vmul.f32 v47, v21;
	v62 =	vadd.f32 v57, v3;
	[tilespmem:s17+$0x14F20] =	vst v31  }
0x2ce: {  	v24 =	vld [tilespmem:s17+$0xCD30];
	v50 =	vmul.f32 v50, v21;
	v46 =	vadd.f32 v41, v3;
	[tilespmem:s17+$0x14C20] =	vst v54  }
0x2cf: {  	v12 =	vld [tilespmem:s12+$0x840];
	v29 =	vmul.f32 v29, v21;
	v52 =	vadd.f32 v47, v3;
	[tilespmem:s17+$0x14DA0] =	vst v62  }
0x2d0: {  	v17 =	vld [tilespmem:s12+$0x450];
	v32 =	vmul.f32 v32, v21;
	v55 =	vadd.f32 v50, v3;
	[tilespmem:s17+$0x16DA0] =	vst v46  }
0x2d1: {  	v9 =	vld [tilespmem:s17+$0xEFA0];
	v35 =	vmul.f32 v35, v21;
	v34 =	vadd.f32 v29, v3;
	[tilespmem:s17+$0x16EA0] =	vst v52  }
0x2d2: {  	v58 =	vld [tilespmem:s17+$0xCC30];
	v38 =	vmul.f32 v38, v21;
	v37 =	vadd.f32 v32, v3;
	[tilespmem:s17+$0x16F20] =	vst v55  }
0x2d3: {  	v61 =	vld [tilespmem:s17+$0xCCB0];
	v44 =	vmul.f32 v44, v21;
	v40 =	vadd.f32 v35, v3;
	[tilespmem:s17+$0x14FA0] =	vst v34  }
0x2d4: {  	v18 =	vld [tilespmem:s12+$0x850];
	v60 =	vmul.f32 v10, v21;
	v43 =	vadd.f32 v38, v3;
	[tilespmem:s17+$0x16C20] =	vst v37  }
0x2d5: {  	v27 =	vld [tilespmem:s17+$0xCDB0];
	v63 =	vmul.f32 v11, v21;
	v49 =	vadd.f32 v44, v3;
	[tilespmem:s17+$0x16CA0] =	vst v40  }
0x2d6: {  	v30 =	vld [tilespmem:s17+$0xCE30];
	v25 =	vadd.f32 v60, v3;
	v53 =	vmul.f32 v9, v21;
	[tilespmem:s17+$0x16D20] =	vst v43  }
0x2d7: {  	v42 =	vld [tilespmem:s17+$0xEC30];
	v56 =	vmul.f32 v58, v7;
	v28 =	vadd.f32 v63, v3;
	[tilespmem:s17+$0x16E20] =	vst v49  }
0x2d8: {  	v26 =	vld [tilespmem:s17+$0xCC40];
	v58 =	vmul.f32 v61, v7;
	[tilespmem:s17+$0x14E20] =	vst v25;
	v3 =	vadd.f32 v53, v3  }
0x2d9: {  	v45 =	vld [tilespmem:s17+$0xECB0];
	v61 =	vmul.f32 v24, v7;
	v60 =	vadd.f32 v56, v22;
	[tilespmem:s17+$0x14EA0] =	vst v28  }
0x2da: {  	v48 =	vld [tilespmem:s17+$0xED30];
	v63 =	vmul.f32 v27, v7;
	[tilespmem:s17+$0x16FA0] =	vst v3;
	v3 =	vadd.f32 v58, v22  }
0x2db: {  	v51 =	vld [tilespmem:s17+$0xEDB0];
	v23 =	vadd.f32 v61, v22;
	v24 =	vmul.f32 v30, v7;
	[tilespmem:s17+$0x14C30] =	vst v60  }
0x2dc: {  	v57 =	vld [tilespmem:s17+$0xEEB0];
	v25 =	vmul.f32 v33, v7;
	[tilespmem:s17+$0x14CB0] =	vst v3;
	v3 =	vadd.f32 v63, v22  }
0x2dd: {  	v59 =	vld [tilespmem:s17+$0xEF30];
	v28 =	vmul.f32 v36, v7;
	[tilespmem:s17+$0x14D30] =	vst v23;
	v27 =	vadd.f32 v24, v22  }
0x2de: {  	v31 =	vld [tilespmem:s17+$0xCD40];
	v30 =	vmul.f32 v39, v7;
	[tilespmem:s17+$0x14DB0] =	vst v3;
	v3 =	vadd.f32 v25, v22  }
0x2df: {  	v41 =	vld [tilespmem:s17+$0xCF40];
	v33 =	vmul.f32 v42, v7;
	v32 =	vadd.f32 v28, v22;
	[tilespmem:s17+$0x14E30] =	vst v27  }
0x2e0: {  	v11 =	vld [tilespmem:s12+$0x440];
	v35 =	vmul.f32 v45, v7;
	[tilespmem:s17+$0x14EB0] =	vst v3;
	v3 =	vadd.f32 v30, v22  }
0x2e1: {  	v62 =	vld [tilespmem:s17+$0xEFB0];
	v38 =	vmul.f32 v48, v7;
	v37 =	vadd.f32 v33, v22;
	[tilespmem:s17+$0x14F30] =	vst v32  }
0x2e2: {  	v50 =	vld [tilespmem:s17+$0xED40];
	v40 =	vmul.f32 v51, v7;
	[tilespmem:s17+$0x14FB0] =	vst v3;
	v3 =	vadd.f32 v35, v22  }
0x2e3: {  	v29 =	vld [tilespmem:s17+$0xCCC0];
	v5 =	vmul.f32 v59, v7;
	v42 =	vadd.f32 v38, v22;
	[tilespmem:s17+$0x16C30] =	vst v37  }
0x2e4: {  	v54 =	vld [tilespmem:s17+$0xEE30];
	v45 =	vmul.f32 v57, v7;
	[tilespmem:s17+$0x16CB0] =	vst v3;
	v3 =	vadd.f32 v40, v22  }
0x2e5: {  	v34 =	vld [tilespmem:s17+$0xCDC0];
	v51 =	vmul.f32 v26, v11;
	v5 =	vadd.f32 v5, v22;
	[tilespmem:s17+$0x16D30] =	vst v42  }
0x2e6: {  	v36 =	vld [tilespmem:s17+$0xCE40];
	v49 =	vmul.f32 v62, v7;
	[tilespmem:s17+$0x16DB0] =	vst v3;
	v3 =	vadd.f32 v45, v22  }
0x2e7: {  	v39 =	vld [tilespmem:s17+$0xCEC0];
	v56 =	vmul.f32 v31, v11;
	v55 =	vadd.f32 v51, v12;
	[tilespmem:s17+$0x16F30] =	vst v5  }
0x2e8: {  	v46 =	vld [tilespmem:s17+$0xEC40];
	v53 =	vmul.f32 v29, v11;
	[tilespmem:s17+$0x16EB0] =	vst v3;
	v3 =	vadd.f32 v49, v22  }
0x2e9: {  	v44 =	vld [tilespmem:s17+$0xCFC0];
	v43 =	vmul.f32 v54, v7;
	v60 =	vadd.f32 v56, v12;
	[tilespmem:s17+$0x14C40] =	vst v55  }
0x2ea: {  	v24 =	vld [tilespmem:s17+$0xCC50];
	v58 =	vmul.f32 v34, v11;
	[tilespmem:s17+$0x16FB0] =	vst v3;
	v3 =	vadd.f32 v53, v12  }
0x2eb: {  	v48 =	vld [tilespmem:s17+$0xECC0];
	v47 =	vadd.f32 v43, v22;
	v61 =	vmul.f32 v36, v11;
	[tilespmem:s17+$0x14D40] =	vst v60  }
0x2ec: {  	v29 =	vld [tilespmem:s17+$0xCD50];
	v63 =	vmul.f32 v39, v11;
	[tilespmem:s17+$0x14CC0] =	vst v3;
	v3 =	vadd.f32 v58, v12  }
0x2ed: {  	v52 =	vld [tilespmem:s17+$0xEDC0];
	v26 =	vmul.f32 v46, v11;
	[tilespmem:s17+$0x16E30] =	vst v47;
	v21 =	vadd.f32 v61, v12  }
0x2ee: {  	v57 =	vld [tilespmem:s17+$0xEEC0];
	v23 =	vmul.f32 v44, v11;
	[tilespmem:s17+$0x14DC0] =	vst v3;
	v3 =	vadd.f32 v63, v12  }
0x2ef: {  	v59 =	vld [tilespmem:s17+$0xEF40];
	v46 =	vmul.f32 v24, v17;
	v30 =	vadd.f32 v26, v12;
	[tilespmem:s17+$0x14E40] =	vst v21  }
0x2f0: {  	v34 =	vld [tilespmem:s17+$0xCE50];
	v28 =	vmul.f32 v48, v11;
	[tilespmem:s17+$0x14EC0] =	vst v3;
	v3 =	vadd.f32 v23, v12  }
0x2f1: {  	v31 =	vmul.f32 v50, v11;
	v62 =	vld [tilespmem:s17+$0xEFC0];
	v51 =	vmul.f32 v29, v17;
	v50 =	vadd.f32 v46, v18;
	[tilespmem:s17+$0x16C40] =	vst v30  }
0x2f2: {  	v54 =	vld [tilespmem:s17+$0xEE40];
	v33 =	vmul.f32 v52, v11;
	[tilespmem:s17+$0x14FC0] =	vst v3;
	v3 =	vadd.f32 v28, v12  }
0x2f3: {  	v27 =	vld [tilespmem:s17+$0xCCD0];
	v55 =	vadd.f32 v51, v18;
	[tilespmem:s17+$0x14C50] =	vst v50  }
0x2f4: {  	v38 =	vmul.f32 v57, v11;
	v39 =	vld [tilespmem:s17+$0xCF50];
	[tilespmem:s17+$0x16CC0] =	vst v3;
	v3 =	vadd.f32 v33, v12  }
0x2f5: {  	v32 =	vld [tilespmem:s17+$0xCDD0];
	v56 =	vmul.f32 v34, v17;
	v35 =	vadd.f32 v31, v12;
	[tilespmem:s17+$0x14D50] =	vst v55  }
0x2f6: {  	v44 =	vld [tilespmem:s17+$0xEC50];
	v43 =	vmul.f32 v62, v11;
	[tilespmem:s17+$0x16DC0] =	vst v3;
	v3 =	vadd.f32 v38, v12  }
0x2f7: {  	v37 =	vld [tilespmem:s17+$0xCED0];
	v36 =	vmul.f32 v54, v11;
	v60 =	vadd.f32 v56, v18;
	[tilespmem:s17+$0x16D40] =	vst v35  }
0x2f8: {  	v52 =	vld [tilespmem:s17+$0xEDD0];
	v48 =	vmul.f32 v27, v17;
	[tilespmem:s17+$0x16EC0] =	vst v3;
	v3 =	vadd.f32 v43, v12  }
0x2f9: {  	v42 =	vld [tilespmem:s17+$0xCFD0];
	v61 =	vmul.f32 v39, v17;
	v40 =	vadd.f32 v36, v12;
	[tilespmem:s17+$0x14E50] =	vst v60  }
0x2fa: {  	v57 =	vld [tilespmem:s17+$0xEED0];
	v53 =	vmul.f32 v32, v17;
	[tilespmem:s17+$0x16FC0] =	vst v3;
	v3 =	vadd.f32 v48, v18  }
0x2fb: {  	v47 =	vld [tilespmem:s17+$0xECD0];
	v19 =	vadd.f32 v61, v18;
	[tilespmem:s17+$0x16E40] =	vst v40;
	v22 =	vmul.f32 v41, v11  }
0x2fc: {  	v49 =	vld [tilespmem:s17+$0xED50];
	v58 =	vmul.f32 v37, v17;
	[tilespmem:s17+$0x14CD0] =	vst v3;
	v3 =	vadd.f32 v53, v18  }
0x2fd: {  	v54 =	vld [tilespmem:s17+$0xEE50];
	[tilespmem:s17+$0x14F50] =	vst v19;
	v41 =	vmul.f32 v59, v11;
	v25 =	vadd.f32 v22, v12  }
0x2fe: {  	v26 =	vmul.f32 v52, v17;
	v52 =	vld [tilespmem:s17+$0xEE60];
	v63 =	vmul.f32 v42, v17;
	[tilespmem:s17+$0x14DD0] =	vst v3;
	v3 =	vadd.f32 v58, v18  }
0x2ff: {  	v62 =	vld [tilespmem:s17+$0xEFD0];
	v20 =	vmul.f32 v44, v17;
	v45 =	vadd.f32 v41, v12;
	[tilespmem:s17+$0x14F40] =	vst v25  }
0x300: {  	v21 =	vmul.f32 v47, v17;
	v11 =	vld [tilespmem:s12+$0x860];
	[tilespmem:s17+$0x14ED0] =	vst v3;
	v3 =	vadd.f32 v63, v18  }
0x301: {  	v31 =	vmul.f32 v57, v17;
	v57 =	vld [tilespmem:s17+$0xEF60];
	[tilespmem:s17+$0x16F40] =	vst v45;
	v24 =	vmul.f32 v49, v17;
	v23 =	vadd.f32 v20, v18  }
0x302: {  	v25 =	vld [tilespmem:s17+$0xCCE0];
	[tilespmem:s17+$0x14FD0] =	vst v3;
	v3 =	vadd.f32 v21, v18  }
0x303: {  	v59 =	vld [tilespmem:s17+$0xEF50];
	v20 =	vmul.f32 v52, v15;
	[tilespmem:s17+$0x16C50] =	vst v23;
	v28 =	vadd.f32 v24, v18  }
0x304: {  	v42 =	vld [tilespmem:s17+$0xEC60];
	[tilespmem:s17+$0x16CD0] =	vst v3;
	v3 =	vadd.f32 v26, v18  }
0x305: {  	v30 =	vld [tilespmem:s17+$0xCDE0];
	v29 =	vmul.f32 v54, v17;
	v24 =	vadd.f32 v20, v11;
	[tilespmem:s17+$0x16D50] =	vst v28  }
0x306: {  	v27 =	vld [tilespmem:s17+$0xCD60];
	v36 =	vmul.f32 v62, v17;
	[tilespmem:s17+$0x16DD0] =	vst v3;
	v3 =	vadd.f32 v31, v18  }
0x307: {  	v35 =	vld [tilespmem:s17+$0xCEE0];
	v41 =	vmul.f32 v25, v15;
	v25 =	vmul.f32 v57, v15;
	v33 =	vadd.f32 v29, v18;
	[tilespmem:s17+$0x16E60] =	vst v24  }
0x308: {  	v22 =	vld [tilespmem:s17+$0xCC60];
	[tilespmem:s17+$0x16ED0] =	vst v3;
	v3 =	vadd.f32 v36, v18  }
0x309: {  	v40 =	vld [tilespmem:s17+$0xCFE0];
	v34 =	vmul.f32 v59, v17;
	v59 =	vmul.f32 v42, v15;
	v29 =	vadd.f32 v25, v11;
	[tilespmem:s17+$0x16E50] =	vst v33  }
0x30a: {  	v46 =	vmul.f32 v30, v15;
	v23 =	vld [tilespmem:s17+$0xCD70];
	[tilespmem:s17+$0x16FD0] =	vst v3;
	v3 =	vadd.f32 v41, v11  }
0x30b: {  	v45 =	vld [tilespmem:s17+$0xECE0];
	v62 =	vadd.f32 v59, v11;
	[tilespmem:s17+$0x16F60] =	vst v29  }
0x30c: {  	v47 =	vld [tilespmem:s17+$0xED60];
	v51 =	vmul.f32 v35, v15;
	[tilespmem:s17+$0x14CE0] =	vst v3;
	v3 =	vadd.f32 v46, v11  }
0x30d: {  	v50 =	vld [tilespmem:s17+$0xEDE0];
	v39 =	vmul.f32 v22, v15;
	v38 =	vadd.f32 v34, v18;
	[tilespmem:s17+$0x16C60] =	vst v62  }
0x30e: {  	v56 =	vmul.f32 v40, v15;
	v28 =	vld [tilespmem:s17+$0xCE70];
	[tilespmem:s17+$0x14DE0] =	vst v3;
	v3 =	vadd.f32 v51, v11  }
0x30f: {  	v55 =	vld [tilespmem:s17+$0xEEE0];
	v35 =	vmul.f32 v23, v8;
	[tilespmem:s17+$0x16F50] =	vst v38;
	v43 =	vadd.f32 v39, v11  }
0x310: {  	v32 =	vld [tilespmem:s17+$0xCE60];
	v61 =	vmul.f32 v45, v15;
	[tilespmem:s17+$0x14EE0] =	vst v3;
	v3 =	vadd.f32 v56, v11  }
0x311: {  	v60 =	vld [tilespmem:s17+$0xEFE0];
	v44 =	vmul.f32 v27, v15;
	v39 =	vadd.f32 v35, v16;
	[tilespmem:s17+$0x14C60] =	vst v43  }
0x312: {  	v17 =	vmul.f32 v50, v15;
	v33 =	vld [tilespmem:s17+$0xCF70];
	[tilespmem:s17+$0x14FE0] =	vst v3;
	v3 =	vadd.f32 v61, v11  }
0x313: {  	v40 =	vmul.f32 v28, v8;
	v48 =	vadd.f32 v44, v11;
	[tilespmem:s17+$0x14D70] =	vst v39;
	v21 =	vld [tilespmem:s17+$0xCCF0]  }
0x314: {  	v37 =	vld [tilespmem:s17+$0xCF60];
	v22 =	vmul.f32 v55, v15;
	[tilespmem:s17+$0x16CE0] =	vst v3;
	v3 =	vadd.f32 v17, v11  }
0x315: {  	v49 =	vmul.f32 v32, v15;
	v44 =	vadd.f32 v40, v16;
	[tilespmem:s17+$0x14D60] =	vst v48;
	v26 =	vld [tilespmem:s17+$0xCDF0]  }
0x316: {  	v27 =	vmul.f32 v60, v15;
	v38 =	vld [tilespmem:s17+$0xEC70];
	[tilespmem:s17+$0x16DE0] =	vst v3;
	v3 =	vadd.f32 v22, v11  }
0x317: {  	v45 =	vmul.f32 v33, v8;
	v53 =	vadd.f32 v49, v11;
	[tilespmem:s17+$0x14E70] =	vst v44;
	v31 =	vld [tilespmem:s17+$0xCEF0]  }
0x318: {  	v43 =	vld [tilespmem:s17+$0xED70];
	v32 =	vmul.f32 v21, v8;
	[tilespmem:s17+$0x16EE0] =	vst v3;
	v3 =	vadd.f32 v27, v11  }
0x319: {  	v54 =	vmul.f32 v37, v15;
	v49 =	vadd.f32 v45, v16;
	[tilespmem:s17+$0x14E60] =	vst v53;
	v36 =	vld [tilespmem:s17+$0xCFF0]  }
0x31a: {  	v37 =	vmul.f32 v26, v8;
	[tilespmem:s17+$0x16FE0] =	vst v3;
	v3 =	vadd.f32 v32, v16  }
0x31b: {  	v50 =	vmul.f32 v38, v8;
	v58 =	vadd.f32 v54, v11;
	[tilespmem:s17+$0x14F70] =	vst v49;
	v41 =	vld [tilespmem:s17+$0xECF0]  }
0x31c: {  	v53 =	vld [tilespmem:s17+$0xEF70];
	v42 =	vmul.f32 v31, v8;
	[tilespmem:s17+$0x14CF0] =	vst v3;
	v3 =	vadd.f32 v37, v16  }
0x31d: {  	v54 =	vadd.f32 v50, v16;
	v55 =	vmul.f32 v43, v8;
	[tilespmem:s17+$0x14F60] =	vst v58;
	v46 =	vld [tilespmem:s17+$0xEDF0]  }
0x31e: {  	v63 =	vmul.f32 v47, v15;
	v18 =	vld [tilespmem:s17+$0xCC70];
	v47 =	vmul.f32 v36, v8;
	[tilespmem:s17+$0x14DF0] =	vst v3;
	v3 =	vadd.f32 v42, v16  }
0x31f: {  	v48 =	vld [tilespmem:s17+$0xEE70];
	[tilespmem:s17+$0x16C70] =	vst v54;
	v58 =	vadd.f32 v55, v16  }
0x320: {  	v51 =	vld [tilespmem:s17+$0xEEF0];
	v52 =	vmul.f32 v41, v8;
	[tilespmem:s17+$0x14EF0] =	vst v3;
	v3 =	vadd.f32 v47, v16  }
0x321: {  	v19 =	vadd.f32 v63, v11;
	[tilespmem:s17+$0x16D70] =	vst v58;
	v62 =	vmul.f32 v53, v8;
	v56 =	vld [tilespmem:s17+$0xEFF0]  }
0x322: {  	v57 =	vmul.f32 v46, v8;
	[tilespmem:s17+$0x14FF0] =	vst v3;
	v3 =	vadd.f32 v52, v16  }
0x323: {  	[tilespmem:s17+$0x16D60] =	vst v19;
	v63 =	vadd.f32 v62, v16;
	v30 =	vmul.f32 v18, v8  }
0x324: {  	v59 =	vmul.f32 v48, v8;
	[tilespmem:s17+$0x16CF0] =	vst v3;
	v3 =	vadd.f32 v57, v16  }
0x325: {  	p0 =	slt.u32 s12, $0x380;
	[tilespmem:s17+$0x16F70] =	vst v63;
	v34 =	vadd.f32 v30, v16;
	v60 =	vmul.f32 v51, v8  }
.Ltmp3:
0x326: {  	v61 =	vadd.f32 v59, v16;
	[tilespmem:s17+$0x16DF0] =	vst v3;
	v3 =	vmul.f32 v56, v8;
	(pc) =	sbr.rel @p0 .LBB2_9-.Ltmp3, $4  }
0x327: {  	[tilespmem:s17+$0x14C70] =	vst v34;
	v4 =	vadd.f32 v60, v16  }
0x328: {  	[tilespmem:s17+$0x16E70] =	vst v61;
	v3 =	vadd.f32 v3, v16  }
0x329: {  	[tilespmem:s17+$0x16EF0] =	vst v4  }
0x32a: {  	s12 =	sadd.s32 $0x80, s12;
	[tilespmem:s17+$0x16FF0] =	vst v3  }
0x32b: {  	s16 =	sadd.s32 $0x1800, s16;
	s12 =	simm.s32 $0x0  }
0x32c: {  	[hbm4b:s16+s12] =	stream.linear.scatter [tilespmem:s1], [sflag:$0x6], $0x4000, $0x38;
	[tilespmem:$0x18C00] =	vst v63  }
0x32d: {  	v3 =	vld [tilespmem:s13+$0x60];
	_ =	sdelay $0x4  }
0x32e: {  	v4 =	vshll.u32 v3, $0x3  }
0x32f: {  	v3 =	vand.u32 $0x7, v3;
	v4 =	vand.u32 $0xFFFFFFC0, v4  }
0x330: {  	v3 =	vor.u32 v3, v4  }
0x331: {  	v4 =	vperm.xlane v3, v0;
	_ =	sdelay $0x1  }
0x332: {  	v4 =	vadd.s32 v1, v4;
	_ =	sdelay $0x3  }
0x333: {  	s17 =	simm.s32 $0x8C00  }
0x334: {  	[tilespmem:s17], [sflag:$0x3] =	stream.indirect_vreg.gather [hbm4b:s0+s12], $0x80, v4, vm0, $0xb8;
	[tilespmem:$0x18C00] =	vst v63  }
0x335: {  	v3 =	vperm.xlane v3, v2;
	s17 =	simm.s32 $0x9400  }
0x336: {  	[tilespmem:s17], [sflag:$0x3] =	stream.indirect_vreg.gather [hbm4b:s9+s12], $0x80, v4, vm0, $0xb8;
	[tilespmem:$0x18C00] =	vst v63  }
0x337: {  	v3 =	vadd.s32 v1, v3;
	s17 =	simm.s32 $0x9C00  }
0x338: {  	[tilespmem:s17], [sflag:$0x3] =	stream.indirect_vreg.gather [hbm4b:s10+s12], $0x80, v4, vm0, $0xb8;
	[tilespmem:$0x18C00] =	vst v63  }
0x339: {  	s17 =	simm.s32 $0xA400  }
0x33a: {  	[tilespmem:s17], [sflag:$0x3] =	stream.indirect_vreg.gather [hbm4b:s11+s12], $0x80, v4, vm0, $0xb8;
	[tilespmem:$0x18C00] =	vst v63  }
0x33b: {  	s17 =	simm.s32 $0xAC00  }
0x33c: {  	[tilespmem:s17], [sflag:$0x3] =	stream.indirect_vreg.gather [hbm4b:s0+s12], $0x80, v3, vm0, $0xb8;
	[tilespmem:$0x18C00] =	vst v63  }
0x33d: {  	s17 =	simm.s32 $0xB400  }
0x33e: {  	[tilespmem:s17], [sflag:$0x3] =	stream.indirect_vreg.gather [hbm4b:s9+s12], $0x80, v3, vm0, $0xb8;
	[tilespmem:$0x18C00] =	vst v63  }
0x33f: {  	s17 =	simm.s32 $0xBC00  }
0x340: {  	[tilespmem:s17], [sflag:$0x3] =	stream.indirect_vreg.gather [hbm4b:s10+s12], $0x80, v3, vm0, $0xb8;
	[tilespmem:$0x18C00] =	vst v63  }
0x341: {  	s17 =	simm.s32 $0xC400  }
0x342: {  	[tilespmem:s17], [sflag:$0x3] =	stream.indirect_vreg.gather [hbm4b:s11+s12], $0x80, v3, vm0, $0xb8;
	[tilespmem:$0x18C00] =	vst v63  }
0x343: {  	_ =	swait.ge [sflag:s2], $0x4000  }
0x344: {  	[sflag:s2] =	ssyncset.done $0x0  }
0x345: {  	[sflag:s2] =	ssyncadd.s32 $0xFFFFC000  }
0x346: {  	_ =	swait.ge [sflag:s29], $0x4000  }
0x347: {  	[sflag:s29] =	ssyncset.done $0x0  }
0x348: {  	[sflag:s29] =	ssyncadd.s32 $0xFFFFC000  }
.LBB2_11:
0x349: {  	v3 =	vld [tilespmem:s12+$0x400]  }
0x34a: {  	v5 =	vld [tilespmem:s12+$0x800]  }
0x34b: {  	v22 =	vld [tilespmem:s12+$0x410]  }
0x34c: {  	s16 =	sshll.u32 s12, $0x3;
	v4 =	vld [tilespmem:s12+$0x810]  }
0x34d: {  	v6 =	vld [tilespmem:s16+$0xC00]  }
0x34e: {  	v7 =	vld [tilespmem:s16+$0xC80]  }
0x34f: {  	v8 =	vld [tilespmem:s16+$0xD00]  }
0x350: {  	v9 =	vld [tilespmem:s16+$0xD80]  }
0x351: {  	v10 =	vld [tilespmem:s16+$0xE00]  }
0x352: {  	v11 =	vld [tilespmem:s16+$0xE80]  }
0x353: {  	v12 =	vld [tilespmem:s16+$0xF00]  }
0x354: {  	v13 =	vld [tilespmem:s16+$0xF80]  }
0x355: {  	v14 =	vld [tilespmem:s16+$0x2C00]  }
0x356: {  	v15 =	vld [tilespmem:s16+$0x2C80]  }
0x357: {  	v16 =	vld [tilespmem:s16+$0x2D00]  }
0x358: {  	v17 =	vld [tilespmem:s16+$0x2D80]  }
0x359: {  	v18 =	vld [tilespmem:s16+$0x2E00]  }
0x35a: {  	v19 =	vld [tilespmem:s16+$0x2E80]  }
0x35b: {  	v20 =	vld [tilespmem:s16+$0x2F00]  }
0x35c: {  	v21 =	vld [tilespmem:s16+$0x2F80]  }
0x35d: {  	v23 =	vld [tilespmem:s16+$0xC10]  }
0x35e: {  	v24 =	vld [tilespmem:s16+$0xC90]  }
0x35f: {  	v25 =	vld [tilespmem:s16+$0xD10];
	v6 =	vmul.f32 v6, v3  }
0x360: {  	v26 =	vld [tilespmem:s16+$0xD90];
	v7 =	vmul.f32 v7, v3  }
0x361: {  	v27 =	vld [tilespmem:s16+$0xE10];
	v8 =	vmul.f32 v8, v3;
	v6 =	vadd.f32 v6, v5  }
0x362: {  	v28 =	vld [tilespmem:s16+$0x2C10];
	v9 =	vmul.f32 v9, v3;
	v7 =	vadd.f32 v7, v5  }
0x363: {  	v31 =	vld [tilespmem:s16+$0x2C90];
	v57 =	vmul.f32 v10, v3;
	v56 =	vadd.f32 v8, v5;
	[tilespmem:s16+$0x10C00] =	vst v6  }
0x364: {  	v34 =	vld [tilespmem:s16+$0x2D10];
	v59 =	vmul.f32 v11, v3;
	v58 =	vadd.f32 v9, v5;
	[tilespmem:s16+$0x10C80] =	vst v7  }
0x365: {  	v37 =	vld [tilespmem:s16+$0x2D90];
	v61 =	vmul.f32 v12, v3;
	v60 =	vadd.f32 v57, v5;
	[tilespmem:s16+$0x10D00] =	vst v56  }
0x366: {  	v10 =	vld [tilespmem:s16+$0xE90];
	v63 =	vmul.f32 v13, v3;
	v62 =	vadd.f32 v59, v5;
	[tilespmem:s16+$0x10D80] =	vst v58  }
0x367: {  	v11 =	vld [tilespmem:s16+$0xF10];
	v30 =	vmul.f32 v14, v3;
	v29 =	vadd.f32 v61, v5;
	[tilespmem:s16+$0x10E00] =	vst v60  }
0x368: {  	v12 =	vld [tilespmem:s16+$0xF90];
	v33 =	vmul.f32 v15, v3;
	v32 =	vadd.f32 v63, v5;
	[tilespmem:s16+$0x10E80] =	vst v62  }
0x369: {  	v36 =	vmul.f32 v16, v3;
	v39 =	vmul.f32 v17, v3;
	v17 =	vld [tilespmem:s16+$0x2E10];
	v35 =	vadd.f32 v30, v5;
	[tilespmem:s16+$0x10F00] =	vst v29  }
0x36a: {  	v41 =	vmul.f32 v18, v3;
	v18 =	vld [tilespmem:s16+$0x2E90];
	v38 =	vadd.f32 v33, v5;
	[tilespmem:s16+$0x10F80] =	vst v32  }
0x36b: {  	v43 =	vmul.f32 v19, v3;
	v19 =	vld [tilespmem:s16+$0x2F10];
	v40 =	vadd.f32 v36, v5;
	[tilespmem:s16+$0x12C00] =	vst v35  }
0x36c: {  	v45 =	vmul.f32 v20, v3;
	v20 =	vld [tilespmem:s16+$0x2F90];
	v42 =	vadd.f32 v39, v5;
	[tilespmem:s16+$0x12C80] =	vst v38  }
0x36d: {  	v47 =	vmul.f32 v21, v3;
	v21 =	vld [tilespmem:s12+$0x420];
	v44 =	vadd.f32 v41, v5;
	[tilespmem:s16+$0x12D00] =	vst v40  }
0x36e: {  	v3 =	vld [tilespmem:s12+$0x820];
	v46 =	vadd.f32 v43, v5;
	[tilespmem:s16+$0x12D80] =	vst v42  }
0x36f: {  	v49 =	vmul.f32 v23, v22;
	v23 =	vld [tilespmem:s16+$0xCA0];
	v48 =	vadd.f32 v45, v5;
	[tilespmem:s16+$0x12E00] =	vst v44  }
0x370: {  	v50 =	vmul.f32 v24, v22;
	v24 =	vld [tilespmem:s16+$0xD20];
	v5 =	vadd.f32 v47, v5;
	[tilespmem:s16+$0x12E80] =	vst v46  }
0x371: {  	v52 =	vmul.f32 v25, v22;
	v54 =	vmul.f32 v26, v22;
	v26 =	vld [tilespmem:s16+$0xF20];
	v51 =	vadd.f32 v49, v4;
	[tilespmem:s16+$0x12F00] =	vst v48  }
0x372: {  	v28 =	vmul.f32 v28, v22;
	v15 =	vld [tilespmem:s12+$0x460];
	v53 =	vadd.f32 v50, v4;
	[tilespmem:s16+$0x12F80] =	vst v5  }
0x373: {  	v31 =	vmul.f32 v31, v22;
	v16 =	vld [tilespmem:s12+$0x870];
	v55 =	vadd.f32 v52, v4;
	[tilespmem:s16+$0x10C10] =	vst v51  }
0x374: {  	v34 =	vmul.f32 v34, v22;
	v9 =	vld [tilespmem:s16+$0xC20];
	v33 =	vadd.f32 v28, v4;
	[tilespmem:s16+$0x10C90] =	vst v53  }
0x375: {  	v57 =	vld [tilespmem:s16+$0xDA0];
	v36 =	vadd.f32 v31, v4;
	[tilespmem:s16+$0x10D10] =	vst v55  }
0x376: {  	v37 =	vmul.f32 v37, v22;
	v39 =	vadd.f32 v34, v4;
	v41 =	vld [tilespmem:s16+$0x2DA0];
	[tilespmem:s16+$0x12C10] =	vst v33  }
0x377: {  	v47 =	vld [tilespmem:s16+$0x2EA0];
	v56 =	vmul.f32 v27, v22;
	v58 =	vadd.f32 v54, v4;
	[tilespmem:s16+$0x12C90] =	vst v36  }
0x378: {  	v50 =	vld [tilespmem:s16+$0x2F20];
	v42 =	vadd.f32 v37, v4;
	[tilespmem:s16+$0x12D10] =	vst v39;
	v59 =	vmul.f32 v10, v22  }
0x379: {  	v8 =	vld [tilespmem:s12+$0x470];
	v61 =	vmul.f32 v11, v22;
	v60 =	vadd.f32 v56, v4;
	[tilespmem:s16+$0x10D90] =	vst v58  }
0x37a: {  	v29 =	vld [tilespmem:s16+$0xFA0];
	v63 =	vmul.f32 v12, v22;
	[tilespmem:s16+$0x12D90] =	vst v42;
	v62 =	vadd.f32 v59, v4  }
0x37b: {  	v32 =	vld [tilespmem:s16+$0x2C20];
	v40 =	vmul.f32 v17, v22;
	v27 =	vadd.f32 v61, v4;
	[tilespmem:s16+$0x10E10] =	vst v60  }
0x37c: {  	v35 =	vld [tilespmem:s16+$0x2CA0];
	v43 =	vmul.f32 v18, v22;
	v30 =	vadd.f32 v63, v4;
	[tilespmem:s16+$0x10E90] =	vst v62  }
0x37d: {  	v38 =	vld [tilespmem:s16+$0x2D20];
	v46 =	vmul.f32 v19, v22;
	v45 =	vadd.f32 v40, v4;
	[tilespmem:s16+$0x10F10] =	vst v27  }
0x37e: {  	v44 =	vld [tilespmem:s16+$0x2E20];
	v49 =	vmul.f32 v20, v22;
	v48 =	vadd.f32 v43, v4;
	[tilespmem:s16+$0x10F90] =	vst v30  }
0x37f: {  	v7 =	vld [tilespmem:s12+$0x430];
	v53 =	vmul.f32 v23, v21;
	v51 =	vadd.f32 v46, v4;
	[tilespmem:s16+$0x12E10] =	vst v45  }
0x380: {  	v33 =	vld [tilespmem:s16+$0xEB0];
	v55 =	vmul.f32 v24, v21;
	v4 =	vadd.f32 v49, v4;
	[tilespmem:s16+$0x12E90] =	vst v48  }
0x381: {  	v36 =	vld [tilespmem:s16+$0xF30];
	v26 =	vmul.f32 v26, v21;
	v56 =	vadd.f32 v53, v3;
	[tilespmem:s16+$0x12F10] =	vst v51  }
0x382: {  	v39 =	vld [tilespmem:s16+$0xFB0];
	v52 =	vmul.f32 v9, v21;
	v59 =	vadd.f32 v55, v3;
	[tilespmem:s16+$0x12F90] =	vst v4  }
0x383: {  	v10 =	vld [tilespmem:s16+$0xE20];
	v57 =	vmul.f32 v57, v21;
	v31 =	vadd.f32 v26, v3;
	[tilespmem:s16+$0x10CA0] =	vst v56  }
0x384: {  	v11 =	vld [tilespmem:s16+$0xEA0];
	v41 =	vmul.f32 v41, v21;
	v54 =	vadd.f32 v52, v3;
	[tilespmem:s16+$0x10D20] =	vst v59  }
0x385: {  	v22 =	vld [tilespmem:s12+$0x830];
	v47 =	vmul.f32 v47, v21;
	v62 =	vadd.f32 v57, v3;
	[tilespmem:s16+$0x10F20] =	vst v31  }
0x386: {  	v24 =	vld [tilespmem:s16+$0xD30];
	v50 =	vmul.f32 v50, v21;
	v46 =	vadd.f32 v41, v3;
	[tilespmem:s16+$0x10C20] =	vst v54  }
0x387: {  	v12 =	vld [tilespmem:s12+$0x840];
	v29 =	vmul.f32 v29, v21;
	v52 =	vadd.f32 v47, v3;
	[tilespmem:s16+$0x10DA0] =	vst v62  }
0x388: {  	v17 =	vld [tilespmem:s12+$0x450];
	v32 =	vmul.f32 v32, v21;
	v55 =	vadd.f32 v50, v3;
	[tilespmem:s16+$0x12DA0] =	vst v46  }
0x389: {  	v9 =	vld [tilespmem:s16+$0x2FA0];
	v35 =	vmul.f32 v35, v21;
	v34 =	vadd.f32 v29, v3;
	[tilespmem:s16+$0x12EA0] =	vst v52  }
0x38a: {  	v58 =	vld [tilespmem:s16+$0xC30];
	v38 =	vmul.f32 v38, v21;
	v37 =	vadd.f32 v32, v3;
	[tilespmem:s16+$0x12F20] =	vst v55  }
0x38b: {  	v61 =	vld [tilespmem:s16+$0xCB0];
	v44 =	vmul.f32 v44, v21;
	v40 =	vadd.f32 v35, v3;
	[tilespmem:s16+$0x10FA0] =	vst v34  }
0x38c: {  	v18 =	vld [tilespmem:s12+$0x850];
	v60 =	vmul.f32 v10, v21;
	v43 =	vadd.f32 v38, v3;
	[tilespmem:s16+$0x12C20] =	vst v37  }
0x38d: {  	v27 =	vld [tilespmem:s16+$0xDB0];
	v63 =	vmul.f32 v11, v21;
	v49 =	vadd.f32 v44, v3;
	[tilespmem:s16+$0x12CA0] =	vst v40  }
0x38e: {  	v30 =	vld [tilespmem:s16+$0xE30];
	v25 =	vadd.f32 v60, v3;
	v53 =	vmul.f32 v9, v21;
	[tilespmem:s16+$0x12D20] =	vst v43  }
0x38f: {  	v42 =	vld [tilespmem:s16+$0x2C30];
	v56 =	vmul.f32 v58, v7;
	v28 =	vadd.f32 v63, v3;
	[tilespmem:s16+$0x12E20] =	vst v49  }
0x390: {  	v26 =	vld [tilespmem:s16+$0xC40];
	v58 =	vmul.f32 v61, v7;
	[tilespmem:s16+$0x10E20] =	vst v25;
	v3 =	vadd.f32 v53, v3  }
0x391: {  	v45 =	vld [tilespmem:s16+$0x2CB0];
	v61 =	vmul.f32 v24, v7;
	v60 =	vadd.f32 v56, v22;
	[tilespmem:s16+$0x10EA0] =	vst v28  }
0x392: {  	v48 =	vld [tilespmem:s16+$0x2D30];
	v63 =	vmul.f32 v27, v7;
	[tilespmem:s16+$0x12FA0] =	vst v3;
	v3 =	vadd.f32 v58, v22  }
0x393: {  	v51 =	vld [tilespmem:s16+$0x2DB0];
	v23 =	vadd.f32 v61, v22;
	v24 =	vmul.f32 v30, v7;
	[tilespmem:s16+$0x10C30] =	vst v60  }
0x394: {  	v57 =	vld [tilespmem:s16+$0x2EB0];
	v25 =	vmul.f32 v33, v7;
	[tilespmem:s16+$0x10CB0] =	vst v3;
	v3 =	vadd.f32 v63, v22  }
0x395: {  	v59 =	vld [tilespmem:s16+$0x2F30];
	v28 =	vmul.f32 v36, v7;
	[tilespmem:s16+$0x10D30] =	vst v23;
	v27 =	vadd.f32 v24, v22  }
0x396: {  	v31 =	vld [tilespmem:s16+$0xD40];
	v30 =	vmul.f32 v39, v7;
	[tilespmem:s16+$0x10DB0] =	vst v3;
	v3 =	vadd.f32 v25, v22  }
0x397: {  	v41 =	vld [tilespmem:s16+$0xF40];
	v33 =	vmul.f32 v42, v7;
	v32 =	vadd.f32 v28, v22;
	[tilespmem:s16+$0x10E30] =	vst v27  }
0x398: {  	v11 =	vld [tilespmem:s12+$0x440];
	v35 =	vmul.f32 v45, v7;
	[tilespmem:s16+$0x10EB0] =	vst v3;
	v3 =	vadd.f32 v30, v22  }
0x399: {  	v62 =	vld [tilespmem:s16+$0x2FB0];
	v38 =	vmul.f32 v48, v7;
	v37 =	vadd.f32 v33, v22;
	[tilespmem:s16+$0x10F30] =	vst v32  }
0x39a: {  	v50 =	vld [tilespmem:s16+$0x2D40];
	v40 =	vmul.f32 v51, v7;
	[tilespmem:s16+$0x10FB0] =	vst v3;
	v3 =	vadd.f32 v35, v22  }
0x39b: {  	v29 =	vld [tilespmem:s16+$0xCC0];
	v5 =	vmul.f32 v59, v7;
	v42 =	vadd.f32 v38, v22;
	[tilespmem:s16+$0x12C30] =	vst v37  }
0x39c: {  	v54 =	vld [tilespmem:s16+$0x2E30];
	v45 =	vmul.f32 v57, v7;
	[tilespmem:s16+$0x12CB0] =	vst v3;
	v3 =	vadd.f32 v40, v22  }
0x39d: {  	v34 =	vld [tilespmem:s16+$0xDC0];
	v51 =	vmul.f32 v26, v11;
	v5 =	vadd.f32 v5, v22;
	[tilespmem:s16+$0x12D30] =	vst v42  }
0x39e: {  	v36 =	vld [tilespmem:s16+$0xE40];
	v49 =	vmul.f32 v62, v7;
	[tilespmem:s16+$0x12DB0] =	vst v3;
	v3 =	vadd.f32 v45, v22  }
0x39f: {  	v39 =	vld [tilespmem:s16+$0xEC0];
	v56 =	vmul.f32 v31, v11;
	v55 =	vadd.f32 v51, v12;
	[tilespmem:s16+$0x12F30] =	vst v5  }
0x3a0: {  	v46 =	vld [tilespmem:s16+$0x2C40];
	v53 =	vmul.f32 v29, v11;
	[tilespmem:s16+$0x12EB0] =	vst v3;
	v3 =	vadd.f32 v49, v22  }
0x3a1: {  	v44 =	vld [tilespmem:s16+$0xFC0];
	v43 =	vmul.f32 v54, v7;
	v60 =	vadd.f32 v56, v12;
	[tilespmem:s16+$0x10C40] =	vst v55  }
0x3a2: {  	v24 =	vld [tilespmem:s16+$0xC50];
	v58 =	vmul.f32 v34, v11;
	[tilespmem:s16+$0x12FB0] =	vst v3;
	v3 =	vadd.f32 v53, v12  }
0x3a3: {  	v48 =	vld [tilespmem:s16+$0x2CC0];
	v47 =	vadd.f32 v43, v22;
	v61 =	vmul.f32 v36, v11;
	[tilespmem:s16+$0x10D40] =	vst v60  }
0x3a4: {  	v29 =	vld [tilespmem:s16+$0xD50];
	v63 =	vmul.f32 v39, v11;
	[tilespmem:s16+$0x10CC0] =	vst v3;
	v3 =	vadd.f32 v58, v12  }
0x3a5: {  	v52 =	vld [tilespmem:s16+$0x2DC0];
	v26 =	vmul.f32 v46, v11;
	[tilespmem:s16+$0x12E30] =	vst v47;
	v21 =	vadd.f32 v61, v12  }
0x3a6: {  	v57 =	vld [tilespmem:s16+$0x2EC0];
	v23 =	vmul.f32 v44, v11;
	[tilespmem:s16+$0x10DC0] =	vst v3;
	v3 =	vadd.f32 v63, v12  }
0x3a7: {  	v59 =	vld [tilespmem:s16+$0x2F40];
	v46 =	vmul.f32 v24, v17;
	v30 =	vadd.f32 v26, v12;
	[tilespmem:s16+$0x10E40] =	vst v21  }
0x3a8: {  	v34 =	vld [tilespmem:s16+$0xE50];
	v28 =	vmul.f32 v48, v11;
	[tilespmem:s16+$0x10EC0] =	vst v3;
	v3 =	vadd.f32 v23, v12  }
0x3a9: {  	v31 =	vmul.f32 v50, v11;
	v62 =	vld [tilespmem:s16+$0x2FC0];
	v51 =	vmul.f32 v29, v17;
	v50 =	vadd.f32 v46, v18;
	[tilespmem:s16+$0x12C40] =	vst v30  }
0x3aa: {  	v54 =	vld [tilespmem:s16+$0x2E40];
	v33 =	vmul.f32 v52, v11;
	[tilespmem:s16+$0x10FC0] =	vst v3;
	v3 =	vadd.f32 v28, v12  }
0x3ab: {  	v27 =	vld [tilespmem:s16+$0xCD0];
	v55 =	vadd.f32 v51, v18;
	[tilespmem:s16+$0x10C50] =	vst v50  }
0x3ac: {  	v38 =	vmul.f32 v57, v11;
	v39 =	vld [tilespmem:s16+$0xF50];
	[tilespmem:s16+$0x12CC0] =	vst v3;
	v3 =	vadd.f32 v33, v12  }
0x3ad: {  	v32 =	vld [tilespmem:s16+$0xDD0];
	v56 =	vmul.f32 v34, v17;
	v35 =	vadd.f32 v31, v12;
	[tilespmem:s16+$0x10D50] =	vst v55  }
0x3ae: {  	v44 =	vld [tilespmem:s16+$0x2C50];
	v43 =	vmul.f32 v62, v11;
	[tilespmem:s16+$0x12DC0] =	vst v3;
	v3 =	vadd.f32 v38, v12  }
0x3af: {  	v37 =	vld [tilespmem:s16+$0xED0];
	v36 =	vmul.f32 v54, v11;
	v60 =	vadd.f32 v56, v18;
	[tilespmem:s16+$0x12D40] =	vst v35  }
0x3b0: {  	v52 =	vld [tilespmem:s16+$0x2DD0];
	v48 =	vmul.f32 v27, v17;
	[tilespmem:s16+$0x12EC0] =	vst v3;
	v3 =	vadd.f32 v43, v12  }
0x3b1: {  	v42 =	vld [tilespmem:s16+$0xFD0];
	v61 =	vmul.f32 v39, v17;
	v40 =	vadd.f32 v36, v12;
	[tilespmem:s16+$0x10E50] =	vst v60  }
0x3b2: {  	v57 =	vld [tilespmem:s16+$0x2ED0];
	v53 =	vmul.f32 v32, v17;
	[tilespmem:s16+$0x12FC0] =	vst v3;
	v3 =	vadd.f32 v48, v18  }
0x3b3: {  	v47 =	vld [tilespmem:s16+$0x2CD0];
	v19 =	vadd.f32 v61, v18;
	[tilespmem:s16+$0x12E40] =	vst v40;
	v22 =	vmul.f32 v41, v11  }
0x3b4: {  	v49 =	vld [tilespmem:s16+$0x2D50];
	v58 =	vmul.f32 v37, v17;
	[tilespmem:s16+$0x10CD0] =	vst v3;
	v3 =	vadd.f32 v53, v18  }
0x3b5: {  	v54 =	vld [tilespmem:s16+$0x2E50];
	[tilespmem:s16+$0x10F50] =	vst v19;
	v41 =	vmul.f32 v59, v11;
	v25 =	vadd.f32 v22, v12  }
0x3b6: {  	v26 =	vmul.f32 v52, v17;
	v52 =	vld [tilespmem:s16+$0x2E60];
	v63 =	vmul.f32 v42, v17;
	[tilespmem:s16+$0x10DD0] =	vst v3;
	v3 =	vadd.f32 v58, v18  }
0x3b7: {  	v62 =	vld [tilespmem:s16+$0x2FD0];
	v20 =	vmul.f32 v44, v17;
	v45 =	vadd.f32 v41, v12;
	[tilespmem:s16+$0x10F40] =	vst v25  }
0x3b8: {  	v21 =	vmul.f32 v47, v17;
	v11 =	vld [tilespmem:s12+$0x860];
	[tilespmem:s16+$0x10ED0] =	vst v3;
	v3 =	vadd.f32 v63, v18  }
0x3b9: {  	v31 =	vmul.f32 v57, v17;
	v57 =	vld [tilespmem:s16+$0x2F60];
	[tilespmem:s16+$0x12F40] =	vst v45;
	v24 =	vmul.f32 v49, v17;
	v23 =	vadd.f32 v20, v18  }
0x3ba: {  	v25 =	vld [tilespmem:s16+$0xCE0];
	[tilespmem:s16+$0x10FD0] =	vst v3;
	v3 =	vadd.f32 v21, v18  }
0x3bb: {  	v59 =	vld [tilespmem:s16+$0x2F50];
	v20 =	vmul.f32 v52, v15;
	[tilespmem:s16+$0x12C50] =	vst v23;
	v28 =	vadd.f32 v24, v18  }
0x3bc: {  	v42 =	vld [tilespmem:s16+$0x2C60];
	[tilespmem:s16+$0x12CD0] =	vst v3;
	v3 =	vadd.f32 v26, v18  }
0x3bd: {  	v30 =	vld [tilespmem:s16+$0xDE0];
	v29 =	vmul.f32 v54, v17;
	v24 =	vadd.f32 v20, v11;
	[tilespmem:s16+$0x12D50] =	vst v28  }
0x3be: {  	v27 =	vld [tilespmem:s16+$0xD60];
	v36 =	vmul.f32 v62, v17;
	[tilespmem:s16+$0x12DD0] =	vst v3;
	v3 =	vadd.f32 v31, v18  }
0x3bf: {  	v35 =	vld [tilespmem:s16+$0xEE0];
	v41 =	vmul.f32 v25, v15;
	v25 =	vmul.f32 v57, v15;
	v33 =	vadd.f32 v29, v18;
	[tilespmem:s16+$0x12E60] =	vst v24  }
0x3c0: {  	v22 =	vld [tilespmem:s16+$0xC60];
	[tilespmem:s16+$0x12ED0] =	vst v3;
	v3 =	vadd.f32 v36, v18  }
0x3c1: {  	v40 =	vld [tilespmem:s16+$0xFE0];
	v34 =	vmul.f32 v59, v17;
	v59 =	vmul.f32 v42, v15;
	v29 =	vadd.f32 v25, v11;
	[tilespmem:s16+$0x12E50] =	vst v33  }
0x3c2: {  	v46 =	vmul.f32 v30, v15;
	v23 =	vld [tilespmem:s16+$0xD70];
	[tilespmem:s16+$0x12FD0] =	vst v3;
	v3 =	vadd.f32 v41, v11  }
0x3c3: {  	v45 =	vld [tilespmem:s16+$0x2CE0];
	v62 =	vadd.f32 v59, v11;
	[tilespmem:s16+$0x12F60] =	vst v29  }
0x3c4: {  	v47 =	vld [tilespmem:s16+$0x2D60];
	v51 =	vmul.f32 v35, v15;
	[tilespmem:s16+$0x10CE0] =	vst v3;
	v3 =	vadd.f32 v46, v11  }
0x3c5: {  	v50 =	vld [tilespmem:s16+$0x2DE0];
	v39 =	vmul.f32 v22, v15;
	v38 =	vadd.f32 v34, v18;
	[tilespmem:s16+$0x12C60] =	vst v62  }
0x3c6: {  	v56 =	vmul.f32 v40, v15;
	v28 =	vld [tilespmem:s16+$0xE70];
	[tilespmem:s16+$0x10DE0] =	vst v3;
	v3 =	vadd.f32 v51, v11  }
0x3c7: {  	v55 =	vld [tilespmem:s16+$0x2EE0];
	v35 =	vmul.f32 v23, v8;
	[tilespmem:s16+$0x12F50] =	vst v38;
	v43 =	vadd.f32 v39, v11  }
0x3c8: {  	v32 =	vld [tilespmem:s16+$0xE60];
	v61 =	vmul.f32 v45, v15;
	[tilespmem:s16+$0x10EE0] =	vst v3;
	v3 =	vadd.f32 v56, v11  }
0x3c9: {  	v60 =	vld [tilespmem:s16+$0x2FE0];
	v44 =	vmul.f32 v27, v15;
	v39 =	vadd.f32 v35, v16;
	[tilespmem:s16+$0x10C60] =	vst v43  }
0x3ca: {  	v17 =	vmul.f32 v50, v15;
	v33 =	vld [tilespmem:s16+$0xF70];
	[tilespmem:s16+$0x10FE0] =	vst v3;
	v3 =	vadd.f32 v61, v11  }
0x3cb: {  	v40 =	vmul.f32 v28, v8;
	v48 =	vadd.f32 v44, v11;
	[tilespmem:s16+$0x10D70] =	vst v39;
	v21 =	vld [tilespmem:s16+$0xCF0]  }
0x3cc: {  	v37 =	vld [tilespmem:s16+$0xF60];
	v22 =	vmul.f32 v55, v15;
	[tilespmem:s16+$0x12CE0] =	vst v3;
	v3 =	vadd.f32 v17, v11  }
0x3cd: {  	v49 =	vmul.f32 v32, v15;
	v44 =	vadd.f32 v40, v16;
	[tilespmem:s16+$0x10D60] =	vst v48;
	v26 =	vld [tilespmem:s16+$0xDF0]  }
0x3ce: {  	v27 =	vmul.f32 v60, v15;
	v38 =	vld [tilespmem:s16+$0x2C70];
	[tilespmem:s16+$0x12DE0] =	vst v3;
	v3 =	vadd.f32 v22, v11  }
0x3cf: {  	v45 =	vmul.f32 v33, v8;
	v53 =	vadd.f32 v49, v11;
	[tilespmem:s16+$0x10E70] =	vst v44;
	v31 =	vld [tilespmem:s16+$0xEF0]  }
0x3d0: {  	v43 =	vld [tilespmem:s16+$0x2D70];
	v32 =	vmul.f32 v21, v8;
	[tilespmem:s16+$0x12EE0] =	vst v3;
	v3 =	vadd.f32 v27, v11  }
0x3d1: {  	v54 =	vmul.f32 v37, v15;
	v49 =	vadd.f32 v45, v16;
	[tilespmem:s16+$0x10E60] =	vst v53;
	v36 =	vld [tilespmem:s16+$0xFF0]  }
0x3d2: {  	v37 =	vmul.f32 v26, v8;
	[tilespmem:s16+$0x12FE0] =	vst v3;
	v3 =	vadd.f32 v32, v16  }
0x3d3: {  	v50 =	vmul.f32 v38, v8;
	v58 =	vadd.f32 v54, v11;
	[tilespmem:s16+$0x10F70] =	vst v49;
	v41 =	vld [tilespmem:s16+$0x2CF0]  }
0x3d4: {  	v53 =	vld [tilespmem:s16+$0x2F70];
	v42 =	vmul.f32 v31, v8;
	[tilespmem:s16+$0x10CF0] =	vst v3;
	v3 =	vadd.f32 v37, v16  }
0x3d5: {  	v54 =	vadd.f32 v50, v16;
	v55 =	vmul.f32 v43, v8;
	[tilespmem:s16+$0x10F60] =	vst v58;
	v46 =	vld [tilespmem:s16+$0x2DF0]  }
0x3d6: {  	v63 =	vmul.f32 v47, v15;
	v18 =	vld [tilespmem:s16+$0xC70];
	v47 =	vmul.f32 v36, v8;
	[tilespmem:s16+$0x10DF0] =	vst v3;
	v3 =	vadd.f32 v42, v16  }
0x3d7: {  	v48 =	vld [tilespmem:s16+$0x2E70];
	[tilespmem:s16+$0x12C70] =	vst v54;
	v58 =	vadd.f32 v55, v16  }
0x3d8: {  	v51 =	vld [tilespmem:s16+$0x2EF0];
	v52 =	vmul.f32 v41, v8;
	[tilespmem:s16+$0x10EF0] =	vst v3;
	v3 =	vadd.f32 v47, v16  }
0x3d9: {  	v19 =	vadd.f32 v63, v11;
	[tilespmem:s16+$0x12D70] =	vst v58;
	v62 =	vmul.f32 v53, v8;
	v56 =	vld [tilespmem:s16+$0x2FF0]  }
0x3da: {  	v57 =	vmul.f32 v46, v8;
	[tilespmem:s16+$0x10FF0] =	vst v3;
	v3 =	vadd.f32 v52, v16  }
0x3db: {  	[tilespmem:s16+$0x12D60] =	vst v19;
	v63 =	vadd.f32 v62, v16;
	v30 =	vmul.f32 v18, v8  }
0x3dc: {  	v59 =	vmul.f32 v48, v8;
	[tilespmem:s16+$0x12CF0] =	vst v3;
	v3 =	vadd.f32 v57, v16  }
0x3dd: {  	p0 =	slt.u32 s12, $0x380;
	[tilespmem:s16+$0x12F70] =	vst v63;
	v34 =	vadd.f32 v30, v16;
	v60 =	vmul.f32 v51, v8  }
.Ltmp4:
0x3de: {  	v61 =	vadd.f32 v59, v16;
	[tilespmem:s16+$0x12DF0] =	vst v3;
	v3 =	vmul.f32 v56, v8;
	(pc) =	sbr.rel @p0 .LBB2_11-.Ltmp4, $4  }
0x3df: {  	[tilespmem:s16+$0x10C70] =	vst v34;
	v4 =	vadd.f32 v60, v16  }
0x3e0: {  	[tilespmem:s16+$0x12E70] =	vst v61;
	v3 =	vadd.f32 v3, v16  }
0x3e1: {  	[tilespmem:s16+$0x12EF0] =	vst v4  }
0x3e2: {  	s12 =	sadd.s32 $0x80, s12;
	[tilespmem:s16+$0x12FF0] =	vst v3  }
0x3e3: {  	s12 =	sadd.s32 s7, s14  }
0x3e4: {  	s12 =	sshll.u32 s12, $0x7  }
0x3e5: {  	s17 =	sadd.s32 s5, s12;
	s12 =	simm.s32 $0x0  }
0x3e6: {  	[hbm4b:s17+s12] =	stream.linear.scatter [tilespmem:s30], [sflag:$0x5], $0x4000, $0x38;
	[tilespmem:$0x18C00] =	vst v63  }
0x3e7: {  	v3 =	vld [tilespmem:s13+$0x70];
	_ =	sdelay $0x4  }
0x3e8: {  	v4 =	vshll.u32 v3, $0x3  }
0x3e9: {  	v3 =	vand.u32 $0x7, v3;
	v4 =	vand.u32 $0xFFFFFFC0, v4  }
0x3ea: {  	v3 =	vor.u32 v3, v4  }
0x3eb: {  	v4 =	vperm.xlane v3, v0;
	_ =	sdelay $0x1  }
0x3ec: {  	v4 =	vadd.s32 v1, v4;
	_ =	sdelay $0x4  }
0x3ed: {  	[tilespmem:s20], [sflag:$0x4] =	stream.indirect_vreg.gather [hbm4b:s0+s12], $0x80, v4, vm0, $0xb8;
	[tilespmem:$0x18C00] =	vst v63  }
0x3ee: {  	v3 =	vperm.xlane v3, v2  }
0x3ef: {  	[tilespmem:s21], [sflag:$0x4] =	stream.indirect_vreg.gather [hbm4b:s9+s12], $0x80, v4, vm0, $0xb8;
	[tilespmem:$0x18C00] =	vst v63  }
0x3f0: {  	v3 =	vadd.s32 v1, v3  }
0x3f1: {  	[tilespmem:s22], [sflag:$0x4] =	stream.indirect_vreg.gather [hbm4b:s10+s12], $0x80, v4, vm0, $0xb8;
	[tilespmem:$0x18C00] =	vst v63  }
0x3f2: {  	_ = 	snop  }
0x3f3: {  	[tilespmem:s23], [sflag:$0x4] =	stream.indirect_vreg.gather [hbm4b:s11+s12], $0x80, v4, vm0, $0xb8;
	[tilespmem:$0x18C00] =	vst v63  }
0x3f4: {  	_ = 	snop  }
0x3f5: {  	[tilespmem:s24], [sflag:$0x4] =	stream.indirect_vreg.gather [hbm4b:s0+s12], $0x80, v3, vm0, $0xb8;
	[tilespmem:$0x18C00] =	vst v63  }
0x3f6: {  	_ = 	snop  }
0x3f7: {  	[tilespmem:s25], [sflag:$0x4] =	stream.indirect_vreg.gather [hbm4b:s9+s12], $0x80, v3, vm0, $0xb8;
	[tilespmem:$0x18C00] =	vst v63  }
0x3f8: {  	_ = 	snop  }
0x3f9: {  	[tilespmem:s26], [sflag:$0x4] =	stream.indirect_vreg.gather [hbm4b:s10+s12], $0x80, v3, vm0, $0xb8;
	[tilespmem:$0x18C00] =	vst v63  }
0x3fa: {  	_ = 	snop  }
0x3fb: {  	[tilespmem:s28], [sflag:$0x4] =	stream.indirect_vreg.gather [hbm4b:s11+s12], $0x80, v3, vm0, $0xb8;
	[tilespmem:$0x18C00] =	vst v63  }
0x3fc: {  	_ =	swait.ge [sflag:s4], $0x4000  }
0x3fd: {  	[sflag:s4] =	ssyncset.done $0x0  }
0x3fe: {  	[sflag:s4] =	ssyncadd.s32 $0xFFFFC000  }
0x3ff: {  	_ =	swait.ge [sflag:s31], $0x4000  }
0x400: {  	[sflag:s31] =	ssyncset.done $0x0  }
0x401: {  	[sflag:s31] =	ssyncadd.s32 $0xFFFFC000  }
.LBB2_13:
0x402: {  	v3 =	vld [tilespmem:s12+$0x400]  }
0x403: {  	v5 =	vld [tilespmem:s12+$0x800]  }
0x404: {  	v22 =	vld [tilespmem:s12+$0x410]  }
0x405: {  	s13 =	sshll.u32 s12, $0x3;
	v4 =	vld [tilespmem:s12+$0x810]  }
0x406: {  	v6 =	vld [tilespmem:s13+$0x4C00]  }
0x407: {  	v7 =	vld [tilespmem:s13+$0x4C80]  }
0x408: {  	v8 =	vld [tilespmem:s13+$0x4D00]  }
0x409: {  	v9 =	vld [tilespmem:s13+$0x4D80]  }
0x40a: {  	v10 =	vld [tilespmem:s13+$0x4E00]  }
0x40b: {  	v11 =	vld [tilespmem:s13+$0x4E80]  }
0x40c: {  	v12 =	vld [tilespmem:s13+$0x4F00]  }
0x40d: {  	v13 =	vld [tilespmem:s13+$0x4F80]  }
0x40e: {  	v14 =	vld [tilespmem:s13+$0x6C00]  }
0x40f: {  	v15 =	vld [tilespmem:s13+$0x6C80]  }
0x410: {  	v16 =	vld [tilespmem:s13+$0x6D00]  }
0x411: {  	v17 =	vld [tilespmem:s13+$0x6D80]  }
0x412: {  	v18 =	vld [tilespmem:s13+$0x6E00]  }
0x413: {  	v19 =	vld [tilespmem:s13+$0x6E80]  }
0x414: {  	v20 =	vld [tilespmem:s13+$0x6F00]  }
0x415: {  	v21 =	vld [tilespmem:s13+$0x6F80]  }
0x416: {  	v23 =	vld [tilespmem:s13+$0x4C10]  }
0x417: {  	v24 =	vld [tilespmem:s13+$0x4C90]  }
0x418: {  	v25 =	vld [tilespmem:s13+$0x4D10];
	v6 =	vmul.f32 v6, v3  }
0x419: {  	v26 =	vld [tilespmem:s13+$0x4D90];
	v7 =	vmul.f32 v7, v3  }
0x41a: {  	v27 =	vld [tilespmem:s13+$0x4E10];
	v8 =	vmul.f32 v8, v3;
	v6 =	vadd.f32 v6, v5  }
0x41b: {  	v28 =	vld [tilespmem:s13+$0x6C10];
	v9 =	vmul.f32 v9, v3;
	v7 =	vadd.f32 v7, v5  }
0x41c: {  	v31 =	vld [tilespmem:s13+$0x6C90];
	v57 =	vmul.f32 v10, v3;
	v56 =	vadd.f32 v8, v5;
	[tilespmem:s13+$0x14C00] =	vst v6  }
0x41d: {  	v34 =	vld [tilespmem:s13+$0x6D10];
	v59 =	vmul.f32 v11, v3;
	v58 =	vadd.f32 v9, v5;
	[tilespmem:s13+$0x14C80] =	vst v7  }
0x41e: {  	v37 =	vld [tilespmem:s13+$0x6D90];
	v61 =	vmul.f32 v12, v3;
	v60 =	vadd.f32 v57, v5;
	[tilespmem:s13+$0x14D00] =	vst v56  }
0x41f: {  	v10 =	vld [tilespmem:s13+$0x4E90];
	v63 =	vmul.f32 v13, v3;
	v62 =	vadd.f32 v59, v5;
	[tilespmem:s13+$0x14D80] =	vst v58  }
0x420: {  	v11 =	vld [tilespmem:s13+$0x4F10];
	v30 =	vmul.f32 v14, v3;
	v29 =	vadd.f32 v61, v5;
	[tilespmem:s13+$0x14E00] =	vst v60  }
0x421: {  	v12 =	vld [tilespmem:s13+$0x4F90];
	v33 =	vmul.f32 v15, v3;
	v32 =	vadd.f32 v63, v5;
	[tilespmem:s13+$0x14E80] =	vst v62  }
0x422: {  	v36 =	vmul.f32 v16, v3;
	v39 =	vmul.f32 v17, v3;
	v17 =	vld [tilespmem:s13+$0x6E10];
	v35 =	vadd.f32 v30, v5;
	[tilespmem:s13+$0x14F00] =	vst v29  }
0x423: {  	v41 =	vmul.f32 v18, v3;
	v18 =	vld [tilespmem:s13+$0x6E90];
	v38 =	vadd.f32 v33, v5;
	[tilespmem:s13+$0x14F80] =	vst v32  }
0x424: {  	v43 =	vmul.f32 v19, v3;
	v19 =	vld [tilespmem:s13+$0x6F10];
	v40 =	vadd.f32 v36, v5;
	[tilespmem:s13+$0x16C00] =	vst v35  }
0x425: {  	v45 =	vmul.f32 v20, v3;
	v20 =	vld [tilespmem:s13+$0x6F90];
	v42 =	vadd.f32 v39, v5;
	[tilespmem:s13+$0x16C80] =	vst v38  }
0x426: {  	v47 =	vmul.f32 v21, v3;
	v21 =	vld [tilespmem:s12+$0x420];
	v44 =	vadd.f32 v41, v5;
	[tilespmem:s13+$0x16D00] =	vst v40  }
0x427: {  	v3 =	vld [tilespmem:s12+$0x820];
	v46 =	vadd.f32 v43, v5;
	[tilespmem:s13+$0x16D80] =	vst v42  }
0x428: {  	v49 =	vmul.f32 v23, v22;
	v23 =	vld [tilespmem:s13+$0x4CA0];
	v48 =	vadd.f32 v45, v5;
	[tilespmem:s13+$0x16E00] =	vst v44  }
0x429: {  	v50 =	vmul.f32 v24, v22;
	v24 =	vld [tilespmem:s13+$0x4D20];
	v5 =	vadd.f32 v47, v5;
	[tilespmem:s13+$0x16E80] =	vst v46  }
0x42a: {  	v52 =	vmul.f32 v25, v22;
	v54 =	vmul.f32 v26, v22;
	v26 =	vld [tilespmem:s13+$0x4F20];
	v51 =	vadd.f32 v49, v4;
	[tilespmem:s13+$0x16F00] =	vst v48  }
0x42b: {  	v28 =	vmul.f32 v28, v22;
	v15 =	vld [tilespmem:s12+$0x460];
	v53 =	vadd.f32 v50, v4;
	[tilespmem:s13+$0x16F80] =	vst v5  }
0x42c: {  	v31 =	vmul.f32 v31, v22;
	v16 =	vld [tilespmem:s12+$0x870];
	v55 =	vadd.f32 v52, v4;
	[tilespmem:s13+$0x14C10] =	vst v51  }
0x42d: {  	v34 =	vmul.f32 v34, v22;
	v9 =	vld [tilespmem:s13+$0x4C20];
	v33 =	vadd.f32 v28, v4;
	[tilespmem:s13+$0x14C90] =	vst v53  }
0x42e: {  	v57 =	vld [tilespmem:s13+$0x4DA0];
	v36 =	vadd.f32 v31, v4;
	[tilespmem:s13+$0x14D10] =	vst v55  }
0x42f: {  	v37 =	vmul.f32 v37, v22;
	v39 =	vadd.f32 v34, v4;
	v41 =	vld [tilespmem:s13+$0x6DA0];
	[tilespmem:s13+$0x16C10] =	vst v33  }
0x430: {  	v47 =	vld [tilespmem:s13+$0x6EA0];
	v56 =	vmul.f32 v27, v22;
	v58 =	vadd.f32 v54, v4;
	[tilespmem:s13+$0x16C90] =	vst v36  }
0x431: {  	v50 =	vld [tilespmem:s13+$0x6F20];
	v42 =	vadd.f32 v37, v4;
	[tilespmem:s13+$0x16D10] =	vst v39;
	v59 =	vmul.f32 v10, v22  }
0x432: {  	v8 =	vld [tilespmem:s12+$0x470];
	v61 =	vmul.f32 v11, v22;
	v60 =	vadd.f32 v56, v4;
	[tilespmem:s13+$0x14D90] =	vst v58  }
0x433: {  	v29 =	vld [tilespmem:s13+$0x4FA0];
	v63 =	vmul.f32 v12, v22;
	[tilespmem:s13+$0x16D90] =	vst v42;
	v62 =	vadd.f32 v59, v4  }
0x434: {  	v32 =	vld [tilespmem:s13+$0x6C20];
	v40 =	vmul.f32 v17, v22;
	v27 =	vadd.f32 v61, v4;
	[tilespmem:s13+$0x14E10] =	vst v60  }
0x435: {  	v35 =	vld [tilespmem:s13+$0x6CA0];
	v43 =	vmul.f32 v18, v22;
	v30 =	vadd.f32 v63, v4;
	[tilespmem:s13+$0x14E90] =	vst v62  }
0x436: {  	v38 =	vld [tilespmem:s13+$0x6D20];
	v46 =	vmul.f32 v19, v22;
	v45 =	vadd.f32 v40, v4;
	[tilespmem:s13+$0x14F10] =	vst v27  }
0x437: {  	v44 =	vld [tilespmem:s13+$0x6E20];
	v49 =	vmul.f32 v20, v22;
	v48 =	vadd.f32 v43, v4;
	[tilespmem:s13+$0x14F90] =	vst v30  }
0x438: {  	v7 =	vld [tilespmem:s12+$0x430];
	v53 =	vmul.f32 v23, v21;
	v51 =	vadd.f32 v46, v4;
	[tilespmem:s13+$0x16E10] =	vst v45  }
0x439: {  	v33 =	vld [tilespmem:s13+$0x4EB0];
	v55 =	vmul.f32 v24, v21;
	v4 =	vadd.f32 v49, v4;
	[tilespmem:s13+$0x16E90] =	vst v48  }
0x43a: {  	v36 =	vld [tilespmem:s13+$0x4F30];
	v26 =	vmul.f32 v26, v21;
	v56 =	vadd.f32 v53, v3;
	[tilespmem:s13+$0x16F10] =	vst v51  }
0x43b: {  	v39 =	vld [tilespmem:s13+$0x4FB0];
	v52 =	vmul.f32 v9, v21;
	v59 =	vadd.f32 v55, v3;
	[tilespmem:s13+$0x16F90] =	vst v4  }
0x43c: {  	v10 =	vld [tilespmem:s13+$0x4E20];
	v57 =	vmul.f32 v57, v21;
	v31 =	vadd.f32 v26, v3;
	[tilespmem:s13+$0x14CA0] =	vst v56  }
0x43d: {  	v11 =	vld [tilespmem:s13+$0x4EA0];
	v41 =	vmul.f32 v41, v21;
	v54 =	vadd.f32 v52, v3;
	[tilespmem:s13+$0x14D20] =	vst v59  }
0x43e: {  	v22 =	vld [tilespmem:s12+$0x830];
	v47 =	vmul.f32 v47, v21;
	v62 =	vadd.f32 v57, v3;
	[tilespmem:s13+$0x14F20] =	vst v31  }
0x43f: {  	v24 =	vld [tilespmem:s13+$0x4D30];
	v50 =	vmul.f32 v50, v21;
	v46 =	vadd.f32 v41, v3;
	[tilespmem:s13+$0x14C20] =	vst v54  }
0x440: {  	v12 =	vld [tilespmem:s12+$0x840];
	v29 =	vmul.f32 v29, v21;
	v52 =	vadd.f32 v47, v3;
	[tilespmem:s13+$0x14DA0] =	vst v62  }
0x441: {  	v17 =	vld [tilespmem:s12+$0x450];
	v32 =	vmul.f32 v32, v21;
	v55 =	vadd.f32 v50, v3;
	[tilespmem:s13+$0x16DA0] =	vst v46  }
0x442: {  	v9 =	vld [tilespmem:s13+$0x6FA0];
	v35 =	vmul.f32 v35, v21;
	v34 =	vadd.f32 v29, v3;
	[tilespmem:s13+$0x16EA0] =	vst v52  }
0x443: {  	v58 =	vld [tilespmem:s13+$0x4C30];
	v38 =	vmul.f32 v38, v21;
	v37 =	vadd.f32 v32, v3;
	[tilespmem:s13+$0x16F20] =	vst v55  }
0x444: {  	v61 =	vld [tilespmem:s13+$0x4CB0];
	v44 =	vmul.f32 v44, v21;
	v40 =	vadd.f32 v35, v3;
	[tilespmem:s13+$0x14FA0] =	vst v34  }
0x445: {  	v18 =	vld [tilespmem:s12+$0x850];
	v60 =	vmul.f32 v10, v21;
	v43 =	vadd.f32 v38, v3;
	[tilespmem:s13+$0x16C20] =	vst v37  }
0x446: {  	v27 =	vld [tilespmem:s13+$0x4DB0];
	v63 =	vmul.f32 v11, v21;
	v49 =	vadd.f32 v44, v3;
	[tilespmem:s13+$0x16CA0] =	vst v40  }
0x447: {  	v30 =	vld [tilespmem:s13+$0x4E30];
	v25 =	vadd.f32 v60, v3;
	v53 =	vmul.f32 v9, v21;
	[tilespmem:s13+$0x16D20] =	vst v43  }
0x448: {  	v42 =	vld [tilespmem:s13+$0x6C30];
	v56 =	vmul.f32 v58, v7;
	v28 =	vadd.f32 v63, v3;
	[tilespmem:s13+$0x16E20] =	vst v49  }
0x449: {  	v26 =	vld [tilespmem:s13+$0x4C40];
	v58 =	vmul.f32 v61, v7;
	[tilespmem:s13+$0x14E20] =	vst v25;
	v3 =	vadd.f32 v53, v3  }
0x44a: {  	v45 =	vld [tilespmem:s13+$0x6CB0];
	v61 =	vmul.f32 v24, v7;
	v60 =	vadd.f32 v56, v22;
	[tilespmem:s13+$0x14EA0] =	vst v28  }
0x44b: {  	v48 =	vld [tilespmem:s13+$0x6D30];
	v63 =	vmul.f32 v27, v7;
	[tilespmem:s13+$0x16FA0] =	vst v3;
	v3 =	vadd.f32 v58, v22  }
0x44c: {  	v51 =	vld [tilespmem:s13+$0x6DB0];
	v23 =	vadd.f32 v61, v22;
	v24 =	vmul.f32 v30, v7;
	[tilespmem:s13+$0x14C30] =	vst v60  }
0x44d: {  	v57 =	vld [tilespmem:s13+$0x6EB0];
	v25 =	vmul.f32 v33, v7;
	[tilespmem:s13+$0x14CB0] =	vst v3;
	v3 =	vadd.f32 v63, v22  }
0x44e: {  	v59 =	vld [tilespmem:s13+$0x6F30];
	v28 =	vmul.f32 v36, v7;
	[tilespmem:s13+$0x14D30] =	vst v23;
	v27 =	vadd.f32 v24, v22  }
0x44f: {  	v31 =	vld [tilespmem:s13+$0x4D40];
	v30 =	vmul.f32 v39, v7;
	[tilespmem:s13+$0x14DB0] =	vst v3;
	v3 =	vadd.f32 v25, v22  }
0x450: {  	v41 =	vld [tilespmem:s13+$0x4F40];
	v33 =	vmul.f32 v42, v7;
	v32 =	vadd.f32 v28, v22;
	[tilespmem:s13+$0x14E30] =	vst v27  }
0x451: {  	v11 =	vld [tilespmem:s12+$0x440];
	v35 =	vmul.f32 v45, v7;
	[tilespmem:s13+$0x14EB0] =	vst v3;
	v3 =	vadd.f32 v30, v22  }
0x452: {  	v62 =	vld [tilespmem:s13+$0x6FB0];
	v38 =	vmul.f32 v48, v7;
	v37 =	vadd.f32 v33, v22;
	[tilespmem:s13+$0x14F30] =	vst v32  }
0x453: {  	v50 =	vld [tilespmem:s13+$0x6D40];
	v40 =	vmul.f32 v51, v7;
	[tilespmem:s13+$0x14FB0] =	vst v3;
	v3 =	vadd.f32 v35, v22  }
0x454: {  	v29 =	vld [tilespmem:s13+$0x4CC0];
	v5 =	vmul.f32 v59, v7;
	v42 =	vadd.f32 v38, v22;
	[tilespmem:s13+$0x16C30] =	vst v37  }
0x455: {  	v54 =	vld [tilespmem:s13+$0x6E30];
	v45 =	vmul.f32 v57, v7;
	[tilespmem:s13+$0x16CB0] =	vst v3;
	v3 =	vadd.f32 v40, v22  }
0x456: {  	v34 =	vld [tilespmem:s13+$0x4DC0];
	v51 =	vmul.f32 v26, v11;
	v5 =	vadd.f32 v5, v22;
	[tilespmem:s13+$0x16D30] =	vst v42  }
0x457: {  	v36 =	vld [tilespmem:s13+$0x4E40];
	v49 =	vmul.f32 v62, v7;
	[tilespmem:s13+$0x16DB0] =	vst v3;
	v3 =	vadd.f32 v45, v22  }
0x458: {  	v39 =	vld [tilespmem:s13+$0x4EC0];
	v56 =	vmul.f32 v31, v11;
	v55 =	vadd.f32 v51, v12;
	[tilespmem:s13+$0x16F30] =	vst v5  }
0x459: {  	v46 =	vld [tilespmem:s13+$0x6C40];
	v53 =	vmul.f32 v29, v11;
	[tilespmem:s13+$0x16EB0] =	vst v3;
	v3 =	vadd.f32 v49, v22  }
0x45a: {  	v44 =	vld [tilespmem:s13+$0x4FC0];
	v43 =	vmul.f32 v54, v7;
	v60 =	vadd.f32 v56, v12;
	[tilespmem:s13+$0x14C40] =	vst v55  }
0x45b: {  	v24 =	vld [tilespmem:s13+$0x4C50];
	v58 =	vmul.f32 v34, v11;
	[tilespmem:s13+$0x16FB0] =	vst v3;
	v3 =	vadd.f32 v53, v12  }
0x45c: {  	v48 =	vld [tilespmem:s13+$0x6CC0];
	v47 =	vadd.f32 v43, v22;
	v61 =	vmul.f32 v36, v11;
	[tilespmem:s13+$0x14D40] =	vst v60  }
0x45d: {  	v29 =	vld [tilespmem:s13+$0x4D50];
	v63 =	vmul.f32 v39, v11;
	[tilespmem:s13+$0x14CC0] =	vst v3;
	v3 =	vadd.f32 v58, v12  }
0x45e: {  	v52 =	vld [tilespmem:s13+$0x6DC0];
	v26 =	vmul.f32 v46, v11;
	[tilespmem:s13+$0x16E30] =	vst v47;
	v21 =	vadd.f32 v61, v12  }
0x45f: {  	v57 =	vld [tilespmem:s13+$0x6EC0];
	v23 =	vmul.f32 v44, v11;
	[tilespmem:s13+$0x14DC0] =	vst v3;
	v3 =	vadd.f32 v63, v12  }
0x460: {  	v59 =	vld [tilespmem:s13+$0x6F40];
	v46 =	vmul.f32 v24, v17;
	v30 =	vadd.f32 v26, v12;
	[tilespmem:s13+$0x14E40] =	vst v21  }
0x461: {  	v34 =	vld [tilespmem:s13+$0x4E50];
	v28 =	vmul.f32 v48, v11;
	[tilespmem:s13+$0x14EC0] =	vst v3;
	v3 =	vadd.f32 v23, v12  }
0x462: {  	v31 =	vmul.f32 v50, v11;
	v62 =	vld [tilespmem:s13+$0x6FC0];
	v51 =	vmul.f32 v29, v17;
	v50 =	vadd.f32 v46, v18;
	[tilespmem:s13+$0x16C40] =	vst v30  }
0x463: {  	v54 =	vld [tilespmem:s13+$0x6E40];
	v33 =	vmul.f32 v52, v11;
	[tilespmem:s13+$0x14FC0] =	vst v3;
	v3 =	vadd.f32 v28, v12  }
0x464: {  	v27 =	vld [tilespmem:s13+$0x4CD0];
	v55 =	vadd.f32 v51, v18;
	[tilespmem:s13+$0x14C50] =	vst v50  }
0x465: {  	v38 =	vmul.f32 v57, v11;
	v39 =	vld [tilespmem:s13+$0x4F50];
	[tilespmem:s13+$0x16CC0] =	vst v3;
	v3 =	vadd.f32 v33, v12  }
0x466: {  	v32 =	vld [tilespmem:s13+$0x4DD0];
	v56 =	vmul.f32 v34, v17;
	v35 =	vadd.f32 v31, v12;
	[tilespmem:s13+$0x14D50] =	vst v55  }
0x467: {  	v44 =	vld [tilespmem:s13+$0x6C50];
	v43 =	vmul.f32 v62, v11;
	[tilespmem:s13+$0x16DC0] =	vst v3;
	v3 =	vadd.f32 v38, v12  }
0x468: {  	v37 =	vld [tilespmem:s13+$0x4ED0];
	v36 =	vmul.f32 v54, v11;
	v60 =	vadd.f32 v56, v18;
	[tilespmem:s13+$0x16D40] =	vst v35  }
0x469: {  	v52 =	vld [tilespmem:s13+$0x6DD0];
	v48 =	vmul.f32 v27, v17;
	[tilespmem:s13+$0x16EC0] =	vst v3;
	v3 =	vadd.f32 v43, v12  }
0x46a: {  	v42 =	vld [tilespmem:s13+$0x4FD0];
	v61 =	vmul.f32 v39, v17;
	v40 =	vadd.f32 v36, v12;
	[tilespmem:s13+$0x14E50] =	vst v60  }
0x46b: {  	v57 =	vld [tilespmem:s13+$0x6ED0];
	v53 =	vmul.f32 v32, v17;
	[tilespmem:s13+$0x16FC0] =	vst v3;
	v3 =	vadd.f32 v48, v18  }
0x46c: {  	v47 =	vld [tilespmem:s13+$0x6CD0];
	v19 =	vadd.f32 v61, v18;
	[tilespmem:s13+$0x16E40] =	vst v40;
	v22 =	vmul.f32 v41, v11  }
0x46d: {  	v49 =	vld [tilespmem:s13+$0x6D50];
	v58 =	vmul.f32 v37, v17;
	[tilespmem:s13+$0x14CD0] =	vst v3;
	v3 =	vadd.f32 v53, v18  }
0x46e: {  	v54 =	vld [tilespmem:s13+$0x6E50];
	[tilespmem:s13+$0x14F50] =	vst v19;
	v41 =	vmul.f32 v59, v11;
	v25 =	vadd.f32 v22, v12  }
0x46f: {  	v26 =	vmul.f32 v52, v17;
	v52 =	vld [tilespmem:s13+$0x6E60];
	v63 =	vmul.f32 v42, v17;
	[tilespmem:s13+$0x14DD0] =	vst v3;
	v3 =	vadd.f32 v58, v18  }
0x470: {  	v62 =	vld [tilespmem:s13+$0x6FD0];
	v20 =	vmul.f32 v44, v17;
	v45 =	vadd.f32 v41, v12;
	[tilespmem:s13+$0x14F40] =	vst v25  }
0x471: {  	v21 =	vmul.f32 v47, v17;
	v11 =	vld [tilespmem:s12+$0x860];
	[tilespmem:s13+$0x14ED0] =	vst v3;
	v3 =	vadd.f32 v63, v18  }
0x472: {  	v31 =	vmul.f32 v57, v17;
	v57 =	vld [tilespmem:s13+$0x6F60];
	[tilespmem:s13+$0x16F40] =	vst v45;
	v24 =	vmul.f32 v49, v17;
	v23 =	vadd.f32 v20, v18  }
0x473: {  	v25 =	vld [tilespmem:s13+$0x4CE0];
	[tilespmem:s13+$0x14FD0] =	vst v3;
	v3 =	vadd.f32 v21, v18  }
0x474: {  	v59 =	vld [tilespmem:s13+$0x6F50];
	v20 =	vmul.f32 v52, v15;
	[tilespmem:s13+$0x16C50] =	vst v23;
	v28 =	vadd.f32 v24, v18  }
0x475: {  	v42 =	vld [tilespmem:s13+$0x6C60];
	[tilespmem:s13+$0x16CD0] =	vst v3;
	v3 =	vadd.f32 v26, v18  }
0x476: {  	v30 =	vld [tilespmem:s13+$0x4DE0];
	v29 =	vmul.f32 v54, v17;
	v24 =	vadd.f32 v20, v11;
	[tilespmem:s13+$0x16D50] =	vst v28  }
0x477: {  	v27 =	vld [tilespmem:s13+$0x4D60];
	v36 =	vmul.f32 v62, v17;
	[tilespmem:s13+$0x16DD0] =	vst v3;
	v3 =	vadd.f32 v31, v18  }
0x478: {  	v35 =	vld [tilespmem:s13+$0x4EE0];
	v41 =	vmul.f32 v25, v15;
	v25 =	vmul.f32 v57, v15;
	v33 =	vadd.f32 v29, v18;
	[tilespmem:s13+$0x16E60] =	vst v24  }
0x479: {  	v22 =	vld [tilespmem:s13+$0x4C60];
	[tilespmem:s13+$0x16ED0] =	vst v3;
	v3 =	vadd.f32 v36, v18  }
0x47a: {  	v40 =	vld [tilespmem:s13+$0x4FE0];
	v34 =	vmul.f32 v59, v17;
	v59 =	vmul.f32 v42, v15;
	v29 =	vadd.f32 v25, v11;
	[tilespmem:s13+$0x16E50] =	vst v33  }
0x47b: {  	v46 =	vmul.f32 v30, v15;
	v23 =	vld [tilespmem:s13+$0x4D70];
	[tilespmem:s13+$0x16FD0] =	vst v3;
	v3 =	vadd.f32 v41, v11  }
0x47c: {  	v45 =	vld [tilespmem:s13+$0x6CE0];
	v62 =	vadd.f32 v59, v11;
	[tilespmem:s13+$0x16F60] =	vst v29  }
0x47d: {  	v47 =	vld [tilespmem:s13+$0x6D60];
	v51 =	vmul.f32 v35, v15;
	[tilespmem:s13+$0x14CE0] =	vst v3;
	v3 =	vadd.f32 v46, v11  }
0x47e: {  	v50 =	vld [tilespmem:s13+$0x6DE0];
	v39 =	vmul.f32 v22, v15;
	v38 =	vadd.f32 v34, v18;
	[tilespmem:s13+$0x16C60] =	vst v62  }
0x47f: {  	v56 =	vmul.f32 v40, v15;
	v28 =	vld [tilespmem:s13+$0x4E70];
	[tilespmem:s13+$0x14DE0] =	vst v3;
	v3 =	vadd.f32 v51, v11  }
0x480: {  	v55 =	vld [tilespmem:s13+$0x6EE0];
	v35 =	vmul.f32 v23, v8;
	[tilespmem:s13+$0x16F50] =	vst v38;
	v43 =	vadd.f32 v39, v11  }
0x481: {  	v32 =	vld [tilespmem:s13+$0x4E60];
	v61 =	vmul.f32 v45, v15;
	[tilespmem:s13+$0x14EE0] =	vst v3;
	v3 =	vadd.f32 v56, v11  }
0x482: {  	v60 =	vld [tilespmem:s13+$0x6FE0];
	v44 =	vmul.f32 v27, v15;
	v39 =	vadd.f32 v35, v16;
	[tilespmem:s13+$0x14C60] =	vst v43  }
0x483: {  	v17 =	vmul.f32 v50, v15;
	v33 =	vld [tilespmem:s13+$0x4F70];
	[tilespmem:s13+$0x14FE0] =	vst v3;
	v3 =	vadd.f32 v61, v11  }
0x484: {  	v40 =	vmul.f32 v28, v8;
	v48 =	vadd.f32 v44, v11;
	[tilespmem:s13+$0x14D70] =	vst v39;
	v21 =	vld [tilespmem:s13+$0x4CF0]  }
0x485: {  	v37 =	vld [tilespmem:s13+$0x4F60];
	v22 =	vmul.f32 v55, v15;
	[tilespmem:s13+$0x16CE0] =	vst v3;
	v3 =	vadd.f32 v17, v11  }
0x486: {  	v49 =	vmul.f32 v32, v15;
	v44 =	vadd.f32 v40, v16;
	[tilespmem:s13+$0x14D60] =	vst v48;
	v26 =	vld [tilespmem:s13+$0x4DF0]  }
0x487: {  	v27 =	vmul.f32 v60, v15;
	v38 =	vld [tilespmem:s13+$0x6C70];
	[tilespmem:s13+$0x16DE0] =	vst v3;
	v3 =	vadd.f32 v22, v11  }
0x488: {  	v45 =	vmul.f32 v33, v8;
	v53 =	vadd.f32 v49, v11;
	[tilespmem:s13+$0x14E70] =	vst v44;
	v31 =	vld [tilespmem:s13+$0x4EF0]  }
0x489: {  	v43 =	vld [tilespmem:s13+$0x6D70];
	v32 =	vmul.f32 v21, v8;
	[tilespmem:s13+$0x16EE0] =	vst v3;
	v3 =	vadd.f32 v27, v11  }
0x48a: {  	v54 =	vmul.f32 v37, v15;
	v49 =	vadd.f32 v45, v16;
	[tilespmem:s13+$0x14E60] =	vst v53;
	v36 =	vld [tilespmem:s13+$0x4FF0]  }
0x48b: {  	v37 =	vmul.f32 v26, v8;
	[tilespmem:s13+$0x16FE0] =	vst v3;
	v3 =	vadd.f32 v32, v16  }
0x48c: {  	v50 =	vmul.f32 v38, v8;
	v58 =	vadd.f32 v54, v11;
	[tilespmem:s13+$0x14F70] =	vst v49;
	v41 =	vld [tilespmem:s13+$0x6CF0]  }
0x48d: {  	v53 =	vld [tilespmem:s13+$0x6F70];
	v42 =	vmul.f32 v31, v8;
	[tilespmem:s13+$0x14CF0] =	vst v3;
	v3 =	vadd.f32 v37, v16  }
0x48e: {  	v54 =	vadd.f32 v50, v16;
	v55 =	vmul.f32 v43, v8;
	[tilespmem:s13+$0x14F60] =	vst v58;
	v46 =	vld [tilespmem:s13+$0x6DF0]  }
0x48f: {  	v63 =	vmul.f32 v47, v15;
	v18 =	vld [tilespmem:s13+$0x4C70];
	v47 =	vmul.f32 v36, v8;
	[tilespmem:s13+$0x14DF0] =	vst v3;
	v3 =	vadd.f32 v42, v16  }
0x490: {  	v48 =	vld [tilespmem:s13+$0x6E70];
	[tilespmem:s13+$0x16C70] =	vst v54;
	v58 =	vadd.f32 v55, v16  }
0x491: {  	v51 =	vld [tilespmem:s13+$0x6EF0];
	v52 =	vmul.f32 v41, v8;
	[tilespmem:s13+$0x14EF0] =	vst v3;
	v3 =	vadd.f32 v47, v16  }
0x492: {  	v19 =	vadd.f32 v63, v11;
	[tilespmem:s13+$0x16D70] =	vst v58;
	v62 =	vmul.f32 v53, v8;
	v56 =	vld [tilespmem:s13+$0x6FF0]  }
0x493: {  	v57 =	vmul.f32 v46, v8;
	[tilespmem:s13+$0x14FF0] =	vst v3;
	v3 =	vadd.f32 v52, v16  }
0x494: {  	[tilespmem:s13+$0x16D60] =	vst v19;
	v63 =	vadd.f32 v62, v16;
	v30 =	vmul.f32 v18, v8  }
0x495: {  	v59 =	vmul.f32 v48, v8;
	[tilespmem:s13+$0x16CF0] =	vst v3;
	v3 =	vadd.f32 v57, v16  }
0x496: {  	p0 =	slt.u32 s12, $0x380;
	[tilespmem:s13+$0x16F70] =	vst v63;
	v34 =	vadd.f32 v30, v16;
	v60 =	vmul.f32 v51, v8  }
.Ltmp5:
0x497: {  	v61 =	vadd.f32 v59, v16;
	[tilespmem:s13+$0x16DF0] =	vst v3;
	v3 =	vmul.f32 v56, v8;
	(pc) =	sbr.rel @p0 .LBB2_13-.Ltmp5, $4  }
0x498: {  	[tilespmem:s13+$0x14C70] =	vst v34;
	v4 =	vadd.f32 v60, v16  }
0x499: {  	[tilespmem:s13+$0x16E70] =	vst v61;
	v3 =	vadd.f32 v3, v16  }
0x49a: {  	[tilespmem:s13+$0x16EF0] =	vst v4  }
0x49b: {  	s12 =	sadd.s32 $0x80, s12;
	[tilespmem:s13+$0x16FF0] =	vst v3  }
0x49c: {  	s8 =	sadd.s32 $0x1, s8  }
0x49d: {  	p0 =	sne.s32 s8, $0xF  }
.Ltmp6:
0x49e: {  	_ = 	snop;
	(pc) =	sbr.rel @p0 .LBB2_6-.Ltmp6, $4  }
0x49f: {  	s12 =	sadd.s32 s7, s15  }
0x4a0: {  	s12 =	sshll.u32 s12, $0x7  }
0x4a1: {  	s12 =	sadd.s32 s5, s12  }
0x4a2: {  	[hbm4b:s12+s6] =	stream.linear.scatter [tilespmem:s1], [sflag:$0x6], $0x4000, $0x38;
	[tilespmem:$0x18C00] =	vst v63  }
0x4a3: {  	_ =	swait.ge [sflag:s2], $0x4000  }
0x4a4: {  	[sflag:s2] =	ssyncset.done $0x0  }
0x4a5: {  	[sflag:s2] =	ssyncadd.s32 $0xFFFFC000  }
0x4a6: {  	_ =	swait.ge [sflag:s3], $0x4000  }
0x4a7: {  	[sflag:s3] =	ssyncset.done $0x0  }
0x4a8: {  	s8 =	simm.s32 $0x0;
	[sflag:s3] =	ssyncadd.s32 $0xFFFFC000  }
.LBB2_16:
0x4a9: {  	v3 =	vld [tilespmem:s8+$0x400]  }
0x4aa: {  	v5 =	vld [tilespmem:s8+$0x800]  }
0x4ab: {  	v22 =	vld [tilespmem:s8+$0x410]  }
0x4ac: {  	s12 =	sshll.u32 s8, $0x3;
	v4 =	vld [tilespmem:s8+$0x810]  }
0x4ad: {  	v6 =	vld [tilespmem:s12+$0x8C00]  }
0x4ae: {  	v7 =	vld [tilespmem:s12+$0x8C80]  }
0x4af: {  	v8 =	vld [tilespmem:s12+$0x8D00]  }
0x4b0: {  	v9 =	vld [tilespmem:s12+$0x8D80]  }
0x4b1: {  	v10 =	vld [tilespmem:s12+$0x8E00]  }
0x4b2: {  	v11 =	vld [tilespmem:s12+$0x8E80]  }
0x4b3: {  	v12 =	vld [tilespmem:s12+$0x8F00]  }
0x4b4: {  	v13 =	vld [tilespmem:s12+$0x8F80]  }
0x4b5: {  	v14 =	vld [tilespmem:s12+$0xAC00]  }
0x4b6: {  	v15 =	vld [tilespmem:s12+$0xAC80]  }
0x4b7: {  	v16 =	vld [tilespmem:s12+$0xAD00]  }
0x4b8: {  	v17 =	vld [tilespmem:s12+$0xAD80]  }
0x4b9: {  	v18 =	vld [tilespmem:s12+$0xAE00]  }
0x4ba: {  	v19 =	vld [tilespmem:s12+$0xAE80]  }
0x4bb: {  	v20 =	vld [tilespmem:s12+$0xAF00]  }
0x4bc: {  	v21 =	vld [tilespmem:s12+$0xAF80]  }
0x4bd: {  	v23 =	vld [tilespmem:s12+$0x8C10]  }
0x4be: {  	v24 =	vld [tilespmem:s12+$0x8C90]  }
0x4bf: {  	v25 =	vld [tilespmem:s12+$0x8D10];
	v6 =	vmul.f32 v6, v3  }
0x4c0: {  	v26 =	vld [tilespmem:s12+$0x8D90];
	v7 =	vmul.f32 v7, v3  }
0x4c1: {  	v27 =	vld [tilespmem:s12+$0x8E10];
	v8 =	vmul.f32 v8, v3;
	v6 =	vadd.f32 v6, v5  }
0x4c2: {  	v28 =	vld [tilespmem:s12+$0xAC10];
	v9 =	vmul.f32 v9, v3;
	v7 =	vadd.f32 v7, v5  }
0x4c3: {  	v31 =	vld [tilespmem:s12+$0xAC90];
	v57 =	vmul.f32 v10, v3;
	v56 =	vadd.f32 v8, v5;
	[tilespmem:s12+$0x10C00] =	vst v6  }
0x4c4: {  	v34 =	vld [tilespmem:s12+$0xAD10];
	v59 =	vmul.f32 v11, v3;
	v58 =	vadd.f32 v9, v5;
	[tilespmem:s12+$0x10C80] =	vst v7  }
0x4c5: {  	v37 =	vld [tilespmem:s12+$0xAD90];
	v61 =	vmul.f32 v12, v3;
	v60 =	vadd.f32 v57, v5;
	[tilespmem:s12+$0x10D00] =	vst v56  }
0x4c6: {  	v10 =	vld [tilespmem:s12+$0x8E90];
	v63 =	vmul.f32 v13, v3;
	v62 =	vadd.f32 v59, v5;
	[tilespmem:s12+$0x10D80] =	vst v58  }
0x4c7: {  	v11 =	vld [tilespmem:s12+$0x8F10];
	v30 =	vmul.f32 v14, v3;
	v29 =	vadd.f32 v61, v5;
	[tilespmem:s12+$0x10E00] =	vst v60  }
0x4c8: {  	v12 =	vld [tilespmem:s12+$0x8F90];
	v33 =	vmul.f32 v15, v3;
	v32 =	vadd.f32 v63, v5;
	[tilespmem:s12+$0x10E80] =	vst v62  }
0x4c9: {  	v36 =	vmul.f32 v16, v3;
	v39 =	vmul.f32 v17, v3;
	v17 =	vld [tilespmem:s12+$0xAE10];
	v35 =	vadd.f32 v30, v5;
	[tilespmem:s12+$0x10F00] =	vst v29  }
0x4ca: {  	v41 =	vmul.f32 v18, v3;
	v18 =	vld [tilespmem:s12+$0xAE90];
	v38 =	vadd.f32 v33, v5;
	[tilespmem:s12+$0x10F80] =	vst v32  }
0x4cb: {  	v43 =	vmul.f32 v19, v3;
	v19 =	vld [tilespmem:s12+$0xAF10];
	v40 =	vadd.f32 v36, v5;
	[tilespmem:s12+$0x12C00] =	vst v35  }
0x4cc: {  	v45 =	vmul.f32 v20, v3;
	v20 =	vld [tilespmem:s12+$0xAF90];
	v42 =	vadd.f32 v39, v5;
	[tilespmem:s12+$0x12C80] =	vst v38  }
0x4cd: {  	v47 =	vmul.f32 v21, v3;
	v21 =	vld [tilespmem:s8+$0x420];
	v44 =	vadd.f32 v41, v5;
	[tilespmem:s12+$0x12D00] =	vst v40  }
0x4ce: {  	v3 =	vld [tilespmem:s8+$0x820];
	v46 =	vadd.f32 v43, v5;
	[tilespmem:s12+$0x12D80] =	vst v42  }
0x4cf: {  	v49 =	vmul.f32 v23, v22;
	v23 =	vld [tilespmem:s12+$0x8CA0];
	v48 =	vadd.f32 v45, v5;
	[tilespmem:s12+$0x12E00] =	vst v44  }
0x4d0: {  	v50 =	vmul.f32 v24, v22;
	v24 =	vld [tilespmem:s12+$0x8D20];
	v5 =	vadd.f32 v47, v5;
	[tilespmem:s12+$0x12E80] =	vst v46  }
0x4d1: {  	v52 =	vmul.f32 v25, v22;
	v54 =	vmul.f32 v26, v22;
	v26 =	vld [tilespmem:s12+$0x8F20];
	v51 =	vadd.f32 v49, v4;
	[tilespmem:s12+$0x12F00] =	vst v48  }
0x4d2: {  	v28 =	vmul.f32 v28, v22;
	v15 =	vld [tilespmem:s8+$0x460];
	v53 =	vadd.f32 v50, v4;
	[tilespmem:s12+$0x12F80] =	vst v5  }
0x4d3: {  	v31 =	vmul.f32 v31, v22;
	v16 =	vld [tilespmem:s8+$0x870];
	v55 =	vadd.f32 v52, v4;
	[tilespmem:s12+$0x10C10] =	vst v51  }
0x4d4: {  	v34 =	vmul.f32 v34, v22;
	v9 =	vld [tilespmem:s12+$0x8C20];
	v33 =	vadd.f32 v28, v4;
	[tilespmem:s12+$0x10C90] =	vst v53  }
0x4d5: {  	v57 =	vld [tilespmem:s12+$0x8DA0];
	v36 =	vadd.f32 v31, v4;
	[tilespmem:s12+$0x10D10] =	vst v55  }
0x4d6: {  	v37 =	vmul.f32 v37, v22;
	v39 =	vadd.f32 v34, v4;
	v41 =	vld [tilespmem:s12+$0xADA0];
	[tilespmem:s12+$0x12C10] =	vst v33  }
0x4d7: {  	v47 =	vld [tilespmem:s12+$0xAEA0];
	v56 =	vmul.f32 v27, v22;
	v58 =	vadd.f32 v54, v4;
	[tilespmem:s12+$0x12C90] =	vst v36  }
0x4d8: {  	v50 =	vld [tilespmem:s12+$0xAF20];
	v42 =	vadd.f32 v37, v4;
	[tilespmem:s12+$0x12D10] =	vst v39;
	v59 =	vmul.f32 v10, v22  }
0x4d9: {  	v8 =	vld [tilespmem:s8+$0x470];
	v61 =	vmul.f32 v11, v22;
	v60 =	vadd.f32 v56, v4;
	[tilespmem:s12+$0x10D90] =	vst v58  }
0x4da: {  	v29 =	vld [tilespmem:s12+$0x8FA0];
	v63 =	vmul.f32 v12, v22;
	[tilespmem:s12+$0x12D90] =	vst v42;
	v62 =	vadd.f32 v59, v4  }
0x4db: {  	v32 =	vld [tilespmem:s12+$0xAC20];
	v40 =	vmul.f32 v17, v22;
	v27 =	vadd.f32 v61, v4;
	[tilespmem:s12+$0x10E10] =	vst v60  }
0x4dc: {  	v35 =	vld [tilespmem:s12+$0xACA0];
	v43 =	vmul.f32 v18, v22;
	v30 =	vadd.f32 v63, v4;
	[tilespmem:s12+$0x10E90] =	vst v62  }
0x4dd: {  	v38 =	vld [tilespmem:s12+$0xAD20];
	v46 =	vmul.f32 v19, v22;
	v45 =	vadd.f32 v40, v4;
	[tilespmem:s12+$0x10F10] =	vst v27  }
0x4de: {  	v44 =	vld [tilespmem:s12+$0xAE20];
	v49 =	vmul.f32 v20, v22;
	v48 =	vadd.f32 v43, v4;
	[tilespmem:s12+$0x10F90] =	vst v30  }
0x4df: {  	v7 =	vld [tilespmem:s8+$0x430];
	v53 =	vmul.f32 v23, v21;
	v51 =	vadd.f32 v46, v4;
	[tilespmem:s12+$0x12E10] =	vst v45  }
0x4e0: {  	v33 =	vld [tilespmem:s12+$0x8EB0];
	v55 =	vmul.f32 v24, v21;
	v4 =	vadd.f32 v49, v4;
	[tilespmem:s12+$0x12E90] =	vst v48  }
0x4e1: {  	v36 =	vld [tilespmem:s12+$0x8F30];
	v26 =	vmul.f32 v26, v21;
	v56 =	vadd.f32 v53, v3;
	[tilespmem:s12+$0x12F10] =	vst v51  }
0x4e2: {  	v39 =	vld [tilespmem:s12+$0x8FB0];
	v52 =	vmul.f32 v9, v21;
	v59 =	vadd.f32 v55, v3;
	[tilespmem:s12+$0x12F90] =	vst v4  }
0x4e3: {  	v10 =	vld [tilespmem:s12+$0x8E20];
	v57 =	vmul.f32 v57, v21;
	v31 =	vadd.f32 v26, v3;
	[tilespmem:s12+$0x10CA0] =	vst v56  }
0x4e4: {  	v11 =	vld [tilespmem:s12+$0x8EA0];
	v41 =	vmul.f32 v41, v21;
	v54 =	vadd.f32 v52, v3;
	[tilespmem:s12+$0x10D20] =	vst v59  }
0x4e5: {  	v22 =	vld [tilespmem:s8+$0x830];
	v47 =	vmul.f32 v47, v21;
	v62 =	vadd.f32 v57, v3;
	[tilespmem:s12+$0x10F20] =	vst v31  }
0x4e6: {  	v24 =	vld [tilespmem:s12+$0x8D30];
	v50 =	vmul.f32 v50, v21;
	v46 =	vadd.f32 v41, v3;
	[tilespmem:s12+$0x10C20] =	vst v54  }
0x4e7: {  	v12 =	vld [tilespmem:s8+$0x840];
	v29 =	vmul.f32 v29, v21;
	v52 =	vadd.f32 v47, v3;
	[tilespmem:s12+$0x10DA0] =	vst v62  }
0x4e8: {  	v17 =	vld [tilespmem:s8+$0x450];
	v32 =	vmul.f32 v32, v21;
	v55 =	vadd.f32 v50, v3;
	[tilespmem:s12+$0x12DA0] =	vst v46  }
0x4e9: {  	v9 =	vld [tilespmem:s12+$0xAFA0];
	v35 =	vmul.f32 v35, v21;
	v34 =	vadd.f32 v29, v3;
	[tilespmem:s12+$0x12EA0] =	vst v52  }
0x4ea: {  	v58 =	vld [tilespmem:s12+$0x8C30];
	v38 =	vmul.f32 v38, v21;
	v37 =	vadd.f32 v32, v3;
	[tilespmem:s12+$0x12F20] =	vst v55  }
0x4eb: {  	v61 =	vld [tilespmem:s12+$0x8CB0];
	v44 =	vmul.f32 v44, v21;
	v40 =	vadd.f32 v35, v3;
	[tilespmem:s12+$0x10FA0] =	vst v34  }
0x4ec: {  	v18 =	vld [tilespmem:s8+$0x850];
	v60 =	vmul.f32 v10, v21;
	v43 =	vadd.f32 v38, v3;
	[tilespmem:s12+$0x12C20] =	vst v37  }
0x4ed: {  	v27 =	vld [tilespmem:s12+$0x8DB0];
	v63 =	vmul.f32 v11, v21;
	v49 =	vadd.f32 v44, v3;
	[tilespmem:s12+$0x12CA0] =	vst v40  }
0x4ee: {  	v30 =	vld [tilespmem:s12+$0x8E30];
	v25 =	vadd.f32 v60, v3;
	v53 =	vmul.f32 v9, v21;
	[tilespmem:s12+$0x12D20] =	vst v43  }
0x4ef: {  	v42 =	vld [tilespmem:s12+$0xAC30];
	v56 =	vmul.f32 v58, v7;
	v28 =	vadd.f32 v63, v3;
	[tilespmem:s12+$0x12E20] =	vst v49  }
0x4f0: {  	v26 =	vld [tilespmem:s12+$0x8C40];
	v58 =	vmul.f32 v61, v7;
	[tilespmem:s12+$0x10E20] =	vst v25;
	v3 =	vadd.f32 v53, v3  }
0x4f1: {  	v45 =	vld [tilespmem:s12+$0xACB0];
	v61 =	vmul.f32 v24, v7;
	v60 =	vadd.f32 v56, v22;
	[tilespmem:s12+$0x10EA0] =	vst v28  }
0x4f2: {  	v48 =	vld [tilespmem:s12+$0xAD30];
	v63 =	vmul.f32 v27, v7;
	[tilespmem:s12+$0x12FA0] =	vst v3;
	v3 =	vadd.f32 v58, v22  }
0x4f3: {  	v51 =	vld [tilespmem:s12+$0xADB0];
	v23 =	vadd.f32 v61, v22;
	v24 =	vmul.f32 v30, v7;
	[tilespmem:s12+$0x10C30] =	vst v60  }
0x4f4: {  	v57 =	vld [tilespmem:s12+$0xAEB0];
	v25 =	vmul.f32 v33, v7;
	[tilespmem:s12+$0x10CB0] =	vst v3;
	v3 =	vadd.f32 v63, v22  }
0x4f5: {  	v59 =	vld [tilespmem:s12+$0xAF30];
	v28 =	vmul.f32 v36, v7;
	[tilespmem:s12+$0x10D30] =	vst v23;
	v27 =	vadd.f32 v24, v22  }
0x4f6: {  	v31 =	vld [tilespmem:s12+$0x8D40];
	v30 =	vmul.f32 v39, v7;
	[tilespmem:s12+$0x10DB0] =	vst v3;
	v3 =	vadd.f32 v25, v22  }
0x4f7: {  	v41 =	vld [tilespmem:s12+$0x8F40];
	v33 =	vmul.f32 v42, v7;
	v32 =	vadd.f32 v28, v22;
	[tilespmem:s12+$0x10E30] =	vst v27  }
0x4f8: {  	v11 =	vld [tilespmem:s8+$0x440];
	v35 =	vmul.f32 v45, v7;
	[tilespmem:s12+$0x10EB0] =	vst v3;
	v3 =	vadd.f32 v30, v22  }
0x4f9: {  	v62 =	vld [tilespmem:s12+$0xAFB0];
	v38 =	vmul.f32 v48, v7;
	v37 =	vadd.f32 v33, v22;
	[tilespmem:s12+$0x10F30] =	vst v32  }
0x4fa: {  	v50 =	vld [tilespmem:s12+$0xAD40];
	v40 =	vmul.f32 v51, v7;
	[tilespmem:s12+$0x10FB0] =	vst v3;
	v3 =	vadd.f32 v35, v22  }
0x4fb: {  	v29 =	vld [tilespmem:s12+$0x8CC0];
	v5 =	vmul.f32 v59, v7;
	v42 =	vadd.f32 v38, v22;
	[tilespmem:s12+$0x12C30] =	vst v37  }
0x4fc: {  	v54 =	vld [tilespmem:s12+$0xAE30];
	v45 =	vmul.f32 v57, v7;
	[tilespmem:s12+$0x12CB0] =	vst v3;
	v3 =	vadd.f32 v40, v22  }
0x4fd: {  	v34 =	vld [tilespmem:s12+$0x8DC0];
	v51 =	vmul.f32 v26, v11;
	v5 =	vadd.f32 v5, v22;
	[tilespmem:s12+$0x12D30] =	vst v42  }
0x4fe: {  	v36 =	vld [tilespmem:s12+$0x8E40];
	v49 =	vmul.f32 v62, v7;
	[tilespmem:s12+$0x12DB0] =	vst v3;
	v3 =	vadd.f32 v45, v22  }
0x4ff: {  	v39 =	vld [tilespmem:s12+$0x8EC0];
	v56 =	vmul.f32 v31, v11;
	v55 =	vadd.f32 v51, v12;
	[tilespmem:s12+$0x12F30] =	vst v5  }
0x500: {  	v46 =	vld [tilespmem:s12+$0xAC40];
	v53 =	vmul.f32 v29, v11;
	[tilespmem:s12+$0x12EB0] =	vst v3;
	v3 =	vadd.f32 v49, v22  }
0x501: {  	v44 =	vld [tilespmem:s12+$0x8FC0];
	v43 =	vmul.f32 v54, v7;
	v60 =	vadd.f32 v56, v12;
	[tilespmem:s12+$0x10C40] =	vst v55  }
0x502: {  	v24 =	vld [tilespmem:s12+$0x8C50];
	v58 =	vmul.f32 v34, v11;
	[tilespmem:s12+$0x12FB0] =	vst v3;
	v3 =	vadd.f32 v53, v12  }
0x503: {  	v48 =	vld [tilespmem:s12+$0xACC0];
	v47 =	vadd.f32 v43, v22;
	v61 =	vmul.f32 v36, v11;
	[tilespmem:s12+$0x10D40] =	vst v60  }
0x504: {  	v29 =	vld [tilespmem:s12+$0x8D50];
	v63 =	vmul.f32 v39, v11;
	[tilespmem:s12+$0x10CC0] =	vst v3;
	v3 =	vadd.f32 v58, v12  }
0x505: {  	v52 =	vld [tilespmem:s12+$0xADC0];
	v26 =	vmul.f32 v46, v11;
	[tilespmem:s12+$0x12E30] =	vst v47;
	v21 =	vadd.f32 v61, v12  }
0x506: {  	v57 =	vld [tilespmem:s12+$0xAEC0];
	v23 =	vmul.f32 v44, v11;
	[tilespmem:s12+$0x10DC0] =	vst v3;
	v3 =	vadd.f32 v63, v12  }
0x507: {  	v59 =	vld [tilespmem:s12+$0xAF40];
	v46 =	vmul.f32 v24, v17;
	v30 =	vadd.f32 v26, v12;
	[tilespmem:s12+$0x10E40] =	vst v21  }
0x508: {  	v34 =	vld [tilespmem:s12+$0x8E50];
	v28 =	vmul.f32 v48, v11;
	[tilespmem:s12+$0x10EC0] =	vst v3;
	v3 =	vadd.f32 v23, v12  }
0x509: {  	v31 =	vmul.f32 v50, v11;
	v62 =	vld [tilespmem:s12+$0xAFC0];
	v51 =	vmul.f32 v29, v17;
	v50 =	vadd.f32 v46, v18;
	[tilespmem:s12+$0x12C40] =	vst v30  }
0x50a: {  	v54 =	vld [tilespmem:s12+$0xAE40];
	v33 =	vmul.f32 v52, v11;
	[tilespmem:s12+$0x10FC0] =	vst v3;
	v3 =	vadd.f32 v28, v12  }
0x50b: {  	v27 =	vld [tilespmem:s12+$0x8CD0];
	v55 =	vadd.f32 v51, v18;
	[tilespmem:s12+$0x10C50] =	vst v50  }
0x50c: {  	v38 =	vmul.f32 v57, v11;
	v39 =	vld [tilespmem:s12+$0x8F50];
	[tilespmem:s12+$0x12CC0] =	vst v3;
	v3 =	vadd.f32 v33, v12  }
0x50d: {  	v32 =	vld [tilespmem:s12+$0x8DD0];
	v56 =	vmul.f32 v34, v17;
	v35 =	vadd.f32 v31, v12;
	[tilespmem:s12+$0x10D50] =	vst v55  }
0x50e: {  	v44 =	vld [tilespmem:s12+$0xAC50];
	v43 =	vmul.f32 v62, v11;
	[tilespmem:s12+$0x12DC0] =	vst v3;
	v3 =	vadd.f32 v38, v12  }
0x50f: {  	v37 =	vld [tilespmem:s12+$0x8ED0];
	v36 =	vmul.f32 v54, v11;
	v60 =	vadd.f32 v56, v18;
	[tilespmem:s12+$0x12D40] =	vst v35  }
0x510: {  	v52 =	vld [tilespmem:s12+$0xADD0];
	v48 =	vmul.f32 v27, v17;
	[tilespmem:s12+$0x12EC0] =	vst v3;
	v3 =	vadd.f32 v43, v12  }
0x511: {  	v42 =	vld [tilespmem:s12+$0x8FD0];
	v61 =	vmul.f32 v39, v17;
	v40 =	vadd.f32 v36, v12;
	[tilespmem:s12+$0x10E50] =	vst v60  }
0x512: {  	v57 =	vld [tilespmem:s12+$0xAED0];
	v53 =	vmul.f32 v32, v17;
	[tilespmem:s12+$0x12FC0] =	vst v3;
	v3 =	vadd.f32 v48, v18  }
0x513: {  	v47 =	vld [tilespmem:s12+$0xACD0];
	v19 =	vadd.f32 v61, v18;
	[tilespmem:s12+$0x12E40] =	vst v40;
	v22 =	vmul.f32 v41, v11  }
0x514: {  	v49 =	vld [tilespmem:s12+$0xAD50];
	v58 =	vmul.f32 v37, v17;
	[tilespmem:s12+$0x10CD0] =	vst v3;
	v3 =	vadd.f32 v53, v18  }
0x515: {  	v54 =	vld [tilespmem:s12+$0xAE50];
	[tilespmem:s12+$0x10F50] =	vst v19;
	v41 =	vmul.f32 v59, v11;
	v25 =	vadd.f32 v22, v12  }
0x516: {  	v26 =	vmul.f32 v52, v17;
	v52 =	vld [tilespmem:s12+$0xAE60];
	v63 =	vmul.f32 v42, v17;
	[tilespmem:s12+$0x10DD0] =	vst v3;
	v3 =	vadd.f32 v58, v18  }
0x517: {  	v62 =	vld [tilespmem:s12+$0xAFD0];
	v20 =	vmul.f32 v44, v17;
	v45 =	vadd.f32 v41, v12;
	[tilespmem:s12+$0x10F40] =	vst v25  }
0x518: {  	v21 =	vmul.f32 v47, v17;
	v11 =	vld [tilespmem:s8+$0x860];
	[tilespmem:s12+$0x10ED0] =	vst v3;
	v3 =	vadd.f32 v63, v18  }
0x519: {  	v31 =	vmul.f32 v57, v17;
	v57 =	vld [tilespmem:s12+$0xAF60];
	[tilespmem:s12+$0x12F40] =	vst v45;
	v24 =	vmul.f32 v49, v17;
	v23 =	vadd.f32 v20, v18  }
0x51a: {  	v25 =	vld [tilespmem:s12+$0x8CE0];
	[tilespmem:s12+$0x10FD0] =	vst v3;
	v3 =	vadd.f32 v21, v18  }
0x51b: {  	v59 =	vld [tilespmem:s12+$0xAF50];
	v20 =	vmul.f32 v52, v15;
	[tilespmem:s12+$0x12C50] =	vst v23;
	v28 =	vadd.f32 v24, v18  }
0x51c: {  	v42 =	vld [tilespmem:s12+$0xAC60];
	[tilespmem:s12+$0x12CD0] =	vst v3;
	v3 =	vadd.f32 v26, v18  }
0x51d: {  	v30 =	vld [tilespmem:s12+$0x8DE0];
	v29 =	vmul.f32 v54, v17;
	v24 =	vadd.f32 v20, v11;
	[tilespmem:s12+$0x12D50] =	vst v28  }
0x51e: {  	v27 =	vld [tilespmem:s12+$0x8D60];
	v36 =	vmul.f32 v62, v17;
	[tilespmem:s12+$0x12DD0] =	vst v3;
	v3 =	vadd.f32 v31, v18  }
0x51f: {  	v35 =	vld [tilespmem:s12+$0x8EE0];
	v41 =	vmul.f32 v25, v15;
	v25 =	vmul.f32 v57, v15;
	v33 =	vadd.f32 v29, v18;
	[tilespmem:s12+$0x12E60] =	vst v24  }
0x520: {  	v22 =	vld [tilespmem:s12+$0x8C60];
	[tilespmem:s12+$0x12ED0] =	vst v3;
	v3 =	vadd.f32 v36, v18  }
0x521: {  	v40 =	vld [tilespmem:s12+$0x8FE0];
	v34 =	vmul.f32 v59, v17;
	v59 =	vmul.f32 v42, v15;
	v29 =	vadd.f32 v25, v11;
	[tilespmem:s12+$0x12E50] =	vst v33  }
0x522: {  	v46 =	vmul.f32 v30, v15;
	v23 =	vld [tilespmem:s12+$0x8D70];
	[tilespmem:s12+$0x12FD0] =	vst v3;
	v3 =	vadd.f32 v41, v11  }
0x523: {  	v45 =	vld [tilespmem:s12+$0xACE0];
	v62 =	vadd.f32 v59, v11;
	[tilespmem:s12+$0x12F60] =	vst v29  }
0x524: {  	v47 =	vld [tilespmem:s12+$0xAD60];
	v51 =	vmul.f32 v35, v15;
	[tilespmem:s12+$0x10CE0] =	vst v3;
	v3 =	vadd.f32 v46, v11  }
0x525: {  	v50 =	vld [tilespmem:s12+$0xADE0];
	v39 =	vmul.f32 v22, v15;
	v38 =	vadd.f32 v34, v18;
	[tilespmem:s12+$0x12C60] =	vst v62  }
0x526: {  	v56 =	vmul.f32 v40, v15;
	v28 =	vld [tilespmem:s12+$0x8E70];
	[tilespmem:s12+$0x10DE0] =	vst v3;
	v3 =	vadd.f32 v51, v11  }
0x527: {  	v55 =	vld [tilespmem:s12+$0xAEE0];
	v35 =	vmul.f32 v23, v8;
	[tilespmem:s12+$0x12F50] =	vst v38;
	v43 =	vadd.f32 v39, v11  }
0x528: {  	v32 =	vld [tilespmem:s12+$0x8E60];
	v61 =	vmul.f32 v45, v15;
	[tilespmem:s12+$0x10EE0] =	vst v3;
	v3 =	vadd.f32 v56, v11  }
0x529: {  	v60 =	vld [tilespmem:s12+$0xAFE0];
	v44 =	vmul.f32 v27, v15;
	v39 =	vadd.f32 v35, v16;
	[tilespmem:s12+$0x10C60] =	vst v43  }
0x52a: {  	v17 =	vmul.f32 v50, v15;
	v33 =	vld [tilespmem:s12+$0x8F70];
	[tilespmem:s12+$0x10FE0] =	vst v3;
	v3 =	vadd.f32 v61, v11  }
0x52b: {  	v40 =	vmul.f32 v28, v8;
	v48 =	vadd.f32 v44, v11;
	[tilespmem:s12+$0x10D70] =	vst v39;
	v21 =	vld [tilespmem:s12+$0x8CF0]  }
0x52c: {  	v37 =	vld [tilespmem:s12+$0x8F60];
	v22 =	vmul.f32 v55, v15;
	[tilespmem:s12+$0x12CE0] =	vst v3;
	v3 =	vadd.f32 v17, v11  }
0x52d: {  	v49 =	vmul.f32 v32, v15;
	v44 =	vadd.f32 v40, v16;
	[tilespmem:s12+$0x10D60] =	vst v48;
	v26 =	vld [tilespmem:s12+$0x8DF0]  }
0x52e: {  	v27 =	vmul.f32 v60, v15;
	v38 =	vld [tilespmem:s12+$0xAC70];
	[tilespmem:s12+$0x12DE0] =	vst v3;
	v3 =	vadd.f32 v22, v11  }
0x52f: {  	v45 =	vmul.f32 v33, v8;
	v53 =	vadd.f32 v49, v11;
	[tilespmem:s12+$0x10E70] =	vst v44;
	v31 =	vld [tilespmem:s12+$0x8EF0]  }
0x530: {  	v43 =	vld [tilespmem:s12+$0xAD70];
	v32 =	vmul.f32 v21, v8;
	[tilespmem:s12+$0x12EE0] =	vst v3;
	v3 =	vadd.f32 v27, v11  }
0x531: {  	v54 =	vmul.f32 v37, v15;
	v49 =	vadd.f32 v45, v16;
	[tilespmem:s12+$0x10E60] =	vst v53;
	v36 =	vld [tilespmem:s12+$0x8FF0]  }
0x532: {  	v37 =	vmul.f32 v26, v8;
	[tilespmem:s12+$0x12FE0] =	vst v3;
	v3 =	vadd.f32 v32, v16  }
0x533: {  	v50 =	vmul.f32 v38, v8;
	v58 =	vadd.f32 v54, v11;
	[tilespmem:s12+$0x10F70] =	vst v49;
	v41 =	vld [tilespmem:s12+$0xACF0]  }
0x534: {  	v53 =	vld [tilespmem:s12+$0xAF70];
	v42 =	vmul.f32 v31, v8;
	[tilespmem:s12+$0x10CF0] =	vst v3;
	v3 =	vadd.f32 v37, v16  }
0x535: {  	v54 =	vadd.f32 v50, v16;
	v55 =	vmul.f32 v43, v8;
	[tilespmem:s12+$0x10F60] =	vst v58;
	v46 =	vld [tilespmem:s12+$0xADF0]  }
0x536: {  	v63 =	vmul.f32 v47, v15;
	v18 =	vld [tilespmem:s12+$0x8C70];
	v47 =	vmul.f32 v36, v8;
	[tilespmem:s12+$0x10DF0] =	vst v3;
	v3 =	vadd.f32 v42, v16  }
0x537: {  	v48 =	vld [tilespmem:s12+$0xAE70];
	[tilespmem:s12+$0x12C70] =	vst v54;
	v58 =	vadd.f32 v55, v16  }
0x538: {  	v51 =	vld [tilespmem:s12+$0xAEF0];
	v52 =	vmul.f32 v41, v8;
	[tilespmem:s12+$0x10EF0] =	vst v3;
	v3 =	vadd.f32 v47, v16  }
0x539: {  	v19 =	vadd.f32 v63, v11;
	[tilespmem:s12+$0x12D70] =	vst v58;
	v62 =	vmul.f32 v53, v8;
	v56 =	vld [tilespmem:s12+$0xAFF0]  }
0x53a: {  	v57 =	vmul.f32 v46, v8;
	[tilespmem:s12+$0x10FF0] =	vst v3;
	v3 =	vadd.f32 v52, v16  }
0x53b: {  	[tilespmem:s12+$0x12D60] =	vst v19;
	v63 =	vadd.f32 v62, v16;
	v30 =	vmul.f32 v18, v8  }
0x53c: {  	v59 =	vmul.f32 v48, v8;
	[tilespmem:s12+$0x12CF0] =	vst v3;
	v3 =	vadd.f32 v57, v16  }
0x53d: {  	p0 =	slt.u32 s8, $0x380;
	[tilespmem:s12+$0x12F70] =	vst v63;
	v34 =	vadd.f32 v30, v16;
	v60 =	vmul.f32 v51, v8  }
.Ltmp7:
0x53e: {  	v61 =	vadd.f32 v59, v16;
	[tilespmem:s12+$0x12DF0] =	vst v3;
	v3 =	vmul.f32 v56, v8;
	(pc) =	sbr.rel @p0 .LBB2_16-.Ltmp7, $4  }
0x53f: {  	[tilespmem:s12+$0x10C70] =	vst v34;
	v4 =	vadd.f32 v60, v16  }
0x540: {  	[tilespmem:s12+$0x12E70] =	vst v61;
	v3 =	vadd.f32 v3, v16  }
0x541: {  	[tilespmem:s12+$0x12EF0] =	vst v4  }
0x542: {  	s8 =	sadd.s32 $0x80, s8;
	[tilespmem:s12+$0x12FF0] =	vst v3  }
0x543: {  	s8 =	simm.s32 $0x0;
	s12 =	rddreg [dreg:$0x9]  }
0x544: {  	[hbm4b:s12+s8] =	stream.linear.scatter [tilespmem:s30], [sflag:$0x5], $0x4000, $0x38;
	[tilespmem:$0x18C00] =	vst v63  }
0x545: {  	_ =	swait.ge [sflag:s4], $0x4000  }
0x546: {  	[sflag:s4] =	ssyncset.done $0x0  }
0x547: {  	[sflag:s4] =	ssyncadd.s32 $0xFFFFC000  }
0x548: {  	_ =	swait.ge [sflag:s18], $0x4000  }
0x549: {  	[sflag:s18] =	ssyncset.done $0x0  }
0x54a: {  	[sflag:s18] =	ssyncadd.s32 $0xFFFFC000  }
.LBB2_18:
0x54b: {  	v3 =	vld [tilespmem:s8+$0x400]  }
0x54c: {  	v5 =	vld [tilespmem:s8+$0x800]  }
0x54d: {  	v22 =	vld [tilespmem:s8+$0x410]  }
0x54e: {  	s12 =	sshll.u32 s8, $0x3;
	v4 =	vld [tilespmem:s8+$0x810]  }
0x54f: {  	v6 =	vld [tilespmem:s12+$0xCC00]  }
0x550: {  	v7 =	vld [tilespmem:s12+$0xCC80]  }
0x551: {  	v8 =	vld [tilespmem:s12+$0xCD00]  }
0x552: {  	v9 =	vld [tilespmem:s12+$0xCD80]  }
0x553: {  	v10 =	vld [tilespmem:s12+$0xCE00]  }
0x554: {  	v11 =	vld [tilespmem:s12+$0xCE80]  }
0x555: {  	v12 =	vld [tilespmem:s12+$0xCF00]  }
0x556: {  	v13 =	vld [tilespmem:s12+$0xCF80]  }
0x557: {  	v14 =	vld [tilespmem:s12+$0xEC00]  }
0x558: {  	v15 =	vld [tilespmem:s12+$0xEC80]  }
0x559: {  	v16 =	vld [tilespmem:s12+$0xED00]  }
0x55a: {  	v17 =	vld [tilespmem:s12+$0xED80]  }
0x55b: {  	v18 =	vld [tilespmem:s12+$0xEE00]  }
0x55c: {  	v19 =	vld [tilespmem:s12+$0xEE80]  }
0x55d: {  	v20 =	vld [tilespmem:s12+$0xEF00]  }
0x55e: {  	v21 =	vld [tilespmem:s12+$0xEF80]  }
0x55f: {  	v23 =	vld [tilespmem:s12+$0xCC10]  }
0x560: {  	v24 =	vld [tilespmem:s12+$0xCC90]  }
0x561: {  	v25 =	vld [tilespmem:s12+$0xCD10];
	v6 =	vmul.f32 v6, v3  }
0x562: {  	v26 =	vld [tilespmem:s12+$0xCD90];
	v7 =	vmul.f32 v7, v3  }
0x563: {  	v27 =	vld [tilespmem:s12+$0xCE10];
	v8 =	vmul.f32 v8, v3;
	v6 =	vadd.f32 v6, v5  }
0x564: {  	v28 =	vld [tilespmem:s12+$0xEC10];
	v9 =	vmul.f32 v9, v3;
	v7 =	vadd.f32 v7, v5  }
0x565: {  	v31 =	vld [tilespmem:s12+$0xEC90];
	v57 =	vmul.f32 v10, v3;
	v56 =	vadd.f32 v8, v5;
	[tilespmem:s12+$0x14C00] =	vst v6  }
0x566: {  	v34 =	vld [tilespmem:s12+$0xED10];
	v59 =	vmul.f32 v11, v3;
	v58 =	vadd.f32 v9, v5;
	[tilespmem:s12+$0x14C80] =	vst v7  }
0x567: {  	v37 =	vld [tilespmem:s12+$0xED90];
	v61 =	vmul.f32 v12, v3;
	v60 =	vadd.f32 v57, v5;
	[tilespmem:s12+$0x14D00] =	vst v56  }
0x568: {  	v10 =	vld [tilespmem:s12+$0xCE90];
	v63 =	vmul.f32 v13, v3;
	v62 =	vadd.f32 v59, v5;
	[tilespmem:s12+$0x14D80] =	vst v58  }
0x569: {  	v11 =	vld [tilespmem:s12+$0xCF10];
	v30 =	vmul.f32 v14, v3;
	v29 =	vadd.f32 v61, v5;
	[tilespmem:s12+$0x14E00] =	vst v60  }
0x56a: {  	v12 =	vld [tilespmem:s12+$0xCF90];
	v33 =	vmul.f32 v15, v3;
	v32 =	vadd.f32 v63, v5;
	[tilespmem:s12+$0x14E80] =	vst v62  }
0x56b: {  	v36 =	vmul.f32 v16, v3;
	v39 =	vmul.f32 v17, v3;
	v17 =	vld [tilespmem:s12+$0xEE10];
	v35 =	vadd.f32 v30, v5;
	[tilespmem:s12+$0x14F00] =	vst v29  }
0x56c: {  	v41 =	vmul.f32 v18, v3;
	v18 =	vld [tilespmem:s12+$0xEE90];
	v38 =	vadd.f32 v33, v5;
	[tilespmem:s12+$0x14F80] =	vst v32  }
0x56d: {  	v43 =	vmul.f32 v19, v3;
	v19 =	vld [tilespmem:s12+$0xEF10];
	v40 =	vadd.f32 v36, v5;
	[tilespmem:s12+$0x16C00] =	vst v35  }
0x56e: {  	v45 =	vmul.f32 v20, v3;
	v20 =	vld [tilespmem:s12+$0xEF90];
	v42 =	vadd.f32 v39, v5;
	[tilespmem:s12+$0x16C80] =	vst v38  }
0x56f: {  	v47 =	vmul.f32 v21, v3;
	v21 =	vld [tilespmem:s8+$0x420];
	v44 =	vadd.f32 v41, v5;
	[tilespmem:s12+$0x16D00] =	vst v40  }
0x570: {  	v3 =	vld [tilespmem:s8+$0x820];
	v46 =	vadd.f32 v43, v5;
	[tilespmem:s12+$0x16D80] =	vst v42  }
0x571: {  	v49 =	vmul.f32 v23, v22;
	v23 =	vld [tilespmem:s12+$0xCCA0];
	v48 =	vadd.f32 v45, v5;
	[tilespmem:s12+$0x16E00] =	vst v44  }
0x572: {  	v50 =	vmul.f32 v24, v22;
	v24 =	vld [tilespmem:s12+$0xCD20];
	v5 =	vadd.f32 v47, v5;
	[tilespmem:s12+$0x16E80] =	vst v46  }
0x573: {  	v52 =	vmul.f32 v25, v22;
	v54 =	vmul.f32 v26, v22;
	v26 =	vld [tilespmem:s12+$0xCF20];
	v51 =	vadd.f32 v49, v4;
	[tilespmem:s12+$0x16F00] =	vst v48  }
0x574: {  	v28 =	vmul.f32 v28, v22;
	v15 =	vld [tilespmem:s8+$0x460];
	v53 =	vadd.f32 v50, v4;
	[tilespmem:s12+$0x16F80] =	vst v5  }
0x575: {  	v31 =	vmul.f32 v31, v22;
	v16 =	vld [tilespmem:s8+$0x870];
	v55 =	vadd.f32 v52, v4;
	[tilespmem:s12+$0x14C10] =	vst v51  }
0x576: {  	v34 =	vmul.f32 v34, v22;
	v9 =	vld [tilespmem:s12+$0xCC20];
	v33 =	vadd.f32 v28, v4;
	[tilespmem:s12+$0x14C90] =	vst v53  }
0x577: {  	v57 =	vld [tilespmem:s12+$0xCDA0];
	v36 =	vadd.f32 v31, v4;
	[tilespmem:s12+$0x14D10] =	vst v55  }
0x578: {  	v37 =	vmul.f32 v37, v22;
	v39 =	vadd.f32 v34, v4;
	v41 =	vld [tilespmem:s12+$0xEDA0];
	[tilespmem:s12+$0x16C10] =	vst v33  }
0x579: {  	v47 =	vld [tilespmem:s12+$0xEEA0];
	v56 =	vmul.f32 v27, v22;
	v58 =	vadd.f32 v54, v4;
	[tilespmem:s12+$0x16C90] =	vst v36  }
0x57a: {  	v50 =	vld [tilespmem:s12+$0xEF20];
	v42 =	vadd.f32 v37, v4;
	[tilespmem:s12+$0x16D10] =	vst v39;
	v59 =	vmul.f32 v10, v22  }
0x57b: {  	v8 =	vld [tilespmem:s8+$0x470];
	v61 =	vmul.f32 v11, v22;
	v60 =	vadd.f32 v56, v4;
	[tilespmem:s12+$0x14D90] =	vst v58  }
0x57c: {  	v29 =	vld [tilespmem:s12+$0xCFA0];
	v63 =	vmul.f32 v12, v22;
	[tilespmem:s12+$0x16D90] =	vst v42;
	v62 =	vadd.f32 v59, v4  }
0x57d: {  	v32 =	vld [tilespmem:s12+$0xEC20];
	v40 =	vmul.f32 v17, v22;
	v27 =	vadd.f32 v61, v4;
	[tilespmem:s12+$0x14E10] =	vst v60  }
0x57e: {  	v35 =	vld [tilespmem:s12+$0xECA0];
	v43 =	vmul.f32 v18, v22;
	v30 =	vadd.f32 v63, v4;
	[tilespmem:s12+$0x14E90] =	vst v62  }
0x57f: {  	v38 =	vld [tilespmem:s12+$0xED20];
	v46 =	vmul.f32 v19, v22;
	v45 =	vadd.f32 v40, v4;
	[tilespmem:s12+$0x14F10] =	vst v27  }
0x580: {  	v44 =	vld [tilespmem:s12+$0xEE20];
	v49 =	vmul.f32 v20, v22;
	v48 =	vadd.f32 v43, v4;
	[tilespmem:s12+$0x14F90] =	vst v30  }
0x581: {  	v7 =	vld [tilespmem:s8+$0x430];
	v53 =	vmul.f32 v23, v21;
	v51 =	vadd.f32 v46, v4;
	[tilespmem:s12+$0x16E10] =	vst v45  }
0x582: {  	v33 =	vld [tilespmem:s12+$0xCEB0];
	v55 =	vmul.f32 v24, v21;
	v4 =	vadd.f32 v49, v4;
	[tilespmem:s12+$0x16E90] =	vst v48  }
0x583: {  	v36 =	vld [tilespmem:s12+$0xCF30];
	v26 =	vmul.f32 v26, v21;
	v56 =	vadd.f32 v53, v3;
	[tilespmem:s12+$0x16F10] =	vst v51  }
0x584: {  	v39 =	vld [tilespmem:s12+$0xCFB0];
	v52 =	vmul.f32 v9, v21;
	v59 =	vadd.f32 v55, v3;
	[tilespmem:s12+$0x16F90] =	vst v4  }
0x585: {  	v10 =	vld [tilespmem:s12+$0xCE20];
	v57 =	vmul.f32 v57, v21;
	v31 =	vadd.f32 v26, v3;
	[tilespmem:s12+$0x14CA0] =	vst v56  }
0x586: {  	v11 =	vld [tilespmem:s12+$0xCEA0];
	v41 =	vmul.f32 v41, v21;
	v54 =	vadd.f32 v52, v3;
	[tilespmem:s12+$0x14D20] =	vst v59  }
0x587: {  	v22 =	vld [tilespmem:s8+$0x830];
	v47 =	vmul.f32 v47, v21;
	v62 =	vadd.f32 v57, v3;
	[tilespmem:s12+$0x14F20] =	vst v31  }
0x588: {  	v24 =	vld [tilespmem:s12+$0xCD30];
	v50 =	vmul.f32 v50, v21;
	v46 =	vadd.f32 v41, v3;
	[tilespmem:s12+$0x14C20] =	vst v54  }
0x589: {  	v12 =	vld [tilespmem:s8+$0x840];
	v29 =	vmul.f32 v29, v21;
	v52 =	vadd.f32 v47, v3;
	[tilespmem:s12+$0x14DA0] =	vst v62  }
0x58a: {  	v17 =	vld [tilespmem:s8+$0x450];
	v32 =	vmul.f32 v32, v21;
	v55 =	vadd.f32 v50, v3;
	[tilespmem:s12+$0x16DA0] =	vst v46  }
0x58b: {  	v9 =	vld [tilespmem:s12+$0xEFA0];
	v35 =	vmul.f32 v35, v21;
	v34 =	vadd.f32 v29, v3;
	[tilespmem:s12+$0x16EA0] =	vst v52  }
0x58c: {  	v58 =	vld [tilespmem:s12+$0xCC30];
	v38 =	vmul.f32 v38, v21;
	v37 =	vadd.f32 v32, v3;
	[tilespmem:s12+$0x16F20] =	vst v55  }
0x58d: {  	v61 =	vld [tilespmem:s12+$0xCCB0];
	v44 =	vmul.f32 v44, v21;
	v40 =	vadd.f32 v35, v3;
	[tilespmem:s12+$0x14FA0] =	vst v34  }
0x58e: {  	v18 =	vld [tilespmem:s8+$0x850];
	v60 =	vmul.f32 v10, v21;
	v43 =	vadd.f32 v38, v3;
	[tilespmem:s12+$0x16C20] =	vst v37  }
0x58f: {  	v27 =	vld [tilespmem:s12+$0xCDB0];
	v63 =	vmul.f32 v11, v21;
	v49 =	vadd.f32 v44, v3;
	[tilespmem:s12+$0x16CA0] =	vst v40  }
0x590: {  	v30 =	vld [tilespmem:s12+$0xCE30];
	v25 =	vadd.f32 v60, v3;
	v53 =	vmul.f32 v9, v21;
	[tilespmem:s12+$0x16D20] =	vst v43  }
0x591: {  	v42 =	vld [tilespmem:s12+$0xEC30];
	v56 =	vmul.f32 v58, v7;
	v28 =	vadd.f32 v63, v3;
	[tilespmem:s12+$0x16E20] =	vst v49  }
0x592: {  	v26 =	vld [tilespmem:s12+$0xCC40];
	v58 =	vmul.f32 v61, v7;
	[tilespmem:s12+$0x14E20] =	vst v25;
	v3 =	vadd.f32 v53, v3  }
0x593: {  	v45 =	vld [tilespmem:s12+$0xECB0];
	v61 =	vmul.f32 v24, v7;
	v60 =	vadd.f32 v56, v22;
	[tilespmem:s12+$0x14EA0] =	vst v28  }
0x594: {  	v48 =	vld [tilespmem:s12+$0xED30];
	v63 =	vmul.f32 v27, v7;
	[tilespmem:s12+$0x16FA0] =	vst v3;
	v3 =	vadd.f32 v58, v22  }
0x595: {  	v51 =	vld [tilespmem:s12+$0xEDB0];
	v23 =	vadd.f32 v61, v22;
	v24 =	vmul.f32 v30, v7;
	[tilespmem:s12+$0x14C30] =	vst v60  }
0x596: {  	v57 =	vld [tilespmem:s12+$0xEEB0];
	v25 =	vmul.f32 v33, v7;
	[tilespmem:s12+$0x14CB0] =	vst v3;
	v3 =	vadd.f32 v63, v22  }
0x597: {  	v59 =	vld [tilespmem:s12+$0xEF30];
	v28 =	vmul.f32 v36, v7;
	[tilespmem:s12+$0x14D30] =	vst v23;
	v27 =	vadd.f32 v24, v22  }
0x598: {  	v31 =	vld [tilespmem:s12+$0xCD40];
	v30 =	vmul.f32 v39, v7;
	[tilespmem:s12+$0x14DB0] =	vst v3;
	v3 =	vadd.f32 v25, v22  }
0x599: {  	v41 =	vld [tilespmem:s12+$0xCF40];
	v33 =	vmul.f32 v42, v7;
	v32 =	vadd.f32 v28, v22;
	[tilespmem:s12+$0x14E30] =	vst v27  }
0x59a: {  	v11 =	vld [tilespmem:s8+$0x440];
	v35 =	vmul.f32 v45, v7;
	[tilespmem:s12+$0x14EB0] =	vst v3;
	v3 =	vadd.f32 v30, v22  }
0x59b: {  	v62 =	vld [tilespmem:s12+$0xEFB0];
	v38 =	vmul.f32 v48, v7;
	v37 =	vadd.f32 v33, v22;
	[tilespmem:s12+$0x14F30] =	vst v32  }
0x59c: {  	v50 =	vld [tilespmem:s12+$0xED40];
	v40 =	vmul.f32 v51, v7;
	[tilespmem:s12+$0x14FB0] =	vst v3;
	v3 =	vadd.f32 v35, v22  }
0x59d: {  	v29 =	vld [tilespmem:s12+$0xCCC0];
	v5 =	vmul.f32 v59, v7;
	v42 =	vadd.f32 v38, v22;
	[tilespmem:s12+$0x16C30] =	vst v37  }
0x59e: {  	v54 =	vld [tilespmem:s12+$0xEE30];
	v45 =	vmul.f32 v57, v7;
	[tilespmem:s12+$0x16CB0] =	vst v3;
	v3 =	vadd.f32 v40, v22  }
0x59f: {  	v34 =	vld [tilespmem:s12+$0xCDC0];
	v51 =	vmul.f32 v26, v11;
	v5 =	vadd.f32 v5, v22;
	[tilespmem:s12+$0x16D30] =	vst v42  }
0x5a0: {  	v36 =	vld [tilespmem:s12+$0xCE40];
	v49 =	vmul.f32 v62, v7;
	[tilespmem:s12+$0x16DB0] =	vst v3;
	v3 =	vadd.f32 v45, v22  }
0x5a1: {  	v39 =	vld [tilespmem:s12+$0xCEC0];
	v56 =	vmul.f32 v31, v11;
	v55 =	vadd.f32 v51, v12;
	[tilespmem:s12+$0x16F30] =	vst v5  }
0x5a2: {  	v46 =	vld [tilespmem:s12+$0xEC40];
	v53 =	vmul.f32 v29, v11;
	[tilespmem:s12+$0x16EB0] =	vst v3;
	v3 =	vadd.f32 v49, v22  }
0x5a3: {  	v44 =	vld [tilespmem:s12+$0xCFC0];
	v43 =	vmul.f32 v54, v7;
	v60 =	vadd.f32 v56, v12;
	[tilespmem:s12+$0x14C40] =	vst v55  }
0x5a4: {  	v24 =	vld [tilespmem:s12+$0xCC50];
	v58 =	vmul.f32 v34, v11;
	[tilespmem:s12+$0x16FB0] =	vst v3;
	v3 =	vadd.f32 v53, v12  }
0x5a5: {  	v48 =	vld [tilespmem:s12+$0xECC0];
	v47 =	vadd.f32 v43, v22;
	v61 =	vmul.f32 v36, v11;
	[tilespmem:s12+$0x14D40] =	vst v60  }
0x5a6: {  	v29 =	vld [tilespmem:s12+$0xCD50];
	v63 =	vmul.f32 v39, v11;
	[tilespmem:s12+$0x14CC0] =	vst v3;
	v3 =	vadd.f32 v58, v12  }
0x5a7: {  	v52 =	vld [tilespmem:s12+$0xEDC0];
	v26 =	vmul.f32 v46, v11;
	[tilespmem:s12+$0x16E30] =	vst v47;
	v21 =	vadd.f32 v61, v12  }
0x5a8: {  	v57 =	vld [tilespmem:s12+$0xEEC0];
	v23 =	vmul.f32 v44, v11;
	[tilespmem:s12+$0x14DC0] =	vst v3;
	v3 =	vadd.f32 v63, v12  }
0x5a9: {  	v59 =	vld [tilespmem:s12+$0xEF40];
	v46 =	vmul.f32 v24, v17;
	v30 =	vadd.f32 v26, v12;
	[tilespmem:s12+$0x14E40] =	vst v21  }
0x5aa: {  	v34 =	vld [tilespmem:s12+$0xCE50];
	v28 =	vmul.f32 v48, v11;
	[tilespmem:s12+$0x14EC0] =	vst v3;
	v3 =	vadd.f32 v23, v12  }
0x5ab: {  	v31 =	vmul.f32 v50, v11;
	v62 =	vld [tilespmem:s12+$0xEFC0];
	v51 =	vmul.f32 v29, v17;
	v50 =	vadd.f32 v46, v18;
	[tilespmem:s12+$0x16C40] =	vst v30  }
0x5ac: {  	v54 =	vld [tilespmem:s12+$0xEE40];
	v33 =	vmul.f32 v52, v11;
	[tilespmem:s12+$0x14FC0] =	vst v3;
	v3 =	vadd.f32 v28, v12  }
0x5ad: {  	v27 =	vld [tilespmem:s12+$0xCCD0];
	v55 =	vadd.f32 v51, v18;
	[tilespmem:s12+$0x14C50] =	vst v50  }
0x5ae: {  	v38 =	vmul.f32 v57, v11;
	v39 =	vld [tilespmem:s12+$0xCF50];
	[tilespmem:s12+$0x16CC0] =	vst v3;
	v3 =	vadd.f32 v33, v12  }
0x5af: {  	v32 =	vld [tilespmem:s12+$0xCDD0];
	v56 =	vmul.f32 v34, v17;
	v35 =	vadd.f32 v31, v12;
	[tilespmem:s12+$0x14D50] =	vst v55  }
0x5b0: {  	v44 =	vld [tilespmem:s12+$0xEC50];
	v43 =	vmul.f32 v62, v11;
	[tilespmem:s12+$0x16DC0] =	vst v3;
	v3 =	vadd.f32 v38, v12  }
0x5b1: {  	v37 =	vld [tilespmem:s12+$0xCED0];
	v36 =	vmul.f32 v54, v11;
	v60 =	vadd.f32 v56, v18;
	[tilespmem:s12+$0x16D40] =	vst v35  }
0x5b2: {  	v52 =	vld [tilespmem:s12+$0xEDD0];
	v48 =	vmul.f32 v27, v17;
	[tilespmem:s12+$0x16EC0] =	vst v3;
	v3 =	vadd.f32 v43, v12  }
0x5b3: {  	v42 =	vld [tilespmem:s12+$0xCFD0];
	v61 =	vmul.f32 v39, v17;
	v40 =	vadd.f32 v36, v12;
	[tilespmem:s12+$0x14E50] =	vst v60  }
0x5b4: {  	v57 =	vld [tilespmem:s12+$0xEED0];
	v53 =	vmul.f32 v32, v17;
	[tilespmem:s12+$0x16FC0] =	vst v3;
	v3 =	vadd.f32 v48, v18  }
0x5b5: {  	v47 =	vld [tilespmem:s12+$0xECD0];
	v19 =	vadd.f32 v61, v18;
	[tilespmem:s12+$0x16E40] =	vst v40;
	v22 =	vmul.f32 v41, v11  }
0x5b6: {  	v49 =	vld [tilespmem:s12+$0xED50];
	v58 =	vmul.f32 v37, v17;
	[tilespmem:s12+$0x14CD0] =	vst v3;
	v3 =	vadd.f32 v53, v18  }
0x5b7: {  	v54 =	vld [tilespmem:s12+$0xEE50];
	[tilespmem:s12+$0x14F50] =	vst v19;
	v41 =	vmul.f32 v59, v11;
	v25 =	vadd.f32 v22, v12  }
0x5b8: {  	v26 =	vmul.f32 v52, v17;
	v52 =	vld [tilespmem:s12+$0xEE60];
	v63 =	vmul.f32 v42, v17;
	[tilespmem:s12+$0x14DD0] =	vst v3;
	v3 =	vadd.f32 v58, v18  }
0x5b9: {  	v62 =	vld [tilespmem:s12+$0xEFD0];
	v20 =	vmul.f32 v44, v17;
	v45 =	vadd.f32 v41, v12;
	[tilespmem:s12+$0x14F40] =	vst v25  }
0x5ba: {  	v21 =	vmul.f32 v47, v17;
	v11 =	vld [tilespmem:s8+$0x860];
	[tilespmem:s12+$0x14ED0] =	vst v3;
	v3 =	vadd.f32 v63, v18  }
0x5bb: {  	v31 =	vmul.f32 v57, v17;
	v57 =	vld [tilespmem:s12+$0xEF60];
	[tilespmem:s12+$0x16F40] =	vst v45;
	v24 =	vmul.f32 v49, v17;
	v23 =	vadd.f32 v20, v18  }
0x5bc: {  	v25 =	vld [tilespmem:s12+$0xCCE0];
	[tilespmem:s12+$0x14FD0] =	vst v3;
	v3 =	vadd.f32 v21, v18  }
0x5bd: {  	v59 =	vld [tilespmem:s12+$0xEF50];
	v20 =	vmul.f32 v52, v15;
	[tilespmem:s12+$0x16C50] =	vst v23;
	v28 =	vadd.f32 v24, v18  }
0x5be: {  	v42 =	vld [tilespmem:s12+$0xEC60];
	[tilespmem:s12+$0x16CD0] =	vst v3;
	v3 =	vadd.f32 v26, v18  }
0x5bf: {  	v30 =	vld [tilespmem:s12+$0xCDE0];
	v29 =	vmul.f32 v54, v17;
	v24 =	vadd.f32 v20, v11;
	[tilespmem:s12+$0x16D50] =	vst v28  }
0x5c0: {  	v27 =	vld [tilespmem:s12+$0xCD60];
	v36 =	vmul.f32 v62, v17;
	[tilespmem:s12+$0x16DD0] =	vst v3;
	v3 =	vadd.f32 v31, v18  }
0x5c1: {  	v35 =	vld [tilespmem:s12+$0xCEE0];
	v41 =	vmul.f32 v25, v15;
	v25 =	vmul.f32 v57, v15;
	v33 =	vadd.f32 v29, v18;
	[tilespmem:s12+$0x16E60] =	vst v24  }
0x5c2: {  	v22 =	vld [tilespmem:s12+$0xCC60];
	[tilespmem:s12+$0x16ED0] =	vst v3;
	v3 =	vadd.f32 v36, v18  }
0x5c3: {  	v40 =	vld [tilespmem:s12+$0xCFE0];
	v34 =	vmul.f32 v59, v17;
	v59 =	vmul.f32 v42, v15;
	v29 =	vadd.f32 v25, v11;
	[tilespmem:s12+$0x16E50] =	vst v33  }
0x5c4: {  	v46 =	vmul.f32 v30, v15;
	v23 =	vld [tilespmem:s12+$0xCD70];
	[tilespmem:s12+$0x16FD0] =	vst v3;
	v3 =	vadd.f32 v41, v11  }
0x5c5: {  	v45 =	vld [tilespmem:s12+$0xECE0];
	v62 =	vadd.f32 v59, v11;
	[tilespmem:s12+$0x16F60] =	vst v29  }
0x5c6: {  	v47 =	vld [tilespmem:s12+$0xED60];
	v51 =	vmul.f32 v35, v15;
	[tilespmem:s12+$0x14CE0] =	vst v3;
	v3 =	vadd.f32 v46, v11  }
0x5c7: {  	v50 =	vld [tilespmem:s12+$0xEDE0];
	v39 =	vmul.f32 v22, v15;
	v38 =	vadd.f32 v34, v18;
	[tilespmem:s12+$0x16C60] =	vst v62  }
0x5c8: {  	v56 =	vmul.f32 v40, v15;
	v28 =	vld [tilespmem:s12+$0xCE70];
	[tilespmem:s12+$0x14DE0] =	vst v3;
	v3 =	vadd.f32 v51, v11  }
0x5c9: {  	v55 =	vld [tilespmem:s12+$0xEEE0];
	v35 =	vmul.f32 v23, v8;
	[tilespmem:s12+$0x16F50] =	vst v38;
	v43 =	vadd.f32 v39, v11  }
0x5ca: {  	v32 =	vld [tilespmem:s12+$0xCE60];
	v61 =	vmul.f32 v45, v15;
	[tilespmem:s12+$0x14EE0] =	vst v3;
	v3 =	vadd.f32 v56, v11  }
0x5cb: {  	v60 =	vld [tilespmem:s12+$0xEFE0];
	v44 =	vmul.f32 v27, v15;
	v39 =	vadd.f32 v35, v16;
	[tilespmem:s12+$0x14C60] =	vst v43  }
0x5cc: {  	v17 =	vmul.f32 v50, v15;
	v33 =	vld [tilespmem:s12+$0xCF70];
	[tilespmem:s12+$0x14FE0] =	vst v3;
	v3 =	vadd.f32 v61, v11  }
0x5cd: {  	v40 =	vmul.f32 v28, v8;
	v48 =	vadd.f32 v44, v11;
	[tilespmem:s12+$0x14D70] =	vst v39;
	v21 =	vld [tilespmem:s12+$0xCCF0]  }
0x5ce: {  	v37 =	vld [tilespmem:s12+$0xCF60];
	v22 =	vmul.f32 v55, v15;
	[tilespmem:s12+$0x16CE0] =	vst v3;
	v3 =	vadd.f32 v17, v11  }
0x5cf: {  	v49 =	vmul.f32 v32, v15;
	v44 =	vadd.f32 v40, v16;
	[tilespmem:s12+$0x14D60] =	vst v48;
	v26 =	vld [tilespmem:s12+$0xCDF0]  }
0x5d0: {  	v27 =	vmul.f32 v60, v15;
	v38 =	vld [tilespmem:s12+$0xEC70];
	[tilespmem:s12+$0x16DE0] =	vst v3;
	v3 =	vadd.f32 v22, v11  }
0x5d1: {  	v45 =	vmul.f32 v33, v8;
	v53 =	vadd.f32 v49, v11;
	[tilespmem:s12+$0x14E70] =	vst v44;
	v31 =	vld [tilespmem:s12+$0xCEF0]  }
0x5d2: {  	v43 =	vld [tilespmem:s12+$0xED70];
	v32 =	vmul.f32 v21, v8;
	[tilespmem:s12+$0x16EE0] =	vst v3;
	v3 =	vadd.f32 v27, v11  }
0x5d3: {  	v54 =	vmul.f32 v37, v15;
	v49 =	vadd.f32 v45, v16;
	[tilespmem:s12+$0x14E60] =	vst v53;
	v36 =	vld [tilespmem:s12+$0xCFF0]  }
0x5d4: {  	v37 =	vmul.f32 v26, v8;
	[tilespmem:s12+$0x16FE0] =	vst v3;
	v3 =	vadd.f32 v32, v16  }
0x5d5: {  	v50 =	vmul.f32 v38, v8;
	v58 =	vadd.f32 v54, v11;
	[tilespmem:s12+$0x14F70] =	vst v49;
	v41 =	vld [tilespmem:s12+$0xECF0]  }
0x5d6: {  	v53 =	vld [tilespmem:s12+$0xEF70];
	v42 =	vmul.f32 v31, v8;
	[tilespmem:s12+$0x14CF0] =	vst v3;
	v3 =	vadd.f32 v37, v16  }
0x5d7: {  	v54 =	vadd.f32 v50, v16;
	v55 =	vmul.f32 v43, v8;
	[tilespmem:s12+$0x14F60] =	vst v58;
	v46 =	vld [tilespmem:s12+$0xEDF0]  }
0x5d8: {  	v63 =	vmul.f32 v47, v15;
	v18 =	vld [tilespmem:s12+$0xCC70];
	v47 =	vmul.f32 v36, v8;
	[tilespmem:s12+$0x14DF0] =	vst v3;
	v3 =	vadd.f32 v42, v16  }
0x5d9: {  	v48 =	vld [tilespmem:s12+$0xEE70];
	[tilespmem:s12+$0x16C70] =	vst v54;
	v58 =	vadd.f32 v55, v16  }
0x5da: {  	v51 =	vld [tilespmem:s12+$0xEEF0];
	v52 =	vmul.f32 v41, v8;
	[tilespmem:s12+$0x14EF0] =	vst v3;
	v3 =	vadd.f32 v47, v16  }
0x5db: {  	v19 =	vadd.f32 v63, v11;
	[tilespmem:s12+$0x16D70] =	vst v58;
	v62 =	vmul.f32 v53, v8;
	v56 =	vld [tilespmem:s12+$0xEFF0]  }
0x5dc: {  	v57 =	vmul.f32 v46, v8;
	[tilespmem:s12+$0x14FF0] =	vst v3;
	v3 =	vadd.f32 v52, v16  }
0x5dd: {  	[tilespmem:s12+$0x16D60] =	vst v19;
	v63 =	vadd.f32 v62, v16;
	v30 =	vmul.f32 v18, v8  }
0x5de: {  	v59 =	vmul.f32 v48, v8;
	[tilespmem:s12+$0x16CF0] =	vst v3;
	v3 =	vadd.f32 v57, v16  }
0x5df: {  	p0 =	slt.u32 s8, $0x380;
	[tilespmem:s12+$0x16F70] =	vst v63;
	v34 =	vadd.f32 v30, v16;
	v60 =	vmul.f32 v51, v8  }
.Ltmp8:
0x5e0: {  	v61 =	vadd.f32 v59, v16;
	[tilespmem:s12+$0x16DF0] =	vst v3;
	v3 =	vmul.f32 v56, v8;
	(pc) =	sbr.rel @p0 .LBB2_18-.Ltmp8, $4  }
0x5e1: {  	[tilespmem:s12+$0x14C70] =	vst v34;
	v4 =	vadd.f32 v60, v16  }
0x5e2: {  	[tilespmem:s12+$0x16E70] =	vst v61;
	v3 =	vadd.f32 v3, v16  }
0x5e3: {  	[tilespmem:s12+$0x16EF0] =	vst v4  }
0x5e4: {  	s8 =	sadd.s32 $0x80, s8;
	[tilespmem:s12+$0x16FF0] =	vst v3  }
0x5e5: {  	s8 =	rddreg [dreg:$0xa]  }
0x5e6: {  	[hbm4b:s8+s6] =	stream.linear.scatter [tilespmem:s1], [sflag:$0x6], $0x4000, $0x38;
	[tilespmem:$0x18C00] =	vst v63  }
0x5e7: {  	_ =	swait.ge [sflag:s2], $0x4000  }
0x5e8: {  	[sflag:s2] =	ssyncset.done $0x0  }
0x5e9: {  	[sflag:s2] =	ssyncadd.s32 $0xFFFFC000  }
0x5ea: {  	_ =	swait.ge [sflag:s4], $0x4000  }
0x5eb: {  	s12 =	rddreg [dreg:$0xc]  }
0x5ec: {  	s17 =	rddreg [dreg:$0xb];
	s12 =	sadd.s32 $0x1, s12  }
0x5ed: {  	p0 =	sne.s32 s12, s17  }
.Ltmp9:
0x5ee: {  	_ = 	snop;
	(pc) =	sbr.rel @p0 .LBB2_1-.Ltmp9, $3  }
0x5ef: {  	_ =	sdelay $0x1  }
0x5f0: {  	[sflag:s4] =	ssyncset.done $0x0  }
0x5f1: {  	[sflag:s4] =	ssyncadd.s32 $0xFFFFC000  }
0x5f2: {  	_ =	sfence.sel $0x180000  }
0x5f3: {  	[bflag:$0x0] =	sbarrier.arrive $0xFFFF  }
0x5f4: {  	_ =	strace $0x90000047  }
0x5f5: {  	s0 =	stileid.u32;
	[bflag:$0x2] =	sbarrier.arrive $0xFFFF  }
0x5f6: {  	p0 =	sne.s32 s0, $0x0;
	s0 =	rddreg [dreg:$0x5]  }
0x5f7: {  	s0 =	sadd.s32 @!p0 $0x100000, s0  }
0x5f8: {  	[sflag:s0] =	ssyncadd.tile.s32 @!p0 $0x1;
	_ =	shalt  }
.Lfunc_end2:
_tile_overlayer_lowered:
.L_overlay_start_2:
0x5f9: {  	(tag) =	ssettag $0x2  }
0x5fa: {  	s0 =	rddreg [dreg:$0x0];
	s2 =	stileid.u32  }
0x5fb: {  	s1 =	rddreg [dreg:$0x1];
	p0 =	sne.s32 s2, $0x0  }
0x5fc: {  	s3 =	rddreg [dreg:$0x2];
	[bflag:$0x3] =	sbarrier.arrive $0xFFFF;
	s2 =	simm.s32 @!p0 $0x1C07  }
0x5fd: {  	[timem:s3], [sflag:s2] =	dma.local @!p0 [hbm:s0], s1  }
0x5fe: {  	s0 =	simm.s32 @!p0 $0x7  }
0x5ff: {  	_ =	swait.ge @!p0 [sflag:s0], s1  }
0x600: {  	s1 =	ssub.s32 @!p0 $0x0, s1;
	[sflag:s0] =	ssyncset.done @!p0 $0x0  }
0x601: {  	[sflag:s0] =	ssyncadd.s32 @!p0 s1  }
0x602: {  	[bflag:$0x3] =	sbarrier.arrive $0xFFFF  }
0x603: {  	_ =	shalt  }

</sc_bundles>
